<compile_context>
chip_gen: v7x
topology: tpu7x:2x2x1
jax: 0.10.2.dev20260603
libtpu: 0.0.44.dev20260713+nightly
codegen_flags: <defaults>
</compile_context>

<pallas_src>
import functools

import jax
import jax.numpy as jnp
from jax import lax
from jax.experimental import pallas as pl
from jax.experimental.pallas import tpu as pltpu
from jax.experimental.pallas import tpu_sc as plsc

_LANES = 16


def _make_sc_kernel(n_nodes, d_feat, n_edges, n_cores, n_subcores, chunk):
    n_workers = n_cores * n_subcores
    per_worker = n_edges // n_workers
    n_chunks = per_worker // chunk
    n_pairs = n_chunks // 2
    n_groups = chunk // _LANES
    n_words = d_feat // 2

    mesh = plsc.VectorSubcoreMesh(core_axis_name="c", subcore_axis_name="s")

    @functools.partial(
        pl.kernel,
        mesh=mesh,
        compiler_params=pltpu.CompilerParams(needs_layout_passes=False,
                                             use_tc_tiling_on_sc=False),
        out_type=jax.ShapeDtypeStruct((n_workers * n_chunks, chunk),
                                      jnp.float32),
        scratch_types=[
            pltpu.VMEM((2, n_chunks, chunk), jnp.int32),
            pltpu.VMEM((2, chunk, n_words), jnp.int32),
            pltpu.VMEM((2, chunk, n_words), jnp.int32),
            pltpu.VMEM((2, chunk), jnp.float32),
            pltpu.VMEM((_LANES, _LANES), jnp.float32),
            pltpu.SemaphoreType.DMA((2,)),
            pltpu.SemaphoreType.DMA((2,)),
        ],
    )
    def sc_kernel(h_hbm, eidx_hbm, out_hbm, eidx, ubuf, vbuf, obuf, pscr,
                  gsem, osem):
        wid = lax.axis_index("s") * n_cores + lax.axis_index("c")
        pltpu.sync_copy(eidx_hbm.at[0, wid], eidx.at[0])
        pltpu.sync_copy(eidx_hbm.at[1, wid], eidx.at[1])
        lane = lax.iota(jnp.int32, _LANES)

        def launch_gather(ci, b):
            pltpu.async_copy(h_hbm.at[eidx.at[0, ci]], ubuf.at[b],
                             gsem.at[b])
            pltpu.async_copy(h_hbm.at[eidx.at[1, ci]], vbuf.at[b],
                             gsem.at[b])

        def wait_gather(ci, b):
            pltpu.make_async_copy(h_hbm.at[eidx.at[0, ci]], ubuf.at[b],
                                  gsem.at[b]).wait()
            pltpu.make_async_copy(h_hbm.at[eidx.at[1, ci]], vbuf.at[b],
                                  gsem.at[b]).wait()

        def compute(ci, b):
            def group_body(g, _):
                for e in range(_LANES):
                    j = g * _LANES + e
                    halves = []
                    for k in range(n_words // (2 * _LANES)):
                        p0 = (plsc.bitcast(
                            ubuf[b, j, pl.ds(2 * k * _LANES, _LANES)],
                            jnp.bfloat16)
                            * plsc.bitcast(
                            vbuf[b, j, pl.ds(2 * k * _LANES, _LANES)],
                            jnp.bfloat16))
                        p1 = (plsc.bitcast(
                            ubuf[b, j, pl.ds((2 * k + 1) * _LANES, _LANES)],
                            jnp.bfloat16)
                            * plsc.bitcast(
                            vbuf[b, j, pl.ds((2 * k + 1) * _LANES, _LANES)],
                            jnp.bfloat16))
                        pa, pb = plsc.unpack(
                            p0 + p1, format=plsc.PackFormat.INTERLEAVED)
                        halves.append(pa + pb)
                    acc = halves[0]
                    for hh in halves[1:]:
                        acc = acc + hh
                    pscr[e, :] = acc
                parts = [jnp.zeros((_LANES,), jnp.float32) for _ in range(4)]
                for k in range(_LANES):
                    col = jnp.bitwise_and(lane + k, _LANES - 1)
                    parts[k % 4] = parts[k % 4] + plsc.load_gather(
                        pscr, [lane, col])
                obuf[b, pl.ds(g * _LANES, _LANES)] = (
                    (parts[0] + parts[1]) + (parts[2] + parts[3]))
                return 0

            lax.fori_loop(0, n_groups, group_body, 0)
            pltpu.async_copy(obuf.at[b], out_hbm.at[wid * n_chunks + ci],
                             osem.at[b])

        def wait_out(ci, b):
            pltpu.make_async_copy(obuf.at[b],
                                  out_hbm.at[wid * n_chunks + ci],
                                  osem.at[b]).wait()

        launch_gather(0, 0)

        def pair_body(p, _):
            ci0 = 2 * p
            launch_gather(ci0 + 1, 1)
            wait_gather(ci0, 0)

            @pl.when(p > 0)
            def _():
                wait_out(ci0 - 2, 0)

            compute(ci0, 0)

            @pl.when(ci0 + 2 < n_chunks)
            def _():
                launch_gather(ci0 + 2, 0)

            wait_gather(ci0 + 1, 1)

            @pl.when(p > 0)
            def _():
                wait_out(ci0 - 1, 1)

            compute(ci0 + 1, 1)
            return 0

        lax.fori_loop(0, n_pairs, pair_body, 0)
        if n_chunks % 2:
            tail = n_chunks - 1
            wait_gather(tail, 0)
            wait_out(tail - 2, 0)
            compute(tail, 0)
            wait_out(tail - 1, 1)
            wait_out(tail, 0)
        else:
            wait_out(n_chunks - 2, 0)
            wait_out(n_chunks - 1, 1)

    return sc_kernel


def kernel(h, edge_index):
    n_nodes, d_feat = h.shape
    n_edges = edge_index.shape[1]
    chunk = 80
    info = plsc.get_sparse_core_info()
    n_workers = info.num_cores * info.num_subcores
    n_chunks = (n_edges // n_workers) // chunk
    eidx = edge_index.astype(jnp.int32).reshape(2, n_workers, n_chunks, chunk)
    h32 = jax.lax.bitcast_convert_type(
        h.astype(jnp.bfloat16).reshape(n_nodes, d_feat // 2, 2), jnp.int32)
    sc_fn = _make_sc_kernel(n_nodes, d_feat, n_edges,
                            info.num_cores, info.num_subcores, chunk)
    out = sc_fn(h32, eidx)
    return out.reshape(n_edges, 1)

# --- scband reference (transcript-rebuilt; emitter-appended) ---
"""Pipeline reference for scband-dot-product-predictor-56307021251124 (READ-ONLY COPY).

The authoritative reference and input builder live on the scoring server;
editing this copy changes nothing except your own understanding.
"""

import jax, jax.numpy as jnp
import numpy as np

N_NODES = 10000
N_EDGES = 320000
D_FEAT = 128

def setup_inputs(seed: int = 0) -> dict:
    key = jax.random.key(seed)
    k1, k2 = jax.random.split(key)
    h = jax.random.normal(k1, (N_NODES, D_FEAT), dtype=jnp.float32)
    edge_index = jax.random.randint(k2, (2, N_EDGES), 0, N_NODES, dtype=jnp.int64)
    return {"h": h, "edge_index": edge_index}

def reference(h, edge_index):
    # DGL u_dot_v: for each edge (u, v), score = dot(h[u], h[v]) -> shape [E, 1]
    src = edge_index[0]
    dst = edge_index[1]
    h_u = jnp.take(h, src, axis=0)
    h_v = jnp.take(h, dst, axis=0)
    score = jnp.sum(h_u * h_v, axis=-1, keepdims=True)
    return score

if __name__ == "__main__":
    import jax
    _d = setup_inputs()
    print(jax.jit(kernel)(*tuple(_d.values())))

</pallas_src>

<mosaic_0001>
#map = affine_map<(d0, d1) -> (0, 0)>
#map1 = affine_map<(d0, d1) -> (0, 0, 0, 0)>
module attributes {stable_mosaic.version = 14 : i64} {
  func.func @sc_kernel(%arg0: i32, %arg1: i32, %arg2: memref<10000x64xi32, #tpu.memory_space<hbm>>, %arg3: memref<2x32x125x80xi32, #tpu.memory_space<hbm>>, %arg4: memref<4000x80xf32, #tpu.memory_space<hbm>>, %arg5: memref<2x125x80xi32, #tpu.memory_space<vmem>>, %arg6: memref<2x80x64xi32, #tpu.memory_space<vmem>>, %arg7: memref<2x80x64xi32, #tpu.memory_space<vmem>>, %arg8: memref<2x80xf32, #tpu.memory_space<vmem>>, %arg9: memref<16x16xf32, #tpu.memory_space<vmem>>, %arg10: memref<2x!tpu.dma_semaphore, #tpu.memory_space<semaphore_mem>>, %arg11: memref<2x!tpu.dma_semaphore, #tpu.memory_space<semaphore_mem>>) attributes {dimension_semantics = [#tpu.dimension_semantics<core_parallel>, #tpu.dimension_semantics<subcore_parallel>], iteration_bounds = array<i64: 2, 16>, scalar_prefetch = 0 : i64, scratch_operands = 7 : i64, tpu.core_type = #tpu.core_type<sc_vector_subcore>, window_params = [{transform_indices = #map}, {transform_indices = #map1}, {transform_indices = #map}]} {
    %mul3A = arith.constant 2 : i32
    %mul3A_0 = arith.muli %arg1, %mul3A : i32
    %add3A = arith.addi %mul3A_0, %arg0 : i32
    %run_scoped3A = arith.constant 0 : i32
    %run_scoped3A_1 = arith.constant 0 : i32
    "tpu.region"() ({
      %run_scoped3A_159 = tpu.sem_alloc : memref<!tpu.dma_semaphore, #tpu.memory_space<semaphore_mem>>
      %dma_start3A_160 = arith.constant 0 : i32
      %dma_start3A_161 = arith.constant 0 : i32
      %dma_start3A_162 = tpu.memref_slice %arg5[%run_scoped3A_1, %dma_start3A_160, %dma_start3A_161] : memref<2x125x80xi32, #tpu.memory_space<vmem>> -> memref<1x125x80xi32, #tpu.memory_space<vmem>>
      %dma_start3A_163 = tpu.memref_squeeze %dma_start3A_162 : memref<1x125x80xi32, #tpu.memory_space<vmem>> -> memref<125x80xi32, #tpu.memory_space<vmem>>
      %dma_start3A_164 = arith.constant 0 : i32
      %dma_start3A_165 = arith.constant 0 : i32
      %dma_start3A_166 = tpu.memref_slice %arg3[%run_scoped3A, %add3A, %dma_start3A_164, %dma_start3A_165] : memref<2x32x125x80xi32, #tpu.memory_space<hbm>> -> memref<1x1x125x80xi32, #tpu.memory_space<hbm>>
      %dma_start3A_167 = tpu.memref_squeeze %dma_start3A_166 : memref<1x1x125x80xi32, #tpu.memory_space<hbm>> -> memref<125x80xi32, #tpu.memory_space<hbm>>
      %dma_start3A_168 = arith.constant 0 : i32
      %dma_start3A_169 = arith.constant 0 : i32
      %dma_start3A_170 = tpu.memref_slice %arg5[%run_scoped3A_1, %dma_start3A_168, %dma_start3A_169] : memref<2x125x80xi32, #tpu.memory_space<vmem>> -> memref<1x125x80xi32, #tpu.memory_space<vmem>>
      %dma_start3A_171 = tpu.memref_squeeze %dma_start3A_170 : memref<1x125x80xi32, #tpu.memory_space<vmem>> -> memref<125x80xi32, #tpu.memory_space<vmem>>
      %dma_start3A_172 = arith.constant 0 : i32
      %dma_start3A_173 = arith.constant 0 : i32
      %dma_start3A_174 = tpu.memref_slice %arg3[%run_scoped3A, %add3A, %dma_start3A_172, %dma_start3A_173] : memref<2x32x125x80xi32, #tpu.memory_space<hbm>> -> memref<1x1x125x80xi32, #tpu.memory_space<hbm>>
      %dma_start3A_175 = tpu.memref_squeeze %dma_start3A_174 : memref<1x1x125x80xi32, #tpu.memory_space<hbm>> -> memref<125x80xi32, #tpu.memory_space<hbm>>
      tpu.enqueue_dma source(%dma_start3A_175 : memref<125x80xi32, #tpu.memory_space<hbm>>) target(%dma_start3A_171 : memref<125x80xi32, #tpu.memory_space<vmem>>) target_semaphore(%run_scoped3A_159 : memref<!tpu.dma_semaphore, #tpu.memory_space<semaphore_mem>>)
      %dma_wait3A_176 = arith.constant 0 : i32
      %dma_wait3A_177 = arith.constant 0 : i32
      %dma_wait3A_178 = tpu.memref_slice %arg5[%run_scoped3A_1, %dma_wait3A_176, %dma_wait3A_177] : memref<2x125x80xi32, #tpu.memory_space<vmem>> -> memref<1x125x80xi32, #tpu.memory_space<vmem>>
      %dma_wait3A_179 = tpu.memref_squeeze %dma_wait3A_178 : memref<1x125x80xi32, #tpu.memory_space<vmem>> -> memref<125x80xi32, #tpu.memory_space<vmem>>
      %dma_wait3A_180 = arith.constant 0 : i32
      %dma_wait3A_181 = arith.constant 0 : i32
      %dma_wait3A_182 = tpu.memref_slice %arg3[%run_scoped3A, %add3A, %dma_wait3A_180, %dma_wait3A_181] : memref<2x32x125x80xi32, #tpu.memory_space<hbm>> -> memref<1x1x125x80xi32, #tpu.memory_space<hbm>>
      %dma_wait3A_183 = tpu.memref_squeeze %dma_wait3A_182 : memref<1x1x125x80xi32, #tpu.memory_space<hbm>> -> memref<125x80xi32, #tpu.memory_space<hbm>>
      %dma_wait3A_184 = arith.constant 0 : i32
      %dma_wait3A_185 = arith.constant 0 : i32
      %dma_wait3A_186 = tpu.memref_slice %arg5[%run_scoped3A_1, %dma_wait3A_184, %dma_wait3A_185] : memref<2x125x80xi32, #tpu.memory_space<vmem>> -> memref<1x125x80xi32, #tpu.memory_space<vmem>>
      %dma_wait3A_187 = tpu.memref_squeeze %dma_wait3A_186 : memref<1x125x80xi32, #tpu.memory_space<vmem>> -> memref<125x80xi32, #tpu.memory_space<vmem>>
      %dma_wait3A_188 = arith.constant 0 : i32
      %dma_wait3A_189 = arith.constant 0 : i32
      %dma_wait3A_190 = tpu.memref_slice %arg3[%run_scoped3A, %add3A, %dma_wait3A_188, %dma_wait3A_189] : memref<2x32x125x80xi32, #tpu.memory_space<hbm>> -> memref<1x1x125x80xi32, #tpu.memory_space<hbm>>
      %dma_wait3A_191 = tpu.memref_squeeze %dma_wait3A_190 : memref<1x1x125x80xi32, #tpu.memory_space<hbm>> -> memref<125x80xi32, #tpu.memory_space<hbm>>
      tpu.wait_dma2 semaphore(%run_scoped3A_159 : memref<!tpu.dma_semaphore, #tpu.memory_space<semaphore_mem>>) src(%dma_wait3A_191 : memref<125x80xi32, #tpu.memory_space<hbm>>) dst(%dma_wait3A_187 : memref<125x80xi32, #tpu.memory_space<vmem>>)
      tpu.yield
    }) : () -> ()
    %run_scoped3A_2 = arith.constant 1 : i32
    %run_scoped3A_3 = arith.constant 1 : i32
    "tpu.region"() ({
      %run_scoped3A_159 = tpu.sem_alloc : memref<!tpu.dma_semaphore, #tpu.memory_space<semaphore_mem>>
      %dma_start3A_160 = arith.constant 0 : i32
      %dma_start3A_161 = arith.constant 0 : i32
      %dma_start3A_162 = tpu.memref_slice %arg5[%run_scoped3A_3, %dma_start3A_160, %dma_start3A_161] : memref<2x125x80xi32, #tpu.memory_space<vmem>> -> memref<1x125x80xi32, #tpu.memory_space<vmem>>
      %dma_start3A_163 = tpu.memref_squeeze %dma_start3A_162 : memref<1x125x80xi32, #tpu.memory_space<vmem>> -> memref<125x80xi32, #tpu.memory_space<vmem>>
      %dma_start3A_164 = arith.constant 0 : i32
      %dma_start3A_165 = arith.constant 0 : i32
      %dma_start3A_166 = tpu.memref_slice %arg3[%run_scoped3A_2, %add3A, %dma_start3A_164, %dma_start3A_165] : memref<2x32x125x80xi32, #tpu.memory_space<hbm>> -> memref<1x1x125x80xi32, #tpu.memory_space<hbm>>
      %dma_start3A_167 = tpu.memref_squeeze %dma_start3A_166 : memref<1x1x125x80xi32, #tpu.memory_space<hbm>> -> memref<125x80xi32, #tpu.memory_space<hbm>>
      %dma_start3A_168 = arith.constant 0 : i32
      %dma_start3A_169 = arith.constant 0 : i32
      %dma_start3A_170 = tpu.memref_slice %arg5[%run_scoped3A_3, %dma_start3A_168, %dma_start3A_169] : memref<2x125x80xi32, #tpu.memory_space<vmem>> -> memref<1x125x80xi32, #tpu.memory_space<vmem>>
      %dma_start3A_171 = tpu.memref_squeeze %dma_start3A_170 : memref<1x125x80xi32, #tpu.memory_space<vmem>> -> memref<125x80xi32, #tpu.memory_space<vmem>>
      %dma_start3A_172 = arith.constant 0 : i32
      %dma_start3A_173 = arith.constant 0 : i32
      %dma_start3A_174 = tpu.memref_slice %arg3[%run_scoped3A_2, %add3A, %dma_start3A_172, %dma_start3A_173] : memref<2x32x125x80xi32, #tpu.memory_space<hbm>> -> memref<1x1x125x80xi32, #tpu.memory_space<hbm>>
      %dma_start3A_175 = tpu.memref_squeeze %dma_start3A_174 : memref<1x1x125x80xi32, #tpu.memory_space<hbm>> -> memref<125x80xi32, #tpu.memory_space<hbm>>
      tpu.enqueue_dma source(%dma_start3A_175 : memref<125x80xi32, #tpu.memory_space<hbm>>) target(%dma_start3A_171 : memref<125x80xi32, #tpu.memory_space<vmem>>) target_semaphore(%run_scoped3A_159 : memref<!tpu.dma_semaphore, #tpu.memory_space<semaphore_mem>>)
      %dma_wait3A_176 = arith.constant 0 : i32
      %dma_wait3A_177 = arith.constant 0 : i32
      %dma_wait3A_178 = tpu.memref_slice %arg5[%run_scoped3A_3, %dma_wait3A_176, %dma_wait3A_177] : memref<2x125x80xi32, #tpu.memory_space<vmem>> -> memref<1x125x80xi32, #tpu.memory_space<vmem>>
      %dma_wait3A_179 = tpu.memref_squeeze %dma_wait3A_178 : memref<1x125x80xi32, #tpu.memory_space<vmem>> -> memref<125x80xi32, #tpu.memory_space<vmem>>
      %dma_wait3A_180 = arith.constant 0 : i32
      %dma_wait3A_181 = arith.constant 0 : i32
      %dma_wait3A_182 = tpu.memref_slice %arg3[%run_scoped3A_2, %add3A, %dma_wait3A_180, %dma_wait3A_181] : memref<2x32x125x80xi32, #tpu.memory_space<hbm>> -> memref<1x1x125x80xi32, #tpu.memory_space<hbm>>
      %dma_wait3A_183 = tpu.memref_squeeze %dma_wait3A_182 : memref<1x1x125x80xi32, #tpu.memory_space<hbm>> -> memref<125x80xi32, #tpu.memory_space<hbm>>
      %dma_wait3A_184 = arith.constant 0 : i32
      %dma_wait3A_185 = arith.constant 0 : i32
      %dma_wait3A_186 = tpu.memref_slice %arg5[%run_scoped3A_3, %dma_wait3A_184, %dma_wait3A_185] : memref<2x125x80xi32, #tpu.memory_space<vmem>> -> memref<1x125x80xi32, #tpu.memory_space<vmem>>
      %dma_wait3A_187 = tpu.memref_squeeze %dma_wait3A_186 : memref<1x125x80xi32, #tpu.memory_space<vmem>> -> memref<125x80xi32, #tpu.memory_space<vmem>>
      %dma_wait3A_188 = arith.constant 0 : i32
      %dma_wait3A_189 = arith.constant 0 : i32
      %dma_wait3A_190 = tpu.memref_slice %arg3[%run_scoped3A_2, %add3A, %dma_wait3A_188, %dma_wait3A_189] : memref<2x32x125x80xi32, #tpu.memory_space<hbm>> -> memref<1x1x125x80xi32, #tpu.memory_space<hbm>>
      %dma_wait3A_191 = tpu.memref_squeeze %dma_wait3A_190 : memref<1x1x125x80xi32, #tpu.memory_space<hbm>> -> memref<125x80xi32, #tpu.memory_space<hbm>>
      tpu.wait_dma2 semaphore(%run_scoped3A_159 : memref<!tpu.dma_semaphore, #tpu.memory_space<semaphore_mem>>) src(%dma_wait3A_191 : memref<125x80xi32, #tpu.memory_space<hbm>>) dst(%dma_wait3A_187 : memref<125x80xi32, #tpu.memory_space<vmem>>)
      tpu.yield
    }) : () -> ()
    %iota3A = tpu.iota {dimensions = array<i32: 0>} : vector<16xi32>
    %dma_start3A = arith.constant 0 : i32
    %dma_start3A_4 = arith.constant 0 : i32
    %dma_start3A_5 = arith.constant 0 : i32
    %dma_start3A_6 = arith.constant 0 : i32
    %dma_start3A_7 = arith.constant 0 : i32
    %dma_start3A_8 = arith.constant 0 : i32
    %dma_start3A_9 = tpu.memref_slice %arg6[%dma_start3A_5, %dma_start3A_7, %dma_start3A_8] : memref<2x80x64xi32, #tpu.memory_space<vmem>> -> memref<1x80x64xi32, #tpu.memory_space<vmem>>
    %dma_start3A_10 = tpu.memref_squeeze %dma_start3A_9 : memref<1x80x64xi32, #tpu.memory_space<vmem>> -> memref<80x64xi32, #tpu.memory_space<vmem>>
    %dma_start3A_11 = arith.constant 0 : i32
    %dma_start3A_12 = tpu.memref_slice %arg5[%dma_start3A, %dma_start3A_4, %dma_start3A_11] : memref<2x125x80xi32, #tpu.memory_space<vmem>> -> memref<1x1x80xi32, #tpu.memory_space<vmem>>
    %dma_start3A_13 = tpu.memref_squeeze %dma_start3A_12 : memref<1x1x80xi32, #tpu.memory_space<vmem>> -> memref<80xi32, #tpu.memory_space<vmem>>
    %dma_start3A_14 = arith.constant 0 : i32
    %dma_start3A_15 = arith.constant 0 : i32
    %dma_start3A_16 = tpu.memref_slice %arg2[%dma_start3A_14, %dma_start3A_15] : memref<10000x64xi32, #tpu.memory_space<hbm>> -> memref<10000x64xi32, #tpu.memory_space<hbm>>
    %dma_start3A_17 = tpu.memref_slice %arg10[%dma_start3A_6] : memref<2x!tpu.dma_semaphore, #tpu.memory_space<semaphore_mem>> -> memref<1x!tpu.dma_semaphore, #tpu.memory_space<semaphore_mem>>
    %dma_start3A_18 = tpu.memref_squeeze %dma_start3A_17 : memref<1x!tpu.dma_semaphore, #tpu.memory_space<semaphore_mem>> -> memref<!tpu.dma_semaphore, #tpu.memory_space<semaphore_mem>>
    tpu.enqueue_indirect_dma source(%dma_start3A_16 : memref<10000x64xi32, #tpu.memory_space<hbm>>) target(%dma_start3A_10 : memref<80x64xi32, #tpu.memory_space<vmem>>) offsets(%dma_start3A_13 : memref<80xi32, #tpu.memory_space<vmem>>) semaphore(%dma_start3A_18 : memref<!tpu.dma_semaphore, #tpu.memory_space<semaphore_mem>>)
    %dma_start3A_19 = arith.constant 1 : i32
    %dma_start3A_20 = arith.constant 0 : i32
    %dma_start3A_21 = arith.constant 0 : i32
    %dma_start3A_22 = arith.constant 0 : i32
    %dma_start3A_23 = arith.constant 0 : i32
    %dma_start3A_24 = arith.constant 0 : i32
    %dma_start3A_25 = tpu.memref_slice %arg7[%dma_start3A_21, %dma_start3A_23, %dma_start3A_24] : memref<2x80x64xi32, #tpu.memory_space<vmem>> -> memref<1x80x64xi32, #tpu.memory_space<vmem>>
    %dma_start3A_26 = tpu.memref_squeeze %dma_start3A_25 : memref<1x80x64xi32, #tpu.memory_space<vmem>> -> memref<80x64xi32, #tpu.memory_space<vmem>>
    %dma_start3A_27 = arith.constant 0 : i32
    %dma_start3A_28 = tpu.memref_slice %arg5[%dma_start3A_19, %dma_start3A_20, %dma_start3A_27] : memref<2x125x80xi32, #tpu.memory_space<vmem>> -> memref<1x1x80xi32, #tpu.memory_space<vmem>>
    %dma_start3A_29 = tpu.memref_squeeze %dma_start3A_28 : memref<1x1x80xi32, #tpu.memory_space<vmem>> -> memref<80xi32, #tpu.memory_space<vmem>>
    %dma_start3A_30 = arith.constant 0 : i32
    %dma_start3A_31 = arith.constant 0 : i32
    %dma_start3A_32 = tpu.memref_slice %arg2[%dma_start3A_30, %dma_start3A_31] : memref<10000x64xi32, #tpu.memory_space<hbm>> -> memref<10000x64xi32, #tpu.memory_space<hbm>>
    %dma_start3A_33 = tpu.memref_slice %arg10[%dma_start3A_22] : memref<2x!tpu.dma_semaphore, #tpu.memory_space<semaphore_mem>> -> memref<1x!tpu.dma_semaphore, #tpu.memory_space<semaphore_mem>>
    %dma_start3A_34 = tpu.memref_squeeze %dma_start3A_33 : memref<1x!tpu.dma_semaphore, #tpu.memory_space<semaphore_mem>> -> memref<!tpu.dma_semaphore, #tpu.memory_space<semaphore_mem>>
    tpu.enqueue_indirect_dma source(%dma_start3A_32 : memref<10000x64xi32, #tpu.memory_space<hbm>>) target(%dma_start3A_26 : memref<80x64xi32, #tpu.memory_space<vmem>>) offsets(%dma_start3A_29 : memref<80xi32, #tpu.memory_space<vmem>>) semaphore(%dma_start3A_34 : memref<!tpu.dma_semaphore, #tpu.memory_space<semaphore_mem>>)
    %scan3A = arith.constant 0 : i32
    %scan3A_35 = arith.constant 0 : i32
    %scan3A_36 = arith.constant 62 : i32
    %scan3A_37 = arith.addi %scan3A_35, %scan3A_36 : i32
    %scan3A_38 = arith.constant 1 : i32
    %scan3A_39 = scf.for %scan3A_159 = %scan3A_35 to %scan3A_37 step %scan3A_38 iter_args(%scan3A_160 = %scan3A) -> (i32)  : i32 {
      %mul3A_161 = arith.constant 2 : i32
      %mul3A_162 = arith.muli %mul3A_161, %scan3A_159 : i32
      %add3A_163 = arith.constant 1 : i32
      %add3A_164 = arith.addi %mul3A_162, %add3A_163 : i32
      %dma_start3A_165 = arith.constant 0 : i32
      %dma_start3A_166 = arith.constant 1 : i32
      %dma_start3A_167 = arith.constant 1 : i32
      %dma_start3A_168 = arith.constant 0 : i32
      %dma_start3A_169 = arith.constant 0 : i32
      %dma_start3A_170 = tpu.memref_slice %arg6[%dma_start3A_166, %dma_start3A_168, %dma_start3A_169] : memref<2x80x64xi32, #tpu.memory_space<vmem>> -> memref<1x80x64xi32, #tpu.memory_space<vmem>>
      %dma_start3A_171 = tpu.memref_squeeze %dma_start3A_170 : memref<1x80x64xi32, #tpu.memory_space<vmem>> -> memref<80x64xi32, #tpu.memory_space<vmem>>
      %dma_start3A_172 = arith.constant 0 : i32
      %dma_start3A_173 = tpu.memref_slice %arg5[%dma_start3A_165, %add3A_164, %dma_start3A_172] : memref<2x125x80xi32, #tpu.memory_space<vmem>> -> memref<1x1x80xi32, #tpu.memory_space<vmem>>
      %dma_start3A_174 = tpu.memref_squeeze %dma_start3A_173 : memref<1x1x80xi32, #tpu.memory_space<vmem>> -> memref<80xi32, #tpu.memory_space<vmem>>
      %dma_start3A_175 = arith.constant 0 : i32
      %dma_start3A_176 = arith.constant 0 : i32
      %dma_start3A_177 = tpu.memref_slice %arg2[%dma_start3A_175, %dma_start3A_176] : memref<10000x64xi32, #tpu.memory_space<hbm>> -> memref<10000x64xi32, #tpu.memory_space<hbm>>
      %dma_start3A_178 = tpu.memref_slice %arg10[%dma_start3A_167] : memref<2x!tpu.dma_semaphore, #tpu.memory_space<semaphore_mem>> -> memref<1x!tpu.dma_semaphore, #tpu.memory_space<semaphore_mem>>
      %dma_start3A_179 = tpu.memref_squeeze %dma_start3A_178 : memref<1x!tpu.dma_semaphore, #tpu.memory_space<semaphore_mem>> -> memref<!tpu.dma_semaphore, #tpu.memory_space<semaphore_mem>>
      tpu.enqueue_indirect_dma source(%dma_start3A_177 : memref<10000x64xi32, #tpu.memory_space<hbm>>) target(%dma_start3A_171 : memref<80x64xi32, #tpu.memory_space<vmem>>) offsets(%dma_start3A_174 : memref<80xi32, #tpu.memory_space<vmem>>) semaphore(%dma_start3A_179 : memref<!tpu.dma_semaphore, #tpu.memory_space<semaphore_mem>>)
      %dma_start3A_180 = arith.constant 1 : i32
      %dma_start3A_181 = arith.constant 1 : i32
      %dma_start3A_182 = arith.constant 1 : i32
      %dma_start3A_183 = arith.constant 0 : i32
      %dma_start3A_184 = arith.constant 0 : i32
      %dma_start3A_185 = tpu.memref_slice %arg7[%dma_start3A_181, %dma_start3A_183, %dma_start3A_184] : memref<2x80x64xi32, #tpu.memory_space<vmem>> -> memref<1x80x64xi32, #tpu.memory_space<vmem>>
      %dma_start3A_186 = tpu.memref_squeeze %dma_start3A_185 : memref<1x80x64xi32, #tpu.memory_space<vmem>> -> memref<80x64xi32, #tpu.memory_space<vmem>>
      %dma_start3A_187 = arith.constant 0 : i32
      %dma_start3A_188 = tpu.memref_slice %arg5[%dma_start3A_180, %add3A_164, %dma_start3A_187] : memref<2x125x80xi32, #tpu.memory_space<vmem>> -> memref<1x1x80xi32, #tpu.memory_space<vmem>>
      %dma_start3A_189 = tpu.memref_squeeze %dma_start3A_188 : memref<1x1x80xi32, #tpu.memory_space<vmem>> -> memref<80xi32, #tpu.memory_space<vmem>>
      %dma_start3A_190 = arith.constant 0 : i32
      %dma_start3A_191 = arith.constant 0 : i32
      %dma_start3A_192 = tpu.memref_slice %arg2[%dma_start3A_190, %dma_start3A_191] : memref<10000x64xi32, #tpu.memory_space<hbm>> -> memref<10000x64xi32, #tpu.memory_space<hbm>>
      %dma_start3A_193 = tpu.memref_slice %arg10[%dma_start3A_182] : memref<2x!tpu.dma_semaphore, #tpu.memory_space<semaphore_mem>> -> memref<1x!tpu.dma_semaphore, #tpu.memory_space<semaphore_mem>>
      %dma_start3A_194 = tpu.memref_squeeze %dma_start3A_193 : memref<1x!tpu.dma_semaphore, #tpu.memory_space<semaphore_mem>> -> memref<!tpu.dma_semaphore, #tpu.memory_space<semaphore_mem>>
      tpu.enqueue_indirect_dma source(%dma_start3A_192 : memref<10000x64xi32, #tpu.memory_space<hbm>>) target(%dma_start3A_186 : memref<80x64xi32, #tpu.memory_space<vmem>>) offsets(%dma_start3A_189 : memref<80xi32, #tpu.memory_space<vmem>>) semaphore(%dma_start3A_194 : memref<!tpu.dma_semaphore, #tpu.memory_space<semaphore_mem>>)
      %dma_wait3A_195 = arith.constant 0 : i32
      %dma_wait3A_196 = arith.constant 0 : i32
      %dma_wait3A_197 = arith.constant 0 : i32
      %dma_wait3A_198 = arith.constant 0 : i32
      %dma_wait3A_199 = arith.constant 0 : i32
      %dma_wait3A_200 = tpu.memref_slice %arg6[%dma_wait3A_196, %dma_wait3A_198, %dma_wait3A_199] : memref<2x80x64xi32, #tpu.memory_space<vmem>> -> memref<1x80x64xi32, #tpu.memory_space<vmem>>
      %dma_wait3A_201 = tpu.memref_squeeze %dma_wait3A_200 : memref<1x80x64xi32, #tpu.memory_space<vmem>> -> memref<80x64xi32, #tpu.memory_space<vmem>>
      %dma_wait3A_202 = arith.constant 0 : i32
      %dma_wait3A_203 = tpu.memref_slice %arg5[%dma_wait3A_195, %mul3A_162, %dma_wait3A_202] : memref<2x125x80xi32, #tpu.memory_space<vmem>> -> memref<1x1x80xi32, #tpu.memory_space<vmem>>
      %dma_wait3A_204 = tpu.memref_squeeze %dma_wait3A_203 : memref<1x1x80xi32, #tpu.memory_space<vmem>> -> memref<80xi32, #tpu.memory_space<vmem>>
      %dma_wait3A_205 = arith.constant 0 : i32
      %dma_wait3A_206 = arith.constant 0 : i32
      %dma_wait3A_207 = tpu.memref_slice %arg2[%dma_wait3A_205, %dma_wait3A_206] : memref<10000x64xi32, #tpu.memory_space<hbm>> -> memref<10000x64xi32, #tpu.memory_space<hbm>>
      %dma_wait3A_208 = tpu.memref_slice %arg10[%dma_wait3A_197] : memref<2x!tpu.dma_semaphore, #tpu.memory_space<semaphore_mem>> -> memref<1x!tpu.dma_semaphore, #tpu.memory_space<semaphore_mem>>
      %dma_wait3A_209 = tpu.memref_squeeze %dma_wait3A_208 : memref<1x!tpu.dma_semaphore, #tpu.memory_space<semaphore_mem>> -> memref<!tpu.dma_semaphore, #tpu.memory_space<semaphore_mem>>
      tpu.wait_indirect_dma semaphore(%dma_wait3A_209 : memref<!tpu.dma_semaphore, #tpu.memory_space<semaphore_mem>>) src(%dma_wait3A_207 : memref<10000x64xi32, #tpu.memory_space<hbm>>) dst(%dma_wait3A_201 : memref<80x64xi32, #tpu.memory_space<vmem>>)
      %dma_wait3A_210 = arith.constant 1 : i32
      %dma_wait3A_211 = arith.constant 0 : i32
      %dma_wait3A_212 = arith.constant 0 : i32
      %dma_wait3A_213 = arith.constant 0 : i32
      %dma_wait3A_214 = arith.constant 0 : i32
      %dma_wait3A_215 = tpu.memref_slice %arg7[%dma_wait3A_211, %dma_wait3A_213, %dma_wait3A_214] : memref<2x80x64xi32, #tpu.memory_space<vmem>> -> memref<1x80x64xi32, #tpu.memory_space<vmem>>
      %dma_wait3A_216 = tpu.memref_squeeze %dma_wait3A_215 : memref<1x80x64xi32, #tpu.memory_space<vmem>> -> memref<80x64xi32, #tpu.memory_space<vmem>>
      %dma_wait3A_217 = arith.constant 0 : i32
      %dma_wait3A_218 = tpu.memref_slice %arg5[%dma_wait3A_210, %mul3A_162, %dma_wait3A_217] : memref<2x125x80xi32, #tpu.memory_space<vmem>> -> memref<1x1x80xi32, #tpu.memory_space<vmem>>
      %dma_wait3A_219 = tpu.memref_squeeze %dma_wait3A_218 : memref<1x1x80xi32, #tpu.memory_space<vmem>> -> memref<80xi32, #tpu.memory_space<vmem>>
      %dma_wait3A_220 = arith.constant 0 : i32
      %dma_wait3A_221 = arith.constant 0 : i32
      %dma_wait3A_222 = tpu.memref_slice %arg2[%dma_wait3A_220, %dma_wait3A_221] : memref<10000x64xi32, #tpu.memory_space<hbm>> -> memref<10000x64xi32, #tpu.memory_space<hbm>>
      %dma_wait3A_223 = tpu.memref_slice %arg10[%dma_wait3A_212] : memref<2x!tpu.dma_semaphore, #tpu.memory_space<semaphore_mem>> -> memref<1x!tpu.dma_semaphore, #tpu.memory_space<semaphore_mem>>
      %dma_wait3A_224 = tpu.memref_squeeze %dma_wait3A_223 : memref<1x!tpu.dma_semaphore, #tpu.memory_space<semaphore_mem>> -> memref<!tpu.dma_semaphore, #tpu.memory_space<semaphore_mem>>
      tpu.wait_indirect_dma semaphore(%dma_wait3A_224 : memref<!tpu.dma_semaphore, #tpu.memory_space<semaphore_mem>>) src(%dma_wait3A_222 : memref<10000x64xi32, #tpu.memory_space<hbm>>) dst(%dma_wait3A_216 : memref<80x64xi32, #tpu.memory_space<vmem>>)
      %gt3A = arith.constant 0 : i32
      %gt3A_225 = arith.cmpi sgt, %scan3A_159, %gt3A : i32
      %convert_element_type3A = arith.extui %gt3A_225 : i1 to i32
      %cond3A = arith.constant 0 : i32
      %cond3A_226 = arith.cmpi ne, %convert_element_type3A, %cond3A : i32
      scf.if %cond3A_226 {
        %sub3A = arith.constant 2 : i32
        %sub3A_325 = arith.subi %mul3A_162, %sub3A : i32
        %mul3A_326 = arith.constant 125 : i32
        %mul3A_327 = arith.muli %add3A, %mul3A_326 : i32
        %add3A_328 = arith.addi %mul3A_327, %sub3A_325 : i32
        %dma_wait3A_329 = arith.constant 0 : i32
        %dma_wait3A_330 = arith.constant 0 : i32
        %dma_wait3A_331 = arith.constant 0 : i32
        %dma_wait3A_332 = tpu.memref_slice %arg8[%dma_wait3A_329, %dma_wait3A_331] : memref<2x80xf32, #tpu.memory_space<vmem>> -> memref<1x80xf32, #tpu.memory_space<vmem>>
        %dma_wait3A_333 = tpu.memref_squeeze %dma_wait3A_332 : memref<1x80xf32, #tpu.memory_space<vmem>> -> memref<80xf32, #tpu.memory_space<vmem>>
        %dma_wait3A_334 = arith.constant 0 : i32
        %dma_wait3A_335 = tpu.memref_slice %arg4[%add3A_328, %dma_wait3A_334] : memref<4000x80xf32, #tpu.memory_space<hbm>> -> memref<1x80xf32, #tpu.memory_space<hbm>>
        %dma_wait3A_336 = tpu.memref_squeeze %dma_wait3A_335 : memref<1x80xf32, #tpu.memory_space<hbm>> -> memref<80xf32, #tpu.memory_space<hbm>>
        %dma_wait3A_337 = tpu.memref_slice %arg11[%dma_wait3A_330] : memref<2x!tpu.dma_semaphore, #tpu.memory_space<semaphore_mem>> -> memref<1x!tpu.dma_semaphore, #tpu.memory_space<semaphore_mem>>
        %dma_wait3A_338 = tpu.memref_squeeze %dma_wait3A_337 : memref<1x!tpu.dma_semaphore, #tpu.memory_space<semaphore_mem>> -> memref<!tpu.dma_semaphore, #tpu.memory_space<semaphore_mem>>
        %dma_wait3A_339 = arith.constant 0 : i32
        %dma_wait3A_340 = tpu.memref_slice %arg4[%add3A_328, %dma_wait3A_339] : memref<4000x80xf32, #tpu.memory_space<hbm>> -> memref<1x80xf32, #tpu.memory_space<hbm>>
        %dma_wait3A_341 = tpu.memref_squeeze %dma_wait3A_340 : memref<1x80xf32, #tpu.memory_space<hbm>> -> memref<80xf32, #tpu.memory_space<hbm>>
        %dma_wait3A_342 = arith.constant 0 : i32
        %dma_wait3A_343 = tpu.memref_slice %arg8[%dma_wait3A_329, %dma_wait3A_342] : memref<2x80xf32, #tpu.memory_space<vmem>> -> memref<1x80xf32, #tpu.memory_space<vmem>>
        %dma_wait3A_344 = tpu.memref_squeeze %dma_wait3A_343 : memref<1x80xf32, #tpu.memory_space<vmem>> -> memref<80xf32, #tpu.memory_space<vmem>>
        tpu.wait_dma2 semaphore(%dma_wait3A_338 : memref<!tpu.dma_semaphore, #tpu.memory_space<semaphore_mem>>) src(%dma_wait3A_344 : memref<80xf32, #tpu.memory_space<vmem>>) dst(%dma_wait3A_341 : memref<80xf32, #tpu.memory_space<hbm>>)
      } else {
      }
      %scan3A_227 = arith.constant 0 : i32
      %scan3A_228 = arith.constant 0 : i32
      %scan3A_229 = arith.constant 5 : i32
      %scan3A_230 = arith.addi %scan3A_228, %scan3A_229 : i32
      %scan3A_231 = arith.constant 1 : i32
      %scan3A_232 = scf.for %scan3A_325 = %scan3A_228 to %scan3A_230 step %scan3A_231 iter_args(%scan3A_326 = %scan3A_227) -> (i32)  : i32 {
        %mul3A_327 = arith.constant 16 : i32
        %mul3A_328 = arith.muli %scan3A_325, %mul3A_327 : i32
        %add3A_329 = arith.constant 0 : i32
        %add3A_330 = arith.addi %mul3A_328, %add3A_329 : i32
        %get3A = arith.constant 0 : i32
        %get3A_331 = arith.index_cast %get3A : i32 to index
        %get3A_332 = arith.index_cast %add3A_330 : i32 to index
        %get3A_333 = arith.constant 0 : index
        %get3A_334 = tpu.vector_load %arg6[%get3A_331, %get3A_332, %get3A_333] {strides = array<i32>} : memref<2x80x64xi32, #tpu.memory_space<vmem>>, vector<16xi32>,
        %bitcast3A = vector.bitcast %get3A_334 : vector<16xi32> to vector<32xbf16>
        %get3A_335 = arith.constant 0 : i32
        %get3A_336 = arith.index_cast %get3A_335 : i32 to index
        %get3A_337 = arith.index_cast %add3A_330 : i32 to index
        %get3A_338 = arith.constant 0 : index
        %get3A_339 = tpu.vector_load %arg7[%get3A_336, %get3A_337, %get3A_338] {strides = array<i32>} : memref<2x80x64xi32, #tpu.memory_space<vmem>>, vector<16xi32>,
        %bitcast3A_340 = vector.bitcast %get3A_339 : vector<16xi32> to vector<32xbf16>
        %mul3A_341 = arith.mulf %bitcast3A, %bitcast3A_340 : vector<32xbf16>
        %get3A_342 = arith.constant 0 : i32
        %get3A_343 = arith.index_cast %get3A_342 : i32 to index
        %get3A_344 = arith.index_cast %add3A_330 : i32 to index
        %get3A_345 = arith.constant 16 : index
        %get3A_346 = tpu.vector_load %arg6[%get3A_343, %get3A_344, %get3A_345] {strides = array<i32>} : memref<2x80x64xi32, #tpu.memory_space<vmem>>, vector<16xi32>,
        %bitcast3A_347 = vector.bitcast %get3A_346 : vector<16xi32> to vector<32xbf16>
        %get3A_348 = arith.constant 0 : i32
        %get3A_349 = arith.index_cast %get3A_348 : i32 to index
        %get3A_350 = arith.index_cast %add3A_330 : i32 to index
        %get3A_351 = arith.constant 16 : index
        %get3A_352 = tpu.vector_load %arg7[%get3A_349, %get3A_350, %get3A_351] {strides = array<i32>} : memref<2x80x64xi32, #tpu.memory_space<vmem>>, vector<16xi32>,
        %bitcast3A_353 = vector.bitcast %get3A_352 : vector<16xi32> to vector<32xbf16>
        %mul3A_354 = arith.mulf %bitcast3A_347, %bitcast3A_353 : vector<32xbf16>
        %add3A_355 = arith.addf %mul3A_341, %mul3A_354 : vector<32xbf16>
        %unpack3A = tpu.unpack_subelements %add3A_355, 0 {pack_format = #tpu.pack_format<interleaved>} : vector<32xbf16> -> vector<16xf32>
        %unpack3A_356 = tpu.unpack_subelements %add3A_355, 1 {pack_format = #tpu.pack_format<interleaved>} : vector<32xbf16> -> vector<16xf32>
        %add3A_357 = arith.addf %unpack3A, %unpack3A_356 : vector<16xf32>
        %get3A_358 = arith.constant 0 : i32
        %get3A_359 = arith.index_cast %get3A_358 : i32 to index
        %get3A_360 = arith.index_cast %add3A_330 : i32 to index
        %get3A_361 = arith.constant 32 : index
        %get3A_362 = tpu.vector_load %arg6[%get3A_359, %get3A_360, %get3A_361] {strides = array<i32>} : memref<2x80x64xi32, #tpu.memory_space<vmem>>, vector<16xi32>,
        %bitcast3A_363 = vector.bitcast %get3A_362 : vector<16xi32> to vector<32xbf16>
        %get3A_364 = arith.constant 0 : i32
        %get3A_365 = arith.index_cast %get3A_364 : i32 to index
        %get3A_366 = arith.index_cast %add3A_330 : i32 to index
        %get3A_367 = arith.constant 32 : index
        %get3A_368 = tpu.vector_load %arg7[%get3A_365, %get3A_366, %get3A_367] {strides = array<i32>} : memref<2x80x64xi32, #tpu.memory_space<vmem>>, vector<16xi32>,
        %bitcast3A_369 = vector.bitcast %get3A_368 : vector<16xi32> to vector<32xbf16>
        %mul3A_370 = arith.mulf %bitcast3A_363, %bitcast3A_369 : vector<32xbf16>
        %get3A_371 = arith.constant 0 : i32
        %get3A_372 = arith.index_cast %get3A_371 : i32 to index
        %get3A_373 = arith.index_cast %add3A_330 : i32 to index
        %get3A_374 = arith.constant 48 : index
        %get3A_375 = tpu.vector_load %arg6[%get3A_372, %get3A_373, %get3A_374] {strides = array<i32>} : memref<2x80x64xi32, #tpu.memory_space<vmem>>, vector<16xi32>,
        %bitcast3A_376 = vector.bitcast %get3A_375 : vector<16xi32> to vector<32xbf16>
        %get3A_377 = arith.constant 0 : i32
        %get3A_378 = arith.index_cast %get3A_377 : i32 to index
        %get3A_379 = arith.index_cast %add3A_330 : i32 to index
        %get3A_380 = arith.constant 48 : index
        %get3A_381 = tpu.vector_load %arg7[%get3A_378, %get3A_379, %get3A_380] {strides = array<i32>} : memref<2x80x64xi32, #tpu.memory_space<vmem>>, vector<16xi32>,
        %bitcast3A_382 = vector.bitcast %get3A_381 : vector<16xi32> to vector<32xbf16>
        %mul3A_383 = arith.mulf %bitcast3A_376, %bitcast3A_382 : vector<32xbf16>
        %add3A_384 = arith.addf %mul3A_370, %mul3A_383 : vector<32xbf16>
        %unpack3A_385 = tpu.unpack_subelements %add3A_384, 0 {pack_format = #tpu.pack_format<interleaved>} : vector<32xbf16> -> vector<16xf32>
        %unpack3A_386 = tpu.unpack_subelements %add3A_384, 1 {pack_format = #tpu.pack_format<interleaved>} : vector<32xbf16> -> vector<16xf32>
        %add3A_387 = arith.addf %unpack3A_385, %unpack3A_386 : vector<16xf32>
        %add3A_388 = arith.addf %add3A_357, %add3A_387 : vector<16xf32>
        %swap3A = arith.constant 0 : i32
        %swap3A_389 = arith.index_cast %swap3A : i32 to index
        %swap3A_390 = arith.constant 0 : index
        %swap3A_391 = tpu.vector_load %arg9[%swap3A_389, %swap3A_390] {strides = array<i32>} : memref<16x16xf32, #tpu.memory_space<vmem>>, vector<16xf32>,
        tpu.vector_store %arg9[%swap3A_389, %swap3A_390], %add3A_388 {strides = array<i32>} : memref<16x16xf32, #tpu.memory_space<vmem>>, vector<16xf32>,
        %mul3A_392 = arith.constant 16 : i32
        %mul3A_393 = arith.muli %scan3A_325, %mul3A_392 : i32
        %add3A_394 = arith.constant 1 : i32
        %add3A_395 = arith.addi %mul3A_393, %add3A_394 : i32
        %get3A_396 = arith.constant 0 : i32
        %get3A_397 = arith.index_cast %get3A_396 : i32 to index
        %get3A_398 = arith.index_cast %add3A_395 : i32 to index
        %get3A_399 = arith.constant 0 : index
        %get3A_400 = tpu.vector_load %arg6[%get3A_397, %get3A_398, %get3A_399] {strides = array<i32>} : memref<2x80x64xi32, #tpu.memory_space<vmem>>, vector<16xi32>,
        %bitcast3A_401 = vector.bitcast %get3A_400 : vector<16xi32> to vector<32xbf16>
        %get3A_402 = arith.constant 0 : i32
        %get3A_403 = arith.index_cast %get3A_402 : i32 to index
        %get3A_404 = arith.index_cast %add3A_395 : i32 to index
        %get3A_405 = arith.constant 0 : index
        %get3A_406 = tpu.vector_load %arg7[%get3A_403, %get3A_404, %get3A_405] {strides = array<i32>} : memref<2x80x64xi32, #tpu.memory_space<vmem>>, vector<16xi32>,
        %bitcast3A_407 = vector.bitcast %get3A_406 : vector<16xi32> to vector<32xbf16>
        %mul3A_408 = arith.mulf %bitcast3A_401, %bitcast3A_407 : vector<32xbf16>
        %get3A_409 = arith.constant 0 : i32
        %get3A_410 = arith.index_cast %get3A_409 : i32 to index
        %get3A_411 = arith.index_cast %add3A_395 : i32 to index
        %get3A_412 = arith.constant 16 : index
        %get3A_413 = tpu.vector_load %arg6[%get3A_410, %get3A_411, %get3A_412] {strides = array<i32>} : memref<2x80x64xi32, #tpu.memory_space<vmem>>, vector<16xi32>,
        %bitcast3A_414 = vector.bitcast %get3A_413 : vector<16xi32> to vector<32xbf16>
        %get3A_415 = arith.constant 0 : i32
        %get3A_416 = arith.index_cast %get3A_415 : i32 to index
        %get3A_417 = arith.index_cast %add3A_395 : i32 to index
        %get3A_418 = arith.constant 16 : index
        %get3A_419 = tpu.vector_load %arg7[%get3A_416, %get3A_417, %get3A_418] {strides = array<i32>} : memref<2x80x64xi32, #tpu.memory_space<vmem>>, vector<16xi32>,
        %bitcast3A_420 = vector.bitcast %get3A_419 : vector<16xi32> to vector<32xbf16>
        %mul3A_421 = arith.mulf %bitcast3A_414, %bitcast3A_420 : vector<32xbf16>
        %add3A_422 = arith.addf %mul3A_408, %mul3A_421 : vector<32xbf16>
        %unpack3A_423 = tpu.unpack_subelements %add3A_422, 0 {pack_format = #tpu.pack_format<interleaved>} : vector<32xbf16> -> vector<16xf32>
        %unpack3A_424 = tpu.unpack_subelements %add3A_422, 1 {pack_format = #tpu.pack_format<interleaved>} : vector<32xbf16> -> vector<16xf32>
        %add3A_425 = arith.addf %unpack3A_423, %unpack3A_424 : vector<16xf32>
        %get3A_426 = arith.constant 0 : i32
        %get3A_427 = arith.index_cast %get3A_426 : i32 to index
        %get3A_428 = arith.index_cast %add3A_395 : i32 to index
        %get3A_429 = arith.constant 32 : index
        %get3A_430 = tpu.vector_load %arg6[%get3A_427, %get3A_428, %get3A_429] {strides = array<i32>} : memref<2x80x64xi32, #tpu.memory_space<vmem>>, vector<16xi32>,
        %bitcast3A_431 = vector.bitcast %get3A_430 : vector<16xi32> to vector<32xbf16>
        %get3A_432 = arith.constant 0 : i32
        %get3A_433 = arith.index_cast %get3A_432 : i32 to index
        %get3A_434 = arith.index_cast %add3A_395 : i32 to index
        %get3A_435 = arith.constant 32 : index
        %get3A_436 = tpu.vector_load %arg7[%get3A_433, %get3A_434, %get3A_435] {strides = array<i32>} : memref<2x80x64xi32, #tpu.memory_space<vmem>>, vector<16xi32>,
        %bitcast3A_437 = vector.bitcast %get3A_436 : vector<16xi32> to vector<32xbf16>
        %mul3A_438 = arith.mulf %bitcast3A_431, %bitcast3A_437 : vector<32xbf16>
        %get3A_439 = arith.constant 0 : i32
        %get3A_440 = arith.index_cast %get3A_439 : i32 to index
        %get3A_441 = arith.index_cast %add3A_395 : i32 to index
        %get3A_442 = arith.constant 48 : index
        %get3A_443 = tpu.vector_load %arg6[%get3A_440, %get3A_441, %get3A_442] {strides = array<i32>} : memref<2x80x64xi32, #tpu.memory_space<vmem>>, vector<16xi32>,
        %bitcast3A_444 = vector.bitcast %get3A_443 : vector<16xi32> to vector<32xbf16>
        %get3A_445 = arith.constant 0 : i32
        %get3A_446 = arith.index_cast %get3A_445 : i32 to index
        %get3A_447 = arith.index_cast %add3A_395 : i32 to index
        %get3A_448 = arith.constant 48 : index
        %get3A_449 = tpu.vector_load %arg7[%get3A_446, %get3A_447, %get3A_448] {strides = array<i32>} : memref<2x80x64xi32, #tpu.memory_space<vmem>>, vector<16xi32>,
        %bitcast3A_450 = vector.bitcast %get3A_449 : vector<16xi32> to vector<32xbf16>
        %mul3A_451 = arith.mulf %bitcast3A_444, %bitcast3A_450 : vector<32xbf16>
        %add3A_452 = arith.addf %mul3A_438, %mul3A_451 : vector<32xbf16>
        %unpack3A_453 = tpu.unpack_subelements %add3A_452, 0 {pack_format = #tpu.pack_format<interleaved>} : vector<32xbf16> -> vector<16xf32>
        %unpack3A_454 = tpu.unpack_subelements %add3A_452, 1 {pack_format = #tpu.pack_format<interleaved>} : vector<32xbf16> -> vector<16xf32>
        %add3A_455 = arith.addf %unpack3A_453, %unpack3A_454 : vector<16xf32>
        %add3A_456 = arith.addf %add3A_425, %add3A_455 : vector<16xf32>
        %swap3A_457 = arith.constant 1 : i32
        %swap3A_458 = arith.index_cast %swap3A_457 : i32 to index
        %swap3A_459 = arith.constant 0 : index
        %swap3A_460 = tpu.vector_load %arg9[%swap3A_458, %swap3A_459] {strides = array<i32>} : memref<16x16xf32, #tpu.memory_space<vmem>>, vector<16xf32>,
        tpu.vector_store %arg9[%swap3A_458, %swap3A_459], %add3A_456 {strides = array<i32>} : memref<16x16xf32, #tpu.memory_space<vmem>>, vector<16xf32>,
        %mul3A_461 = arith.constant 16 : i32
        %mul3A_462 = arith.muli %scan3A_325, %mul3A_461 : i32
        %add3A_463 = arith.constant 2 : i32
        %add3A_464 = arith.addi %mul3A_462, %add3A_463 : i32
        %get3A_465 = arith.constant 0 : i32
        %get3A_466 = arith.index_cast %get3A_465 : i32 to index
        %get3A_467 = arith.index_cast %add3A_464 : i32 to index
        %get3A_468 = arith.constant 0 : index
        %get3A_469 = tpu.vector_load %arg6[%get3A_466, %get3A_467, %get3A_468] {strides = array<i32>} : memref<2x80x64xi32, #tpu.memory_space<vmem>>, vector<16xi32>,
        %bitcast3A_470 = vector.bitcast %get3A_469 : vector<16xi32> to vector<32xbf16>
        %get3A_471 = arith.constant 0 : i32
        %get3A_472 = arith.index_cast %get3A_471 : i32 to index
        %get3A_473 = arith.index_cast %add3A_464 : i32 to index
        %get3A_474 = arith.constant 0 : index
        %get3A_475 = tpu.vector_load %arg7[%get3A_472, %get3A_473, %get3A_474] {strides = array<i32>} : memref<2x80x64xi32, #tpu.memory_space<vmem>>, vector<16xi32>,
        %bitcast3A_476 = vector.bitcast %get3A_475 : vector<16xi32> to vector<32xbf16>
        %mul3A_477 = arith.mulf %bitcast3A_470, %bitcast3A_476 : vector<32xbf16>
        %get3A_478 = arith.constant 0 : i32
        %get3A_479 = arith.index_cast %get3A_478 : i32 to index
        %get3A_480 = arith.index_cast %add3A_464 : i32 to index
        %get3A_481 = arith.constant 16 : index
        %get3A_482 = tpu.vector_load %arg6[%get3A_479, %get3A_480, %get3A_481] {strides = array<i32>} : memref<2x80x64xi32, #tpu.memory_space<vmem>>, vector<16xi32>,
        %bitcast3A_483 = vector.bitcast %get3A_482 : vector<16xi32> to vector<32xbf16>
        %get3A_484 = arith.constant 0 : i32
        %get3A_485 = arith.index_cast %get3A_484 : i32 to index
        %get3A_486 = arith.index_cast %add3A_464 : i32 to index
        %get3A_487 = arith.constant 16 : index
        %get3A_488 = tpu.vector_load %arg7[%get3A_485, %get3A_486, %get3A_487] {strides = array<i32>} : memref<2x80x64xi32, #tpu.memory_space<vmem>>, vector<16xi32>,
        %bitcast3A_489 = vector.bitcast %get3A_488 : vector<16xi32> to vector<32xbf16>
        %mul3A_490 = arith.mulf %bitcast3A_483, %bitcast3A_489 : vector<32xbf16>
        %add3A_491 = arith.addf %mul3A_477, %mul3A_490 : vector<32xbf16>
        %unpack3A_492 = tpu.unpack_subelements %add3A_491, 0 {pack_format = #tpu.pack_format<interleaved>} : vector<32xbf16> -> vector<16xf32>
        %unpack3A_493 = tpu.unpack_subelements %add3A_491, 1 {pack_format = #tpu.pack_format<interleaved>} : vector<32xbf16> -> vector<16xf32>
        %add3A_494 = arith.addf %unpack3A_492, %unpack3A_493 : vector<16xf32>
        %get3A_495 = arith.constant 0 : i32
        %get3A_496 = arith.index_cast %get3A_495 : i32 to index
        %get3A_497 = arith.index_cast %add3A_464 : i32 to index
        %get3A_498 = arith.constant 32 : index
        %get3A_499 = tpu.vector_load %arg6[%get3A_496, %get3A_497, %get3A_498] {strides = array<i32>} : memref<2x80x64xi32, #tpu.memory_space<vmem>>, vector<16xi32>,
        %bitcast3A_500 = vector.bitcast %get3A_499 : vector<16xi32> to vector<32xbf16>
        %get3A_501 = arith.constant 0 : i32
        %get3A_502 = arith.index_cast %get3A_501 : i32 to index
        %get3A_503 = arith.index_cast %add3A_464 : i32 to index
        %get3A_504 = arith.constant 32 : index
        %get3A_505 = tpu.vector_load %arg7[%get3A_502, %get3A_503, %get3A_504] {strides = array<i32>} : memref<2x80x64xi32, #tpu.memory_space<vmem>>, vector<16xi32>,
        %bitcast3A_506 = vector.bitcast %get3A_505 : vector<16xi32> to vector<32xbf16>
        %mul3A_507 = arith.mulf %bitcast3A_500, %bitcast3A_506 : vector<32xbf16>
        %get3A_508 = arith.constant 0 : i32
        %get3A_509 = arith.index_cast %get3A_508 : i32 to index
        %get3A_510 = arith.index_cast %add3A_464 : i32 to index
        %get3A_511 = arith.constant 48 : index
        %get3A_512 = tpu.vector_load %arg6[%get3A_509, %get3A_510, %get3A_511] {strides = array<i32>} : memref<2x80x64xi32, #tpu.memory_space<vmem>>, vector<16xi32>,
        %bitcast3A_513 = vector.bitcast %get3A_512 : vector<16xi32> to vector<32xbf16>
        %get3A_514 = arith.constant 0 : i32
        %get3A_515 = arith.index_cast %get3A_514 : i32 to index
        %get3A_516 = arith.index_cast %add3A_464 : i32 to index
        %get3A_517 = arith.constant 48 : index
        %get3A_518 = tpu.vector_load %arg7[%get3A_515, %get3A_516, %get3A_517] {strides = array<i32>} : memref<2x80x64xi32, #tpu.memory_space<vmem>>, vector<16xi32>,
        %bitcast3A_519 = vector.bitcast %get3A_518 : vector<16xi32> to vector<32xbf16>
        %mul3A_520 = arith.mulf %bitcast3A_513, %bitcast3A_519 : vector<32xbf16>
        %add3A_521 = arith.addf %mul3A_507, %mul3A_520 : vector<32xbf16>
        %unpack3A_522 = tpu.unpack_subelements %add3A_521, 0 {pack_format = #tpu.pack_format<interleaved>} : vector<32xbf16> -> vector<16xf32>
        %unpack3A_523 = tpu.unpack_subelements %add3A_521, 1 {pack_format = #tpu.pack_format<interleaved>} : vector<32xbf16> -> vector<16xf32>
        %add3A_524 = arith.addf %unpack3A_522, %unpack3A_523 : vector<16xf32>
        %add3A_525 = arith.addf %add3A_494, %add3A_524 : vector<16xf32>
        %swap3A_526 = arith.constant 2 : i32
        %swap3A_527 = arith.index_cast %swap3A_526 : i32 to index
        %swap3A_528 = arith.constant 0 : index
        %swap3A_529 = tpu.vector_load %arg9[%swap3A_527, %swap3A_528] {strides = array<i32>} : memref<16x16xf32, #tpu.memory_space<vmem>>, vector<16xf32>,
        tpu.vector_store %arg9[%swap3A_527, %swap3A_528], %add3A_525 {strides = array<i32>} : memref<16x16xf32, #tpu.memory_space<vmem>>, vector<16xf32>,
        %mul3A_530 = arith.constant 16 : i32
        %mul3A_531 = arith.muli %scan3A_325, %mul3A_530 : i32
        %add3A_532 = arith.constant 3 : i32
        %add3A_533 = arith.addi %mul3A_531, %add3A_532 : i32
        %get3A_534 = arith.constant 0 : i32
        %get3A_535 = arith.index_cast %get3A_534 : i32 to index
        %get3A_536 = arith.index_cast %add3A_533 : i32 to index
        %get3A_537 = arith.constant 0 : index
        %get3A_538 = tpu.vector_load %arg6[%get3A_535, %get3A_536, %get3A_537] {strides = array<i32>} : memref<2x80x64xi32, #tpu.memory_space<vmem>>, vector<16xi32>,
        %bitcast3A_539 = vector.bitcast %get3A_538 : vector<16xi32> to vector<32xbf16>
        %get3A_540 = arith.constant 0 : i32
        %get3A_541 = arith.index_cast %get3A_540 : i32 to index
        %get3A_542 = arith.index_cast %add3A_533 : i32 to index
        %get3A_543 = arith.constant 0 : index
        %get3A_544 = tpu.vector_load %arg7[%get3A_541, %get3A_542, %get3A_543] {strides = array<i32>} : memref<2x80x64xi32, #tpu.memory_space<vmem>>, vector<16xi32>,
        %bitcast3A_545 = vector.bitcast %get3A_544 : vector<16xi32> to vector<32xbf16>
        %mul3A_546 = arith.mulf %bitcast3A_539, %bitcast3A_545 : vector<32xbf16>
        %get3A_547 = arith.constant 0 : i32
        %get3A_548 = arith.index_cast %get3A_547 : i32 to index
        %get3A_549 = arith.index_cast %add3A_533 : i32 to index
        %get3A_550 = arith.constant 16 : index
        %get3A_551 = tpu.vector_load %arg6[%get3A_548, %get3A_549, %get3A_550] {strides = array<i32>} : memref<2x80x64xi32, #tpu.memory_space<vmem>>, vector<16xi32>,
        %bitcast3A_552 = vector.bitcast %get3A_551 : vector<16xi32> to vector<32xbf16>
        %get3A_553 = arith.constant 0 : i32
        %get3A_554 = arith.index_cast %get3A_553 : i32 to index
        %get3A_555 = arith.index_cast %add3A_533 : i32 to index
        %get3A_556 = arith.constant 16 : index
        %get3A_557 = tpu.vector_load %arg7[%get3A_554, %get3A_555, %get3A_556] {strides = array<i32>} : memref<2x80x64xi32, #tpu.memory_space<vmem>>, vector<16xi32>,
        %bitcast3A_558 = vector.bitcast %get3A_557 : vector<16xi32> to vector<32xbf16>
        %mul3A_559 = arith.mulf %bitcast3A_552, %bitcast3A_558 : vector<32xbf16>
        %add3A_560 = arith.addf %mul3A_546, %mul3A_559 : vector<32xbf16>
        %unpack3A_561 = tpu.unpack_subelements %add3A_560, 0 {pack_format = #tpu.pack_format<interleaved>} : vector<32xbf16> -> vector<16xf32>
        %unpack3A_562 = tpu.unpack_subelements %add3A_560, 1 {pack_format = #tpu.pack_format<interleaved>} : vector<32xbf16> -> vector<16xf32>
        %add3A_563 = arith.addf %unpack3A_561, %unpack3A_562 : vector<16xf32>
        %get3A_564 = arith.constant 0 : i32
        %get3A_565 = arith.index_cast %get3A_564 : i32 to index
        %get3A_566 = arith.index_cast %add3A_533 : i32 to index
        %get3A_567 = arith.constant 32 : index
        %get3A_568 = tpu.vector_load %arg6[%get3A_565, %get3A_566, %get3A_567] {strides = array<i32>} : memref<2x80x64xi32, #tpu.memory_space<vmem>>, vector<16xi32>,
        %bitcast3A_569 = vector.bitcast %get3A_568 : vector<16xi32> to vector<32xbf16>
        %get3A_570 = arith.constant 0 : i32
        %get3A_571 = arith.index_cast %get3A_570 : i32 to index
        %get3A_572 = arith.index_cast %add3A_533 : i32 to index
        %get3A_573 = arith.constant 32 : index
        %get3A_574 = tpu.vector_load %arg7[%get3A_571, %get3A_572, %get3A_573] {strides = array<i32>} : memref<2x80x64xi32, #tpu.memory_space<vmem>>, vector<16xi32>,
        %bitcast3A_575 = vector.bitcast %get3A_574 : vector<16xi32> to vector<32xbf16>
        %mul3A_576 = arith.mulf %bitcast3A_569, %bitcast3A_575 : vector<32xbf16>
        %get3A_577 = arith.constant 0 : i32
        %get3A_578 = arith.index_cast %get3A_577 : i32 to index
        %get3A_579 = arith.index_cast %add3A_533 : i32 to index
        %get3A_580 = arith.constant 48 : index
        %get3A_581 = tpu.vector_load %arg6[%get3A_578, %get3A_579, %get3A_580] {strides = array<i32>} : memref<2x80x64xi32, #tpu.memory_space<vmem>>, vector<16xi32>,
        %bitcast3A_582 = vector.bitcast %get3A_581 : vector<16xi32> to vector<32xbf16>
        %get3A_583 = arith.constant 0 : i32
        %get3A_584 = arith.index_cast %get3A_583 : i32 to index
        %get3A_585 = arith.index_cast %add3A_533 : i32 to index
        %get3A_586 = arith.constant 48 : index
        %get3A_587 = tpu.vector_load %arg7[%get3A_584, %get3A_585, %get3A_586] {strides = array<i32>} : memref<2x80x64xi32, #tpu.memory_space<vmem>>, vector<16xi32>,
        %bitcast3A_588 = vector.bitcast %get3A_587 : vector<16xi32> to vector<32xbf16>
        %mul3A_589 = arith.mulf %bitcast3A_582, %bitcast3A_588 : vector<32xbf16>
        %add3A_590 = arith.addf %mul3A_576, %mul3A_589 : vector<32xbf16>
        %unpack3A_591 = tpu.unpack_subelements %add3A_590, 0 {pack_format = #tpu.pack_format<interleaved>} : vector<32xbf16> -> vector<16xf32>
        %unpack3A_592 = tpu.unpack_subelements %add3A_590, 1 {pack_format = #tpu.pack_format<interleaved>} : vector<32xbf16> -> vector<16xf32>
        %add3A_593 = arith.addf %unpack3A_591, %unpack3A_592 : vector<16xf32>
        %add3A_594 = arith.addf %add3A_563, %add3A_593 : vector<16xf32>
        %swap3A_595 = arith.constant 3 : i32
        %swap3A_596 = arith.index_cast %swap3A_595 : i32 to index
        %swap3A_597 = arith.constant 0 : index
        %swap3A_598 = tpu.vector_load %arg9[%swap3A_596, %swap3A_597] {strides = array<i32>} : memref<16x16xf32, #tpu.memory_space<vmem>>, vector<16xf32>,
        tpu.vector_store %arg9[%swap3A_596, %swap3A_597], %add3A_594 {strides = array<i32>} : memref<16x16xf32, #tpu.memory_space<vmem>>, vector<16xf32>,
        %mul3A_599 = arith.constant 16 : i32
        %mul3A_600 = arith.muli %scan3A_325, %mul3A_599 : i32
        %add3A_601 = arith.constant 4 : i32
        %add3A_602 = arith.addi %mul3A_600, %add3A_601 : i32
        %get3A_603 = arith.constant 0 : i32
        %get3A_604 = arith.index_cast %get3A_603 : i32 to index
        %get3A_605 = arith.index_cast %add3A_602 : i32 to index
        %get3A_606 = arith.constant 0 : index
        %get3A_607 = tpu.vector_load %arg6[%get3A_604, %get3A_605, %get3A_606] {strides = array<i32>} : memref<2x80x64xi32, #tpu.memory_space<vmem>>, vector<16xi32>,
        %bitcast3A_608 = vector.bitcast %get3A_607 : vector<16xi32> to vector<32xbf16>
        %get3A_609 = arith.constant 0 : i32
        %get3A_610 = arith.index_cast %get3A_609 : i32 to index
        %get3A_611 = arith.index_cast %add3A_602 : i32 to index
        %get3A_612 = arith.constant 0 : index
        %get3A_613 = tpu.vector_load %arg7[%get3A_610, %get3A_611, %get3A_612] {strides = array<i32>} : memref<2x80x64xi32, #tpu.memory_space<vmem>>, vector<16xi32>,
        %bitcast3A_614 = vector.bitcast %get3A_613 : vector<16xi32> to vector<32xbf16>
        %mul3A_615 = arith.mulf %bitcast3A_608, %bitcast3A_614 : vector<32xbf16>
        %get3A_616 = arith.constant 0 : i32
        %get3A_617 = arith.index_cast %get3A_616 : i32 to index
        %get3A_618 = arith.index_cast %add3A_602 : i32 to index
        %get3A_619 = arith.constant 16 : index
        %get3A_620 = tpu.vector_load %arg6[%get3A_617, %get3A_618, %get3A_619] {strides = array<i32>} : memref<2x80x64xi32, #tpu.memory_space<vmem>>, vector<16xi32>,
        %bitcast3A_621 = vector.bitcast %get3A_620 : vector<16xi32> to vector<32xbf16>
        %get3A_622 = arith.constant 0 : i32
        %get3A_623 = arith.index_cast %get3A_622 : i32 to index
        %get3A_624 = arith.index_cast %add3A_602 : i32 to index
        %get3A_625 = arith.constant 16 : index
        %get3A_626 = tpu.vector_load %arg7[%get3A_623, %get3A_624, %get3A_625] {strides = array<i32>} : memref<2x80x64xi32, #tpu.memory_space<vmem>>, vector<16xi32>,
        %bitcast3A_627 = vector.bitcast %get3A_626 : vector<16xi32> to vector<32xbf16>
        %mul3A_628 = arith.mulf %bitcast3A_621, %bitcast3A_627 : vector<32xbf16>
        %add3A_629 = arith.addf %mul3A_615, %mul3A_628 : vector<32xbf16>
        %unpack3A_630 = tpu.unpack_subelements %add3A_629, 0 {pack_format = #tpu.pack_format<interleaved>} : vector<32xbf16> -> vector<16xf32>
        %unpack3A_631 = tpu.unpack_subelements %add3A_629, 1 {pack_format = #tpu.pack_format<interleaved>} : vector<32xbf16> -> vector<16xf32>
        %add3A_632 = arith.addf %unpack3A_630, %unpack3A_631 : vector<16xf32>
        %get3A_633 = arith.constant 0 : i32
        %get3A_634 = arith.index_cast %get3A_633 : i32 to index
        %get3A_635 = arith.index_cast %add3A_602 : i32 to index
        %get3A_636 = arith.constant 32 : index
        %get3A_637 = tpu.vector_load %arg6[%get3A_634, %get3A_635, %get3A_636] {strides = array<i32>} : memref<2x80x64xi32, #tpu.memory_space<vmem>>, vector<16xi32>,
        %bitcast3A_638 = vector.bitcast %get3A_637 : vector<16xi32> to vector<32xbf16>
        %get3A_639 = arith.constant 0 : i32
        %get3A_640 = arith.index_cast %get3A_639 : i32 to index
        %get3A_641 = arith.index_cast %add3A_602 : i32 to index
        %get3A_642 = arith.constant 32 : index
        %get3A_643 = tpu.vector_load %arg7[%get3A_640, %get3A_641, %get3A_642] {strides = array<i32>} : memref<2x80x64xi32, #tpu.memory_space<vmem>>, vector<16xi32>,
        %bitcast3A_644 = vector.bitcast %get3A_643 : vector<16xi32> to vector<32xbf16>
        %mul3A_645 = arith.mulf %bitcast3A_638, %bitcast3A_644 : vector<32xbf16>
        %get3A_646 = arith.constant 0 : i32
        %get3A_647 = arith.index_cast %get3A_646 : i32 to index
        %get3A_648 = arith.index_cast %add3A_602 : i32 to index
        %get3A_649 = arith.constant 48 : index
        %get3A_650 = tpu.vector_load %arg6[%get3A_647, %get3A_648, %get3A_649] {strides = array<i32>} : memref<2x80x64xi32, #tpu.memory_space<vmem>>, vector<16xi32>,
        %bitcast3A_651 = vector.bitcast %get3A_650 : vector<16xi32> to vector<32xbf16>
        %get3A_652 = arith.constant 0 : i32
        %get3A_653 = arith.index_cast %get3A_652 : i32 to index
        %get3A_654 = arith.index_cast %add3A_602 : i32 to index
        %get3A_655 = arith.constant 48 : index
        %get3A_656 = tpu.vector_load %arg7[%get3A_653, %get3A_654, %get3A_655] {strides = array<i32>} : memref<2x80x64xi32, #tpu.memory_space<vmem>>, vector<16xi32>,
        %bitcast3A_657 = vector.bitcast %get3A_656 : vector<16xi32> to vector<32xbf16>
        %mul3A_658 = arith.mulf %bitcast3A_651, %bitcast3A_657 : vector<32xbf16>
        %add3A_659 = arith.addf %mul3A_645, %mul3A_658 : vector<32xbf16>
        %unpack3A_660 = tpu.unpack_subelements %add3A_659, 0 {pack_format = #tpu.pack_format<interleaved>} : vector<32xbf16> -> vector<16xf32>
        %unpack3A_661 = tpu.unpack_subelements %add3A_659, 1 {pack_format = #tpu.pack_format<interleaved>} : vector<32xbf16> -> vector<16xf32>
        %add3A_662 = arith.addf %unpack3A_660, %unpack3A_661 : vector<16xf32>
        %add3A_663 = arith.addf %add3A_632, %add3A_662 : vector<16xf32>
        %swap3A_664 = arith.constant 4 : i32
        %swap3A_665 = arith.index_cast %swap3A_664 : i32 to index
        %swap3A_666 = arith.constant 0 : index
        %swap3A_667 = tpu.vector_load %arg9[%swap3A_665, %swap3A_666] {strides = array<i32>} : memref<16x16xf32, #tpu.memory_space<vmem>>, vector<16xf32>,
        tpu.vector_store %arg9[%swap3A_665, %swap3A_666], %add3A_663 {strides = array<i32>} : memref<16x16xf32, #tpu.memory_space<vmem>>, vector<16xf32>,
        %mul3A_668 = arith.constant 16 : i32
        %mul3A_669 = arith.muli %scan3A_325, %mul3A_668 : i32
        %add3A_670 = arith.constant 5 : i32
        %add3A_671 = arith.addi %mul3A_669, %add3A_670 : i32
        %get3A_672 = arith.constant 0 : i32
        %get3A_673 = arith.index_cast %get3A_672 : i32 to index
        %get3A_674 = arith.index_cast %add3A_671 : i32 to index
        %get3A_675 = arith.constant 0 : index
        %get3A_676 = tpu.vector_load %arg6[%get3A_673, %get3A_674, %get3A_675] {strides = array<i32>} : memref<2x80x64xi32, #tpu.memory_space<vmem>>, vector<16xi32>,
        %bitcast3A_677 = vector.bitcast %get3A_676 : vector<16xi32> to vector<32xbf16>
        %get3A_678 = arith.constant 0 : i32
        %get3A_679 = arith.index_cast %get3A_678 : i32 to index
        %get3A_680 = arith.index_cast %add3A_671 : i32 to index
        %get3A_681 = arith.constant 0 : index
        %get3A_682 = tpu.vector_load %arg7[%get3A_679, %get3A_680, %get3A_681] {strides = array<i32>} : memref<2x80x64xi32, #tpu.memory_space<vmem>>, vector<16xi32>,
        %bitcast3A_683 = vector.bitcast %get3A_682 : vector<16xi32> to vector<32xbf16>
        %mul3A_684 = arith.mulf %bitcast3A_677, %bitcast3A_683 : vector<32xbf16>
        %get3A_685 = arith.constant 0 : i32
        %get3A_686 = arith.index_cast %get3A_685 : i32 to index
        %get3A_687 = arith.index_cast %add3A_671 : i32 to index
        %get3A_688 = arith.constant 16 : index
        %get3A_689 = tpu.vector_load %arg6[%get3A_686, %get3A_687, %get3A_688] {strides = array<i32>} : memref<2x80x64xi32, #tpu.memory_space<vmem>>, vector<16xi32>,
        %bitcast3A_690 = vector.bitcast %get3A_689 : vector<16xi32> to vector<32xbf16>
        %get3A_691 = arith.constant 0 : i32
        %get3A_692 = arith.index_cast %get3A_691 : i32 to index
        %get3A_693 = arith.index_cast %add3A_671 : i32 to index
        %get3A_694 = arith.constant 16 : index
        %get3A_695 = tpu.vector_load %arg7[%get3A_692, %get3A_693, %get3A_694] {strides = array<i32>} : memref<2x80x64xi32, #tpu.memory_space<vmem>>, vector<16xi32>,
        %bitcast3A_696 = vector.bitcast %get3A_695 : vector<16xi32> to vector<32xbf16>
        %mul3A_697 = arith.mulf %bitcast3A_690, %bitcast3A_696 : vector<32xbf16>
        %add3A_698 = arith.addf %mul3A_684, %mul3A_697 : vector<32xbf16>
        %unpack3A_699 = tpu.unpack_subelements %add3A_698, 0 {pack_format = #tpu.pack_format<interleaved>} : vector<32xbf16> -> vector<16xf32>
        %unpack3A_700 = tpu.unpack_subelements %add3A_698, 1 {pack_format = #tpu.pack_format<interleaved>} : vector<32xbf16> -> vector<16xf32>
        %add3A_701 = arith.addf %unpack3A_699, %unpack3A_700 : vector<16xf32>
        %get3A_702 = arith.constant 0 : i32
        %get3A_703 = arith.index_cast %get3A_702 : i32 to index
        %get3A_704 = arith.index_cast %add3A_671 : i32 to index
        %get3A_705 = arith.constant 32 : index
        %get3A_706 = tpu.vector_load %arg6[%get3A_703, %get3A_704, %get3A_705] {strides = array<i32>} : memref<2x80x64xi32, #tpu.memory_space<vmem>>, vector<16xi32>,
        %bitcast3A_707 = vector.bitcast %get3A_706 : vector<16xi32> to vector<32xbf16>
        %get3A_708 = arith.constant 0 : i32
        %get3A_709 = arith.index_cast %get3A_708 : i32 to index
        %get3A_710 = arith.index_cast %add3A_671 : i32 to index
        %get3A_711 = arith.constant 32 : index
        %get3A_712 = tpu.vector_load %arg7[%get3A_709, %get3A_710, %get3A_711] {strides = array<i32>} : memref<2x80x64xi32, #tpu.memory_space<vmem>>, vector<16xi32>,
        %bitcast3A_713 = vector.bitcast %get3A_712 : vector<16xi32> to vector<32xbf16>
        %mul3A_714 = arith.mulf %bitcast3A_707, %bitcast3A_713 : vector<32xbf16>
        %get3A_715 = arith.constant 0 : i32
        %get3A_716 = arith.index_cast %get3A_715 : i32 to index
        %get3A_717 = arith.index_cast %add3A_671 : i32 to index
        %get3A_718 = arith.constant 48 : index
        %get3A_719 = tpu.vector_load %arg6[%get3A_716, %get3A_717, %get3A_718] {strides = array<i32>} : memref<2x80x64xi32, #tpu.memory_space<vmem>>, vector<16xi32>,
        %bitcast3A_720 = vector.bitcast %get3A_719 : vector<16xi32> to vector<32xbf16>
        %get3A_721 = arith.constant 0 : i32
        %get3A_722 = arith.index_cast %get3A_721 : i32 to index
        %get3A_723 = arith.index_cast %add3A_671 : i32 to index
        %get3A_724 = arith.constant 48 : index
        %get3A_725 = tpu.vector_load %arg7[%get3A_722, %get3A_723, %get3A_724] {strides = array<i32>} : memref<2x80x64xi32, #tpu.memory_space<vmem>>, vector<16xi32>,
        %bitcast3A_726 = vector.bitcast %get3A_725 : vector<16xi32> to vector<32xbf16>
        %mul3A_727 = arith.mulf %bitcast3A_720, %bitcast3A_726 : vector<32xbf16>
        %add3A_728 = arith.addf %mul3A_714, %mul3A_727 : vector<32xbf16>
        %unpack3A_729 = tpu.unpack_subelements %add3A_728, 0 {pack_format = #tpu.pack_format<interleaved>} : vector<32xbf16> -> vector<16xf32>
        %unpack3A_730 = tpu.unpack_subelements %add3A_728, 1 {pack_format = #tpu.pack_format<interleaved>} : vector<32xbf16> -> vector<16xf32>
        %add3A_731 = arith.addf %unpack3A_729, %unpack3A_730 : vector<16xf32>
        %add3A_732 = arith.addf %add3A_701, %add3A_731 : vector<16xf32>
        %swap3A_733 = arith.constant 5 : i32
        %swap3A_734 = arith.index_cast %swap3A_733 : i32 to index
        %swap3A_735 = arith.constant 0 : index
        %swap3A_736 = tpu.vector_load %arg9[%swap3A_734, %swap3A_735] {strides = array<i32>} : memref<16x16xf32, #tpu.memory_space<vmem>>, vector<16xf32>,
        tpu.vector_store %arg9[%swap3A_734, %swap3A_735], %add3A_732 {strides = array<i32>} : memref<16x16xf32, #tpu.memory_space<vmem>>, vector<16xf32>,
        %mul3A_737 = arith.constant 16 : i32
        %mul3A_738 = arith.muli %scan3A_325, %mul3A_737 : i32
        %add3A_739 = arith.constant 6 : i32
        %add3A_740 = arith.addi %mul3A_738, %add3A_739 : i32
        %get3A_741 = arith.constant 0 : i32
        %get3A_742 = arith.index_cast %get3A_741 : i32 to index
        %get3A_743 = arith.index_cast %add3A_740 : i32 to index
        %get3A_744 = arith.constant 0 : index
        %get3A_745 = tpu.vector_load %arg6[%get3A_742, %get3A_743, %get3A_744] {strides = array<i32>} : memref<2x80x64xi32, #tpu.memory_space<vmem>>, vector<16xi32>,
        %bitcast3A_746 = vector.bitcast %get3A_745 : vector<16xi32> to vector<32xbf16>
        %get3A_747 = arith.constant 0 : i32
        %get3A_748 = arith.index_cast %get3A_747 : i32 to index
        %get3A_749 = arith.index_cast %add3A_740 : i32 to index
        %get3A_750 = arith.constant 0 : index
        %get3A_751 = tpu.vector_load %arg7[%get3A_748, %get3A_749, %get3A_750] {strides = array<i32>} : memref<2x80x64xi32, #tpu.memory_space<vmem>>, vector<16xi32>,
        %bitcast3A_752 = vector.bitcast %get3A_751 : vector<16xi32> to vector<32xbf16>
        %mul3A_753 = arith.mulf %bitcast3A_746, %bitcast3A_752 : vector<32xbf16>
        %get3A_754 = arith.constant 0 : i32
        %get3A_755 = arith.index_cast %get3A_754 : i32 to index
        %get3A_756 = arith.index_cast %add3A_740 : i32 to index
        %get3A_757 = arith.constant 16 : index
        %get3A_758 = tpu.vector_load %arg6[%get3A_755, %get3A_756, %get3A_757] {strides = array<i32>} : memref<2x80x64xi32, #tpu.memory_space<vmem>>, vector<16xi32>,
        %bitcast3A_759 = vector.bitcast %get3A_758 : vector<16xi32> to vector<32xbf16>
        %get3A_760 = arith.constant 0 : i32
        %get3A_761 = arith.index_cast %get3A_760 : i32 to index
        %get3A_762 = arith.index_cast %add3A_740 : i32 to index
        %get3A_763 = arith.constant 16 : index
        %get3A_764 = tpu.vector_load %arg7[%get3A_761, %get3A_762, %get3A_763] {strides = array<i32>} : memref<2x80x64xi32, #tpu.memory_space<vmem>>, vector<16xi32>,
        %bitcast3A_765 = vector.bitcast %get3A_764 : vector<16xi32> to vector<32xbf16>
        %mul3A_766 = arith.mulf %bitcast3A_759, %bitcast3A_765 : vector<32xbf16>
        %add3A_767 = arith.addf %mul3A_753, %mul3A_766 : vector<32xbf16>
        %unpack3A_768 = tpu.unpack_subelements %add3A_767, 0 {pack_format = #tpu.pack_format<interleaved>} : vector<32xbf16> -> vector<16xf32>
        %unpack3A_769 = tpu.unpack_subelements %add3A_767, 1 {pack_format = #tpu.pack_format<interleaved>} : vector<32xbf16> -> vector<16xf32>
        %add3A_770 = arith.addf %unpack3A_768, %unpack3A_769 : vector<16xf32>
        %get3A_771 = arith.constant 0 : i32
        %get3A_772 = arith.index_cast %get3A_771 : i32 to index
        %get3A_773 = arith.index_cast %add3A_740 : i32 to index
        %get3A_774 = arith.constant 32 : index
        %get3A_775 = tpu.vector_load %arg6[%get3A_772, %get3A_773, %get3A_774] {strides = array<i32>} : memref<2x80x64xi32, #tpu.memory_space<vmem>>, vector<16xi32>,
        %bitcast3A_776 = vector.bitcast %get3A_775 : vector<16xi32> to vector<32xbf16>
        %get3A_777 = arith.constant 0 : i32
        %get3A_778 = arith.index_cast %get3A_777 : i32 to index
        %get3A_779 = arith.index_cast %add3A_740 : i32 to index
        %get3A_780 = arith.constant 32 : index
        %get3A_781 = tpu.vector_load %arg7[%get3A_778, %get3A_779, %get3A_780] {strides = array<i32>} : memref<2x80x64xi32, #tpu.memory_space<vmem>>, vector<16xi32>,
        %bitcast3A_782 = vector.bitcast %get3A_781 : vector<16xi32> to vector<32xbf16>
        %mul3A_783 = arith.mulf %bitcast3A_776, %bitcast3A_782 : vector<32xbf16>
        %get3A_784 = arith.constant 0 : i32
        %get3A_785 = arith.index_cast %get3A_784 : i32 to index
        %get3A_786 = arith.index_cast %add3A_740 : i32 to index
        %get3A_787 = arith.constant 48 : index
        %get3A_788 = tpu.vector_load %arg6[%get3A_785, %get3A_786, %get3A_787] {strides = array<i32>} : memref<2x80x64xi32, #tpu.memory_space<vmem>>, vector<16xi32>,
        %bitcast3A_789 = vector.bitcast %get3A_788 : vector<16xi32> to vector<32xbf16>
        %get3A_790 = arith.constant 0 : i32
        %get3A_791 = arith.index_cast %get3A_790 : i32 to index
        %get3A_792 = arith.index_cast %add3A_740 : i32 to index
        %get3A_793 = arith.constant 48 : index
        %get3A_794 = tpu.vector_load %arg7[%get3A_791, %get3A_792, %get3A_793] {strides = array<i32>} : memref<2x80x64xi32, #tpu.memory_space<vmem>>, vector<16xi32>,
        %bitcast3A_795 = vector.bitcast %get3A_794 : vector<16xi32> to vector<32xbf16>
        %mul3A_796 = arith.mulf %bitcast3A_789, %bitcast3A_795 : vector<32xbf16>
        %add3A_797 = arith.addf %mul3A_783, %mul3A_796 : vector<32xbf16>
        %unpack3A_798 = tpu.unpack_subelements %add3A_797, 0 {pack_format = #tpu.pack_format<interleaved>} : vector<32xbf16> -> vector<16xf32>
        %unpack3A_799 = tpu.unpack_subelements %add3A_797, 1 {pack_format = #tpu.pack_format<interleaved>} : vector<32xbf16> -> vector<16xf32>
        %add3A_800 = arith.addf %unpack3A_798, %unpack3A_799 : vector<16xf32>
        %add3A_801 = arith.addf %add3A_770, %add3A_800 : vector<16xf32>
        %swap3A_802 = arith.constant 6 : i32
        %swap3A_803 = arith.index_cast %swap3A_802 : i32 to index
        %swap3A_804 = arith.constant 0 : index
        %swap3A_805 = tpu.vector_load %arg9[%swap3A_803, %swap3A_804] {strides = array<i32>} : memref<16x16xf32, #tpu.memory_space<vmem>>, vector<16xf32>,
        tpu.vector_store %arg9[%swap3A_803, %swap3A_804], %add3A_801 {strides = array<i32>} : memref<16x16xf32, #tpu.memory_space<vmem>>, vector<16xf32>,
        %mul3A_806 = arith.constant 16 : i32
        %mul3A_807 = arith.muli %scan3A_325, %mul3A_806 : i32
        %add3A_808 = arith.constant 7 : i32
        %add3A_809 = arith.addi %mul3A_807, %add3A_808 : i32
        %get3A_810 = arith.constant 0 : i32
        %get3A_811 = arith.index_cast %get3A_810 : i32 to index
        %get3A_812 = arith.index_cast %add3A_809 : i32 to index
        %get3A_813 = arith.constant 0 : index
        %get3A_814 = tpu.vector_load %arg6[%get3A_811, %get3A_812, %get3A_813] {strides = array<i32>} : memref<2x80x64xi32, #tpu.memory_space<vmem>>, vector<16xi32>,
        %bitcast3A_815 = vector.bitcast %get3A_814 : vector<16xi32> to vector<32xbf16>
        %get3A_816 = arith.constant 0 : i32
        %get3A_817 = arith.index_cast %get3A_816 : i32 to index
        %get3A_818 = arith.index_cast %add3A_809 : i32 to index
        %get3A_819 = arith.constant 0 : index
        %get3A_820 = tpu.vector_load %arg7[%get3A_817, %get3A_818, %get3A_819] {strides = array<i32>} : memref<2x80x64xi32, #tpu.memory_space<vmem>>, vector<16xi32>,
        %bitcast3A_821 = vector.bitcast %get3A_820 : vector<16xi32> to vector<32xbf16>
        %mul3A_822 = arith.mulf %bitcast3A_815, %bitcast3A_821 : vector<32xbf16>
        %get3A_823 = arith.constant 0 : i32
        %get3A_824 = arith.index_cast %get3A_823 : i32 to index
        %get3A_825 = arith.index_cast %add3A_809 : i32 to index
        %get3A_826 = arith.constant 16 : index
        %get3A_827 = tpu.vector_load %arg6[%get3A_824, %get3A_825, %get3A_826] {strides = array<i32>} : memref<2x80x64xi32, #tpu.memory_space<vmem>>, vector<16xi32>,
        %bitcast3A_828 = vector.bitcast %get3A_827 : vector<16xi32> to vector<32xbf16>
        %get3A_829 = arith.constant 0 : i32
        %get3A_830 = arith.index_cast %get3A_829 : i32 to index
        %get3A_831 = arith.index_cast %add3A_809 : i32 to index
        %get3A_832 = arith.constant 16 : index
        %get3A_833 = tpu.vector_load %arg7[%get3A_830, %get3A_831, %get3A_832] {strides = array<i32>} : memref<2x80x64xi32, #tpu.memory_space<vmem>>, vector<16xi32>,
        %bitcast3A_834 = vector.bitcast %get3A_833 : vector<16xi32> to vector<32xbf16>
        %mul3A_835 = arith.mulf %bitcast3A_828, %bitcast3A_834 : vector<32xbf16>
        %add3A_836 = arith.addf %mul3A_822, %mul3A_835 : vector<32xbf16>
        %unpack3A_837 = tpu.unpack_subelements %add3A_836, 0 {pack_format = #tpu.pack_format<interleaved>} : vector<32xbf16> -> vector<16xf32>
        %unpack3A_838 = tpu.unpack_subelements %add3A_836, 1 {pack_format = #tpu.pack_format<interleaved>} : vector<32xbf16> -> vector<16xf32>
        %add3A_839 = arith.addf %unpack3A_837, %unpack3A_838 : vector<16xf32>
        %get3A_840 = arith.constant 0 : i32
        %get3A_841 = arith.index_cast %get3A_840 : i32 to index
        %get3A_842 = arith.index_cast %add3A_809 : i32 to index
        %get3A_843 = arith.constant 32 : index
        %get3A_844 = tpu.vector_load %arg6[%get3A_841, %get3A_842, %get3A_843] {strides = array<i32>} : memref<2x80x64xi32, #tpu.memory_space<vmem>>, vector<16xi32>,
        %bitcast3A_845 = vector.bitcast %get3A_844 : vector<16xi32> to vector<32xbf16>
        %get3A_846 = arith.constant 0 : i32
        %get3A_847 = arith.index_cast %get3A_846 : i32 to index
        %get3A_848 = arith.index_cast %add3A_809 : i32 to index
        %get3A_849 = arith.constant 32 : index
        %get3A_850 = tpu.vector_load %arg7[%get3A_847, %get3A_848, %get3A_849] {strides = array<i32>} : memref<2x80x64xi32, #tpu.memory_space<vmem>>, vector<16xi32>,
        %bitcast3A_851 = vector.bitcast %get3A_850 : vector<16xi32> to vector<32xbf16>
        %mul3A_852 = arith.mulf %bitcast3A_845, %bitcast3A_851 : vector<32xbf16>
        %get3A_853 = arith.constant 0 : i32
        %get3A_854 = arith.index_cast %get3A_853 : i32 to index
        %get3A_855 = arith.index_cast %add3A_809 : i32 to index
        %get3A_856 = arith.constant 48 : index
        %get3A_857 = tpu.vector_load %arg6[%get3A_854, %get3A_855, %get3A_856] {strides = array<i32>} : memref<2x80x64xi32, #tpu.memory_space<vmem>>, vector<16xi32>,
        %bitcast3A_858 = vector.bitcast %get3A_857 : vector<16xi32> to vector<32xbf16>
        %get3A_859 = arith.constant 0 : i32
        %get3A_860 = arith.index_cast %get3A_859 : i32 to index
        %get3A_861 = arith.index_cast %add3A_809 : i32 to index
        %get3A_862 = arith.constant 48 : index
        %get3A_863 = tpu.vector_load %arg7[%get3A_860, %get3A_861, %get3A_862] {strides = array<i32>} : memref<2x80x64xi32, #tpu.memory_space<vmem>>, vector<16xi32>,
        %bitcast3A_864 = vector.bitcast %get3A_863 : vector<16xi32> to vector<32xbf16>
        %mul3A_865 = arith.mulf %bitcast3A_858, %bitcast3A_864 : vector<32xbf16>
        %add3A_866 = arith.addf %mul3A_852, %mul3A_865 : vector<32xbf16>
        %unpack3A_867 = tpu.unpack_subelements %add3A_866, 0 {pack_format = #tpu.pack_format<interleaved>} : vector<32xbf16> -> vector<16xf32>
        %unpack3A_868 = tpu.unpack_subelements %add3A_866, 1 {pack_format = #tpu.pack_format<interleaved>} : vector<32xbf16> -> vector<16xf32>
        %add3A_869 = arith.addf %unpack3A_867, %unpack3A_868 : vector<16xf32>
        %add3A_870 = arith.addf %add3A_839, %add3A_869 : vector<16xf32>
        %swap3A_871 = arith.constant 7 : i32
        %swap3A_872 = arith.index_cast %swap3A_871 : i32 to index
        %swap3A_873 = arith.constant 0 : index
        %swap3A_874 = tpu.vector_load %arg9[%swap3A_872, %swap3A_873] {strides = array<i32>} : memref<16x16xf32, #tpu.memory_space<vmem>>, vector<16xf32>,
        tpu.vector_store %arg9[%swap3A_872, %swap3A_873], %add3A_870 {strides = array<i32>} : memref<16x16xf32, #tpu.memory_space<vmem>>, vector<16xf32>,
        %mul3A_875 = arith.constant 16 : i32
        %mul3A_876 = arith.muli %scan3A_325, %mul3A_875 : i32
        %add3A_877 = arith.constant 8 : i32
        %add3A_878 = arith.addi %mul3A_876, %add3A_877 : i32
        %get3A_879 = arith.constant 0 : i32
        %get3A_880 = arith.index_cast %get3A_879 : i32 to index
        %get3A_881 = arith.index_cast %add3A_878 : i32 to index
        %get3A_882 = arith.constant 0 : index
        %get3A_883 = tpu.vector_load %arg6[%get3A_880, %get3A_881, %get3A_882] {strides = array<i32>} : memref<2x80x64xi32, #tpu.memory_space<vmem>>, vector<16xi32>,
        %bitcast3A_884 = vector.bitcast %get3A_883 : vector<16xi32> to vector<32xbf16>
        %get3A_885 = arith.constant 0 : i32
        %get3A_886 = arith.index_cast %get3A_885 : i32 to index
        %get3A_887 = arith.index_cast %add3A_878 : i32 to index
        %get3A_888 = arith.constant 0 : index
        %get3A_889 = tpu.vector_load %arg7[%get3A_886, %get3A_887, %get3A_888] {strides = array<i32>} : memref<2x80x64xi32, #tpu.memory_space<vmem>>, vector<16xi32>,
        %bitcast3A_890 = vector.bitcast %get3A_889 : vector<16xi32> to vector<32xbf16>
        %mul3A_891 = arith.mulf %bitcast3A_884, %bitcast3A_890 : vector<32xbf16>
        %get3A_892 = arith.constant 0 : i32
        %get3A_893 = arith.index_cast %get3A_892 : i32 to index
        %get3A_894 = arith.index_cast %add3A_878 : i32 to index
        %get3A_895 = arith.constant 16 : index
        %get3A_896 = tpu.vector_load %arg6[%get3A_893, %get3A_894, %get3A_895] {strides = array<i32>} : memref<2x80x64xi32, #tpu.memory_space<vmem>>, vector<16xi32>,
        %bitcast3A_897 = vector.bitcast %get3A_896 : vector<16xi32> to vector<32xbf16>
        %get3A_898 = arith.constant 0 : i32
        %get3A_899 = arith.index_cast %get3A_898 : i32 to index
        %get3A_900 = arith.index_cast %add3A_878 : i32 to index
        %get3A_901 = arith.constant 16 : index
        %get3A_902 = tpu.vector_load %arg7[%get3A_899, %get3A_900, %get3A_901] {strides = array<i32>} : memref<2x80x64xi32, #tpu.memory_space<vmem>>, vector<16xi32>,
        %bitcast3A_903 = vector.bitcast %get3A_902 : vector<16xi32> to vector<32xbf16>
        %mul3A_904 = arith.mulf %bitcast3A_897, %bitcast3A_903 : vector<32xbf16>
        %add3A_905 = arith.addf %mul3A_891, %mul3A_904 : vector<32xbf16>
        %unpack3A_906 = tpu.unpack_subelements %add3A_905, 0 {pack_format = #tpu.pack_format<interleaved>} : vector<32xbf16> -> vector<16xf32>
        %unpack3A_907 = tpu.unpack_subelements %add3A_905, 1 {pack_format = #tpu.pack_format<interleaved>} : vector<32xbf16> -> vector<16xf32>
        %add3A_908 = arith.addf %unpack3A_906, %unpack3A_907 : vector<16xf32>
        %get3A_909 = arith.constant 0 : i32
        %get3A_910 = arith.index_cast %get3A_909 : i32 to index
        %get3A_911 = arith.index_cast %add3A_878 : i32 to index
        %get3A_912 = arith.constant 32 : index
        %get3A_913 = tpu.vector_load %arg6[%get3A_910, %get3A_911, %get3A_912] {strides = array<i32>} : memref<2x80x64xi32, #tpu.memory_space<vmem>>, vector<16xi32>,
        %bitcast3A_914 = vector.bitcast %get3A_913 : vector<16xi32> to vector<32xbf16>
        %get3A_915 = arith.constant 0 : i32
        %get3A_916 = arith.index_cast %get3A_915 : i32 to index
        %get3A_917 = arith.index_cast %add3A_878 : i32 to index
        %get3A_918 = arith.constant 32 : index
        %get3A_919 = tpu.vector_load %arg7[%get3A_916, %get3A_917, %get3A_918] {strides = array<i32>} : memref<2x80x64xi32, #tpu.memory_space<vmem>>, vector<16xi32>,
        %bitcast3A_920 = vector.bitcast %get3A_919 : vector<16xi32> to vector<32xbf16>
        %mul3A_921 = arith.mulf %bitcast3A_914, %bitcast3A_920 : vector<32xbf16>
        %get3A_922 = arith.constant 0 : i32
        %get3A_923 = arith.index_cast %get3A_922 : i32 to index
        %get3A_924 = arith.index_cast %add3A_878 : i32 to index
        %get3A_925 = arith.constant 48 : index
        %get3A_926 = tpu.vector_load %arg6[%get3A_923, %get3A_924, %get3A_925] {strides = array<i32>} : memref<2x80x64xi32, #tpu.memory_space<vmem>>, vector<16xi32>,
        %bitcast3A_927 = vector.bitcast %get3A_926 : vector<16xi32> to vector<32xbf16>
        %get3A_928 = arith.constant 0 : i32
        %get3A_929 = arith.index_cast %get3A_928 : i32 to index
        %get3A_930 = arith.index_cast %add3A_878 : i32 to index
        %get3A_931 = arith.constant 48 : index
        %get3A_932 = tpu.vector_load %arg7[%get3A_929, %get3A_930, %get3A_931] {strides = array<i32>} : memref<2x80x64xi32, #tpu.memory_space<vmem>>, vector<16xi32>,
        %bitcast3A_933 = vector.bitcast %get3A_932 : vector<16xi32> to vector<32xbf16>
        %mul3A_934 = arith.mulf %bitcast3A_927, %bitcast3A_933 : vector<32xbf16>
        %add3A_935 = arith.addf %mul3A_921, %mul3A_934 : vector<32xbf16>
        %unpack3A_936 = tpu.unpack_subelements %add3A_935, 0 {pack_format = #tpu.pack_format<interleaved>} : vector<32xbf16> -> vector<16xf32>
        %unpack3A_937 = tpu.unpack_subelements %add3A_935, 1 {pack_format = #tpu.pack_format<interleaved>} : vector<32xbf16> -> vector<16xf32>
        %add3A_938 = arith.addf %unpack3A_936, %unpack3A_937 : vector<16xf32>
        %add3A_939 = arith.addf %add3A_908, %add3A_938 : vector<16xf32>
        %swap3A_940 = arith.constant 8 : i32
        %swap3A_941 = arith.index_cast %swap3A_940 : i32 to index
        %swap3A_942 = arith.constant 0 : index
        %swap3A_943 = tpu.vector_load %arg9[%swap3A_941, %swap3A_942] {strides = array<i32>} : memref<16x16xf32, #tpu.memory_space<vmem>>, vector<16xf32>,
        tpu.vector_store %arg9[%swap3A_941, %swap3A_942], %add3A_939 {strides = array<i32>} : memref<16x16xf32, #tpu.memory_space<vmem>>, vector<16xf32>,
        %mul3A_944 = arith.constant 16 : i32
        %mul3A_945 = arith.muli %scan3A_325, %mul3A_944 : i32
        %add3A_946 = arith.constant 9 : i32
        %add3A_947 = arith.addi %mul3A_945, %add3A_946 : i32
        %get3A_948 = arith.constant 0 : i32
        %get3A_949 = arith.index_cast %get3A_948 : i32 to index
        %get3A_950 = arith.index_cast %add3A_947 : i32 to index
        %get3A_951 = arith.constant 0 : index
        %get3A_952 = tpu.vector_load %arg6[%get3A_949, %get3A_950, %get3A_951] {strides = array<i32>} : memref<2x80x64xi32, #tpu.memory_space<vmem>>, vector<16xi32>,
        %bitcast3A_953 = vector.bitcast %get3A_952 : vector<16xi32> to vector<32xbf16>
        %get3A_954 = arith.constant 0 : i32
        %get3A_955 = arith.index_cast %get3A_954 : i32 to index
        %get3A_956 = arith.index_cast %add3A_947 : i32 to index
        %get3A_957 = arith.constant 0 : index
        %get3A_958 = tpu.vector_load %arg7[%get3A_955, %get3A_956, %get3A_957] {strides = array<i32>} : memref<2x80x64xi32, #tpu.memory_space<vmem>>, vector<16xi32>,
        %bitcast3A_959 = vector.bitcast %get3A_958 : vector<16xi32> to vector<32xbf16>
        %mul3A_960 = arith.mulf %bitcast3A_953, %bitcast3A_959 : vector<32xbf16>
        %get3A_961 = arith.constant 0 : i32
        %get3A_962 = arith.index_cast %get3A_961 : i32 to index
        %get3A_963 = arith.index_cast %add3A_947 : i32 to index
        %get3A_964 = arith.constant 16 : index
        %get3A_965 = tpu.vector_load %arg6[%get3A_962, %get3A_963, %get3A_964] {strides = array<i32>} : memref<2x80x64xi32, #tpu.memory_space<vmem>>, vector<16xi32>,
        %bitcast3A_966 = vector.bitcast %get3A_965 : vector<16xi32> to vector<32xbf16>
        %get3A_967 = arith.constant 0 : i32
        %get3A_968 = arith.index_cast %get3A_967 : i32 to index
        %get3A_969 = arith.index_cast %add3A_947 : i32 to index
        %get3A_970 = arith.constant 16 : index
        %get3A_971 = tpu.vector_load %arg7[%get3A_968, %get3A_969, %get3A_970] {strides = array<i32>} : memref<2x80x64xi32, #tpu.memory_space<vmem>>, vector<16xi32>,
        %bitcast3A_972 = vector.bitcast %get3A_971 : vector<16xi32> to vector<32xbf16>
        %mul3A_973 = arith.mulf %bitcast3A_966, %bitcast3A_972 : vector<32xbf16>
        %add3A_974 = arith.addf %mul3A_960, %mul3A_973 : vector<32xbf16>
        %unpack3A_975 = tpu.unpack_subelements %add3A_974, 0 {pack_format = #tpu.pack_format<interleaved>} : vector<32xbf16> -> vector<16xf32>
        %unpack3A_976 = tpu.unpack_subelements %add3A_974, 1 {pack_format = #tpu.pack_format<interleaved>} : vector<32xbf16> -> vector<16xf32>
        %add3A_977 = arith.addf %unpack3A_975, %unpack3A_976 : vector<16xf32>
        %get3A_978 = arith.constant 0 : i32
        %get3A_979 = arith.index_cast %get3A_978 : i32 to index
        %get3A_980 = arith.index_cast %add3A_947 : i32 to index
        %get3A_981 = arith.constant 32 : index
        %get3A_982 = tpu.vector_load %arg6[%get3A_979, %get3A_980, %get3A_981] {strides = array<i32>} : memref<2x80x64xi32, #tpu.memory_space<vmem>>, vector<16xi32>,
        %bitcast3A_983 = vector.bitcast %get3A_982 : vector<16xi32> to vector<32xbf16>
        %get3A_984 = arith.constant 0 : i32
        %get3A_985 = arith.index_cast %get3A_984 : i32 to index
        %get3A_986 = arith.index_cast %add3A_947 : i32 to index
        %get3A_987 = arith.constant 32 : index
        %get3A_988 = tpu.vector_load %arg7[%get3A_985, %get3A_986, %get3A_987] {strides = array<i32>} : memref<2x80x64xi32, #tpu.memory_space<vmem>>, vector<16xi32>,
        %bitcast3A_989 = vector.bitcast %get3A_988 : vector<16xi32> to vector<32xbf16>
        %mul3A_990 = arith.mulf %bitcast3A_983, %bitcast3A_989 : vector<32xbf16>
        %get3A_991 = arith.constant 0 : i32
        %get3A_992 = arith.index_cast %get3A_991 : i32 to index
        %get3A_993 = arith.index_cast %add3A_947 : i32 to index
        %get3A_994 = arith.constant 48 : index
        %get3A_995 = tpu.vector_load %arg6[%get3A_992, %get3A_993, %get3A_994] {strides = array<i32>} : memref<2x80x64xi32, #tpu.memory_space<vmem>>, vector<16xi32>,
        %bitcast3A_996 = vector.bitcast %get3A_995 : vector<16xi32> to vector<32xbf16>
        %get3A_997 = arith.constant 0 : i32
        %get3A_998 = arith.index_cast %get3A_997 : i32 to index
        %get3A_999 = arith.index_cast %add3A_947 : i32 to index
        %get3A_1000 = arith.constant 48 : index
        %get3A_1001 = tpu.vector_load %arg7[%get3A_998, %get3A_999, %get3A_1000] {strides = array<i32>} : memref<2x80x64xi32, #tpu.memory_space<vmem>>, vector<16xi32>,
        %bitcast3A_1002 = vector.bitcast %get3A_1001 : vector<16xi32> to vector<32xbf16>
        %mul3A_1003 = arith.mulf %bitcast3A_996, %bitcast3A_1002 : vector<32xbf16>
        %add3A_1004 = arith.addf %mul3A_990, %mul3A_1003 : vector<32xbf16>
        %unpack3A_1005 = tpu.unpack_subelements %add3A_1004, 0 {pack_format = #tpu.pack_format<interleaved>} : vector<32xbf16> -> vector<16xf32>
        %unpack3A_1006 = tpu.unpack_subelements %add3A_1004, 1 {pack_format = #tpu.pack_format<interleaved>} : vector<32xbf16> -> vector<16xf32>
        %add3A_1007 = arith.addf %unpack3A_1005, %unpack3A_1006 : vector<16xf32>
        %add3A_1008 = arith.addf %add3A_977, %add3A_1007 : vector<16xf32>
        %swap3A_1009 = arith.constant 9 : i32
        %swap3A_1010 = arith.index_cast %swap3A_1009 : i32 to index
        %swap3A_1011 = arith.constant 0 : index
        %swap3A_1012 = tpu.vector_load %arg9[%swap3A_1010, %swap3A_1011] {strides = array<i32>} : memref<16x16xf32, #tpu.memory_space<vmem>>, vector<16xf32>,
        tpu.vector_store %arg9[%swap3A_1010, %swap3A_1011], %add3A_1008 {strides = array<i32>} : memref<16x16xf32, #tpu.memory_space<vmem>>, vector<16xf32>,
        %mul3A_1013 = arith.constant 16 : i32
        %mul3A_1014 = arith.muli %scan3A_325, %mul3A_1013 : i32
        %add3A_1015 = arith.constant 10 : i32
        %add3A_1016 = arith.addi %mul3A_1014, %add3A_1015 : i32
        %get3A_1017 = arith.constant 0 : i32
        %get3A_1018 = arith.index_cast %get3A_1017 : i32 to index
        %get3A_1019 = arith.index_cast %add3A_1016 : i32 to index
        %get3A_1020 = arith.constant 0 : index
        %get3A_1021 = tpu.vector_load %arg6[%get3A_1018, %get3A_1019, %get3A_1020] {strides = array<i32>} : memref<2x80x64xi32, #tpu.memory_space<vmem>>, vector<16xi32>,
        %bitcast3A_1022 = vector.bitcast %get3A_1021 : vector<16xi32> to vector<32xbf16>
        %get3A_1023 = arith.constant 0 : i32
        %get3A_1024 = arith.index_cast %get3A_1023 : i32 to index
        %get3A_1025 = arith.index_cast %add3A_1016 : i32 to index
        %get3A_1026 = arith.constant 0 : index
        %get3A_1027 = tpu.vector_load %arg7[%get3A_1024, %get3A_1025, %get3A_1026] {strides = array<i32>} : memref<2x80x64xi32, #tpu.memory_space<vmem>>, vector<16xi32>,
        %bitcast3A_1028 = vector.bitcast %get3A_1027 : vector<16xi32> to vector<32xbf16>
        %mul3A_1029 = arith.mulf %bitcast3A_1022, %bitcast3A_1028 : vector<32xbf16>
        %get3A_1030 = arith.constant 0 : i32
        %get3A_1031 = arith.index_cast %get3A_1030 : i32 to index
        %get3A_1032 = arith.index_cast %add3A_1016 : i32 to index
        %get3A_1033 = arith.constant 16 : index
        %get3A_1034 = tpu.vector_load %arg6[%get3A_1031, %get3A_1032, %get3A_1033] {strides = array<i32>} : memref<2x80x64xi32, #tpu.memory_space<vmem>>, vector<16xi32>,
        %bitcast3A_1035 = vector.bitcast %get3A_1034 : vector<16xi32> to vector<32xbf16>
        %get3A_1036 = arith.constant 0 : i32
        %get3A_1037 = arith.index_cast %get3A_1036 : i32 to index
        %get3A_1038 = arith.index_cast %add3A_1016 : i32 to index
        %get3A_1039 = arith.constant 16 : index
        %get3A_1040 = tpu.vector_load %arg7[%get3A_1037, %get3A_1038, %get3A_1039] {strides = array<i32>} : memref<2x80x64xi32, #tpu.memory_space<vmem>>, vector<16xi32>,
        %bitcast3A_1041 = vector.bitcast %get3A_1040 : vector<16xi32> to vector<32xbf16>
        %mul3A_1042 = arith.mulf %bitcast3A_1035, %bitcast3A_1041 : vector<32xbf16>
        %add3A_1043 = arith.addf %mul3A_1029, %mul3A_1042 : vector<32xbf16>
        %unpack3A_1044 = tpu.unpack_subelements %add3A_1043, 0 {pack_format = #tpu.pack_format<interleaved>} : vector<32xbf16> -> vector<16xf32>
        %unpack3A_1045 = tpu.unpack_subelements %add3A_1043, 1 {pack_format = #tpu.pack_format<interleaved>} : vector<32xbf16> -> vector<16xf32>
        %add3A_1046 = arith.addf %unpack3A_1044, %unpack3A_1045 : vector<16xf32>
        %get3A_1047 = arith.constant 0 : i32
        %get3A_1048 = arith.index_cast %get3A_1047 : i32 to index
        %get3A_1049 = arith.index_cast %add3A_1016 : i32 to index
        %get3A_1050 = arith.constant 32 : index
        %get3A_1051 = tpu.vector_load %arg6[%get3A_1048, %get3A_1049, %get3A_1050] {strides = array<i32>} : memref<2x80x64xi32, #tpu.memory_space<vmem>>, vector<16xi32>,
        %bitcast3A_1052 = vector.bitcast %get3A_1051 : vector<16xi32> to vector<32xbf16>
        %get3A_1053 = arith.constant 0 : i32
        %get3A_1054 = arith.index_cast %get3A_1053 : i32 to index
        %get3A_1055 = arith.index_cast %add3A_1016 : i32 to index
        %get3A_1056 = arith.constant 32 : index
        %get3A_1057 = tpu.vector_load %arg7[%get3A_1054, %get3A_1055, %get3A_1056] {strides = array<i32>} : memref<2x80x64xi32, #tpu.memory_space<vmem>>, vector<16xi32>,
        %bitcast3A_1058 = vector.bitcast %get3A_1057 : vector<16xi32> to vector<32xbf16>
        %mul3A_1059 = arith.mulf %bitcast3A_1052, %bitcast3A_1058 : vector<32xbf16>
        %get3A_1060 = arith.constant 0 : i32
        %get3A_1061 = arith.index_cast %get3A_1060 : i32 to index
        %get3A_1062 = arith.index_cast %add3A_1016 : i32 to index
        %get3A_1063 = arith.constant 48 : index
        %get3A_1064 = tpu.vector_load %arg6[%get3A_1061, %get3A_1062, %get3A_1063] {strides = array<i32>} : memref<2x80x64xi32, #tpu.memory_space<vmem>>, vector<16xi32>,
        %bitcast3A_1065 = vector.bitcast %get3A_1064 : vector<16xi32> to vector<32xbf16>
        %get3A_1066 = arith.constant 0 : i32
        %get3A_1067 = arith.index_cast %get3A_1066 : i32 to index
        %get3A_1068 = arith.index_cast %add3A_1016 : i32 to index
        %get3A_1069 = arith.constant 48 : index
        %get3A_1070 = tpu.vector_load %arg7[%get3A_1067, %get3A_1068, %get3A_1069] {strides = array<i32>} : memref<2x80x64xi32, #tpu.memory_space<vmem>>, vector<16xi32>,
        %bitcast3A_1071 = vector.bitcast %get3A_1070 : vector<16xi32> to vector<32xbf16>
        %mul3A_1072 = arith.mulf %bitcast3A_1065, %bitcast3A_1071 : vector<32xbf16>
        %add3A_1073 = arith.addf %mul3A_1059, %mul3A_1072 : vector<32xbf16>
        %unpack3A_1074 = tpu.unpack_subelements %add3A_1073, 0 {pack_format = #tpu.pack_format<interleaved>} : vector<32xbf16> -> vector<16xf32>
        %unpack3A_1075 = tpu.unpack_subelements %add3A_1073, 1 {pack_format = #tpu.pack_format<interleaved>} : vector<32xbf16> -> vector<16xf32>
        %add3A_1076 = arith.addf %unpack3A_1074, %unpack3A_1075 : vector<16xf32>
        %add3A_1077 = arith.addf %add3A_1046, %add3A_1076 : vector<16xf32>
        %swap3A_1078 = arith.constant 10 : i32
        %swap3A_1079 = arith.index_cast %swap3A_1078 : i32 to index
        %swap3A_1080 = arith.constant 0 : index
        %swap3A_1081 = tpu.vector_load %arg9[%swap3A_1079, %swap3A_1080] {strides = array<i32>} : memref<16x16xf32, #tpu.memory_space<vmem>>, vector<16xf32>,
        tpu.vector_store %arg9[%swap3A_1079, %swap3A_1080], %add3A_1077 {strides = array<i32>} : memref<16x16xf32, #tpu.memory_space<vmem>>, vector<16xf32>,
        %mul3A_1082 = arith.constant 16 : i32
        %mul3A_1083 = arith.muli %scan3A_325, %mul3A_1082 : i32
        %add3A_1084 = arith.constant 11 : i32
        %add3A_1085 = arith.addi %mul3A_1083, %add3A_1084 : i32
        %get3A_1086 = arith.constant 0 : i32
        %get3A_1087 = arith.index_cast %get3A_1086 : i32 to index
        %get3A_1088 = arith.index_cast %add3A_1085 : i32 to index
        %get3A_1089 = arith.constant 0 : index
        %get3A_1090 = tpu.vector_load %arg6[%get3A_1087, %get3A_1088, %get3A_1089] {strides = array<i32>} : memref<2x80x64xi32, #tpu.memory_space<vmem>>, vector<16xi32>,
        %bitcast3A_1091 = vector.bitcast %get3A_1090 : vector<16xi32> to vector<32xbf16>
        %get3A_1092 = arith.constant 0 : i32
        %get3A_1093 = arith.index_cast %get3A_1092 : i32 to index
        %get3A_1094 = arith.index_cast %add3A_1085 : i32 to index
        %get3A_1095 = arith.constant 0 : index
        %get3A_1096 = tpu.vector_load %arg7[%get3A_1093, %get3A_1094, %get3A_1095] {strides = array<i32>} : memref<2x80x64xi32, #tpu.memory_space<vmem>>, vector<16xi32>,
        %bitcast3A_1097 = vector.bitcast %get3A_1096 : vector<16xi32> to vector<32xbf16>
        %mul3A_1098 = arith.mulf %bitcast3A_1091, %bitcast3A_1097 : vector<32xbf16>
        %get3A_1099 = arith.constant 0 : i32
        %get3A_1100 = arith.index_cast %get3A_1099 : i32 to index
        %get3A_1101 = arith.index_cast %add3A_1085 : i32 to index
        %get3A_1102 = arith.constant 16 : index
        %get3A_1103 = tpu.vector_load %arg6[%get3A_1100, %get3A_1101, %get3A_1102] {strides = array<i32>} : memref<2x80x64xi32, #tpu.memory_space<vmem>>, vector<16xi32>,
        %bitcast3A_1104 = vector.bitcast %get3A_1103 : vector<16xi32> to vector<32xbf16>
        %get3A_1105 = arith.constant 0 : i32
        %get3A_1106 = arith.index_cast %get3A_1105 : i32 to index
        %get3A_1107 = arith.index_cast %add3A_1085 : i32 to index
        %get3A_1108 = arith.constant 16 : index
        %get3A_1109 = tpu.vector_load %arg7[%get3A_1106, %get3A_1107, %get3A_1108] {strides = array<i32>} : memref<2x80x64xi32, #tpu.memory_space<vmem>>, vector<16xi32>,
        %bitcast3A_1110 = vector.bitcast %get3A_1109 : vector<16xi32> to vector<32xbf16>
        %mul3A_1111 = arith.mulf %bitcast3A_1104, %bitcast3A_1110 : vector<32xbf16>
        %add3A_1112 = arith.addf %mul3A_1098, %mul3A_1111 : vector<32xbf16>
        %unpack3A_1113 = tpu.unpack_subelements %add3A_1112, 0 {pack_format = #tpu.pack_format<interleaved>} : vector<32xbf16> -> vector<16xf32>
        %unpack3A_1114 = tpu.unpack_subelements %add3A_1112, 1 {pack_format = #tpu.pack_format<interleaved>} : vector<32xbf16> -> vector<16xf32>
        %add3A_1115 = arith.addf %unpack3A_1113, %unpack3A_1114 : vector<16xf32>
        %get3A_1116 = arith.constant 0 : i32
        %get3A_1117 = arith.index_cast %get3A_1116 : i32 to index
        %get3A_1118 = arith.index_cast %add3A_1085 : i32 to index
        %get3A_1119 = arith.constant 32 : index
        %get3A_1120 = tpu.vector_load %arg6[%get3A_1117, %get3A_1118, %get3A_1119] {strides = array<i32>} : memref<2x80x64xi32, #tpu.memory_space<vmem>>, vector<16xi32>,
        %bitcast3A_1121 = vector.bitcast %get3A_1120 : vector<16xi32> to vector<32xbf16>
        %get3A_1122 = arith.constant 0 : i32
        %get3A_1123 = arith.index_cast %get3A_1122 : i32 to index
        %get3A_1124 = arith.index_cast %add3A_1085 : i32 to index
        %get3A_1125 = arith.constant 32 : index
        %get3A_1126 = tpu.vector_load %arg7[%get3A_1123, %get3A_1124, %get3A_1125] {strides = array<i32>} : memref<2x80x64xi32, #tpu.memory_space<vmem>>, vector<16xi32>,
        %bitcast3A_1127 = vector.bitcast %get3A_1126 : vector<16xi32> to vector<32xbf16>
        %mul3A_1128 = arith.mulf %bitcast3A_1121, %bitcast3A_1127 : vector<32xbf16>
        %get3A_1129 = arith.constant 0 : i32
        %get3A_1130 = arith.index_cast %get3A_1129 : i32 to index
        %get3A_1131 = arith.index_cast %add3A_1085 : i32 to index
        %get3A_1132 = arith.constant 48 : index
        %get3A_1133 = tpu.vector_load %arg6[%get3A_1130, %get3A_1131, %get3A_1132] {strides = array<i32>} : memref<2x80x64xi32, #tpu.memory_space<vmem>>, vector<16xi32>,
        %bitcast3A_1134 = vector.bitcast %get3A_1133 : vector<16xi32> to vector<32xbf16>
        %get3A_1135 = arith.constant 0 : i32
        %get3A_1136 = arith.index_cast %get3A_1135 : i32 to index
        %get3A_1137 = arith.index_cast %add3A_1085 : i32 to index
        %get3A_1138 = arith.constant 48 : index
        %get3A_1139 = tpu.vector_load %arg7[%get3A_1136, %get3A_1137, %get3A_1138] {strides = array<i32>} : memref<2x80x64xi32, #tpu.memory_space<vmem>>, vector<16xi32>,
        %bitcast3A_1140 = vector.bitcast %get3A_1139 : vector<16xi32> to vector<32xbf16>
        %mul3A_1141 = arith.mulf %bitcast3A_1134, %bitcast3A_1140 : vector<32xbf16>
        %add3A_1142 = arith.addf %mul3A_1128, %mul3A_1141 : vector<32xbf16>
        %unpack3A_1143 = tpu.unpack_subelements %add3A_1142, 0 {pack_format = #tpu.pack_format<interleaved>} : vector<32xbf16> -> vector<16xf32>
        %unpack3A_1144 = tpu.unpack_subelements %add3A_1142, 1 {pack_format = #tpu.pack_format<interleaved>} : vector<32xbf16> -> vector<16xf32>
        %add3A_1145 = arith.addf %unpack3A_1143, %unpack3A_1144 : vector<16xf32>
        %add3A_1146 = arith.addf %add3A_1115, %add3A_1145 : vector<16xf32>
        %swap3A_1147 = arith.constant 11 : i32
        %swap3A_1148 = arith.index_cast %swap3A_1147 : i32 to index
        %swap3A_1149 = arith.constant 0 : index
        %swap3A_1150 = tpu.vector_load %arg9[%swap3A_1148, %swap3A_1149] {strides = array<i32>} : memref<16x16xf32, #tpu.memory_space<vmem>>, vector<16xf32>,
        tpu.vector_store %arg9[%swap3A_1148, %swap3A_1149], %add3A_1146 {strides = array<i32>} : memref<16x16xf32, #tpu.memory_space<vmem>>, vector<16xf32>,
        %mul3A_1151 = arith.constant 16 : i32
        %mul3A_1152 = arith.muli %scan3A_325, %mul3A_1151 : i32
        %add3A_1153 = arith.constant 12 : i32
        %add3A_1154 = arith.addi %mul3A_1152, %add3A_1153 : i32
        %get3A_1155 = arith.constant 0 : i32
        %get3A_1156 = arith.index_cast %get3A_1155 : i32 to index
        %get3A_1157 = arith.index_cast %add3A_1154 : i32 to index
        %get3A_1158 = arith.constant 0 : index
        %get3A_1159 = tpu.vector_load %arg6[%get3A_1156, %get3A_1157, %get3A_1158] {strides = array<i32>} : memref<2x80x64xi32, #tpu.memory_space<vmem>>, vector<16xi32>,
        %bitcast3A_1160 = vector.bitcast %get3A_1159 : vector<16xi32> to vector<32xbf16>
        %get3A_1161 = arith.constant 0 : i32
        %get3A_1162 = arith.index_cast %get3A_1161 : i32 to index
        %get3A_1163 = arith.index_cast %add3A_1154 : i32 to index
        %get3A_1164 = arith.constant 0 : index
        %get3A_1165 = tpu.vector_load %arg7[%get3A_1162, %get3A_1163, %get3A_1164] {strides = array<i32>} : memref<2x80x64xi32, #tpu.memory_space<vmem>>, vector<16xi32>,
        %bitcast3A_1166 = vector.bitcast %get3A_1165 : vector<16xi32> to vector<32xbf16>
        %mul3A_1167 = arith.mulf %bitcast3A_1160, %bitcast3A_1166 : vector<32xbf16>
        %get3A_1168 = arith.constant 0 : i32
        %get3A_1169 = arith.index_cast %get3A_1168 : i32 to index
        %get3A_1170 = arith.index_cast %add3A_1154 : i32 to index
        %get3A_1171 = arith.constant 16 : index
        %get3A_1172 = tpu.vector_load %arg6[%get3A_1169, %get3A_1170, %get3A_1171] {strides = array<i32>} : memref<2x80x64xi32, #tpu.memory_space<vmem>>, vector<16xi32>,
        %bitcast3A_1173 = vector.bitcast %get3A_1172 : vector<16xi32> to vector<32xbf16>
        %get3A_1174 = arith.constant 0 : i32
        %get3A_1175 = arith.index_cast %get3A_1174 : i32 to index
        %get3A_1176 = arith.index_cast %add3A_1154 : i32 to index
        %get3A_1177 = arith.constant 16 : index
        %get3A_1178 = tpu.vector_load %arg7[%get3A_1175, %get3A_1176, %get3A_1177] {strides = array<i32>} : memref<2x80x64xi32, #tpu.memory_space<vmem>>, vector<16xi32>,
        %bitcast3A_1179 = vector.bitcast %get3A_1178 : vector<16xi32> to vector<32xbf16>
        %mul3A_1180 = arith.mulf %bitcast3A_1173, %bitcast3A_1179 : vector<32xbf16>
        %add3A_1181 = arith.addf %mul3A_1167, %mul3A_1180 : vector<32xbf16>
        %unpack3A_1182 = tpu.unpack_subelements %add3A_1181, 0 {pack_format = #tpu.pack_format<interleaved>} : vector<32xbf16> -> vector<16xf32>
        %unpack3A_1183 = tpu.unpack_subelements %add3A_1181, 1 {pack_format = #tpu.pack_format<interleaved>} : vector<32xbf16> -> vector<16xf32>
        %add3A_1184 = arith.addf %unpack3A_1182, %unpack3A_1183 : vector<16xf32>
        %get3A_1185 = arith.constant 0 : i32
        %get3A_1186 = arith.index_cast %get3A_1185 : i32 to index
        %get3A_1187 = arith.index_cast %add3A_1154 : i32 to index
        %get3A_1188 = arith.constant 32 : index
        %get3A_1189 = tpu.vector_load %arg6[%get3A_1186, %get3A_1187, %get3A_1188] {strides = array<i32>} : memref<2x80x64xi32, #tpu.memory_space<vmem>>, vector<16xi32>,
        %bitcast3A_1190 = vector.bitcast %get3A_1189 : vector<16xi32> to vector<32xbf16>
        %get3A_1191 = arith.constant 0 : i32
        %get3A_1192 = arith.index_cast %get3A_1191 : i32 to index
        %get3A_1193 = arith.index_cast %add3A_1154 : i32 to index
        %get3A_1194 = arith.constant 32 : index
        %get3A_1195 = tpu.vector_load %arg7[%get3A_1192, %get3A_1193, %get3A_1194] {strides = array<i32>} : memref<2x80x64xi32, #tpu.memory_space<vmem>>, vector<16xi32>,
        %bitcast3A_1196 = vector.bitcast %get3A_1195 : vector<16xi32> to vector<32xbf16>
        %mul3A_1197 = arith.mulf %bitcast3A_1190, %bitcast3A_1196 : vector<32xbf16>
        %get3A_1198 = arith.constant 0 : i32
        %get3A_1199 = arith.index_cast %get3A_1198 : i32 to index
        %get3A_1200 = arith.index_cast %add3A_1154 : i32 to index
        %get3A_1201 = arith.constant 48 : index
        %get3A_1202 = tpu.vector_load %arg6[%get3A_1199, %get3A_1200, %get3A_1201] {strides = array<i32>} : memref<2x80x64xi32, #tpu.memory_space<vmem>>, vector<16xi32>,
        %bitcast3A_1203 = vector.bitcast %get3A_1202 : vector<16xi32> to vector<32xbf16>
        %get3A_1204 = arith.constant 0 : i32
        %get3A_1205 = arith.index_cast %get3A_1204 : i32 to index
        %get3A_1206 = arith.index_cast %add3A_1154 : i32 to index
        %get3A_1207 = arith.constant 48 : index
        %get3A_1208 = tpu.vector_load %arg7[%get3A_1205, %get3A_1206, %get3A_1207] {strides = array<i32>} : memref<2x80x64xi32, #tpu.memory_space<vmem>>, vector<16xi32>,
        %bitcast3A_1209 = vector.bitcast %get3A_1208 : vector<16xi32> to vector<32xbf16>
        %mul3A_1210 = arith.mulf %bitcast3A_1203, %bitcast3A_1209 : vector<32xbf16>
        %add3A_1211 = arith.addf %mul3A_1197, %mul3A_1210 : vector<32xbf16>
        %unpack3A_1212 = tpu.unpack_subelements %add3A_1211, 0 {pack_format = #tpu.pack_format<interleaved>} : vector<32xbf16> -> vector<16xf32>
        %unpack3A_1213 = tpu.unpack_subelements %add3A_1211, 1 {pack_format = #tpu.pack_format<interleaved>} : vector<32xbf16> -> vector<16xf32>
        %add3A_1214 = arith.addf %unpack3A_1212, %unpack3A_1213 : vector<16xf32>
        %add3A_1215 = arith.addf %add3A_1184, %add3A_1214 : vector<16xf32>
        %swap3A_1216 = arith.constant 12 : i32
        %swap3A_1217 = arith.index_cast %swap3A_1216 : i32 to index
        %swap3A_1218 = arith.constant 0 : index
        %swap3A_1219 = tpu.vector_load %arg9[%swap3A_1217, %swap3A_1218] {strides = array<i32>} : memref<16x16xf32, #tpu.memory_space<vmem>>, vector<16xf32>,
        tpu.vector_store %arg9[%swap3A_1217, %swap3A_1218], %add3A_1215 {strides = array<i32>} : memref<16x16xf32, #tpu.memory_space<vmem>>, vector<16xf32>,
        %mul3A_1220 = arith.constant 16 : i32
        %mul3A_1221 = arith.muli %scan3A_325, %mul3A_1220 : i32
        %add3A_1222 = arith.constant 13 : i32
        %add3A_1223 = arith.addi %mul3A_1221, %add3A_1222 : i32
        %get3A_1224 = arith.constant 0 : i32
        %get3A_1225 = arith.index_cast %get3A_1224 : i32 to index
        %get3A_1226 = arith.index_cast %add3A_1223 : i32 to index
        %get3A_1227 = arith.constant 0 : index
        %get3A_1228 = tpu.vector_load %arg6[%get3A_1225, %get3A_1226, %get3A_1227] {strides = array<i32>} : memref<2x80x64xi32, #tpu.memory_space<vmem>>, vector<16xi32>,
        %bitcast3A_1229 = vector.bitcast %get3A_1228 : vector<16xi32> to vector<32xbf16>
        %get3A_1230 = arith.constant 0 : i32
        %get3A_1231 = arith.index_cast %get3A_1230 : i32 to index
        %get3A_1232 = arith.index_cast %add3A_1223 : i32 to index
        %get3A_1233 = arith.constant 0 : index
        %get3A_1234 = tpu.vector_load %arg7[%get3A_1231, %get3A_1232, %get3A_1233] {strides = array<i32>} : memref<2x80x64xi32, #tpu.memory_space<vmem>>, vector<16xi32>,
        %bitcast3A_1235 = vector.bitcast %get3A_1234 : vector<16xi32> to vector<32xbf16>
        %mul3A_1236 = arith.mulf %bitcast3A_1229, %bitcast3A_1235 : vector<32xbf16>
        %get3A_1237 = arith.constant 0 : i32
        %get3A_1238 = arith.index_cast %get3A_1237 : i32 to index
        %get3A_1239 = arith.index_cast %add3A_1223 : i32 to index
        %get3A_1240 = arith.constant 16 : index
        %get3A_1241 = tpu.vector_load %arg6[%get3A_1238, %get3A_1239, %get3A_1240] {strides = array<i32>} : memref<2x80x64xi32, #tpu.memory_space<vmem>>, vector<16xi32>,
        %bitcast3A_1242 = vector.bitcast %get3A_1241 : vector<16xi32> to vector<32xbf16>
        %get3A_1243 = arith.constant 0 : i32
        %get3A_1244 = arith.index_cast %get3A_1243 : i32 to index
        %get3A_1245 = arith.index_cast %add3A_1223 : i32 to index
        %get3A_1246 = arith.constant 16 : index
        %get3A_1247 = tpu.vector_load %arg7[%get3A_1244, %get3A_1245, %get3A_1246] {strides = array<i32>} : memref<2x80x64xi32, #tpu.memory_space<vmem>>, vector<16xi32>,
        %bitcast3A_1248 = vector.bitcast %get3A_1247 : vector<16xi32> to vector<32xbf16>
        %mul3A_1249 = arith.mulf %bitcast3A_1242, %bitcast3A_1248 : vector<32xbf16>
        %add3A_1250 = arith.addf %mul3A_1236, %mul3A_1249 : vector<32xbf16>
        %unpack3A_1251 = tpu.unpack_subelements %add3A_1250, 0 {pack_format = #tpu.pack_format<interleaved>} : vector<32xbf16> -> vector<16xf32>
        %unpack3A_1252 = tpu.unpack_subelements %add3A_1250, 1 {pack_format = #tpu.pack_format<interleaved>} : vector<32xbf16> -> vector<16xf32>
        %add3A_1253 = arith.addf %unpack3A_1251, %unpack3A_1252 : vector<16xf32>
        %get3A_1254 = arith.constant 0 : i32
        %get3A_1255 = arith.index_cast %get3A_1254 : i32 to index
        %get3A_1256 = arith.index_cast %add3A_1223 : i32 to index
        %get3A_1257 = arith.constant 32 : index
        %get3A_1258 = tpu.vector_load %arg6[%get3A_1255, %get3A_1256, %get3A_1257] {strides = array<i32>} : memref<2x80x64xi32, #tpu.memory_space<vmem>>, vector<16xi32>,
        %bitcast3A_1259 = vector.bitcast %get3A_1258 : vector<16xi32> to vector<32xbf16>
        %get3A_1260 = arith.constant 0 : i32
        %get3A_1261 = arith.index_cast %get3A_1260 : i32 to index
        %get3A_1262 = arith.index_cast %add3A_1223 : i32 to index
        %get3A_1263 = arith.constant 32 : index
        %get3A_1264 = tpu.vector_load %arg7[%get3A_1261, %get3A_1262, %get3A_1263] {strides = array<i32>} : memref<2x80x64xi32, #tpu.memory_space<vmem>>, vector<16xi32>,
        %bitcast3A_1265 = vector.bitcast %get3A_1264 : vector<16xi32> to vector<32xbf16>
        %mul3A_1266 = arith.mulf %bitcast3A_1259, %bitcast3A_1265 : vector<32xbf16>
        %get3A_1267 = arith.constant 0 : i32
        %get3A_1268 = arith.index_cast %get3A_1267 : i32 to index
        %get3A_1269 = arith.index_cast %add3A_1223 : i32 to index
        %get3A_1270 = arith.constant 48 : index
        %get3A_1271 = tpu.vector_load %arg6[%get3A_1268, %get3A_1269, %get3A_1270] {strides = array<i32>} : memref<2x80x64xi32, #tpu.memory_space<vmem>>, vector<16xi32>,
        %bitcast3A_1272 = vector.bitcast %get3A_1271 : vector<16xi32> to vector<32xbf16>
        %get3A_1273 = arith.constant 0 : i32
        %get3A_1274 = arith.index_cast %get3A_1273 : i32 to index
        %get3A_1275 = arith.index_cast %add3A_1223 : i32 to index
        %get3A_1276 = arith.constant 48 : index
        %get3A_1277 = tpu.vector_load %arg7[%get3A_1274, %get3A_1275, %get3A_1276] {strides = array<i32>} : memref<2x80x64xi32, #tpu.memory_space<vmem>>, vector<16xi32>,
        %bitcast3A_1278 = vector.bitcast %get3A_1277 : vector<16xi32> to vector<32xbf16>
        %mul3A_1279 = arith.mulf %bitcast3A_1272, %bitcast3A_1278 : vector<32xbf16>
        %add3A_1280 = arith.addf %mul3A_1266, %mul3A_1279 : vector<32xbf16>
        %unpack3A_1281 = tpu.unpack_subelements %add3A_1280, 0 {pack_format = #tpu.pack_format<interleaved>} : vector<32xbf16> -> vector<16xf32>
        %unpack3A_1282 = tpu.unpack_subelements %add3A_1280, 1 {pack_format = #tpu.pack_format<interleaved>} : vector<32xbf16> -> vector<16xf32>
        %add3A_1283 = arith.addf %unpack3A_1281, %unpack3A_1282 : vector<16xf32>
        %add3A_1284 = arith.addf %add3A_1253, %add3A_1283 : vector<16xf32>
        %swap3A_1285 = arith.constant 13 : i32
        %swap3A_1286 = arith.index_cast %swap3A_1285 : i32 to index
        %swap3A_1287 = arith.constant 0 : index
        %swap3A_1288 = tpu.vector_load %arg9[%swap3A_1286, %swap3A_1287] {strides = array<i32>} : memref<16x16xf32, #tpu.memory_space<vmem>>, vector<16xf32>,
        tpu.vector_store %arg9[%swap3A_1286, %swap3A_1287], %add3A_1284 {strides = array<i32>} : memref<16x16xf32, #tpu.memory_space<vmem>>, vector<16xf32>,
        %mul3A_1289 = arith.constant 16 : i32
        %mul3A_1290 = arith.muli %scan3A_325, %mul3A_1289 : i32
        %add3A_1291 = arith.constant 14 : i32
        %add3A_1292 = arith.addi %mul3A_1290, %add3A_1291 : i32
        %get3A_1293 = arith.constant 0 : i32
        %get3A_1294 = arith.index_cast %get3A_1293 : i32 to index
        %get3A_1295 = arith.index_cast %add3A_1292 : i32 to index
        %get3A_1296 = arith.constant 0 : index
        %get3A_1297 = tpu.vector_load %arg6[%get3A_1294, %get3A_1295, %get3A_1296] {strides = array<i32>} : memref<2x80x64xi32, #tpu.memory_space<vmem>>, vector<16xi32>,
        %bitcast3A_1298 = vector.bitcast %get3A_1297 : vector<16xi32> to vector<32xbf16>
        %get3A_1299 = arith.constant 0 : i32
        %get3A_1300 = arith.index_cast %get3A_1299 : i32 to index
        %get3A_1301 = arith.index_cast %add3A_1292 : i32 to index
        %get3A_1302 = arith.constant 0 : index
        %get3A_1303 = tpu.vector_load %arg7[%get3A_1300, %get3A_1301, %get3A_1302] {strides = array<i32>} : memref<2x80x64xi32, #tpu.memory_space<vmem>>, vector<16xi32>,
        %bitcast3A_1304 = vector.bitcast %get3A_1303 : vector<16xi32> to vector<32xbf16>
        %mul3A_1305 = arith.mulf %bitcast3A_1298, %bitcast3A_1304 : vector<32xbf16>
        %get3A_1306 = arith.constant 0 : i32
        %get3A_1307 = arith.index_cast %get3A_1306 : i32 to index
        %get3A_1308 = arith.index_cast %add3A_1292 : i32 to index
        %get3A_1309 = arith.constant 16 : index
        %get3A_1310 = tpu.vector_load %arg6[%get3A_1307, %get3A_1308, %get3A_1309] {strides = array<i32>} : memref<2x80x64xi32, #tpu.memory_space<vmem>>, vector<16xi32>,
        %bitcast3A_1311 = vector.bitcast %get3A_1310 : vector<16xi32> to vector<32xbf16>
        %get3A_1312 = arith.constant 0 : i32
        %get3A_1313 = arith.index_cast %get3A_1312 : i32 to index
        %get3A_1314 = arith.index_cast %add3A_1292 : i32 to index
        %get3A_1315 = arith.constant 16 : index
        %get3A_1316 = tpu.vector_load %arg7[%get3A_1313, %get3A_1314, %get3A_1315] {strides = array<i32>} : memref<2x80x64xi32, #tpu.memory_space<vmem>>, vector<16xi32>,
        %bitcast3A_1317 = vector.bitcast %get3A_1316 : vector<16xi32> to vector<32xbf16>
        %mul3A_1318 = arith.mulf %bitcast3A_1311, %bitcast3A_1317 : vector<32xbf16>
        %add3A_1319 = arith.addf %mul3A_1305, %mul3A_1318 : vector<32xbf16>
        %unpack3A_1320 = tpu.unpack_subelements %add3A_1319, 0 {pack_format = #tpu.pack_format<interleaved>} : vector<32xbf16> -> vector<16xf32>
        %unpack3A_1321 = tpu.unpack_subelements %add3A_1319, 1 {pack_format = #tpu.pack_format<interleaved>} : vector<32xbf16> -> vector<16xf32>
        %add3A_1322 = arith.addf %unpack3A_1320, %unpack3A_1321 : vector<16xf32>
        %get3A_1323 = arith.constant 0 : i32
        %get3A_1324 = arith.index_cast %get3A_1323 : i32 to index
        %get3A_1325 = arith.index_cast %add3A_1292 : i32 to index
        %get3A_1326 = arith.constant 32 : index
        %get3A_1327 = tpu.vector_load %arg6[%get3A_1324, %get3A_1325, %get3A_1326] {strides = array<i32>} : memref<2x80x64xi32, #tpu.memory_space<vmem>>, vector<16xi32>,
        %bitcast3A_1328 = vector.bitcast %get3A_1327 : vector<16xi32> to vector<32xbf16>
        %get3A_1329 = arith.constant 0 : i32
        %get3A_1330 = arith.index_cast %get3A_1329 : i32 to index
        %get3A_1331 = arith.index_cast %add3A_1292 : i32 to index
        %get3A_1332 = arith.constant 32 : index
        %get3A_1333 = tpu.vector_load %arg7[%get3A_1330, %get3A_1331, %get3A_1332] {strides = array<i32>} : memref<2x80x64xi32, #tpu.memory_space<vmem>>, vector<16xi32>,
        %bitcast3A_1334 = vector.bitcast %get3A_1333 : vector<16xi32> to vector<32xbf16>
        %mul3A_1335 = arith.mulf %bitcast3A_1328, %bitcast3A_1334 : vector<32xbf16>
        %get3A_1336 = arith.constant 0 : i32
        %get3A_1337 = arith.index_cast %get3A_1336 : i32 to index
        %get3A_1338 = arith.index_cast %add3A_1292 : i32 to index
        %get3A_1339 = arith.constant 48 : index
        %get3A_1340 = tpu.vector_load %arg6[%get3A_1337, %get3A_1338, %get3A_1339] {strides = array<i32>} : memref<2x80x64xi32, #tpu.memory_space<vmem>>, vector<16xi32>,
        %bitcast3A_1341 = vector.bitcast %get3A_1340 : vector<16xi32> to vector<32xbf16>
        %get3A_1342 = arith.constant 0 : i32
        %get3A_1343 = arith.index_cast %get3A_1342 : i32 to index
        %get3A_1344 = arith.index_cast %add3A_1292 : i32 to index
        %get3A_1345 = arith.constant 48 : index
        %get3A_1346 = tpu.vector_load %arg7[%get3A_1343, %get3A_1344, %get3A_1345] {strides = array<i32>} : memref<2x80x64xi32, #tpu.memory_space<vmem>>, vector<16xi32>,
        %bitcast3A_1347 = vector.bitcast %get3A_1346 : vector<16xi32> to vector<32xbf16>
        %mul3A_1348 = arith.mulf %bitcast3A_1341, %bitcast3A_1347 : vector<32xbf16>
        %add3A_1349 = arith.addf %mul3A_1335, %mul3A_1348 : vector<32xbf16>
        %unpack3A_1350 = tpu.unpack_subelements %add3A_1349, 0 {pack_format = #tpu.pack_format<interleaved>} : vector<32xbf16> -> vector<16xf32>
        %unpack3A_1351 = tpu.unpack_subelements %add3A_1349, 1 {pack_format = #tpu.pack_format<interleaved>} : vector<32xbf16> -> vector<16xf32>
        %add3A_1352 = arith.addf %unpack3A_1350, %unpack3A_1351 : vector<16xf32>
        %add3A_1353 = arith.addf %add3A_1322, %add3A_1352 : vector<16xf32>
        %swap3A_1354 = arith.constant 14 : i32
        %swap3A_1355 = arith.index_cast %swap3A_1354 : i32 to index
        %swap3A_1356 = arith.constant 0 : index
        %swap3A_1357 = tpu.vector_load %arg9[%swap3A_1355, %swap3A_1356] {strides = array<i32>} : memref<16x16xf32, #tpu.memory_space<vmem>>, vector<16xf32>,
        tpu.vector_store %arg9[%swap3A_1355, %swap3A_1356], %add3A_1353 {strides = array<i32>} : memref<16x16xf32, #tpu.memory_space<vmem>>, vector<16xf32>,
        %mul3A_1358 = arith.constant 16 : i32
        %mul3A_1359 = arith.muli %scan3A_325, %mul3A_1358 : i32
        %add3A_1360 = arith.constant 15 : i32
        %add3A_1361 = arith.addi %mul3A_1359, %add3A_1360 : i32
        %get3A_1362 = arith.constant 0 : i32
        %get3A_1363 = arith.index_cast %get3A_1362 : i32 to index
        %get3A_1364 = arith.index_cast %add3A_1361 : i32 to index
        %get3A_1365 = arith.constant 0 : index
        %get3A_1366 = tpu.vector_load %arg6[%get3A_1363, %get3A_1364, %get3A_1365] {strides = array<i32>} : memref<2x80x64xi32, #tpu.memory_space<vmem>>, vector<16xi32>,
        %bitcast3A_1367 = vector.bitcast %get3A_1366 : vector<16xi32> to vector<32xbf16>
        %get3A_1368 = arith.constant 0 : i32
        %get3A_1369 = arith.index_cast %get3A_1368 : i32 to index
        %get3A_1370 = arith.index_cast %add3A_1361 : i32 to index
        %get3A_1371 = arith.constant 0 : index
        %get3A_1372 = tpu.vector_load %arg7[%get3A_1369, %get3A_1370, %get3A_1371] {strides = array<i32>} : memref<2x80x64xi32, #tpu.memory_space<vmem>>, vector<16xi32>,
        %bitcast3A_1373 = vector.bitcast %get3A_1372 : vector<16xi32> to vector<32xbf16>
        %mul3A_1374 = arith.mulf %bitcast3A_1367, %bitcast3A_1373 : vector<32xbf16>
        %get3A_1375 = arith.constant 0 : i32
        %get3A_1376 = arith.index_cast %get3A_1375 : i32 to index
        %get3A_1377 = arith.index_cast %add3A_1361 : i32 to index
        %get3A_1378 = arith.constant 16 : index
        %get3A_1379 = tpu.vector_load %arg6[%get3A_1376, %get3A_1377, %get3A_1378] {strides = array<i32>} : memref<2x80x64xi32, #tpu.memory_space<vmem>>, vector<16xi32>,
        %bitcast3A_1380 = vector.bitcast %get3A_1379 : vector<16xi32> to vector<32xbf16>
        %get3A_1381 = arith.constant 0 : i32
        %get3A_1382 = arith.index_cast %get3A_1381 : i32 to index
        %get3A_1383 = arith.index_cast %add3A_1361 : i32 to index
        %get3A_1384 = arith.constant 16 : index
        %get3A_1385 = tpu.vector_load %arg7[%get3A_1382, %get3A_1383, %get3A_1384] {strides = array<i32>} : memref<2x80x64xi32, #tpu.memory_space<vmem>>, vector<16xi32>,
        %bitcast3A_1386 = vector.bitcast %get3A_1385 : vector<16xi32> to vector<32xbf16>
        %mul3A_1387 = arith.mulf %bitcast3A_1380, %bitcast3A_1386 : vector<32xbf16>
        %add3A_1388 = arith.addf %mul3A_1374, %mul3A_1387 : vector<32xbf16>
        %unpack3A_1389 = tpu.unpack_subelements %add3A_1388, 0 {pack_format = #tpu.pack_format<interleaved>} : vector<32xbf16> -> vector<16xf32>
        %unpack3A_1390 = tpu.unpack_subelements %add3A_1388, 1 {pack_format = #tpu.pack_format<interleaved>} : vector<32xbf16> -> vector<16xf32>
        %add3A_1391 = arith.addf %unpack3A_1389, %unpack3A_1390 : vector<16xf32>
        %get3A_1392 = arith.constant 0 : i32
        %get3A_1393 = arith.index_cast %get3A_1392 : i32 to index
        %get3A_1394 = arith.index_cast %add3A_1361 : i32 to index
        %get3A_1395 = arith.constant 32 : index
        %get3A_1396 = tpu.vector_load %arg6[%get3A_1393, %get3A_1394, %get3A_1395] {strides = array<i32>} : memref<2x80x64xi32, #tpu.memory_space<vmem>>, vector<16xi32>,
        %bitcast3A_1397 = vector.bitcast %get3A_1396 : vector<16xi32> to vector<32xbf16>
        %get3A_1398 = arith.constant 0 : i32
        %get3A_1399 = arith.index_cast %get3A_1398 : i32 to index
        %get3A_1400 = arith.index_cast %add3A_1361 : i32 to index
        %get3A_1401 = arith.constant 32 : index
        %get3A_1402 = tpu.vector_load %arg7[%get3A_1399, %get3A_1400, %get3A_1401] {strides = array<i32>} : memref<2x80x64xi32, #tpu.memory_space<vmem>>, vector<16xi32>,
        %bitcast3A_1403 = vector.bitcast %get3A_1402 : vector<16xi32> to vector<32xbf16>
        %mul3A_1404 = arith.mulf %bitcast3A_1397, %bitcast3A_1403 : vector<32xbf16>
        %get3A_1405 = arith.constant 0 : i32
        %get3A_1406 = arith.index_cast %get3A_1405 : i32 to index
        %get3A_1407 = arith.index_cast %add3A_1361 : i32 to index
        %get3A_1408 = arith.constant 48 : index
        %get3A_1409 = tpu.vector_load %arg6[%get3A_1406, %get3A_1407, %get3A_1408] {strides = array<i32>} : memref<2x80x64xi32, #tpu.memory_space<vmem>>, vector<16xi32>,
        %bitcast3A_1410 = vector.bitcast %get3A_1409 : vector<16xi32> to vector<32xbf16>
        %get3A_1411 = arith.constant 0 : i32
        %get3A_1412 = arith.index_cast %get3A_1411 : i32 to index
        %get3A_1413 = arith.index_cast %add3A_1361 : i32 to index
        %get3A_1414 = arith.constant 48 : index
        %get3A_1415 = tpu.vector_load %arg7[%get3A_1412, %get3A_1413, %get3A_1414] {strides = array<i32>} : memref<2x80x64xi32, #tpu.memory_space<vmem>>, vector<16xi32>,
        %bitcast3A_1416 = vector.bitcast %get3A_1415 : vector<16xi32> to vector<32xbf16>
        %mul3A_1417 = arith.mulf %bitcast3A_1410, %bitcast3A_1416 : vector<32xbf16>
        %add3A_1418 = arith.addf %mul3A_1404, %mul3A_1417 : vector<32xbf16>
        %unpack3A_1419 = tpu.unpack_subelements %add3A_1418, 0 {pack_format = #tpu.pack_format<interleaved>} : vector<32xbf16> -> vector<16xf32>
        %unpack3A_1420 = tpu.unpack_subelements %add3A_1418, 1 {pack_format = #tpu.pack_format<interleaved>} : vector<32xbf16> -> vector<16xf32>
        %add3A_1421 = arith.addf %unpack3A_1419, %unpack3A_1420 : vector<16xf32>
        %add3A_1422 = arith.addf %add3A_1391, %add3A_1421 : vector<16xf32>
        %swap3A_1423 = arith.constant 15 : i32
        %swap3A_1424 = arith.index_cast %swap3A_1423 : i32 to index
        %swap3A_1425 = arith.constant 0 : index
        %swap3A_1426 = tpu.vector_load %arg9[%swap3A_1424, %swap3A_1425] {strides = array<i32>} : memref<16x16xf32, #tpu.memory_space<vmem>>, vector<16xf32>,
        tpu.vector_store %arg9[%swap3A_1424, %swap3A_1425], %add3A_1422 {strides = array<i32>} : memref<16x16xf32, #tpu.memory_space<vmem>>, vector<16xf32>,
        %broadcast_in_dim3A = arith.constant 0.000000e+00 : f32
        %broadcast_in_dim3A_1427 = vector.broadcast %broadcast_in_dim3A : f32 to vector<16xf32>
        %broadcast_in_dim3A_1428 = arith.constant 0.000000e+00 : f32
        %broadcast_in_dim3A_1429 = vector.broadcast %broadcast_in_dim3A_1428 : f32 to vector<16xf32>
        %broadcast_in_dim3A_1430 = arith.constant 0.000000e+00 : f32
        %broadcast_in_dim3A_1431 = vector.broadcast %broadcast_in_dim3A_1430 : f32 to vector<16xf32>
        %broadcast_in_dim3A_1432 = arith.constant 0.000000e+00 : f32
        %broadcast_in_dim3A_1433 = vector.broadcast %broadcast_in_dim3A_1432 : f32 to vector<16xf32>
        %add3A_1434 = arith.constant 0 : i32
        %add3A_1435 = vector.broadcast %add3A_1434 : i32 to vector<16xi32>
        %add3A_1436 = arith.addi %iota3A, %add3A_1435 : vector<16xi32>
        %and3A = arith.constant 15 : i32
        %and3A_1437 = vector.broadcast %and3A : i32 to vector<16xi32>
        %and3A_1438 = arith.andi %add3A_1436, %and3A_1437 : vector<16xi32>
        %gather3A = tpu.vector_load_idx %arg9[%iota3A, %and3A_1438] : memref<16x16xf32, #tpu.memory_space<vmem>>[vector<16xi32>, vector<16xi32>], vector<16xf32>,
        %add3A_1439 = arith.addf %broadcast_in_dim3A_1427, %gather3A : vector<16xf32>
        %add3A_1440 = arith.constant 1 : i32
        %add3A_1441 = vector.broadcast %add3A_1440 : i32 to vector<16xi32>
        %add3A_1442 = arith.addi %iota3A, %add3A_1441 : vector<16xi32>
        %and3A_1443 = arith.constant 15 : i32
        %and3A_1444 = vector.broadcast %and3A_1443 : i32 to vector<16xi32>
        %and3A_1445 = arith.andi %add3A_1442, %and3A_1444 : vector<16xi32>
        %gather3A_1446 = tpu.vector_load_idx %arg9[%iota3A, %and3A_1445] : memref<16x16xf32, #tpu.memory_space<vmem>>[vector<16xi32>, vector<16xi32>], vector<16xf32>,
        %add3A_1447 = arith.addf %broadcast_in_dim3A_1429, %gather3A_1446 : vector<16xf32>
        %add3A_1448 = arith.constant 2 : i32
        %add3A_1449 = vector.broadcast %add3A_1448 : i32 to vector<16xi32>
        %add3A_1450 = arith.addi %iota3A, %add3A_1449 : vector<16xi32>
        %and3A_1451 = arith.constant 15 : i32
        %and3A_1452 = vector.broadcast %and3A_1451 : i32 to vector<16xi32>
        %and3A_1453 = arith.andi %add3A_1450, %and3A_1452 : vector<16xi32>
        %gather3A_1454 = tpu.vector_load_idx %arg9[%iota3A, %and3A_1453] : memref<16x16xf32, #tpu.memory_space<vmem>>[vector<16xi32>, vector<16xi32>], vector<16xf32>,
        %add3A_1455 = arith.addf %broadcast_in_dim3A_1431, %gather3A_1454 : vector<16xf32>
        %add3A_1456 = arith.constant 3 : i32
        %add3A_1457 = vector.broadcast %add3A_1456 : i32 to vector<16xi32>
        %add3A_1458 = arith.addi %iota3A, %add3A_1457 : vector<16xi32>
        %and3A_1459 = arith.constant 15 : i32
        %and3A_1460 = vector.broadcast %and3A_1459 : i32 to vector<16xi32>
        %and3A_1461 = arith.andi %add3A_1458, %and3A_1460 : vector<16xi32>
        %gather3A_1462 = tpu.vector_load_idx %arg9[%iota3A, %and3A_1461] : memref<16x16xf32, #tpu.memory_space<vmem>>[vector<16xi32>, vector<16xi32>], vector<16xf32>,
        %add3A_1463 = arith.addf %broadcast_in_dim3A_1433, %gather3A_1462 : vector<16xf32>
        %add3A_1464 = arith.constant 4 : i32
        %add3A_1465 = vector.broadcast %add3A_1464 : i32 to vector<16xi32>
        %add3A_1466 = arith.addi %iota3A, %add3A_1465 : vector<16xi32>
        %and3A_1467 = arith.constant 15 : i32
        %and3A_1468 = vector.broadcast %and3A_1467 : i32 to vector<16xi32>
        %and3A_1469 = arith.andi %add3A_1466, %and3A_1468 : vector<16xi32>
        %gather3A_1470 = tpu.vector_load_idx %arg9[%iota3A, %and3A_1469] : memref<16x16xf32, #tpu.memory_space<vmem>>[vector<16xi32>, vector<16xi32>], vector<16xf32>,
        %add3A_1471 = arith.addf %add3A_1439, %gather3A_1470 : vector<16xf32>
        %add3A_1472 = arith.constant 5 : i32
        %add3A_1473 = vector.broadcast %add3A_1472 : i32 to vector<16xi32>
        %add3A_1474 = arith.addi %iota3A, %add3A_1473 : vector<16xi32>
        %and3A_1475 = arith.constant 15 : i32
        %and3A_1476 = vector.broadcast %and3A_1475 : i32 to vector<16xi32>
        %and3A_1477 = arith.andi %add3A_1474, %and3A_1476 : vector<16xi32>
        %gather3A_1478 = tpu.vector_load_idx %arg9[%iota3A, %and3A_1477] : memref<16x16xf32, #tpu.memory_space<vmem>>[vector<16xi32>, vector<16xi32>], vector<16xf32>,
        %add3A_1479 = arith.addf %add3A_1447, %gather3A_1478 : vector<16xf32>
        %add3A_1480 = arith.constant 6 : i32
        %add3A_1481 = vector.broadcast %add3A_1480 : i32 to vector<16xi32>
        %add3A_1482 = arith.addi %iota3A, %add3A_1481 : vector<16xi32>
        %and3A_1483 = arith.constant 15 : i32
        %and3A_1484 = vector.broadcast %and3A_1483 : i32 to vector<16xi32>
        %and3A_1485 = arith.andi %add3A_1482, %and3A_1484 : vector<16xi32>
        %gather3A_1486 = tpu.vector_load_idx %arg9[%iota3A, %and3A_1485] : memref<16x16xf32, #tpu.memory_space<vmem>>[vector<16xi32>, vector<16xi32>], vector<16xf32>,
        %add3A_1487 = arith.addf %add3A_1455, %gather3A_1486 : vector<16xf32>
        %add3A_1488 = arith.constant 7 : i32
        %add3A_1489 = vector.broadcast %add3A_1488 : i32 to vector<16xi32>
        %add3A_1490 = arith.addi %iota3A, %add3A_1489 : vector<16xi32>
        %and3A_1491 = arith.constant 15 : i32
        %and3A_1492 = vector.broadcast %and3A_1491 : i32 to vector<16xi32>
        %and3A_1493 = arith.andi %add3A_1490, %and3A_1492 : vector<16xi32>
        %gather3A_1494 = tpu.vector_load_idx %arg9[%iota3A, %and3A_1493] : memref<16x16xf32, #tpu.memory_space<vmem>>[vector<16xi32>, vector<16xi32>], vector<16xf32>,
        %add3A_1495 = arith.addf %add3A_1463, %gather3A_1494 : vector<16xf32>
        %add3A_1496 = arith.constant 8 : i32
        %add3A_1497 = vector.broadcast %add3A_1496 : i32 to vector<16xi32>
        %add3A_1498 = arith.addi %iota3A, %add3A_1497 : vector<16xi32>
        %and3A_1499 = arith.constant 15 : i32
        %and3A_1500 = vector.broadcast %and3A_1499 : i32 to vector<16xi32>
        %and3A_1501 = arith.andi %add3A_1498, %and3A_1500 : vector<16xi32>
        %gather3A_1502 = tpu.vector_load_idx %arg9[%iota3A, %and3A_1501] : memref<16x16xf32, #tpu.memory_space<vmem>>[vector<16xi32>, vector<16xi32>], vector<16xf32>,
        %add3A_1503 = arith.addf %add3A_1471, %gather3A_1502 : vector<16xf32>
        %add3A_1504 = arith.constant 9 : i32
        %add3A_1505 = vector.broadcast %add3A_1504 : i32 to vector<16xi32>
        %add3A_1506 = arith.addi %iota3A, %add3A_1505 : vector<16xi32>
        %and3A_1507 = arith.constant 15 : i32
        %and3A_1508 = vector.broadcast %and3A_1507 : i32 to vector<16xi32>
        %and3A_1509 = arith.andi %add3A_1506, %and3A_1508 : vector<16xi32>
        %gather3A_1510 = tpu.vector_load_idx %arg9[%iota3A, %and3A_1509] : memref<16x16xf32, #tpu.memory_space<vmem>>[vector<16xi32>, vector<16xi32>], vector<16xf32>,
        %add3A_1511 = arith.addf %add3A_1479, %gather3A_1510 : vector<16xf32>
        %add3A_1512 = arith.constant 10 : i32
        %add3A_1513 = vector.broadcast %add3A_1512 : i32 to vector<16xi32>
        %add3A_1514 = arith.addi %iota3A, %add3A_1513 : vector<16xi32>
        %and3A_1515 = arith.constant 15 : i32
        %and3A_1516 = vector.broadcast %and3A_1515 : i32 to vector<16xi32>
        %and3A_1517 = arith.andi %add3A_1514, %and3A_1516 : vector<16xi32>
        %gather3A_1518 = tpu.vector_load_idx %arg9[%iota3A, %and3A_1517] : memref<16x16xf32, #tpu.memory_space<vmem>>[vector<16xi32>, vector<16xi32>], vector<16xf32>,
        %add3A_1519 = arith.addf %add3A_1487, %gather3A_1518 : vector<16xf32>
        %add3A_1520 = arith.constant 11 : i32
        %add3A_1521 = vector.broadcast %add3A_1520 : i32 to vector<16xi32>
        %add3A_1522 = arith.addi %iota3A, %add3A_1521 : vector<16xi32>
        %and3A_1523 = arith.constant 15 : i32
        %and3A_1524 = vector.broadcast %and3A_1523 : i32 to vector<16xi32>
        %and3A_1525 = arith.andi %add3A_1522, %and3A_1524 : vector<16xi32>
        %gather3A_1526 = tpu.vector_load_idx %arg9[%iota3A, %and3A_1525] : memref<16x16xf32, #tpu.memory_space<vmem>>[vector<16xi32>, vector<16xi32>], vector<16xf32>,
        %add3A_1527 = arith.addf %add3A_1495, %gather3A_1526 : vector<16xf32>
        %add3A_1528 = arith.constant 12 : i32
        %add3A_1529 = vector.broadcast %add3A_1528 : i32 to vector<16xi32>
        %add3A_1530 = arith.addi %iota3A, %add3A_1529 : vector<16xi32>
        %and3A_1531 = arith.constant 15 : i32
        %and3A_1532 = vector.broadcast %and3A_1531 : i32 to vector<16xi32>
        %and3A_1533 = arith.andi %add3A_1530, %and3A_1532 : vector<16xi32>
        %gather3A_1534 = tpu.vector_load_idx %arg9[%iota3A, %and3A_1533] : memref<16x16xf32, #tpu.memory_space<vmem>>[vector<16xi32>, vector<16xi32>], vector<16xf32>,
        %add3A_1535 = arith.addf %add3A_1503, %gather3A_1534 : vector<16xf32>
        %add3A_1536 = arith.constant 13 : i32
        %add3A_1537 = vector.broadcast %add3A_1536 : i32 to vector<16xi32>
        %add3A_1538 = arith.addi %iota3A, %add3A_1537 : vector<16xi32>
        %and3A_1539 = arith.constant 15 : i32
        %and3A_1540 = vector.broadcast %and3A_1539 : i32 to vector<16xi32>
        %and3A_1541 = arith.andi %add3A_1538, %and3A_1540 : vector<16xi32>
        %gather3A_1542 = tpu.vector_load_idx %arg9[%iota3A, %and3A_1541] : memref<16x16xf32, #tpu.memory_space<vmem>>[vector<16xi32>, vector<16xi32>], vector<16xf32>,
        %add3A_1543 = arith.addf %add3A_1511, %gather3A_1542 : vector<16xf32>
        %add3A_1544 = arith.constant 14 : i32
        %add3A_1545 = vector.broadcast %add3A_1544 : i32 to vector<16xi32>
        %add3A_1546 = arith.addi %iota3A, %add3A_1545 : vector<16xi32>
        %and3A_1547 = arith.constant 15 : i32
        %and3A_1548 = vector.broadcast %and3A_1547 : i32 to vector<16xi32>
        %and3A_1549 = arith.andi %add3A_1546, %and3A_1548 : vector<16xi32>
        %gather3A_1550 = tpu.vector_load_idx %arg9[%iota3A, %and3A_1549] : memref<16x16xf32, #tpu.memory_space<vmem>>[vector<16xi32>, vector<16xi32>], vector<16xf32>,
        %add3A_1551 = arith.addf %add3A_1519, %gather3A_1550 : vector<16xf32>
        %add3A_1552 = arith.constant 15 : i32
        %add3A_1553 = vector.broadcast %add3A_1552 : i32 to vector<16xi32>
        %add3A_1554 = arith.addi %iota3A, %add3A_1553 : vector<16xi32>
        %and3A_1555 = arith.constant 15 : i32
        %and3A_1556 = vector.broadcast %and3A_1555 : i32 to vector<16xi32>
        %and3A_1557 = arith.andi %add3A_1554, %and3A_1556 : vector<16xi32>
        %gather3A_1558 = tpu.vector_load_idx %arg9[%iota3A, %and3A_1557] : memref<16x16xf32, #tpu.memory_space<vmem>>[vector<16xi32>, vector<16xi32>], vector<16xf32>,
        %add3A_1559 = arith.addf %add3A_1527, %gather3A_1558 : vector<16xf32>
        %add3A_1560 = arith.addf %add3A_1535, %add3A_1543 : vector<16xf32>
        %add3A_1561 = arith.addf %add3A_1551, %add3A_1559 : vector<16xf32>
        %add3A_1562 = arith.addf %add3A_1560, %add3A_1561 : vector<16xf32>
        %mul3A_1563 = arith.constant 16 : i32
        %mul3A_1564 = arith.muli %scan3A_325, %mul3A_1563 : i32
        %swap3A_1565 = arith.constant 0 : i32
        %swap3A_1566 = arith.index_cast %swap3A_1565 : i32 to index
        %swap3A_1567 = arith.index_cast %mul3A_1564 : i32 to index
        %swap3A_1568 = tpu.vector_load %arg8[%swap3A_1566, %swap3A_1567] {strides = array<i32>} : memref<2x80xf32, #tpu.memory_space<vmem>>, vector<16xf32>,
        tpu.vector_store %arg8[%swap3A_1566, %swap3A_1567], %add3A_1562 {strides = array<i32>} : memref<2x80xf32, #tpu.memory_space<vmem>>, vector<16xf32>,
        %scan3A_1569 = arith.constant 0 : i32
        scf.yield %scan3A_1569 : i32
      }
      %scan3A_233 = arith.constant 5 : i32
      %mul3A_234 = arith.constant 125 : i32
      %mul3A_235 = arith.muli %add3A, %mul3A_234 : i32
      %add3A_236 = arith.addi %mul3A_235, %mul3A_162 : i32
      %dma_start3A_237 = arith.constant 0 : i32
      %dma_start3A_238 = arith.constant 0 : i32
      %dma_start3A_239 = arith.constant 0 : i32
      %dma_start3A_240 = tpu.memref_slice %arg8[%dma_start3A_237, %dma_start3A_239] : memref<2x80xf32, #tpu.memory_space<vmem>> -> memref<1x80xf32, #tpu.memory_space<vmem>>
      %dma_start3A_241 = tpu.memref_squeeze %dma_start3A_240 : memref<1x80xf32, #tpu.memory_space<vmem>> -> memref<80xf32, #tpu.memory_space<vmem>>
      %dma_start3A_242 = arith.constant 0 : i32
      %dma_start3A_243 = tpu.memref_slice %arg4[%add3A_236, %dma_start3A_242] : memref<4000x80xf32, #tpu.memory_space<hbm>> -> memref<1x80xf32, #tpu.memory_space<hbm>>
      %dma_start3A_244 = tpu.memref_squeeze %dma_start3A_243 : memref<1x80xf32, #tpu.memory_space<hbm>> -> memref<80xf32, #tpu.memory_space<hbm>>
      %dma_start3A_245 = tpu.memref_slice %arg11[%dma_start3A_238] : memref<2x!tpu.dma_semaphore, #tpu.memory_space<semaphore_mem>> -> memref<1x!tpu.dma_semaphore, #tpu.memory_space<semaphore_mem>>
      %dma_start3A_246 = tpu.memref_squeeze %dma_start3A_245 : memref<1x!tpu.dma_semaphore, #tpu.memory_space<semaphore_mem>> -> memref<!tpu.dma_semaphore, #tpu.memory_space<semaphore_mem>>
      %dma_start3A_247 = arith.constant 0 : i32
      %dma_start3A_248 = tpu.memref_slice %arg4[%add3A_236, %dma_start3A_247] : memref<4000x80xf32, #tpu.memory_space<hbm>> -> memref<1x80xf32, #tpu.memory_space<hbm>>
      %dma_start3A_249 = tpu.memref_squeeze %dma_start3A_248 : memref<1x80xf32, #tpu.memory_space<hbm>> -> memref<80xf32, #tpu.memory_space<hbm>>
      %dma_start3A_250 = arith.constant 0 : i32
      %dma_start3A_251 = tpu.memref_slice %arg8[%dma_start3A_237, %dma_start3A_250] : memref<2x80xf32, #tpu.memory_space<vmem>> -> memref<1x80xf32, #tpu.memory_space<vmem>>
      %dma_start3A_252 = tpu.memref_squeeze %dma_start3A_251 : memref<1x80xf32, #tpu.memory_space<vmem>> -> memref<80xf32, #tpu.memory_space<vmem>>
      tpu.enqueue_dma source(%dma_start3A_252 : memref<80xf32, #tpu.memory_space<vmem>>) target(%dma_start3A_249 : memref<80xf32, #tpu.memory_space<hbm>>) target_semaphore(%dma_start3A_246 : memref<!tpu.dma_semaphore, #tpu.memory_space<semaphore_mem>>)
      %add3A_253 = arith.constant 2 : i32
      %add3A_254 = arith.addi %mul3A_162, %add3A_253 : i32
      %lt3A = arith.constant 125 : i32
      %lt3A_255 = arith.cmpi slt, %add3A_254, %lt3A : i32
      %convert_element_type3A_256 = arith.extui %lt3A_255 : i1 to i32
      %cond3A_257 = arith.constant 0 : i32
      %cond3A_258 = arith.cmpi ne, %convert_element_type3A_256, %cond3A_257 : i32
      scf.if %cond3A_258 {
        %add3A_325 = arith.constant 2 : i32
        %add3A_326 = arith.addi %mul3A_162, %add3A_325 : i32
        %dma_start3A_327 = arith.constant 0 : i32
        %dma_start3A_328 = arith.constant 0 : i32
        %dma_start3A_329 = arith.constant 0 : i32
        %dma_start3A_330 = arith.constant 0 : i32
        %dma_start3A_331 = arith.constant 0 : i32
        %dma_start3A_332 = tpu.memref_slice %arg6[%dma_start3A_328, %dma_start3A_330, %dma_start3A_331] : memref<2x80x64xi32, #tpu.memory_space<vmem>> -> memref<1x80x64xi32, #tpu.memory_space<vmem>>
        %dma_start3A_333 = tpu.memref_squeeze %dma_start3A_332 : memref<1x80x64xi32, #tpu.memory_space<vmem>> -> memref<80x64xi32, #tpu.memory_space<vmem>>
        %dma_start3A_334 = arith.constant 0 : i32
        %dma_start3A_335 = tpu.memref_slice %arg5[%dma_start3A_327, %add3A_326, %dma_start3A_334] : memref<2x125x80xi32, #tpu.memory_space<vmem>> -> memref<1x1x80xi32, #tpu.memory_space<vmem>>
        %dma_start3A_336 = tpu.memref_squeeze %dma_start3A_335 : memref<1x1x80xi32, #tpu.memory_space<vmem>> -> memref<80xi32, #tpu.memory_space<vmem>>
        %dma_start3A_337 = arith.constant 0 : i32
        %dma_start3A_338 = arith.constant 0 : i32
        %dma_start3A_339 = tpu.memref_slice %arg2[%dma_start3A_337, %dma_start3A_338] : memref<10000x64xi32, #tpu.memory_space<hbm>> -> memref<10000x64xi32, #tpu.memory_space<hbm>>
        %dma_start3A_340 = tpu.memref_slice %arg10[%dma_start3A_329] : memref<2x!tpu.dma_semaphore, #tpu.memory_space<semaphore_mem>> -> memref<1x!tpu.dma_semaphore, #tpu.memory_space<semaphore_mem>>
        %dma_start3A_341 = tpu.memref_squeeze %dma_start3A_340 : memref<1x!tpu.dma_semaphore, #tpu.memory_space<semaphore_mem>> -> memref<!tpu.dma_semaphore, #tpu.memory_space<semaphore_mem>>
        tpu.enqueue_indirect_dma source(%dma_start3A_339 : memref<10000x64xi32, #tpu.memory_space<hbm>>) target(%dma_start3A_333 : memref<80x64xi32, #tpu.memory_space<vmem>>) offsets(%dma_start3A_336 : memref<80xi32, #tpu.memory_space<vmem>>) semaphore(%dma_start3A_341 : memref<!tpu.dma_semaphore, #tpu.memory_space<semaphore_mem>>)
        %dma_start3A_342 = arith.constant 1 : i32
        %dma_start3A_343 = arith.constant 0 : i32
        %dma_start3A_344 = arith.constant 0 : i32
        %dma_start3A_345 = arith.constant 0 : i32
        %dma_start3A_346 = arith.constant 0 : i32
        %dma_start3A_347 = tpu.memref_slice %arg7[%dma_start3A_343, %dma_start3A_345, %dma_start3A_346] : memref<2x80x64xi32, #tpu.memory_space<vmem>> -> memref<1x80x64xi32, #tpu.memory_space<vmem>>
        %dma_start3A_348 = tpu.memref_squeeze %dma_start3A_347 : memref<1x80x64xi32, #tpu.memory_space<vmem>> -> memref<80x64xi32, #tpu.memory_space<vmem>>
        %dma_start3A_349 = arith.constant 0 : i32
        %dma_start3A_350 = tpu.memref_slice %arg5[%dma_start3A_342, %add3A_326, %dma_start3A_349] : memref<2x125x80xi32, #tpu.memory_space<vmem>> -> memref<1x1x80xi32, #tpu.memory_space<vmem>>
        %dma_start3A_351 = tpu.memref_squeeze %dma_start3A_350 : memref<1x1x80xi32, #tpu.memory_space<vmem>> -> memref<80xi32, #tpu.memory_space<vmem>>
        %dma_start3A_352 = arith.constant 0 : i32
        %dma_start3A_353 = arith.constant 0 : i32
        %dma_start3A_354 = tpu.memref_slice %arg2[%dma_start3A_352, %dma_start3A_353] : memref<10000x64xi32, #tpu.memory_space<hbm>> -> memref<10000x64xi32, #tpu.memory_space<hbm>>
        %dma_start3A_355 = tpu.memref_slice %arg10[%dma_start3A_344] : memref<2x!tpu.dma_semaphore, #tpu.memory_space<semaphore_mem>> -> memref<1x!tpu.dma_semaphore, #tpu.memory_space<semaphore_mem>>
        %dma_start3A_356 = tpu.memref_squeeze %dma_start3A_355 : memref<1x!tpu.dma_semaphore, #tpu.memory_space<semaphore_mem>> -> memref<!tpu.dma_semaphore, #tpu.memory_space<semaphore_mem>>
        tpu.enqueue_indirect_dma source(%dma_start3A_354 : memref<10000x64xi32, #tpu.memory_space<hbm>>) target(%dma_start3A_348 : memref<80x64xi32, #tpu.memory_space<vmem>>) offsets(%dma_start3A_351 : memref<80xi32, #tpu.memory_space<vmem>>) semaphore(%dma_start3A_356 : memref<!tpu.dma_semaphore, #tpu.memory_space<semaphore_mem>>)
      } else {
      }
      %add3A_259 = arith.constant 1 : i32
      %add3A_260 = arith.addi %mul3A_162, %add3A_259 : i32
      %dma_wait3A_261 = arith.constant 0 : i32
      %dma_wait3A_262 = arith.constant 1 : i32
      %dma_wait3A_263 = arith.constant 1 : i32
      %dma_wait3A_264 = arith.constant 0 : i32
      %dma_wait3A_265 = arith.constant 0 : i32
      %dma_wait3A_266 = tpu.memref_slice %arg6[%dma_wait3A_262, %dma_wait3A_264, %dma_wait3A_265] : memref<2x80x64xi32, #tpu.memory_space<vmem>> -> memref<1x80x64xi32, #tpu.memory_space<vmem>>
      %dma_wait3A_267 = tpu.memref_squeeze %dma_wait3A_266 : memref<1x80x64xi32, #tpu.memory_space<vmem>> -> memref<80x64xi32, #tpu.memory_space<vmem>>
      %dma_wait3A_268 = arith.constant 0 : i32
      %dma_wait3A_269 = tpu.memref_slice %arg5[%dma_wait3A_261, %add3A_260, %dma_wait3A_268] : memref<2x125x80xi32, #tpu.memory_space<vmem>> -> memref<1x1x80xi32, #tpu.memory_space<vmem>>
      %dma_wait3A_270 = tpu.memref_squeeze %dma_wait3A_269 : memref<1x1x80xi32, #tpu.memory_space<vmem>> -> memref<80xi32, #tpu.memory_space<vmem>>
      %dma_wait3A_271 = arith.constant 0 : i32
      %dma_wait3A_272 = arith.constant 0 : i32
      %dma_wait3A_273 = tpu.memref_slice %arg2[%dma_wait3A_271, %dma_wait3A_272] : memref<10000x64xi32, #tpu.memory_space<hbm>> -> memref<10000x64xi32, #tpu.memory_space<hbm>>
      %dma_wait3A_274 = tpu.memref_slice %arg10[%dma_wait3A_263] : memref<2x!tpu.dma_semaphore, #tpu.memory_space<semaphore_mem>> -> memref<1x!tpu.dma_semaphore, #tpu.memory_space<semaphore_mem>>
      %dma_wait3A_275 = tpu.memref_squeeze %dma_wait3A_274 : memref<1x!tpu.dma_semaphore, #tpu.memory_space<semaphore_mem>> -> memref<!tpu.dma_semaphore, #tpu.memory_space<semaphore_mem>>
      tpu.wait_indirect_dma semaphore(%dma_wait3A_275 : memref<!tpu.dma_semaphore, #tpu.memory_space<semaphore_mem>>) src(%dma_wait3A_273 : memref<10000x64xi32, #tpu.memory_space<hbm>>) dst(%dma_wait3A_267 : memref<80x64xi32, #tpu.memory_space<vmem>>)
      %dma_wait3A_276 = arith.constant 1 : i32
      %dma_wait3A_277 = arith.constant 1 : i32
      %dma_wait3A_278 = arith.constant 1 : i32
      %dma_wait3A_279 = arith.constant 0 : i32
      %dma_wait3A_280 = arith.constant 0 : i32
      %dma_wait3A_281 = tpu.memref_slice %arg7[%dma_wait3A_277, %dma_wait3A_279, %dma_wait3A_280] : memref<2x80x64xi32, #tpu.memory_space<vmem>> -> memref<1x80x64xi32, #tpu.memory_space<vmem>>
      %dma_wait3A_282 = tpu.memref_squeeze %dma_wait3A_281 : memref<1x80x64xi32, #tpu.memory_space<vmem>> -> memref<80x64xi32, #tpu.memory_space<vmem>>
      %dma_wait3A_283 = arith.constant 0 : i32
      %dma_wait3A_284 = tpu.memref_slice %arg5[%dma_wait3A_276, %add3A_260, %dma_wait3A_283] : memref<2x125x80xi32, #tpu.memory_space<vmem>> -> memref<1x1x80xi32, #tpu.memory_space<vmem>>
      %dma_wait3A_285 = tpu.memref_squeeze %dma_wait3A_284 : memref<1x1x80xi32, #tpu.memory_space<vmem>> -> memref<80xi32, #tpu.memory_space<vmem>>
      %dma_wait3A_286 = arith.constant 0 : i32
      %dma_wait3A_287 = arith.constant 0 : i32
      %dma_wait3A_288 = tpu.memref_slice %arg2[%dma_wait3A_286, %dma_wait3A_287] : memref<10000x64xi32, #tpu.memory_space<hbm>> -> memref<10000x64xi32, #tpu.memory_space<hbm>>
      %dma_wait3A_289 = tpu.memref_slice %arg10[%dma_wait3A_278] : memref<2x!tpu.dma_semaphore, #tpu.memory_space<semaphore_mem>> -> memref<1x!tpu.dma_semaphore, #tpu.memory_space<semaphore_mem>>
      %dma_wait3A_290 = tpu.memref_squeeze %dma_wait3A_289 : memref<1x!tpu.dma_semaphore, #tpu.memory_space<semaphore_mem>> -> memref<!tpu.dma_semaphore, #tpu.memory_space<semaphore_mem>>
      tpu.wait_indirect_dma semaphore(%dma_wait3A_290 : memref<!tpu.dma_semaphore, #tpu.memory_space<semaphore_mem>>) src(%dma_wait3A_288 : memref<10000x64xi32, #tpu.memory_space<hbm>>) dst(%dma_wait3A_282 : memref<80x64xi32, #tpu.memory_space<vmem>>)
      %gt3A_291 = arith.constant 0 : i32
      %gt3A_292 = arith.cmpi sgt, %scan3A_159, %gt3A_291 : i32
      %convert_element_type3A_293 = arith.extui %gt3A_292 : i1 to i32
      %cond3A_294 = arith.constant 0 : i32
      %cond3A_295 = arith.cmpi ne, %convert_element_type3A_293, %cond3A_294 : i32
      scf.if %cond3A_295 {
        %sub3A = arith.constant 1 : i32
        %sub3A_325 = arith.subi %mul3A_162, %sub3A : i32
        %mul3A_326 = arith.constant 125 : i32
        %mul3A_327 = arith.muli %add3A, %mul3A_326 : i32
        %add3A_328 = arith.addi %mul3A_327, %sub3A_325 : i32
        %dma_wait3A_329 = arith.constant 1 : i32
        %dma_wait3A_330 = arith.constant 1 : i32
        %dma_wait3A_331 = arith.constant 0 : i32
        %dma_wait3A_332 = tpu.memref_slice %arg8[%dma_wait3A_329, %dma_wait3A_331] : memref<2x80xf32, #tpu.memory_space<vmem>> -> memref<1x80xf32, #tpu.memory_space<vmem>>
        %dma_wait3A_333 = tpu.memref_squeeze %dma_wait3A_332 : memref<1x80xf32, #tpu.memory_space<vmem>> -> memref<80xf32, #tpu.memory_space<vmem>>
        %dma_wait3A_334 = arith.constant 0 : i32
        %dma_wait3A_335 = tpu.memref_slice %arg4[%add3A_328, %dma_wait3A_334] : memref<4000x80xf32, #tpu.memory_space<hbm>> -> memref<1x80xf32, #tpu.memory_space<hbm>>
        %dma_wait3A_336 = tpu.memref_squeeze %dma_wait3A_335 : memref<1x80xf32, #tpu.memory_space<hbm>> -> memref<80xf32, #tpu.memory_space<hbm>>
        %dma_wait3A_337 = tpu.memref_slice %arg11[%dma_wait3A_330] : memref<2x!tpu.dma_semaphore, #tpu.memory_space<semaphore_mem>> -> memref<1x!tpu.dma_semaphore, #tpu.memory_space<semaphore_mem>>
        %dma_wait3A_338 = tpu.memref_squeeze %dma_wait3A_337 : memref<1x!tpu.dma_semaphore, #tpu.memory_space<semaphore_mem>> -> memref<!tpu.dma_semaphore, #tpu.memory_space<semaphore_mem>>
        %dma_wait3A_339 = arith.constant 0 : i32
        %dma_wait3A_340 = tpu.memref_slice %arg4[%add3A_328, %dma_wait3A_339] : memref<4000x80xf32, #tpu.memory_space<hbm>> -> memref<1x80xf32, #tpu.memory_space<hbm>>
        %dma_wait3A_341 = tpu.memref_squeeze %dma_wait3A_340 : memref<1x80xf32, #tpu.memory_space<hbm>> -> memref<80xf32, #tpu.memory_space<hbm>>
        %dma_wait3A_342 = arith.constant 0 : i32
        %dma_wait3A_343 = tpu.memref_slice %arg8[%dma_wait3A_329, %dma_wait3A_342] : memref<2x80xf32, #tpu.memory_space<vmem>> -> memref<1x80xf32, #tpu.memory_space<vmem>>
        %dma_wait3A_344 = tpu.memref_squeeze %dma_wait3A_343 : memref<1x80xf32, #tpu.memory_space<vmem>> -> memref<80xf32, #tpu.memory_space<vmem>>
        tpu.wait_dma2 semaphore(%dma_wait3A_338 : memref<!tpu.dma_semaphore, #tpu.memory_space<semaphore_mem>>) src(%dma_wait3A_344 : memref<80xf32, #tpu.memory_space<vmem>>) dst(%dma_wait3A_341 : memref<80xf32, #tpu.memory_space<hbm>>)
      } else {
      }
      %add3A_296 = arith.constant 1 : i32
      %add3A_297 = arith.addi %mul3A_162, %add3A_296 : i32
      %scan3A_298 = arith.constant 0 : i32
      %scan3A_299 = arith.constant 0 : i32
      %scan3A_300 = arith.constant 5 : i32
      %scan3A_301 = arith.addi %scan3A_299, %scan3A_300 : i32
      %scan3A_302 = arith.constant 1 : i32
      %scan3A_303 = scf.for %scan3A_325 = %scan3A_299 to %scan3A_301 step %scan3A_302 iter_args(%scan3A_326 = %scan3A_298) -> (i32)  : i32 {
        %mul3A_327 = arith.constant 16 : i32
        %mul3A_328 = arith.muli %scan3A_325, %mul3A_327 : i32
        %add3A_329 = arith.constant 0 : i32
        %add3A_330 = arith.addi %mul3A_328, %add3A_329 : i32
        %get3A = arith.constant 1 : i32
        %get3A_331 = arith.index_cast %get3A : i32 to index
        %get3A_332 = arith.index_cast %add3A_330 : i32 to index
        %get3A_333 = arith.constant 0 : index
        %get3A_334 = tpu.vector_load %arg6[%get3A_331, %get3A_332, %get3A_333] {strides = array<i32>} : memref<2x80x64xi32, #tpu.memory_space<vmem>>, vector<16xi32>,
        %bitcast3A = vector.bitcast %get3A_334 : vector<16xi32> to vector<32xbf16>
        %get3A_335 = arith.constant 1 : i32
        %get3A_336 = arith.index_cast %get3A_335 : i32 to index
        %get3A_337 = arith.index_cast %add3A_330 : i32 to index
        %get3A_338 = arith.constant 0 : index
        %get3A_339 = tpu.vector_load %arg7[%get3A_336, %get3A_337, %get3A_338] {strides = array<i32>} : memref<2x80x64xi32, #tpu.memory_space<vmem>>, vector<16xi32>,
        %bitcast3A_340 = vector.bitcast %get3A_339 : vector<16xi32> to vector<32xbf16>
        %mul3A_341 = arith.mulf %bitcast3A, %bitcast3A_340 : vector<32xbf16>
        %get3A_342 = arith.constant 1 : i32
        %get3A_343 = arith.index_cast %get3A_342 : i32 to index
        %get3A_344 = arith.index_cast %add3A_330 : i32 to index
        %get3A_345 = arith.constant 16 : index
        %get3A_346 = tpu.vector_load %arg6[%get3A_343, %get3A_344, %get3A_345] {strides = array<i32>} : memref<2x80x64xi32, #tpu.memory_space<vmem>>, vector<16xi32>,
        %bitcast3A_347 = vector.bitcast %get3A_346 : vector<16xi32> to vector<32xbf16>
        %get3A_348 = arith.constant 1 : i32
        %get3A_349 = arith.index_cast %get3A_348 : i32 to index
        %get3A_350 = arith.index_cast %add3A_330 : i32 to index
        %get3A_351 = arith.constant 16 : index
        %get3A_352 = tpu.vector_load %arg7[%get3A_349, %get3A_350, %get3A_351] {strides = array<i32>} : memref<2x80x64xi32, #tpu.memory_space<vmem>>, vector<16xi32>,
        %bitcast3A_353 = vector.bitcast %get3A_352 : vector<16xi32> to vector<32xbf16>
        %mul3A_354 = arith.mulf %bitcast3A_347, %bitcast3A_353 : vector<32xbf16>
        %add3A_355 = arith.addf %mul3A_341, %mul3A_354 : vector<32xbf16>
        %unpack3A = tpu.unpack_subelements %add3A_355, 0 {pack_format = #tpu.pack_format<interleaved>} : vector<32xbf16> -> vector<16xf32>
        %unpack3A_356 = tpu.unpack_subelements %add3A_355, 1 {pack_format = #tpu.pack_format<interleaved>} : vector<32xbf16> -> vector<16xf32>
        %add3A_357 = arith.addf %unpack3A, %unpack3A_356 : vector<16xf32>
        %get3A_358 = arith.constant 1 : i32
        %get3A_359 = arith.index_cast %get3A_358 : i32 to index
        %get3A_360 = arith.index_cast %add3A_330 : i32 to index
        %get3A_361 = arith.constant 32 : index
        %get3A_362 = tpu.vector_load %arg6[%get3A_359, %get3A_360, %get3A_361] {strides = array<i32>} : memref<2x80x64xi32, #tpu.memory_space<vmem>>, vector<16xi32>,
        %bitcast3A_363 = vector.bitcast %get3A_362 : vector<16xi32> to vector<32xbf16>
        %get3A_364 = arith.constant 1 : i32
        %get3A_365 = arith.index_cast %get3A_364 : i32 to index
        %get3A_366 = arith.index_cast %add3A_330 : i32 to index
        %get3A_367 = arith.constant 32 : index
        %get3A_368 = tpu.vector_load %arg7[%get3A_365, %get3A_366, %get3A_367] {strides = array<i32>} : memref<2x80x64xi32, #tpu.memory_space<vmem>>, vector<16xi32>,
        %bitcast3A_369 = vector.bitcast %get3A_368 : vector<16xi32> to vector<32xbf16>
        %mul3A_370 = arith.mulf %bitcast3A_363, %bitcast3A_369 : vector<32xbf16>
        %get3A_371 = arith.constant 1 : i32
        %get3A_372 = arith.index_cast %get3A_371 : i32 to index
        %get3A_373 = arith.index_cast %add3A_330 : i32 to index
        %get3A_374 = arith.constant 48 : index
        %get3A_375 = tpu.vector_load %arg6[%get3A_372, %get3A_373, %get3A_374] {strides = array<i32>} : memref<2x80x64xi32, #tpu.memory_space<vmem>>, vector<16xi32>,
        %bitcast3A_376 = vector.bitcast %get3A_375 : vector<16xi32> to vector<32xbf16>
        %get3A_377 = arith.constant 1 : i32
        %get3A_378 = arith.index_cast %get3A_377 : i32 to index
        %get3A_379 = arith.index_cast %add3A_330 : i32 to index
        %get3A_380 = arith.constant 48 : index
        %get3A_381 = tpu.vector_load %arg7[%get3A_378, %get3A_379, %get3A_380] {strides = array<i32>} : memref<2x80x64xi32, #tpu.memory_space<vmem>>, vector<16xi32>,
        %bitcast3A_382 = vector.bitcast %get3A_381 : vector<16xi32> to vector<32xbf16>
        %mul3A_383 = arith.mulf %bitcast3A_376, %bitcast3A_382 : vector<32xbf16>
        %add3A_384 = arith.addf %mul3A_370, %mul3A_383 : vector<32xbf16>
        %unpack3A_385 = tpu.unpack_subelements %add3A_384, 0 {pack_format = #tpu.pack_format<interleaved>} : vector<32xbf16> -> vector<16xf32>
        %unpack3A_386 = tpu.unpack_subelements %add3A_384, 1 {pack_format = #tpu.pack_format<interleaved>} : vector<32xbf16> -> vector<16xf32>
        %add3A_387 = arith.addf %unpack3A_385, %unpack3A_386 : vector<16xf32>
        %add3A_388 = arith.addf %add3A_357, %add3A_387 : vector<16xf32>
        %swap3A = arith.constant 0 : i32
        %swap3A_389 = arith.index_cast %swap3A : i32 to index
        %swap3A_390 = arith.constant 0 : index
        %swap3A_391 = tpu.vector_load %arg9[%swap3A_389, %swap3A_390] {strides = array<i32>} : memref<16x16xf32, #tpu.memory_space<vmem>>, vector<16xf32>,
        tpu.vector_store %arg9[%swap3A_389, %swap3A_390], %add3A_388 {strides = array<i32>} : memref<16x16xf32, #tpu.memory_space<vmem>>, vector<16xf32>,
        %mul3A_392 = arith.constant 16 : i32
        %mul3A_393 = arith.muli %scan3A_325, %mul3A_392 : i32
        %add3A_394 = arith.constant 1 : i32
        %add3A_395 = arith.addi %mul3A_393, %add3A_394 : i32
        %get3A_396 = arith.constant 1 : i32
        %get3A_397 = arith.index_cast %get3A_396 : i32 to index
        %get3A_398 = arith.index_cast %add3A_395 : i32 to index
        %get3A_399 = arith.constant 0 : index
        %get3A_400 = tpu.vector_load %arg6[%get3A_397, %get3A_398, %get3A_399] {strides = array<i32>} : memref<2x80x64xi32, #tpu.memory_space<vmem>>, vector<16xi32>,
        %bitcast3A_401 = vector.bitcast %get3A_400 : vector<16xi32> to vector<32xbf16>
        %get3A_402 = arith.constant 1 : i32
        %get3A_403 = arith.index_cast %get3A_402 : i32 to index
        %get3A_404 = arith.index_cast %add3A_395 : i32 to index
        %get3A_405 = arith.constant 0 : index
        %get3A_406 = tpu.vector_load %arg7[%get3A_403, %get3A_404, %get3A_405] {strides = array<i32>} : memref<2x80x64xi32, #tpu.memory_space<vmem>>, vector<16xi32>,
        %bitcast3A_407 = vector.bitcast %get3A_406 : vector<16xi32> to vector<32xbf16>
        %mul3A_408 = arith.mulf %bitcast3A_401, %bitcast3A_407 : vector<32xbf16>
        %get3A_409 = arith.constant 1 : i32
        %get3A_410 = arith.index_cast %get3A_409 : i32 to index
        %get3A_411 = arith.index_cast %add3A_395 : i32 to index
        %get3A_412 = arith.constant 16 : index
        %get3A_413 = tpu.vector_load %arg6[%get3A_410, %get3A_411, %get3A_412] {strides = array<i32>} : memref<2x80x64xi32, #tpu.memory_space<vmem>>, vector<16xi32>,
        %bitcast3A_414 = vector.bitcast %get3A_413 : vector<16xi32> to vector<32xbf16>
        %get3A_415 = arith.constant 1 : i32
        %get3A_416 = arith.index_cast %get3A_415 : i32 to index
        %get3A_417 = arith.index_cast %add3A_395 : i32 to index
        %get3A_418 = arith.constant 16 : index
        %get3A_419 = tpu.vector_load %arg7[%get3A_416, %get3A_417, %get3A_418] {strides = array<i32>} : memref<2x80x64xi32, #tpu.memory_space<vmem>>, vector<16xi32>,
        %bitcast3A_420 = vector.bitcast %get3A_419 : vector<16xi32> to vector<32xbf16>
        %mul3A_421 = arith.mulf %bitcast3A_414, %bitcast3A_420 : vector<32xbf16>
        %add3A_422 = arith.addf %mul3A_408, %mul3A_421 : vector<32xbf16>
        %unpack3A_423 = tpu.unpack_subelements %add3A_422, 0 {pack_format = #tpu.pack_format<interleaved>} : vector<32xbf16> -> vector<16xf32>
        %unpack3A_424 = tpu.unpack_subelements %add3A_422, 1 {pack_format = #tpu.pack_format<interleaved>} : vector<32xbf16> -> vector<16xf32>
        %add3A_425 = arith.addf %unpack3A_423, %unpack3A_424 : vector<16xf32>
        %get3A_426 = arith.constant 1 : i32
        %get3A_427 = arith.index_cast %get3A_426 : i32 to index
        %get3A_428 = arith.index_cast %add3A_395 : i32 to index
        %get3A_429 = arith.constant 32 : index
        %get3A_430 = tpu.vector_load %arg6[%get3A_427, %get3A_428, %get3A_429] {strides = array<i32>} : memref<2x80x64xi32, #tpu.memory_space<vmem>>, vector<16xi32>,
        %bitcast3A_431 = vector.bitcast %get3A_430 : vector<16xi32> to vector<32xbf16>
        %get3A_432 = arith.constant 1 : i32
        %get3A_433 = arith.index_cast %get3A_432 : i32 to index
        %get3A_434 = arith.index_cast %add3A_395 : i32 to index
        %get3A_435 = arith.constant 32 : index
        %get3A_436 = tpu.vector_load %arg7[%get3A_433, %get3A_434, %get3A_435] {strides = array<i32>} : memref<2x80x64xi32, #tpu.memory_space<vmem>>, vector<16xi32>,
        %bitcast3A_437 = vector.bitcast %get3A_436 : vector<16xi32> to vector<32xbf16>
        %mul3A_438 = arith.mulf %bitcast3A_431, %bitcast3A_437 : vector<32xbf16>
        %get3A_439 = arith.constant 1 : i32
        %get3A_440 = arith.index_cast %get3A_439 : i32 to index
        %get3A_441 = arith.index_cast %add3A_395 : i32 to index
        %get3A_442 = arith.constant 48 : index
        %get3A_443 = tpu.vector_load %arg6[%get3A_440, %get3A_441, %get3A_442] {strides = array<i32>} : memref<2x80x64xi32, #tpu.memory_space<vmem>>, vector<16xi32>,
        %bitcast3A_444 = vector.bitcast %get3A_443 : vector<16xi32> to vector<32xbf16>
        %get3A_445 = arith.constant 1 : i32
        %get3A_446 = arith.index_cast %get3A_445 : i32 to index
        %get3A_447 = arith.index_cast %add3A_395 : i32 to index
        %get3A_448 = arith.constant 48 : index
        %get3A_449 = tpu.vector_load %arg7[%get3A_446, %get3A_447, %get3A_448] {strides = array<i32>} : memref<2x80x64xi32, #tpu.memory_space<vmem>>, vector<16xi32>,
        %bitcast3A_450 = vector.bitcast %get3A_449 : vector<16xi32> to vector<32xbf16>
        %mul3A_451 = arith.mulf %bitcast3A_444, %bitcast3A_450 : vector<32xbf16>
        %add3A_452 = arith.addf %mul3A_438, %mul3A_451 : vector<32xbf16>
        %unpack3A_453 = tpu.unpack_subelements %add3A_452, 0 {pack_format = #tpu.pack_format<interleaved>} : vector<32xbf16> -> vector<16xf32>
        %unpack3A_454 = tpu.unpack_subelements %add3A_452, 1 {pack_format = #tpu.pack_format<interleaved>} : vector<32xbf16> -> vector<16xf32>
        %add3A_455 = arith.addf %unpack3A_453, %unpack3A_454 : vector<16xf32>
        %add3A_456 = arith.addf %add3A_425, %add3A_455 : vector<16xf32>
        %swap3A_457 = arith.constant 1 : i32
        %swap3A_458 = arith.index_cast %swap3A_457 : i32 to index
        %swap3A_459 = arith.constant 0 : index
        %swap3A_460 = tpu.vector_load %arg9[%swap3A_458, %swap3A_459] {strides = array<i32>} : memref<16x16xf32, #tpu.memory_space<vmem>>, vector<16xf32>,
        tpu.vector_store %arg9[%swap3A_458, %swap3A_459], %add3A_456 {strides = array<i32>} : memref<16x16xf32, #tpu.memory_space<vmem>>, vector<16xf32>,
        %mul3A_461 = arith.constant 16 : i32
        %mul3A_462 = arith.muli %scan3A_325, %mul3A_461 : i32
        %add3A_463 = arith.constant 2 : i32
        %add3A_464 = arith.addi %mul3A_462, %add3A_463 : i32
        %get3A_465 = arith.constant 1 : i32
        %get3A_466 = arith.index_cast %get3A_465 : i32 to index
        %get3A_467 = arith.index_cast %add3A_464 : i32 to index
        %get3A_468 = arith.constant 0 : index
        %get3A_469 = tpu.vector_load %arg6[%get3A_466, %get3A_467, %get3A_468] {strides = array<i32>} : memref<2x80x64xi32, #tpu.memory_space<vmem>>, vector<16xi32>,
        %bitcast3A_470 = vector.bitcast %get3A_469 : vector<16xi32> to vector<32xbf16>
        %get3A_471 = arith.constant 1 : i32
        %get3A_472 = arith.index_cast %get3A_471 : i32 to index
        %get3A_473 = arith.index_cast %add3A_464 : i32 to index
        %get3A_474 = arith.constant 0 : index
        %get3A_475 = tpu.vector_load %arg7[%get3A_472, %get3A_473, %get3A_474] {strides = array<i32>} : memref<2x80x64xi32, #tpu.memory_space<vmem>>, vector<16xi32>,
        %bitcast3A_476 = vector.bitcast %get3A_475 : vector<16xi32> to vector<32xbf16>
        %mul3A_477 = arith.mulf %bitcast3A_470, %bitcast3A_476 : vector<32xbf16>
        %get3A_478 = arith.constant 1 : i32
        %get3A_479 = arith.index_cast %get3A_478 : i32 to index
        %get3A_480 = arith.index_cast %add3A_464 : i32 to index
        %get3A_481 = arith.constant 16 : index
        %get3A_482 = tpu.vector_load %arg6[%get3A_479, %get3A_480, %get3A_481] {strides = array<i32>} : memref<2x80x64xi32, #tpu.memory_space<vmem>>, vector<16xi32>,
        %bitcast3A_483 = vector.bitcast %get3A_482 : vector<16xi32> to vector<32xbf16>
        %get3A_484 = arith.constant 1 : i32
        %get3A_485 = arith.index_cast %get3A_484 : i32 to index
        %get3A_486 = arith.index_cast %add3A_464 : i32 to index
        %get3A_487 = arith.constant 16 : index
        %get3A_488 = tpu.vector_load %arg7[%get3A_485, %get3A_486, %get3A_487] {strides = array<i32>} : memref<2x80x64xi32, #tpu.memory_space<vmem>>, vector<16xi32>,
        %bitcast3A_489 = vector.bitcast %get3A_488 : vector<16xi32> to vector<32xbf16>
        %mul3A_490 = arith.mulf %bitcast3A_483, %bitcast3A_489 : vector<32xbf16>
        %add3A_491 = arith.addf %mul3A_477, %mul3A_490 : vector<32xbf16>
        %unpack3A_492 = tpu.unpack_subelements %add3A_491, 0 {pack_format = #tpu.pack_format<interleaved>} : vector<32xbf16> -> vector<16xf32>
        %unpack3A_493 = tpu.unpack_subelements %add3A_491, 1 {pack_format = #tpu.pack_format<interleaved>} : vector<32xbf16> -> vector<16xf32>
        %add3A_494 = arith.addf %unpack3A_492, %unpack3A_493 : vector<16xf32>
        %get3A_495 = arith.constant 1 : i32
        %get3A_496 = arith.index_cast %get3A_495 : i32 to index
        %get3A_497 = arith.index_cast %add3A_464 : i32 to index
        %get3A_498 = arith.constant 32 : index
        %get3A_499 = tpu.vector_load %arg6[%get3A_496, %get3A_497, %get3A_498] {strides = array<i32>} : memref<2x80x64xi32, #tpu.memory_space<vmem>>, vector<16xi32>,
        %bitcast3A_500 = vector.bitcast %get3A_499 : vector<16xi32> to vector<32xbf16>
        %get3A_501 = arith.constant 1 : i32
        %get3A_502 = arith.index_cast %get3A_501 : i32 to index
        %get3A_503 = arith.index_cast %add3A_464 : i32 to index
        %get3A_504 = arith.constant 32 : index
        %get3A_505 = tpu.vector_load %arg7[%get3A_502, %get3A_503, %get3A_504] {strides = array<i32>} : memref<2x80x64xi32, #tpu.memory_space<vmem>>, vector<16xi32>,
        %bitcast3A_506 = vector.bitcast %get3A_505 : vector<16xi32> to vector<32xbf16>
        %mul3A_507 = arith.mulf %bitcast3A_500, %bitcast3A_506 : vector<32xbf16>
        %get3A_508 = arith.constant 1 : i32
        %get3A_509 = arith.index_cast %get3A_508 : i32 to index
        %get3A_510 = arith.index_cast %add3A_464 : i32 to index
        %get3A_511 = arith.constant 48 : index
        %get3A_512 = tpu.vector_load %arg6[%get3A_509, %get3A_510, %get3A_511] {strides = array<i32>} : memref<2x80x64xi32, #tpu.memory_space<vmem>>, vector<16xi32>,
        %bitcast3A_513 = vector.bitcast %get3A_512 : vector<16xi32> to vector<32xbf16>
        %get3A_514 = arith.constant 1 : i32
        %get3A_515 = arith.index_cast %get3A_514 : i32 to index
        %get3A_516 = arith.index_cast %add3A_464 : i32 to index
        %get3A_517 = arith.constant 48 : index
        %get3A_518 = tpu.vector_load %arg7[%get3A_515, %get3A_516, %get3A_517] {strides = array<i32>} : memref<2x80x64xi32, #tpu.memory_space<vmem>>, vector<16xi32>,
        %bitcast3A_519 = vector.bitcast %get3A_518 : vector<16xi32> to vector<32xbf16>
        %mul3A_520 = arith.mulf %bitcast3A_513, %bitcast3A_519 : vector<32xbf16>
        %add3A_521 = arith.addf %mul3A_507, %mul3A_520 : vector<32xbf16>
        %unpack3A_522 = tpu.unpack_subelements %add3A_521, 0 {pack_format = #tpu.pack_format<interleaved>} : vector<32xbf16> -> vector<16xf32>
        %unpack3A_523 = tpu.unpack_subelements %add3A_521, 1 {pack_format = #tpu.pack_format<interleaved>} : vector<32xbf16> -> vector<16xf32>
        %add3A_524 = arith.addf %unpack3A_522, %unpack3A_523 : vector<16xf32>
        %add3A_525 = arith.addf %add3A_494, %add3A_524 : vector<16xf32>
        %swap3A_526 = arith.constant 2 : i32
        %swap3A_527 = arith.index_cast %swap3A_526 : i32 to index
        %swap3A_528 = arith.constant 0 : index
        %swap3A_529 = tpu.vector_load %arg9[%swap3A_527, %swap3A_528] {strides = array<i32>} : memref<16x16xf32, #tpu.memory_space<vmem>>, vector<16xf32>,
        tpu.vector_store %arg9[%swap3A_527, %swap3A_528], %add3A_525 {strides = array<i32>} : memref<16x16xf32, #tpu.memory_space<vmem>>, vector<16xf32>,
        %mul3A_530 = arith.constant 16 : i32
        %mul3A_531 = arith.muli %scan3A_325, %mul3A_530 : i32
        %add3A_532 = arith.constant 3 : i32
        %add3A_533 = arith.addi %mul3A_531, %add3A_532 : i32
        %get3A_534 = arith.constant 1 : i32
        %get3A_535 = arith.index_cast %get3A_534 : i32 to index
        %get3A_536 = arith.index_cast %add3A_533 : i32 to index
        %get3A_537 = arith.constant 0 : index
        %get3A_538 = tpu.vector_load %arg6[%get3A_535, %get3A_536, %get3A_537] {strides = array<i32>} : memref<2x80x64xi32, #tpu.memory_space<vmem>>, vector<16xi32>,
        %bitcast3A_539 = vector.bitcast %get3A_538 : vector<16xi32> to vector<32xbf16>
        %get3A_540 = arith.constant 1 : i32
        %get3A_541 = arith.index_cast %get3A_540 : i32 to index
        %get3A_542 = arith.index_cast %add3A_533 : i32 to index
        %get3A_543 = arith.constant 0 : index
        %get3A_544 = tpu.vector_load %arg7[%get3A_541, %get3A_542, %get3A_543] {strides = array<i32>} : memref<2x80x64xi32, #tpu.memory_space<vmem>>, vector<16xi32>,
        %bitcast3A_545 = vector.bitcast %get3A_544 : vector<16xi32> to vector<32xbf16>
        %mul3A_546 = arith.mulf %bitcast3A_539, %bitcast3A_545 : vector<32xbf16>
        %get3A_547 = arith.constant 1 : i32
        %get3A_548 = arith.index_cast %get3A_547 : i32 to index
        %get3A_549 = arith.index_cast %add3A_533 : i32 to index
        %get3A_550 = arith.constant 16 : index
        %get3A_551 = tpu.vector_load %arg6[%get3A_548, %get3A_549, %get3A_550] {strides = array<i32>} : memref<2x80x64xi32, #tpu.memory_space<vmem>>, vector<16xi32>,
        %bitcast3A_552 = vector.bitcast %get3A_551 : vector<16xi32> to vector<32xbf16>
        %get3A_553 = arith.constant 1 : i32
        %get3A_554 = arith.index_cast %get3A_553 : i32 to index
        %get3A_555 = arith.index_cast %add3A_533 : i32 to index
        %get3A_556 = arith.constant 16 : index
        %get3A_557 = tpu.vector_load %arg7[%get3A_554, %get3A_555, %get3A_556] {strides = array<i32>} : memref<2x80x64xi32, #tpu.memory_space<vmem>>, vector<16xi32>,
        %bitcast3A_558 = vector.bitcast %get3A_557 : vector<16xi32> to vector<32xbf16>
        %mul3A_559 = arith.mulf %bitcast3A_552, %bitcast3A_558 : vector<32xbf16>
        %add3A_560 = arith.addf %mul3A_546, %mul3A_559 : vector<32xbf16>
        %unpack3A_561 = tpu.unpack_subelements %add3A_560, 0 {pack_format = #tpu.pack_format<interleaved>} : vector<32xbf16> -> vector<16xf32>
        %unpack3A_562 = tpu.unpack_subelements %add3A_560, 1 {pack_format = #tpu.pack_format<interleaved>} : vector<32xbf16> -> vector<16xf32>
        %add3A_563 = arith.addf %unpack3A_561, %unpack3A_562 : vector<16xf32>
        %get3A_564 = arith.constant 1 : i32
        %get3A_565 = arith.index_cast %get3A_564 : i32 to index
        %get3A_566 = arith.index_cast %add3A_533 : i32 to index
        %get3A_567 = arith.constant 32 : index
        %get3A_568 = tpu.vector_load %arg6[%get3A_565, %get3A_566, %get3A_567] {strides = array<i32>} : memref<2x80x64xi32, #tpu.memory_space<vmem>>, vector<16xi32>,
        %bitcast3A_569 = vector.bitcast %get3A_568 : vector<16xi32> to vector<32xbf16>
        %get3A_570 = arith.constant 1 : i32
        %get3A_571 = arith.index_cast %get3A_570 : i32 to index
        %get3A_572 = arith.index_cast %add3A_533 : i32 to index
        %get3A_573 = arith.constant 32 : index
        %get3A_574 = tpu.vector_load %arg7[%get3A_571, %get3A_572, %get3A_573] {strides = array<i32>} : memref<2x80x64xi32, #tpu.memory_space<vmem>>, vector<16xi32>,
        %bitcast3A_575 = vector.bitcast %get3A_574 : vector<16xi32> to vector<32xbf16>
        %mul3A_576 = arith.mulf %bitcast3A_569, %bitcast3A_575 : vector<32xbf16>
        %get3A_577 = arith.constant 1 : i32
        %get3A_578 = arith.index_cast %get3A_577 : i32 to index
        %get3A_579 = arith.index_cast %add3A_533 : i32 to index
        %get3A_580 = arith.constant 48 : index
        %get3A_581 = tpu.vector_load %arg6[%get3A_578, %get3A_579, %get3A_580] {strides = array<i32>} : memref<2x80x64xi32, #tpu.memory_space<vmem>>, vector<16xi32>,
        %bitcast3A_582 = vector.bitcast %get3A_581 : vector<16xi32> to vector<32xbf16>
        %get3A_583 = arith.constant 1 : i32
        %get3A_584 = arith.index_cast %get3A_583 : i32 to index
        %get3A_585 = arith.index_cast %add3A_533 : i32 to index
        %get3A_586 = arith.constant 48 : index
        %get3A_587 = tpu.vector_load %arg7[%get3A_584, %get3A_585, %get3A_586] {strides = array<i32>} : memref<2x80x64xi32, #tpu.memory_space<vmem>>, vector<16xi32>,
        %bitcast3A_588 = vector.bitcast %get3A_587 : vector<16xi32> to vector<32xbf16>
        %mul3A_589 = arith.mulf %bitcast3A_582, %bitcast3A_588 : vector<32xbf16>
        %add3A_590 = arith.addf %mul3A_576, %mul3A_589 : vector<32xbf16>
        %unpack3A_591 = tpu.unpack_subelements %add3A_590, 0 {pack_format = #tpu.pack_format<interleaved>} : vector<32xbf16> -> vector<16xf32>
        %unpack3A_592 = tpu.unpack_subelements %add3A_590, 1 {pack_format = #tpu.pack_format<interleaved>} : vector<32xbf16> -> vector<16xf32>
        %add3A_593 = arith.addf %unpack3A_591, %unpack3A_592 : vector<16xf32>
        %add3A_594 = arith.addf %add3A_563, %add3A_593 : vector<16xf32>
        %swap3A_595 = arith.constant 3 : i32
        %swap3A_596 = arith.index_cast %swap3A_595 : i32 to index
        %swap3A_597 = arith.constant 0 : index
        %swap3A_598 = tpu.vector_load %arg9[%swap3A_596, %swap3A_597] {strides = array<i32>} : memref<16x16xf32, #tpu.memory_space<vmem>>, vector<16xf32>,
        tpu.vector_store %arg9[%swap3A_596, %swap3A_597], %add3A_594 {strides = array<i32>} : memref<16x16xf32, #tpu.memory_space<vmem>>, vector<16xf32>,
        %mul3A_599 = arith.constant 16 : i32
        %mul3A_600 = arith.muli %scan3A_325, %mul3A_599 : i32
        %add3A_601 = arith.constant 4 : i32
        %add3A_602 = arith.addi %mul3A_600, %add3A_601 : i32
        %get3A_603 = arith.constant 1 : i32
        %get3A_604 = arith.index_cast %get3A_603 : i32 to index
        %get3A_605 = arith.index_cast %add3A_602 : i32 to index
        %get3A_606 = arith.constant 0 : index
        %get3A_607 = tpu.vector_load %arg6[%get3A_604, %get3A_605, %get3A_606] {strides = array<i32>} : memref<2x80x64xi32, #tpu.memory_space<vmem>>, vector<16xi32>,
        %bitcast3A_608 = vector.bitcast %get3A_607 : vector<16xi32> to vector<32xbf16>
        %get3A_609 = arith.constant 1 : i32
        %get3A_610 = arith.index_cast %get3A_609 : i32 to index
        %get3A_611 = arith.index_cast %add3A_602 : i32 to index
        %get3A_612 = arith.constant 0 : index
        %get3A_613 = tpu.vector_load %arg7[%get3A_610, %get3A_611, %get3A_612] {strides = array<i32>} : memref<2x80x64xi32, #tpu.memory_space<vmem>>, vector<16xi32>,
        %bitcast3A_614 = vector.bitcast %get3A_613 : vector<16xi32> to vector<32xbf16>
        %mul3A_615 = arith.mulf %bitcast3A_608, %bitcast3A_614 : vector<32xbf16>
        %get3A_616 = arith.constant 1 : i32
        %get3A_617 = arith.index_cast %get3A_616 : i32 to index
        %get3A_618 = arith.index_cast %add3A_602 : i32 to index
        %get3A_619 = arith.constant 16 : index
        %get3A_620 = tpu.vector_load %arg6[%get3A_617, %get3A_618, %get3A_619] {strides = array<i32>} : memref<2x80x64xi32, #tpu.memory_space<vmem>>, vector<16xi32>,
        %bitcast3A_621 = vector.bitcast %get3A_620 : vector<16xi32> to vector<32xbf16>
        %get3A_622 = arith.constant 1 : i32
        %get3A_623 = arith.index_cast %get3A_622 : i32 to index
        %get3A_624 = arith.index_cast %add3A_602 : i32 to index
        %get3A_625 = arith.constant 16 : index
        %get3A_626 = tpu.vector_load %arg7[%get3A_623, %get3A_624, %get3A_625] {strides = array<i32>} : memref<2x80x64xi32, #tpu.memory_space<vmem>>, vector<16xi32>,
        %bitcast3A_627 = vector.bitcast %get3A_626 : vector<16xi32> to vector<32xbf16>
        %mul3A_628 = arith.mulf %bitcast3A_621, %bitcast3A_627 : vector<32xbf16>
        %add3A_629 = arith.addf %mul3A_615, %mul3A_628 : vector<32xbf16>
        %unpack3A_630 = tpu.unpack_subelements %add3A_629, 0 {pack_format = #tpu.pack_format<interleaved>} : vector<32xbf16> -> vector<16xf32>
        %unpack3A_631 = tpu.unpack_subelements %add3A_629, 1 {pack_format = #tpu.pack_format<interleaved>} : vector<32xbf16> -> vector<16xf32>
        %add3A_632 = arith.addf %unpack3A_630, %unpack3A_631 : vector<16xf32>
        %get3A_633 = arith.constant 1 : i32
        %get3A_634 = arith.index_cast %get3A_633 : i32 to index
        %get3A_635 = arith.index_cast %add3A_602 : i32 to index
        %get3A_636 = arith.constant 32 : index
        %get3A_637 = tpu.vector_load %arg6[%get3A_634, %get3A_635, %get3A_636] {strides = array<i32>} : memref<2x80x64xi32, #tpu.memory_space<vmem>>, vector<16xi32>,
        %bitcast3A_638 = vector.bitcast %get3A_637 : vector<16xi32> to vector<32xbf16>
        %get3A_639 = arith.constant 1 : i32
        %get3A_640 = arith.index_cast %get3A_639 : i32 to index
        %get3A_641 = arith.index_cast %add3A_602 : i32 to index
        %get3A_642 = arith.constant 32 : index
        %get3A_643 = tpu.vector_load %arg7[%get3A_640, %get3A_641, %get3A_642] {strides = array<i32>} : memref<2x80x64xi32, #tpu.memory_space<vmem>>, vector<16xi32>,
        %bitcast3A_644 = vector.bitcast %get3A_643 : vector<16xi32> to vector<32xbf16>
        %mul3A_645 = arith.mulf %bitcast3A_638, %bitcast3A_644 : vector<32xbf16>
        %get3A_646 = arith.constant 1 : i32
        %get3A_647 = arith.index_cast %get3A_646 : i32 to index
        %get3A_648 = arith.index_cast %add3A_602 : i32 to index
        %get3A_649 = arith.constant 48 : index
        %get3A_650 = tpu.vector_load %arg6[%get3A_647, %get3A_648, %get3A_649] {strides = array<i32>} : memref<2x80x64xi32, #tpu.memory_space<vmem>>, vector<16xi32>,
        %bitcast3A_651 = vector.bitcast %get3A_650 : vector<16xi32> to vector<32xbf16>
        %get3A_652 = arith.constant 1 : i32
        %get3A_653 = arith.index_cast %get3A_652 : i32 to index
        %get3A_654 = arith.index_cast %add3A_602 : i32 to index
        %get3A_655 = arith.constant 48 : index
        %get3A_656 = tpu.vector_load %arg7[%get3A_653, %get3A_654, %get3A_655] {strides = array<i32>} : memref<2x80x64xi32, #tpu.memory_space<vmem>>, vector<16xi32>,
        %bitcast3A_657 = vector.bitcast %get3A_656 : vector<16xi32> to vector<32xbf16>
        %mul3A_658 = arith.mulf %bitcast3A_651, %bitcast3A_657 : vector<32xbf16>
        %add3A_659 = arith.addf %mul3A_645, %mul3A_658 : vector<32xbf16>
        %unpack3A_660 = tpu.unpack_subelements %add3A_659, 0 {pack_format = #tpu.pack_format<interleaved>} : vector<32xbf16> -> vector<16xf32>
        %unpack3A_661 = tpu.unpack_subelements %add3A_659, 1 {pack_format = #tpu.pack_format<interleaved>} : vector<32xbf16> -> vector<16xf32>
        %add3A_662 = arith.addf %unpack3A_660, %unpack3A_661 : vector<16xf32>
        %add3A_663 = arith.addf %add3A_632, %add3A_662 : vector<16xf32>
        %swap3A_664 = arith.constant 4 : i32
        %swap3A_665 = arith.index_cast %swap3A_664 : i32 to index
        %swap3A_666 = arith.constant 0 : index
        %swap3A_667 = tpu.vector_load %arg9[%swap3A_665, %swap3A_666] {strides = array<i32>} : memref<16x16xf32, #tpu.memory_space<vmem>>, vector<16xf32>,
        tpu.vector_store %arg9[%swap3A_665, %swap3A_666], %add3A_663 {strides = array<i32>} : memref<16x16xf32, #tpu.memory_space<vmem>>, vector<16xf32>,
        %mul3A_668 = arith.constant 16 : i32
        %mul3A_669 = arith.muli %scan3A_325, %mul3A_668 : i32
        %add3A_670 = arith.constant 5 : i32
        %add3A_671 = arith.addi %mul3A_669, %add3A_670 : i32
        %get3A_672 = arith.constant 1 : i32
        %get3A_673 = arith.index_cast %get3A_672 : i32 to index
        %get3A_674 = arith.index_cast %add3A_671 : i32 to index
        %get3A_675 = arith.constant 0 : index
        %get3A_676 = tpu.vector_load %arg6[%get3A_673, %get3A_674, %get3A_675] {strides = array<i32>} : memref<2x80x64xi32, #tpu.memory_space<vmem>>, vector<16xi32>,
        %bitcast3A_677 = vector.bitcast %get3A_676 : vector<16xi32> to vector<32xbf16>
        %get3A_678 = arith.constant 1 : i32
        %get3A_679 = arith.index_cast %get3A_678 : i32 to index
        %get3A_680 = arith.index_cast %add3A_671 : i32 to index
        %get3A_681 = arith.constant 0 : index
        %get3A_682 = tpu.vector_load %arg7[%get3A_679, %get3A_680, %get3A_681] {strides = array<i32>} : memref<2x80x64xi32, #tpu.memory_space<vmem>>, vector<16xi32>,
        %bitcast3A_683 = vector.bitcast %get3A_682 : vector<16xi32> to vector<32xbf16>
        %mul3A_684 = arith.mulf %bitcast3A_677, %bitcast3A_683 : vector<32xbf16>
        %get3A_685 = arith.constant 1 : i32
        %get3A_686 = arith.index_cast %get3A_685 : i32 to index
        %get3A_687 = arith.index_cast %add3A_671 : i32 to index
        %get3A_688 = arith.constant 16 : index
        %get3A_689 = tpu.vector_load %arg6[%get3A_686, %get3A_687, %get3A_688] {strides = array<i32>} : memref<2x80x64xi32, #tpu.memory_space<vmem>>, vector<16xi32>,
        %bitcast3A_690 = vector.bitcast %get3A_689 : vector<16xi32> to vector<32xbf16>
        %get3A_691 = arith.constant 1 : i32
        %get3A_692 = arith.index_cast %get3A_691 : i32 to index
        %get3A_693 = arith.index_cast %add3A_671 : i32 to index
        %get3A_694 = arith.constant 16 : index
        %get3A_695 = tpu.vector_load %arg7[%get3A_692, %get3A_693, %get3A_694] {strides = array<i32>} : memref<2x80x64xi32, #tpu.memory_space<vmem>>, vector<16xi32>,
        %bitcast3A_696 = vector.bitcast %get3A_695 : vector<16xi32> to vector<32xbf16>
        %mul3A_697 = arith.mulf %bitcast3A_690, %bitcast3A_696 : vector<32xbf16>
        %add3A_698 = arith.addf %mul3A_684, %mul3A_697 : vector<32xbf16>
        %unpack3A_699 = tpu.unpack_subelements %add3A_698, 0 {pack_format = #tpu.pack_format<interleaved>} : vector<32xbf16> -> vector<16xf32>
        %unpack3A_700 = tpu.unpack_subelements %add3A_698, 1 {pack_format = #tpu.pack_format<interleaved>} : vector<32xbf16> -> vector<16xf32>
        %add3A_701 = arith.addf %unpack3A_699, %unpack3A_700 : vector<16xf32>
        %get3A_702 = arith.constant 1 : i32
        %get3A_703 = arith.index_cast %get3A_702 : i32 to index
        %get3A_704 = arith.index_cast %add3A_671 : i32 to index
        %get3A_705 = arith.constant 32 : index
        %get3A_706 = tpu.vector_load %arg6[%get3A_703, %get3A_704, %get3A_705] {strides = array<i32>} : memref<2x80x64xi32, #tpu.memory_space<vmem>>, vector<16xi32>,
        %bitcast3A_707 = vector.bitcast %get3A_706 : vector<16xi32> to vector<32xbf16>
        %get3A_708 = arith.constant 1 : i32
        %get3A_709 = arith.index_cast %get3A_708 : i32 to index
        %get3A_710 = arith.index_cast %add3A_671 : i32 to index
        %get3A_711 = arith.constant 32 : index
        %get3A_712 = tpu.vector_load %arg7[%get3A_709, %get3A_710, %get3A_711] {strides = array<i32>} : memref<2x80x64xi32, #tpu.memory_space<vmem>>, vector<16xi32>,
        %bitcast3A_713 = vector.bitcast %get3A_712 : vector<16xi32> to vector<32xbf16>
        %mul3A_714 = arith.mulf %bitcast3A_707, %bitcast3A_713 : vector<32xbf16>
        %get3A_715 = arith.constant 1 : i32
        %get3A_716 = arith.index_cast %get3A_715 : i32 to index
        %get3A_717 = arith.index_cast %add3A_671 : i32 to index
        %get3A_718 = arith.constant 48 : index
        %get3A_719 = tpu.vector_load %arg6[%get3A_716, %get3A_717, %get3A_718] {strides = array<i32>} : memref<2x80x64xi32, #tpu.memory_space<vmem>>, vector<16xi32>,
        %bitcast3A_720 = vector.bitcast %get3A_719 : vector<16xi32> to vector<32xbf16>
        %get3A_721 = arith.constant 1 : i32
        %get3A_722 = arith.index_cast %get3A_721 : i32 to index
        %get3A_723 = arith.index_cast %add3A_671 : i32 to index
        %get3A_724 = arith.constant 48 : index
        %get3A_725 = tpu.vector_load %arg7[%get3A_722, %get3A_723, %get3A_724] {strides = array<i32>} : memref<2x80x64xi32, #tpu.memory_space<vmem>>, vector<16xi32>,
        %bitcast3A_726 = vector.bitcast %get3A_725 : vector<16xi32> to vector<32xbf16>
        %mul3A_727 = arith.mulf %bitcast3A_720, %bitcast3A_726 : vector<32xbf16>
        %add3A_728 = arith.addf %mul3A_714, %mul3A_727 : vector<32xbf16>
        %unpack3A_729 = tpu.unpack_subelements %add3A_728, 0 {pack_format = #tpu.pack_format<interleaved>} : vector<32xbf16> -> vector<16xf32>
        %unpack3A_730 = tpu.unpack_subelements %add3A_728, 1 {pack_format = #tpu.pack_format<interleaved>} : vector<32xbf16> -> vector<16xf32>
        %add3A_731 = arith.addf %unpack3A_729, %unpack3A_730 : vector<16xf32>
        %add3A_732 = arith.addf %add3A_701, %add3A_731 : vector<16xf32>
        %swap3A_733 = arith.constant 5 : i32
        %swap3A_734 = arith.index_cast %swap3A_733 : i32 to index
        %swap3A_735 = arith.constant 0 : index
        %swap3A_736 = tpu.vector_load %arg9[%swap3A_734, %swap3A_735] {strides = array<i32>} : memref<16x16xf32, #tpu.memory_space<vmem>>, vector<16xf32>,
        tpu.vector_store %arg9[%swap3A_734, %swap3A_735], %add3A_732 {strides = array<i32>} : memref<16x16xf32, #tpu.memory_space<vmem>>, vector<16xf32>,
        %mul3A_737 = arith.constant 16 : i32
        %mul3A_738 = arith.muli %scan3A_325, %mul3A_737 : i32
        %add3A_739 = arith.constant 6 : i32
        %add3A_740 = arith.addi %mul3A_738, %add3A_739 : i32
        %get3A_741 = arith.constant 1 : i32
        %get3A_742 = arith.index_cast %get3A_741 : i32 to index
        %get3A_743 = arith.index_cast %add3A_740 : i32 to index
        %get3A_744 = arith.constant 0 : index
        %get3A_745 = tpu.vector_load %arg6[%get3A_742, %get3A_743, %get3A_744] {strides = array<i32>} : memref<2x80x64xi32, #tpu.memory_space<vmem>>, vector<16xi32>,
        %bitcast3A_746 = vector.bitcast %get3A_745 : vector<16xi32> to vector<32xbf16>
        %get3A_747 = arith.constant 1 : i32
        %get3A_748 = arith.index_cast %get3A_747 : i32 to index
        %get3A_749 = arith.index_cast %add3A_740 : i32 to index
        %get3A_750 = arith.constant 0 : index
        %get3A_751 = tpu.vector_load %arg7[%get3A_748, %get3A_749, %get3A_750] {strides = array<i32>} : memref<2x80x64xi32, #tpu.memory_space<vmem>>, vector<16xi32>,
        %bitcast3A_752 = vector.bitcast %get3A_751 : vector<16xi32> to vector<32xbf16>
        %mul3A_753 = arith.mulf %bitcast3A_746, %bitcast3A_752 : vector<32xbf16>
        %get3A_754 = arith.constant 1 : i32
        %get3A_755 = arith.index_cast %get3A_754 : i32 to index
        %get3A_756 = arith.index_cast %add3A_740 : i32 to index
        %get3A_757 = arith.constant 16 : index
        %get3A_758 = tpu.vector_load %arg6[%get3A_755, %get3A_756, %get3A_757] {strides = array<i32>} : memref<2x80x64xi32, #tpu.memory_space<vmem>>, vector<16xi32>,
        %bitcast3A_759 = vector.bitcast %get3A_758 : vector<16xi32> to vector<32xbf16>
        %get3A_760 = arith.constant 1 : i32
        %get3A_761 = arith.index_cast %get3A_760 : i32 to index
        %get3A_762 = arith.index_cast %add3A_740 : i32 to index
        %get3A_763 = arith.constant 16 : index
        %get3A_764 = tpu.vector_load %arg7[%get3A_761, %get3A_762, %get3A_763] {strides = array<i32>} : memref<2x80x64xi32, #tpu.memory_space<vmem>>, vector<16xi32>,
        %bitcast3A_765 = vector.bitcast %get3A_764 : vector<16xi32> to vector<32xbf16>
        %mul3A_766 = arith.mulf %bitcast3A_759, %bitcast3A_765 : vector<32xbf16>
        %add3A_767 = arith.addf %mul3A_753, %mul3A_766 : vector<32xbf16>
        %unpack3A_768 = tpu.unpack_subelements %add3A_767, 0 {pack_format = #tpu.pack_format<interleaved>} : vector<32xbf16> -> vector<16xf32>
        %unpack3A_769 = tpu.unpack_subelements %add3A_767, 1 {pack_format = #tpu.pack_format<interleaved>} : vector<32xbf16> -> vector<16xf32>
        %add3A_770 = arith.addf %unpack3A_768, %unpack3A_769 : vector<16xf32>
        %get3A_771 = arith.constant 1 : i32
        %get3A_772 = arith.index_cast %get3A_771 : i32 to index
        %get3A_773 = arith.index_cast %add3A_740 : i32 to index
        %get3A_774 = arith.constant 32 : index
        %get3A_775 = tpu.vector_load %arg6[%get3A_772, %get3A_773, %get3A_774] {strides = array<i32>} : memref<2x80x64xi32, #tpu.memory_space<vmem>>, vector<16xi32>,
        %bitcast3A_776 = vector.bitcast %get3A_775 : vector<16xi32> to vector<32xbf16>
        %get3A_777 = arith.constant 1 : i32
        %get3A_778 = arith.index_cast %get3A_777 : i32 to index
        %get3A_779 = arith.index_cast %add3A_740 : i32 to index
        %get3A_780 = arith.constant 32 : index
        %get3A_781 = tpu.vector_load %arg7[%get3A_778, %get3A_779, %get3A_780] {strides = array<i32>} : memref<2x80x64xi32, #tpu.memory_space<vmem>>, vector<16xi32>,
        %bitcast3A_782 = vector.bitcast %get3A_781 : vector<16xi32> to vector<32xbf16>
        %mul3A_783 = arith.mulf %bitcast3A_776, %bitcast3A_782 : vector<32xbf16>
        %get3A_784 = arith.constant 1 : i32
        %get3A_785 = arith.index_cast %get3A_784 : i32 to index
        %get3A_786 = arith.index_cast %add3A_740 : i32 to index
        %get3A_787 = arith.constant 48 : index
        %get3A_788 = tpu.vector_load %arg6[%get3A_785, %get3A_786, %get3A_787] {strides = array<i32>} : memref<2x80x64xi32, #tpu.memory_space<vmem>>, vector<16xi32>,
        %bitcast3A_789 = vector.bitcast %get3A_788 : vector<16xi32> to vector<32xbf16>
        %get3A_790 = arith.constant 1 : i32
        %get3A_791 = arith.index_cast %get3A_790 : i32 to index
        %get3A_792 = arith.index_cast %add3A_740 : i32 to index
        %get3A_793 = arith.constant 48 : index
        %get3A_794 = tpu.vector_load %arg7[%get3A_791, %get3A_792, %get3A_793] {strides = array<i32>} : memref<2x80x64xi32, #tpu.memory_space<vmem>>, vector<16xi32>,
        %bitcast3A_795 = vector.bitcast %get3A_794 : vector<16xi32> to vector<32xbf16>
        %mul3A_796 = arith.mulf %bitcast3A_789, %bitcast3A_795 : vector<32xbf16>
        %add3A_797 = arith.addf %mul3A_783, %mul3A_796 : vector<32xbf16>
        %unpack3A_798 = tpu.unpack_subelements %add3A_797, 0 {pack_format = #tpu.pack_format<interleaved>} : vector<32xbf16> -> vector<16xf32>
        %unpack3A_799 = tpu.unpack_subelements %add3A_797, 1 {pack_format = #tpu.pack_format<interleaved>} : vector<32xbf16> -> vector<16xf32>
        %add3A_800 = arith.addf %unpack3A_798, %unpack3A_799 : vector<16xf32>
        %add3A_801 = arith.addf %add3A_770, %add3A_800 : vector<16xf32>
        %swap3A_802 = arith.constant 6 : i32
        %swap3A_803 = arith.index_cast %swap3A_802 : i32 to index
        %swap3A_804 = arith.constant 0 : index
        %swap3A_805 = tpu.vector_load %arg9[%swap3A_803, %swap3A_804] {strides = array<i32>} : memref<16x16xf32, #tpu.memory_space<vmem>>, vector<16xf32>,
        tpu.vector_store %arg9[%swap3A_803, %swap3A_804], %add3A_801 {strides = array<i32>} : memref<16x16xf32, #tpu.memory_space<vmem>>, vector<16xf32>,
        %mul3A_806 = arith.constant 16 : i32
        %mul3A_807 = arith.muli %scan3A_325, %mul3A_806 : i32
        %add3A_808 = arith.constant 7 : i32
        %add3A_809 = arith.addi %mul3A_807, %add3A_808 : i32
        %get3A_810 = arith.constant 1 : i32
        %get3A_811 = arith.index_cast %get3A_810 : i32 to index
        %get3A_812 = arith.index_cast %add3A_809 : i32 to index
        %get3A_813 = arith.constant 0 : index
        %get3A_814 = tpu.vector_load %arg6[%get3A_811, %get3A_812, %get3A_813] {strides = array<i32>} : memref<2x80x64xi32, #tpu.memory_space<vmem>>, vector<16xi32>,
        %bitcast3A_815 = vector.bitcast %get3A_814 : vector<16xi32> to vector<32xbf16>
        %get3A_816 = arith.constant 1 : i32
        %get3A_817 = arith.index_cast %get3A_816 : i32 to index
        %get3A_818 = arith.index_cast %add3A_809 : i32 to index
        %get3A_819 = arith.constant 0 : index
        %get3A_820 = tpu.vector_load %arg7[%get3A_817, %get3A_818, %get3A_819] {strides = array<i32>} : memref<2x80x64xi32, #tpu.memory_space<vmem>>, vector<16xi32>,
        %bitcast3A_821 = vector.bitcast %get3A_820 : vector<16xi32> to vector<32xbf16>
        %mul3A_822 = arith.mulf %bitcast3A_815, %bitcast3A_821 : vector<32xbf16>
        %get3A_823 = arith.constant 1 : i32
        %get3A_824 = arith.index_cast %get3A_823 : i32 to index
        %get3A_825 = arith.index_cast %add3A_809 : i32 to index
        %get3A_826 = arith.constant 16 : index
        %get3A_827 = tpu.vector_load %arg6[%get3A_824, %get3A_825, %get3A_826] {strides = array<i32>} : memref<2x80x64xi32, #tpu.memory_space<vmem>>, vector<16xi32>,
        %bitcast3A_828 = vector.bitcast %get3A_827 : vector<16xi32> to vector<32xbf16>
        %get3A_829 = arith.constant 1 : i32
        %get3A_830 = arith.index_cast %get3A_829 : i32 to index
        %get3A_831 = arith.index_cast %add3A_809 : i32 to index
        %get3A_832 = arith.constant 16 : index
        %get3A_833 = tpu.vector_load %arg7[%get3A_830, %get3A_831, %get3A_832] {strides = array<i32>} : memref<2x80x64xi32, #tpu.memory_space<vmem>>, vector<16xi32>,
        %bitcast3A_834 = vector.bitcast %get3A_833 : vector<16xi32> to vector<32xbf16>
        %mul3A_835 = arith.mulf %bitcast3A_828, %bitcast3A_834 : vector<32xbf16>
        %add3A_836 = arith.addf %mul3A_822, %mul3A_835 : vector<32xbf16>
        %unpack3A_837 = tpu.unpack_subelements %add3A_836, 0 {pack_format = #tpu.pack_format<interleaved>} : vector<32xbf16> -> vector<16xf32>
        %unpack3A_838 = tpu.unpack_subelements %add3A_836, 1 {pack_format = #tpu.pack_format<interleaved>} : vector<32xbf16> -> vector<16xf32>
        %add3A_839 = arith.addf %unpack3A_837, %unpack3A_838 : vector<16xf32>
        %get3A_840 = arith.constant 1 : i32
        %get3A_841 = arith.index_cast %get3A_840 : i32 to index
        %get3A_842 = arith.index_cast %add3A_809 : i32 to index
        %get3A_843 = arith.constant 32 : index
        %get3A_844 = tpu.vector_load %arg6[%get3A_841, %get3A_842, %get3A_843] {strides = array<i32>} : memref<2x80x64xi32, #tpu.memory_space<vmem>>, vector<16xi32>,
        %bitcast3A_845 = vector.bitcast %get3A_844 : vector<16xi32> to vector<32xbf16>
        %get3A_846 = arith.constant 1 : i32
        %get3A_847 = arith.index_cast %get3A_846 : i32 to index
        %get3A_848 = arith.index_cast %add3A_809 : i32 to index
        %get3A_849 = arith.constant 32 : index
        %get3A_850 = tpu.vector_load %arg7[%get3A_847, %get3A_848, %get3A_849] {strides = array<i32>} : memref<2x80x64xi32, #tpu.memory_space<vmem>>, vector<16xi32>,
        %bitcast3A_851 = vector.bitcast %get3A_850 : vector<16xi32> to vector<32xbf16>
        %mul3A_852 = arith.mulf %bitcast3A_845, %bitcast3A_851 : vector<32xbf16>
        %get3A_853 = arith.constant 1 : i32
        %get3A_854 = arith.index_cast %get3A_853 : i32 to index
        %get3A_855 = arith.index_cast %add3A_809 : i32 to index
        %get3A_856 = arith.constant 48 : index
        %get3A_857 = tpu.vector_load %arg6[%get3A_854, %get3A_855, %get3A_856] {strides = array<i32>} : memref<2x80x64xi32, #tpu.memory_space<vmem>>, vector<16xi32>,
        %bitcast3A_858 = vector.bitcast %get3A_857 : vector<16xi32> to vector<32xbf16>
        %get3A_859 = arith.constant 1 : i32
        %get3A_860 = arith.index_cast %get3A_859 : i32 to index
        %get3A_861 = arith.index_cast %add3A_809 : i32 to index
        %get3A_862 = arith.constant 48 : index
        %get3A_863 = tpu.vector_load %arg7[%get3A_860, %get3A_861, %get3A_862] {strides = array<i32>} : memref<2x80x64xi32, #tpu.memory_space<vmem>>, vector<16xi32>,
        %bitcast3A_864 = vector.bitcast %get3A_863 : vector<16xi32> to vector<32xbf16>
        %mul3A_865 = arith.mulf %bitcast3A_858, %bitcast3A_864 : vector<32xbf16>
        %add3A_866 = arith.addf %mul3A_852, %mul3A_865 : vector<32xbf16>
        %unpack3A_867 = tpu.unpack_subelements %add3A_866, 0 {pack_format = #tpu.pack_format<interleaved>} : vector<32xbf16> -> vector<16xf32>
        %unpack3A_868 = tpu.unpack_subelements %add3A_866, 1 {pack_format = #tpu.pack_format<interleaved>} : vector<32xbf16> -> vector<16xf32>
        %add3A_869 = arith.addf %unpack3A_867, %unpack3A_868 : vector<16xf32>
        %add3A_870 = arith.addf %add3A_839, %add3A_869 : vector<16xf32>
        %swap3A_871 = arith.constant 7 : i32
        %swap3A_872 = arith.index_cast %swap3A_871 : i32 to index
        %swap3A_873 = arith.constant 0 : index
        %swap3A_874 = tpu.vector_load %arg9[%swap3A_872, %swap3A_873] {strides = array<i32>} : memref<16x16xf32, #tpu.memory_space<vmem>>, vector<16xf32>,
        tpu.vector_store %arg9[%swap3A_872, %swap3A_873], %add3A_870 {strides = array<i32>} : memref<16x16xf32, #tpu.memory_space<vmem>>, vector<16xf32>,
        %mul3A_875 = arith.constant 16 : i32
        %mul3A_876 = arith.muli %scan3A_325, %mul3A_875 : i32
        %add3A_877 = arith.constant 8 : i32
        %add3A_878 = arith.addi %mul3A_876, %add3A_877 : i32
        %get3A_879 = arith.constant 1 : i32
        %get3A_880 = arith.index_cast %get3A_879 : i32 to index
        %get3A_881 = arith.index_cast %add3A_878 : i32 to index
        %get3A_882 = arith.constant 0 : index
        %get3A_883 = tpu.vector_load %arg6[%get3A_880, %get3A_881, %get3A_882] {strides = array<i32>} : memref<2x80x64xi32, #tpu.memory_space<vmem>>, vector<16xi32>,
        %bitcast3A_884 = vector.bitcast %get3A_883 : vector<16xi32> to vector<32xbf16>
        %get3A_885 = arith.constant 1 : i32
        %get3A_886 = arith.index_cast %get3A_885 : i32 to index
        %get3A_887 = arith.index_cast %add3A_878 : i32 to index
        %get3A_888 = arith.constant 0 : index
        %get3A_889 = tpu.vector_load %arg7[%get3A_886, %get3A_887, %get3A_888] {strides = array<i32>} : memref<2x80x64xi32, #tpu.memory_space<vmem>>, vector<16xi32>,
        %bitcast3A_890 = vector.bitcast %get3A_889 : vector<16xi32> to vector<32xbf16>
        %mul3A_891 = arith.mulf %bitcast3A_884, %bitcast3A_890 : vector<32xbf16>
        %get3A_892 = arith.constant 1 : i32
        %get3A_893 = arith.index_cast %get3A_892 : i32 to index
        %get3A_894 = arith.index_cast %add3A_878 : i32 to index
        %get3A_895 = arith.constant 16 : index
        %get3A_896 = tpu.vector_load %arg6[%get3A_893, %get3A_894, %get3A_895] {strides = array<i32>} : memref<2x80x64xi32, #tpu.memory_space<vmem>>, vector<16xi32>,
        %bitcast3A_897 = vector.bitcast %get3A_896 : vector<16xi32> to vector<32xbf16>
        %get3A_898 = arith.constant 1 : i32
        %get3A_899 = arith.index_cast %get3A_898 : i32 to index
        %get3A_900 = arith.index_cast %add3A_878 : i32 to index
        %get3A_901 = arith.constant 16 : index
        %get3A_902 = tpu.vector_load %arg7[%get3A_899, %get3A_900, %get3A_901] {strides = array<i32>} : memref<2x80x64xi32, #tpu.memory_space<vmem>>, vector<16xi32>,
        %bitcast3A_903 = vector.bitcast %get3A_902 : vector<16xi32> to vector<32xbf16>
        %mul3A_904 = arith.mulf %bitcast3A_897, %bitcast3A_903 : vector<32xbf16>
        %add3A_905 = arith.addf %mul3A_891, %mul3A_904 : vector<32xbf16>
        %unpack3A_906 = tpu.unpack_subelements %add3A_905, 0 {pack_format = #tpu.pack_format<interleaved>} : vector<32xbf16> -> vector<16xf32>
        %unpack3A_907 = tpu.unpack_subelements %add3A_905, 1 {pack_format = #tpu.pack_format<interleaved>} : vector<32xbf16> -> vector<16xf32>
        %add3A_908 = arith.addf %unpack3A_906, %unpack3A_907 : vector<16xf32>
        %get3A_909 = arith.constant 1 : i32
        %get3A_910 = arith.index_cast %get3A_909 : i32 to index
        %get3A_911 = arith.index_cast %add3A_878 : i32 to index
        %get3A_912 = arith.constant 32 : index
        %get3A_913 = tpu.vector_load %arg6[%get3A_910, %get3A_911, %get3A_912] {strides = array<i32>} : memref<2x80x64xi32, #tpu.memory_space<vmem>>, vector<16xi32>,
        %bitcast3A_914 = vector.bitcast %get3A_913 : vector<16xi32> to vector<32xbf16>
        %get3A_915 = arith.constant 1 : i32
        %get3A_916 = arith.index_cast %get3A_915 : i32 to index
        %get3A_917 = arith.index_cast %add3A_878 : i32 to index
        %get3A_918 = arith.constant 32 : index
        %get3A_919 = tpu.vector_load %arg7[%get3A_916, %get3A_917, %get3A_918] {strides = array<i32>} : memref<2x80x64xi32, #tpu.memory_space<vmem>>, vector<16xi32>,
        %bitcast3A_920 = vector.bitcast %get3A_919 : vector<16xi32> to vector<32xbf16>
        %mul3A_921 = arith.mulf %bitcast3A_914, %bitcast3A_920 : vector<32xbf16>
        %get3A_922 = arith.constant 1 : i32
        %get3A_923 = arith.index_cast %get3A_922 : i32 to index
        %get3A_924 = arith.index_cast %add3A_878 : i32 to index
        %get3A_925 = arith.constant 48 : index
        %get3A_926 = tpu.vector_load %arg6[%get3A_923, %get3A_924, %get3A_925] {strides = array<i32>} : memref<2x80x64xi32, #tpu.memory_space<vmem>>, vector<16xi32>,
        %bitcast3A_927 = vector.bitcast %get3A_926 : vector<16xi32> to vector<32xbf16>
        %get3A_928 = arith.constant 1 : i32
        %get3A_929 = arith.index_cast %get3A_928 : i32 to index
        %get3A_930 = arith.index_cast %add3A_878 : i32 to index
        %get3A_931 = arith.constant 48 : index
        %get3A_932 = tpu.vector_load %arg7[%get3A_929, %get3A_930, %get3A_931] {strides = array<i32>} : memref<2x80x64xi32, #tpu.memory_space<vmem>>, vector<16xi32>,
        %bitcast3A_933 = vector.bitcast %get3A_932 : vector<16xi32> to vector<32xbf16>
        %mul3A_934 = arith.mulf %bitcast3A_927, %bitcast3A_933 : vector<32xbf16>
        %add3A_935 = arith.addf %mul3A_921, %mul3A_934 : vector<32xbf16>
        %unpack3A_936 = tpu.unpack_subelements %add3A_935, 0 {pack_format = #tpu.pack_format<interleaved>} : vector<32xbf16> -> vector<16xf32>
        %unpack3A_937 = tpu.unpack_subelements %add3A_935, 1 {pack_format = #tpu.pack_format<interleaved>} : vector<32xbf16> -> vector<16xf32>
        %add3A_938 = arith.addf %unpack3A_936, %unpack3A_937 : vector<16xf32>
        %add3A_939 = arith.addf %add3A_908, %add3A_938 : vector<16xf32>
        %swap3A_940 = arith.constant 8 : i32
        %swap3A_941 = arith.index_cast %swap3A_940 : i32 to index
        %swap3A_942 = arith.constant 0 : index
        %swap3A_943 = tpu.vector_load %arg9[%swap3A_941, %swap3A_942] {strides = array<i32>} : memref<16x16xf32, #tpu.memory_space<vmem>>, vector<16xf32>,
        tpu.vector_store %arg9[%swap3A_941, %swap3A_942], %add3A_939 {strides = array<i32>} : memref<16x16xf32, #tpu.memory_space<vmem>>, vector<16xf32>,
        %mul3A_944 = arith.constant 16 : i32
        %mul3A_945 = arith.muli %scan3A_325, %mul3A_944 : i32
        %add3A_946 = arith.constant 9 : i32
        %add3A_947 = arith.addi %mul3A_945, %add3A_946 : i32
        %get3A_948 = arith.constant 1 : i32
        %get3A_949 = arith.index_cast %get3A_948 : i32 to index
        %get3A_950 = arith.index_cast %add3A_947 : i32 to index
        %get3A_951 = arith.constant 0 : index
        %get3A_952 = tpu.vector_load %arg6[%get3A_949, %get3A_950, %get3A_951] {strides = array<i32>} : memref<2x80x64xi32, #tpu.memory_space<vmem>>, vector<16xi32>,
        %bitcast3A_953 = vector.bitcast %get3A_952 : vector<16xi32> to vector<32xbf16>
        %get3A_954 = arith.constant 1 : i32
        %get3A_955 = arith.index_cast %get3A_954 : i32 to index
        %get3A_956 = arith.index_cast %add3A_947 : i32 to index
        %get3A_957 = arith.constant 0 : index
        %get3A_958 = tpu.vector_load %arg7[%get3A_955, %get3A_956, %get3A_957] {strides = array<i32>} : memref<2x80x64xi32, #tpu.memory_space<vmem>>, vector<16xi32>,
        %bitcast3A_959 = vector.bitcast %get3A_958 : vector<16xi32> to vector<32xbf16>
        %mul3A_960 = arith.mulf %bitcast3A_953, %bitcast3A_959 : vector<32xbf16>
        %get3A_961 = arith.constant 1 : i32
        %get3A_962 = arith.index_cast %get3A_961 : i32 to index
        %get3A_963 = arith.index_cast %add3A_947 : i32 to index
        %get3A_964 = arith.constant 16 : index
        %get3A_965 = tpu.vector_load %arg6[%get3A_962, %get3A_963, %get3A_964] {strides = array<i32>} : memref<2x80x64xi32, #tpu.memory_space<vmem>>, vector<16xi32>,
        %bitcast3A_966 = vector.bitcast %get3A_965 : vector<16xi32> to vector<32xbf16>
        %get3A_967 = arith.constant 1 : i32
        %get3A_968 = arith.index_cast %get3A_967 : i32 to index
        %get3A_969 = arith.index_cast %add3A_947 : i32 to index
        %get3A_970 = arith.constant 16 : index
        %get3A_971 = tpu.vector_load %arg7[%get3A_968, %get3A_969, %get3A_970] {strides = array<i32>} : memref<2x80x64xi32, #tpu.memory_space<vmem>>, vector<16xi32>,
        %bitcast3A_972 = vector.bitcast %get3A_971 : vector<16xi32> to vector<32xbf16>
        %mul3A_973 = arith.mulf %bitcast3A_966, %bitcast3A_972 : vector<32xbf16>
        %add3A_974 = arith.addf %mul3A_960, %mul3A_973 : vector<32xbf16>
        %unpack3A_975 = tpu.unpack_subelements %add3A_974, 0 {pack_format = #tpu.pack_format<interleaved>} : vector<32xbf16> -> vector<16xf32>
        %unpack3A_976 = tpu.unpack_subelements %add3A_974, 1 {pack_format = #tpu.pack_format<interleaved>} : vector<32xbf16> -> vector<16xf32>
        %add3A_977 = arith.addf %unpack3A_975, %unpack3A_976 : vector<16xf32>
        %get3A_978 = arith.constant 1 : i32
        %get3A_979 = arith.index_cast %get3A_978 : i32 to index
        %get3A_980 = arith.index_cast %add3A_947 : i32 to index
        %get3A_981 = arith.constant 32 : index
        %get3A_982 = tpu.vector_load %arg6[%get3A_979, %get3A_980, %get3A_981] {strides = array<i32>} : memref<2x80x64xi32, #tpu.memory_space<vmem>>, vector<16xi32>,
        %bitcast3A_983 = vector.bitcast %get3A_982 : vector<16xi32> to vector<32xbf16>
        %get3A_984 = arith.constant 1 : i32
        %get3A_985 = arith.index_cast %get3A_984 : i32 to index
        %get3A_986 = arith.index_cast %add3A_947 : i32 to index
        %get3A_987 = arith.constant 32 : index
        %get3A_988 = tpu.vector_load %arg7[%get3A_985, %get3A_986, %get3A_987] {strides = array<i32>} : memref<2x80x64xi32, #tpu.memory_space<vmem>>, vector<16xi32>,
        %bitcast3A_989 = vector.bitcast %get3A_988 : vector<16xi32> to vector<32xbf16>
        %mul3A_990 = arith.mulf %bitcast3A_983, %bitcast3A_989 : vector<32xbf16>
        %get3A_991 = arith.constant 1 : i32
        %get3A_992 = arith.index_cast %get3A_991 : i32 to index
        %get3A_993 = arith.index_cast %add3A_947 : i32 to index
        %get3A_994 = arith.constant 48 : index
        %get3A_995 = tpu.vector_load %arg6[%get3A_992, %get3A_993, %get3A_994] {strides = array<i32>} : memref<2x80x64xi32, #tpu.memory_space<vmem>>, vector<16xi32>,
        %bitcast3A_996 = vector.bitcast %get3A_995 : vector<16xi32> to vector<32xbf16>
        %get3A_997 = arith.constant 1 : i32
        %get3A_998 = arith.index_cast %get3A_997 : i32 to index
        %get3A_999 = arith.index_cast %add3A_947 : i32 to index
        %get3A_1000 = arith.constant 48 : index
        %get3A_1001 = tpu.vector_load %arg7[%get3A_998, %get3A_999, %get3A_1000] {strides = array<i32>} : memref<2x80x64xi32, #tpu.memory_space<vmem>>, vector<16xi32>,
        %bitcast3A_1002 = vector.bitcast %get3A_1001 : vector<16xi32> to vector<32xbf16>
        %mul3A_1003 = arith.mulf %bitcast3A_996, %bitcast3A_1002 : vector<32xbf16>
        %add3A_1004 = arith.addf %mul3A_990, %mul3A_1003 : vector<32xbf16>
        %unpack3A_1005 = tpu.unpack_subelements %add3A_1004, 0 {pack_format = #tpu.pack_format<interleaved>} : vector<32xbf16> -> vector<16xf32>
        %unpack3A_1006 = tpu.unpack_subelements %add3A_1004, 1 {pack_format = #tpu.pack_format<interleaved>} : vector<32xbf16> -> vector<16xf32>
        %add3A_1007 = arith.addf %unpack3A_1005, %unpack3A_1006 : vector<16xf32>
        %add3A_1008 = arith.addf %add3A_977, %add3A_1007 : vector<16xf32>
        %swap3A_1009 = arith.constant 9 : i32
        %swap3A_1010 = arith.index_cast %swap3A_1009 : i32 to index
        %swap3A_1011 = arith.constant 0 : index
        %swap3A_1012 = tpu.vector_load %arg9[%swap3A_1010, %swap3A_1011] {strides = array<i32>} : memref<16x16xf32, #tpu.memory_space<vmem>>, vector<16xf32>,
        tpu.vector_store %arg9[%swap3A_1010, %swap3A_1011], %add3A_1008 {strides = array<i32>} : memref<16x16xf32, #tpu.memory_space<vmem>>, vector<16xf32>,
        %mul3A_1013 = arith.constant 16 : i32
        %mul3A_1014 = arith.muli %scan3A_325, %mul3A_1013 : i32
        %add3A_1015 = arith.constant 10 : i32
        %add3A_1016 = arith.addi %mul3A_1014, %add3A_1015 : i32
        %get3A_1017 = arith.constant 1 : i32
        %get3A_1018 = arith.index_cast %get3A_1017 : i32 to index
        %get3A_1019 = arith.index_cast %add3A_1016 : i32 to index
        %get3A_1020 = arith.constant 0 : index
        %get3A_1021 = tpu.vector_load %arg6[%get3A_1018, %get3A_1019, %get3A_1020] {strides = array<i32>} : memref<2x80x64xi32, #tpu.memory_space<vmem>>, vector<16xi32>,
        %bitcast3A_1022 = vector.bitcast %get3A_1021 : vector<16xi32> to vector<32xbf16>
        %get3A_1023 = arith.constant 1 : i32
        %get3A_1024 = arith.index_cast %get3A_1023 : i32 to index
        %get3A_1025 = arith.index_cast %add3A_1016 : i32 to index
        %get3A_1026 = arith.constant 0 : index
        %get3A_1027 = tpu.vector_load %arg7[%get3A_1024, %get3A_1025, %get3A_1026] {strides = array<i32>} : memref<2x80x64xi32, #tpu.memory_space<vmem>>, vector<16xi32>,
        %bitcast3A_1028 = vector.bitcast %get3A_1027 : vector<16xi32> to vector<32xbf16>
        %mul3A_1029 = arith.mulf %bitcast3A_1022, %bitcast3A_1028 : vector<32xbf16>
        %get3A_1030 = arith.constant 1 : i32
        %get3A_1031 = arith.index_cast %get3A_1030 : i32 to index
        %get3A_1032 = arith.index_cast %add3A_1016 : i32 to index
        %get3A_1033 = arith.constant 16 : index
        %get3A_1034 = tpu.vector_load %arg6[%get3A_1031, %get3A_1032, %get3A_1033] {strides = array<i32>} : memref<2x80x64xi32, #tpu.memory_space<vmem>>, vector<16xi32>,
        %bitcast3A_1035 = vector.bitcast %get3A_1034 : vector<16xi32> to vector<32xbf16>
        %get3A_1036 = arith.constant 1 : i32
        %get3A_1037 = arith.index_cast %get3A_1036 : i32 to index
        %get3A_1038 = arith.index_cast %add3A_1016 : i32 to index
        %get3A_1039 = arith.constant 16 : index
        %get3A_1040 = tpu.vector_load %arg7[%get3A_1037, %get3A_1038, %get3A_1039] {strides = array<i32>} : memref<2x80x64xi32, #tpu.memory_space<vmem>>, vector<16xi32>,
        %bitcast3A_1041 = vector.bitcast %get3A_1040 : vector<16xi32> to vector<32xbf16>
        %mul3A_1042 = arith.mulf %bitcast3A_1035, %bitcast3A_1041 : vector<32xbf16>
        %add3A_1043 = arith.addf %mul3A_1029, %mul3A_1042 : vector<32xbf16>
        %unpack3A_1044 = tpu.unpack_subelements %add3A_1043, 0 {pack_format = #tpu.pack_format<interleaved>} : vector<32xbf16> -> vector<16xf32>
        %unpack3A_1045 = tpu.unpack_subelements %add3A_1043, 1 {pack_format = #tpu.pack_format<interleaved>} : vector<32xbf16> -> vector<16xf32>
        %add3A_1046 = arith.addf %unpack3A_1044, %unpack3A_1045 : vector<16xf32>
        %get3A_1047 = arith.constant 1 : i32
        %get3A_1048 = arith.index_cast %get3A_1047 : i32 to index
        %get3A_1049 = arith.index_cast %add3A_1016 : i32 to index
        %get3A_1050 = arith.constant 32 : index
        %get3A_1051 = tpu.vector_load %arg6[%get3A_1048, %get3A_1049, %get3A_1050] {strides = array<i32>} : memref<2x80x64xi32, #tpu.memory_space<vmem>>, vector<16xi32>,
        %bitcast3A_1052 = vector.bitcast %get3A_1051 : vector<16xi32> to vector<32xbf16>
        %get3A_1053 = arith.constant 1 : i32
        %get3A_1054 = arith.index_cast %get3A_1053 : i32 to index
        %get3A_1055 = arith.index_cast %add3A_1016 : i32 to index
        %get3A_1056 = arith.constant 32 : index
        %get3A_1057 = tpu.vector_load %arg7[%get3A_1054, %get3A_1055, %get3A_1056] {strides = array<i32>} : memref<2x80x64xi32, #tpu.memory_space<vmem>>, vector<16xi32>,
        %bitcast3A_1058 = vector.bitcast %get3A_1057 : vector<16xi32> to vector<32xbf16>
        %mul3A_1059 = arith.mulf %bitcast3A_1052, %bitcast3A_1058 : vector<32xbf16>
        %get3A_1060 = arith.constant 1 : i32
        %get3A_1061 = arith.index_cast %get3A_1060 : i32 to index
        %get3A_1062 = arith.index_cast %add3A_1016 : i32 to index
        %get3A_1063 = arith.constant 48 : index
        %get3A_1064 = tpu.vector_load %arg6[%get3A_1061, %get3A_1062, %get3A_1063] {strides = array<i32>} : memref<2x80x64xi32, #tpu.memory_space<vmem>>, vector<16xi32>,
        %bitcast3A_1065 = vector.bitcast %get3A_1064 : vector<16xi32> to vector<32xbf16>
        %get3A_1066 = arith.constant 1 : i32
        %get3A_1067 = arith.index_cast %get3A_1066 : i32 to index
        %get3A_1068 = arith.index_cast %add3A_1016 : i32 to index
        %get3A_1069 = arith.constant 48 : index
        %get3A_1070 = tpu.vector_load %arg7[%get3A_1067, %get3A_1068, %get3A_1069] {strides = array<i32>} : memref<2x80x64xi32, #tpu.memory_space<vmem>>, vector<16xi32>,
        %bitcast3A_1071 = vector.bitcast %get3A_1070 : vector<16xi32> to vector<32xbf16>
        %mul3A_1072 = arith.mulf %bitcast3A_1065, %bitcast3A_1071 : vector<32xbf16>
        %add3A_1073 = arith.addf %mul3A_1059, %mul3A_1072 : vector<32xbf16>
        %unpack3A_1074 = tpu.unpack_subelements %add3A_1073, 0 {pack_format = #tpu.pack_format<interleaved>} : vector<32xbf16> -> vector<16xf32>
        %unpack3A_1075 = tpu.unpack_subelements %add3A_1073, 1 {pack_format = #tpu.pack_format<interleaved>} : vector<32xbf16> -> vector<16xf32>
        %add3A_1076 = arith.addf %unpack3A_1074, %unpack3A_1075 : vector<16xf32>
        %add3A_1077 = arith.addf %add3A_1046, %add3A_1076 : vector<16xf32>
        %swap3A_1078 = arith.constant 10 : i32
        %swap3A_1079 = arith.index_cast %swap3A_1078 : i32 to index
        %swap3A_1080 = arith.constant 0 : index
        %swap3A_1081 = tpu.vector_load %arg9[%swap3A_1079, %swap3A_1080] {strides = array<i32>} : memref<16x16xf32, #tpu.memory_space<vmem>>, vector<16xf32>,
        tpu.vector_store %arg9[%swap3A_1079, %swap3A_1080], %add3A_1077 {strides = array<i32>} : memref<16x16xf32, #tpu.memory_space<vmem>>, vector<16xf32>,
        %mul3A_1082 = arith.constant 16 : i32
        %mul3A_1083 = arith.muli %scan3A_325, %mul3A_1082 : i32
        %add3A_1084 = arith.constant 11 : i32
        %add3A_1085 = arith.addi %mul3A_1083, %add3A_1084 : i32
        %get3A_1086 = arith.constant 1 : i32
        %get3A_1087 = arith.index_cast %get3A_1086 : i32 to index
        %get3A_1088 = arith.index_cast %add3A_1085 : i32 to index
        %get3A_1089 = arith.constant 0 : index
        %get3A_1090 = tpu.vector_load %arg6[%get3A_1087, %get3A_1088, %get3A_1089] {strides = array<i32>} : memref<2x80x64xi32, #tpu.memory_space<vmem>>, vector<16xi32>,
        %bitcast3A_1091 = vector.bitcast %get3A_1090 : vector<16xi32> to vector<32xbf16>
        %get3A_1092 = arith.constant 1 : i32
        %get3A_1093 = arith.index_cast %get3A_1092 : i32 to index
        %get3A_1094 = arith.index_cast %add3A_1085 : i32 to index
        %get3A_1095 = arith.constant 0 : index
        %get3A_1096 = tpu.vector_load %arg7[%get3A_1093, %get3A_1094, %get3A_1095] {strides = array<i32>} : memref<2x80x64xi32, #tpu.memory_space<vmem>>, vector<16xi32>,
        %bitcast3A_1097 = vector.bitcast %get3A_1096 : vector<16xi32> to vector<32xbf16>
        %mul3A_1098 = arith.mulf %bitcast3A_1091, %bitcast3A_1097 : vector<32xbf16>
        %get3A_1099 = arith.constant 1 : i32
        %get3A_1100 = arith.index_cast %get3A_1099 : i32 to index
        %get3A_1101 = arith.index_cast %add3A_1085 : i32 to index
        %get3A_1102 = arith.constant 16 : index
        %get3A_1103 = tpu.vector_load %arg6[%get3A_1100, %get3A_1101, %get3A_1102] {strides = array<i32>} : memref<2x80x64xi32, #tpu.memory_space<vmem>>, vector<16xi32>,
        %bitcast3A_1104 = vector.bitcast %get3A_1103 : vector<16xi32> to vector<32xbf16>
        %get3A_1105 = arith.constant 1 : i32
        %get3A_1106 = arith.index_cast %get3A_1105 : i32 to index
        %get3A_1107 = arith.index_cast %add3A_1085 : i32 to index
        %get3A_1108 = arith.constant 16 : index
        %get3A_1109 = tpu.vector_load %arg7[%get3A_1106, %get3A_1107, %get3A_1108] {strides = array<i32>} : memref<2x80x64xi32, #tpu.memory_space<vmem>>, vector<16xi32>,
        %bitcast3A_1110 = vector.bitcast %get3A_1109 : vector<16xi32> to vector<32xbf16>
        %mul3A_1111 = arith.mulf %bitcast3A_1104, %bitcast3A_1110 : vector<32xbf16>
        %add3A_1112 = arith.addf %mul3A_1098, %mul3A_1111 : vector<32xbf16>
        %unpack3A_1113 = tpu.unpack_subelements %add3A_1112, 0 {pack_format = #tpu.pack_format<interleaved>} : vector<32xbf16> -> vector<16xf32>
        %unpack3A_1114 = tpu.unpack_subelements %add3A_1112, 1 {pack_format = #tpu.pack_format<interleaved>} : vector<32xbf16> -> vector<16xf32>
        %add3A_1115 = arith.addf %unpack3A_1113, %unpack3A_1114 : vector<16xf32>
        %get3A_1116 = arith.constant 1 : i32
        %get3A_1117 = arith.index_cast %get3A_1116 : i32 to index
        %get3A_1118 = arith.index_cast %add3A_1085 : i32 to index
        %get3A_1119 = arith.constant 32 : index
        %get3A_1120 = tpu.vector_load %arg6[%get3A_1117, %get3A_1118, %get3A_1119] {strides = array<i32>} : memref<2x80x64xi32, #tpu.memory_space<vmem>>, vector<16xi32>,
        %bitcast3A_1121 = vector.bitcast %get3A_1120 : vector<16xi32> to vector<32xbf16>
        %get3A_1122 = arith.constant 1 : i32
        %get3A_1123 = arith.index_cast %get3A_1122 : i32 to index
        %get3A_1124 = arith.index_cast %add3A_1085 : i32 to index
        %get3A_1125 = arith.constant 32 : index
        %get3A_1126 = tpu.vector_load %arg7[%get3A_1123, %get3A_1124, %get3A_1125] {strides = array<i32>} : memref<2x80x64xi32, #tpu.memory_space<vmem>>, vector<16xi32>,
        %bitcast3A_1127 = vector.bitcast %get3A_1126 : vector<16xi32> to vector<32xbf16>
        %mul3A_1128 = arith.mulf %bitcast3A_1121, %bitcast3A_1127 : vector<32xbf16>
        %get3A_1129 = arith.constant 1 : i32
        %get3A_1130 = arith.index_cast %get3A_1129 : i32 to index
        %get3A_1131 = arith.index_cast %add3A_1085 : i32 to index
        %get3A_1132 = arith.constant 48 : index
        %get3A_1133 = tpu.vector_load %arg6[%get3A_1130, %get3A_1131, %get3A_1132] {strides = array<i32>} : memref<2x80x64xi32, #tpu.memory_space<vmem>>, vector<16xi32>,
        %bitcast3A_1134 = vector.bitcast %get3A_1133 : vector<16xi32> to vector<32xbf16>
        %get3A_1135 = arith.constant 1 : i32
        %get3A_1136 = arith.index_cast %get3A_1135 : i32 to index
        %get3A_1137 = arith.index_cast %add3A_1085 : i32 to index
        %get3A_1138 = arith.constant 48 : index
        %get3A_1139 = tpu.vector_load %arg7[%get3A_1136, %get3A_1137, %get3A_1138] {strides = array<i32>} : memref<2x80x64xi32, #tpu.memory_space<vmem>>, vector<16xi32>,
        %bitcast3A_1140 = vector.bitcast %get3A_1139 : vector<16xi32> to vector<32xbf16>
        %mul3A_1141 = arith.mulf %bitcast3A_1134, %bitcast3A_1140 : vector<32xbf16>
        %add3A_1142 = arith.addf %mul3A_1128, %mul3A_1141 : vector<32xbf16>
        %unpack3A_1143 = tpu.unpack_subelements %add3A_1142, 0 {pack_format = #tpu.pack_format<interleaved>} : vector<32xbf16> -> vector<16xf32>
        %unpack3A_1144 = tpu.unpack_subelements %add3A_1142, 1 {pack_format = #tpu.pack_format<interleaved>} : vector<32xbf16> -> vector<16xf32>
        %add3A_1145 = arith.addf %unpack3A_1143, %unpack3A_1144 : vector<16xf32>
        %add3A_1146 = arith.addf %add3A_1115, %add3A_1145 : vector<16xf32>
        %swap3A_1147 = arith.constant 11 : i32
        %swap3A_1148 = arith.index_cast %swap3A_1147 : i32 to index
        %swap3A_1149 = arith.constant 0 : index
        %swap3A_1150 = tpu.vector_load %arg9[%swap3A_1148, %swap3A_1149] {strides = array<i32>} : memref<16x16xf32, #tpu.memory_space<vmem>>, vector<16xf32>,
        tpu.vector_store %arg9[%swap3A_1148, %swap3A_1149], %add3A_1146 {strides = array<i32>} : memref<16x16xf32, #tpu.memory_space<vmem>>, vector<16xf32>,
        %mul3A_1151 = arith.constant 16 : i32
        %mul3A_1152 = arith.muli %scan3A_325, %mul3A_1151 : i32
        %add3A_1153 = arith.constant 12 : i32
        %add3A_1154 = arith.addi %mul3A_1152, %add3A_1153 : i32
        %get3A_1155 = arith.constant 1 : i32
        %get3A_1156 = arith.index_cast %get3A_1155 : i32 to index
        %get3A_1157 = arith.index_cast %add3A_1154 : i32 to index
        %get3A_1158 = arith.constant 0 : index
        %get3A_1159 = tpu.vector_load %arg6[%get3A_1156, %get3A_1157, %get3A_1158] {strides = array<i32>} : memref<2x80x64xi32, #tpu.memory_space<vmem>>, vector<16xi32>,
        %bitcast3A_1160 = vector.bitcast %get3A_1159 : vector<16xi32> to vector<32xbf16>
        %get3A_1161 = arith.constant 1 : i32
        %get3A_1162 = arith.index_cast %get3A_1161 : i32 to index
        %get3A_1163 = arith.index_cast %add3A_1154 : i32 to index
        %get3A_1164 = arith.constant 0 : index
        %get3A_1165 = tpu.vector_load %arg7[%get3A_1162, %get3A_1163, %get3A_1164] {strides = array<i32>} : memref<2x80x64xi32, #tpu.memory_space<vmem>>, vector<16xi32>,
        %bitcast3A_1166 = vector.bitcast %get3A_1165 : vector<16xi32> to vector<32xbf16>
        %mul3A_1167 = arith.mulf %bitcast3A_1160, %bitcast3A_1166 : vector<32xbf16>
        %get3A_1168 = arith.constant 1 : i32
        %get3A_1169 = arith.index_cast %get3A_1168 : i32 to index
        %get3A_1170 = arith.index_cast %add3A_1154 : i32 to index
        %get3A_1171 = arith.constant 16 : index
        %get3A_1172 = tpu.vector_load %arg6[%get3A_1169, %get3A_1170, %get3A_1171] {strides = array<i32>} : memref<2x80x64xi32, #tpu.memory_space<vmem>>, vector<16xi32>,
        %bitcast3A_1173 = vector.bitcast %get3A_1172 : vector<16xi32> to vector<32xbf16>
        %get3A_1174 = arith.constant 1 : i32
        %get3A_1175 = arith.index_cast %get3A_1174 : i32 to index
        %get3A_1176 = arith.index_cast %add3A_1154 : i32 to index
        %get3A_1177 = arith.constant 16 : index
        %get3A_1178 = tpu.vector_load %arg7[%get3A_1175, %get3A_1176, %get3A_1177] {strides = array<i32>} : memref<2x80x64xi32, #tpu.memory_space<vmem>>, vector<16xi32>,
        %bitcast3A_1179 = vector.bitcast %get3A_1178 : vector<16xi32> to vector<32xbf16>
        %mul3A_1180 = arith.mulf %bitcast3A_1173, %bitcast3A_1179 : vector<32xbf16>
        %add3A_1181 = arith.addf %mul3A_1167, %mul3A_1180 : vector<32xbf16>
        %unpack3A_1182 = tpu.unpack_subelements %add3A_1181, 0 {pack_format = #tpu.pack_format<interleaved>} : vector<32xbf16> -> vector<16xf32>
        %unpack3A_1183 = tpu.unpack_subelements %add3A_1181, 1 {pack_format = #tpu.pack_format<interleaved>} : vector<32xbf16> -> vector<16xf32>
        %add3A_1184 = arith.addf %unpack3A_1182, %unpack3A_1183 : vector<16xf32>
        %get3A_1185 = arith.constant 1 : i32
        %get3A_1186 = arith.index_cast %get3A_1185 : i32 to index
        %get3A_1187 = arith.index_cast %add3A_1154 : i32 to index
        %get3A_1188 = arith.constant 32 : index
        %get3A_1189 = tpu.vector_load %arg6[%get3A_1186, %get3A_1187, %get3A_1188] {strides = array<i32>} : memref<2x80x64xi32, #tpu.memory_space<vmem>>, vector<16xi32>,
        %bitcast3A_1190 = vector.bitcast %get3A_1189 : vector<16xi32> to vector<32xbf16>
        %get3A_1191 = arith.constant 1 : i32
        %get3A_1192 = arith.index_cast %get3A_1191 : i32 to index
        %get3A_1193 = arith.index_cast %add3A_1154 : i32 to index
        %get3A_1194 = arith.constant 32 : index
        %get3A_1195 = tpu.vector_load %arg7[%get3A_1192, %get3A_1193, %get3A_1194] {strides = array<i32>} : memref<2x80x64xi32, #tpu.memory_space<vmem>>, vector<16xi32>,
        %bitcast3A_1196 = vector.bitcast %get3A_1195 : vector<16xi32> to vector<32xbf16>
        %mul3A_1197 = arith.mulf %bitcast3A_1190, %bitcast3A_1196 : vector<32xbf16>
        %get3A_1198 = arith.constant 1 : i32
        %get3A_1199 = arith.index_cast %get3A_1198 : i32 to index
        %get3A_1200 = arith.index_cast %add3A_1154 : i32 to index
        %get3A_1201 = arith.constant 48 : index
        %get3A_1202 = tpu.vector_load %arg6[%get3A_1199, %get3A_1200, %get3A_1201] {strides = array<i32>} : memref<2x80x64xi32, #tpu.memory_space<vmem>>, vector<16xi32>,
        %bitcast3A_1203 = vector.bitcast %get3A_1202 : vector<16xi32> to vector<32xbf16>
        %get3A_1204 = arith.constant 1 : i32
        %get3A_1205 = arith.index_cast %get3A_1204 : i32 to index
        %get3A_1206 = arith.index_cast %add3A_1154 : i32 to index
        %get3A_1207 = arith.constant 48 : index
        %get3A_1208 = tpu.vector_load %arg7[%get3A_1205, %get3A_1206, %get3A_1207] {strides = array<i32>} : memref<2x80x64xi32, #tpu.memory_space<vmem>>, vector<16xi32>,
        %bitcast3A_1209 = vector.bitcast %get3A_1208 : vector<16xi32> to vector<32xbf16>
        %mul3A_1210 = arith.mulf %bitcast3A_1203, %bitcast3A_1209 : vector<32xbf16>
        %add3A_1211 = arith.addf %mul3A_1197, %mul3A_1210 : vector<32xbf16>
        %unpack3A_1212 = tpu.unpack_subelements %add3A_1211, 0 {pack_format = #tpu.pack_format<interleaved>} : vector<32xbf16> -> vector<16xf32>
        %unpack3A_1213 = tpu.unpack_subelements %add3A_1211, 1 {pack_format = #tpu.pack_format<interleaved>} : vector<32xbf16> -> vector<16xf32>
        %add3A_1214 = arith.addf %unpack3A_1212, %unpack3A_1213 : vector<16xf32>
        %add3A_1215 = arith.addf %add3A_1184, %add3A_1214 : vector<16xf32>
        %swap3A_1216 = arith.constant 12 : i32
        %swap3A_1217 = arith.index_cast %swap3A_1216 : i32 to index
        %swap3A_1218 = arith.constant 0 : index
        %swap3A_1219 = tpu.vector_load %arg9[%swap3A_1217, %swap3A_1218] {strides = array<i32>} : memref<16x16xf32, #tpu.memory_space<vmem>>, vector<16xf32>,
        tpu.vector_store %arg9[%swap3A_1217, %swap3A_1218], %add3A_1215 {strides = array<i32>} : memref<16x16xf32, #tpu.memory_space<vmem>>, vector<16xf32>,
        %mul3A_1220 = arith.constant 16 : i32
        %mul3A_1221 = arith.muli %scan3A_325, %mul3A_1220 : i32
        %add3A_1222 = arith.constant 13 : i32
        %add3A_1223 = arith.addi %mul3A_1221, %add3A_1222 : i32
        %get3A_1224 = arith.constant 1 : i32
        %get3A_1225 = arith.index_cast %get3A_1224 : i32 to index
        %get3A_1226 = arith.index_cast %add3A_1223 : i32 to index
        %get3A_1227 = arith.constant 0 : index
        %get3A_1228 = tpu.vector_load %arg6[%get3A_1225, %get3A_1226, %get3A_1227] {strides = array<i32>} : memref<2x80x64xi32, #tpu.memory_space<vmem>>, vector<16xi32>,
        %bitcast3A_1229 = vector.bitcast %get3A_1228 : vector<16xi32> to vector<32xbf16>
        %get3A_1230 = arith.constant 1 : i32
        %get3A_1231 = arith.index_cast %get3A_1230 : i32 to index
        %get3A_1232 = arith.index_cast %add3A_1223 : i32 to index
        %get3A_1233 = arith.constant 0 : index
        %get3A_1234 = tpu.vector_load %arg7[%get3A_1231, %get3A_1232, %get3A_1233] {strides = array<i32>} : memref<2x80x64xi32, #tpu.memory_space<vmem>>, vector<16xi32>,
        %bitcast3A_1235 = vector.bitcast %get3A_1234 : vector<16xi32> to vector<32xbf16>
        %mul3A_1236 = arith.mulf %bitcast3A_1229, %bitcast3A_1235 : vector<32xbf16>
        %get3A_1237 = arith.constant 1 : i32
        %get3A_1238 = arith.index_cast %get3A_1237 : i32 to index
        %get3A_1239 = arith.index_cast %add3A_1223 : i32 to index
        %get3A_1240 = arith.constant 16 : index
        %get3A_1241 = tpu.vector_load %arg6[%get3A_1238, %get3A_1239, %get3A_1240] {strides = array<i32>} : memref<2x80x64xi32, #tpu.memory_space<vmem>>, vector<16xi32>,
        %bitcast3A_1242 = vector.bitcast %get3A_1241 : vector<16xi32> to vector<32xbf16>
        %get3A_1243 = arith.constant 1 : i32
        %get3A_1244 = arith.index_cast %get3A_1243 : i32 to index
        %get3A_1245 = arith.index_cast %add3A_1223 : i32 to index
        %get3A_1246 = arith.constant 16 : index
        %get3A_1247 = tpu.vector_load %arg7[%get3A_1244, %get3A_1245, %get3A_1246] {strides = array<i32>} : memref<2x80x64xi32, #tpu.memory_space<vmem>>, vector<16xi32>,
        %bitcast3A_1248 = vector.bitcast %get3A_1247 : vector<16xi32> to vector<32xbf16>
        %mul3A_1249 = arith.mulf %bitcast3A_1242, %bitcast3A_1248 : vector<32xbf16>
        %add3A_1250 = arith.addf %mul3A_1236, %mul3A_1249 : vector<32xbf16>
        %unpack3A_1251 = tpu.unpack_subelements %add3A_1250, 0 {pack_format = #tpu.pack_format<interleaved>} : vector<32xbf16> -> vector<16xf32>
        %unpack3A_1252 = tpu.unpack_subelements %add3A_1250, 1 {pack_format = #tpu.pack_format<interleaved>} : vector<32xbf16> -> vector<16xf32>
        %add3A_1253 = arith.addf %unpack3A_1251, %unpack3A_1252 : vector<16xf32>
        %get3A_1254 = arith.constant 1 : i32
        %get3A_1255 = arith.index_cast %get3A_1254 : i32 to index
        %get3A_1256 = arith.index_cast %add3A_1223 : i32 to index
        %get3A_1257 = arith.constant 32 : index
        %get3A_1258 = tpu.vector_load %arg6[%get3A_1255, %get3A_1256, %get3A_1257] {strides = array<i32>} : memref<2x80x64xi32, #tpu.memory_space<vmem>>, vector<16xi32>,
        %bitcast3A_1259 = vector.bitcast %get3A_1258 : vector<16xi32> to vector<32xbf16>
        %get3A_1260 = arith.constant 1 : i32
        %get3A_1261 = arith.index_cast %get3A_1260 : i32 to index
        %get3A_1262 = arith.index_cast %add3A_1223 : i32 to index
        %get3A_1263 = arith.constant 32 : index
        %get3A_1264 = tpu.vector_load %arg7[%get3A_1261, %get3A_1262, %get3A_1263] {strides = array<i32>} : memref<2x80x64xi32, #tpu.memory_space<vmem>>, vector<16xi32>,
        %bitcast3A_1265 = vector.bitcast %get3A_1264 : vector<16xi32> to vector<32xbf16>
        %mul3A_1266 = arith.mulf %bitcast3A_1259, %bitcast3A_1265 : vector<32xbf16>
        %get3A_1267 = arith.constant 1 : i32
        %get3A_1268 = arith.index_cast %get3A_1267 : i32 to index
        %get3A_1269 = arith.index_cast %add3A_1223 : i32 to index
        %get3A_1270 = arith.constant 48 : index
        %get3A_1271 = tpu.vector_load %arg6[%get3A_1268, %get3A_1269, %get3A_1270] {strides = array<i32>} : memref<2x80x64xi32, #tpu.memory_space<vmem>>, vector<16xi32>,
        %bitcast3A_1272 = vector.bitcast %get3A_1271 : vector<16xi32> to vector<32xbf16>
        %get3A_1273 = arith.constant 1 : i32
        %get3A_1274 = arith.index_cast %get3A_1273 : i32 to index
        %get3A_1275 = arith.index_cast %add3A_1223 : i32 to index
        %get3A_1276 = arith.constant 48 : index
        %get3A_1277 = tpu.vector_load %arg7[%get3A_1274, %get3A_1275, %get3A_1276] {strides = array<i32>} : memref<2x80x64xi32, #tpu.memory_space<vmem>>, vector<16xi32>,
        %bitcast3A_1278 = vector.bitcast %get3A_1277 : vector<16xi32> to vector<32xbf16>
        %mul3A_1279 = arith.mulf %bitcast3A_1272, %bitcast3A_1278 : vector<32xbf16>
        %add3A_1280 = arith.addf %mul3A_1266, %mul3A_1279 : vector<32xbf16>
        %unpack3A_1281 = tpu.unpack_subelements %add3A_1280, 0 {pack_format = #tpu.pack_format<interleaved>} : vector<32xbf16> -> vector<16xf32>
        %unpack3A_1282 = tpu.unpack_subelements %add3A_1280, 1 {pack_format = #tpu.pack_format<interleaved>} : vector<32xbf16> -> vector<16xf32>
        %add3A_1283 = arith.addf %unpack3A_1281, %unpack3A_1282 : vector<16xf32>
        %add3A_1284 = arith.addf %add3A_1253, %add3A_1283 : vector<16xf32>
        %swap3A_1285 = arith.constant 13 : i32
        %swap3A_1286 = arith.index_cast %swap3A_1285 : i32 to index
        %swap3A_1287 = arith.constant 0 : index
        %swap3A_1288 = tpu.vector_load %arg9[%swap3A_1286, %swap3A_1287] {strides = array<i32>} : memref<16x16xf32, #tpu.memory_space<vmem>>, vector<16xf32>,
        tpu.vector_store %arg9[%swap3A_1286, %swap3A_1287], %add3A_1284 {strides = array<i32>} : memref<16x16xf32, #tpu.memory_space<vmem>>, vector<16xf32>,
        %mul3A_1289 = arith.constant 16 : i32
        %mul3A_1290 = arith.muli %scan3A_325, %mul3A_1289 : i32
        %add3A_1291 = arith.constant 14 : i32
        %add3A_1292 = arith.addi %mul3A_1290, %add3A_1291 : i32
        %get3A_1293 = arith.constant 1 : i32
        %get3A_1294 = arith.index_cast %get3A_1293 : i32 to index
        %get3A_1295 = arith.index_cast %add3A_1292 : i32 to index
        %get3A_1296 = arith.constant 0 : index
        %get3A_1297 = tpu.vector_load %arg6[%get3A_1294, %get3A_1295, %get3A_1296] {strides = array<i32>} : memref<2x80x64xi32, #tpu.memory_space<vmem>>, vector<16xi32>,
        %bitcast3A_1298 = vector.bitcast %get3A_1297 : vector<16xi32> to vector<32xbf16>
        %get3A_1299 = arith.constant 1 : i32
        %get3A_1300 = arith.index_cast %get3A_1299 : i32 to index
        %get3A_1301 = arith.index_cast %add3A_1292 : i32 to index
        %get3A_1302 = arith.constant 0 : index
        %get3A_1303 = tpu.vector_load %arg7[%get3A_1300, %get3A_1301, %get3A_1302] {strides = array<i32>} : memref<2x80x64xi32, #tpu.memory_space<vmem>>, vector<16xi32>,
        %bitcast3A_1304 = vector.bitcast %get3A_1303 : vector<16xi32> to vector<32xbf16>
        %mul3A_1305 = arith.mulf %bitcast3A_1298, %bitcast3A_1304 : vector<32xbf16>
        %get3A_1306 = arith.constant 1 : i32
        %get3A_1307 = arith.index_cast %get3A_1306 : i32 to index
        %get3A_1308 = arith.index_cast %add3A_1292 : i32 to index
        %get3A_1309 = arith.constant 16 : index
        %get3A_1310 = tpu.vector_load %arg6[%get3A_1307, %get3A_1308, %get3A_1309] {strides = array<i32>} : memref<2x80x64xi32, #tpu.memory_space<vmem>>, vector<16xi32>,
        %bitcast3A_1311 = vector.bitcast %get3A_1310 : vector<16xi32> to vector<32xbf16>
        %get3A_1312 = arith.constant 1 : i32
        %get3A_1313 = arith.index_cast %get3A_1312 : i32 to index
        %get3A_1314 = arith.index_cast %add3A_1292 : i32 to index
        %get3A_1315 = arith.constant 16 : index
        %get3A_1316 = tpu.vector_load %arg7[%get3A_1313, %get3A_1314, %get3A_1315] {strides = array<i32>} : memref<2x80x64xi32, #tpu.memory_space<vmem>>, vector<16xi32>,
        %bitcast3A_1317 = vector.bitcast %get3A_1316 : vector<16xi32> to vector<32xbf16>
        %mul3A_1318 = arith.mulf %bitcast3A_1311, %bitcast3A_1317 : vector<32xbf16>
        %add3A_1319 = arith.addf %mul3A_1305, %mul3A_1318 : vector<32xbf16>
        %unpack3A_1320 = tpu.unpack_subelements %add3A_1319, 0 {pack_format = #tpu.pack_format<interleaved>} : vector<32xbf16> -> vector<16xf32>
        %unpack3A_1321 = tpu.unpack_subelements %add3A_1319, 1 {pack_format = #tpu.pack_format<interleaved>} : vector<32xbf16> -> vector<16xf32>
        %add3A_1322 = arith.addf %unpack3A_1320, %unpack3A_1321 : vector<16xf32>
        %get3A_1323 = arith.constant 1 : i32
        %get3A_1324 = arith.index_cast %get3A_1323 : i32 to index
        %get3A_1325 = arith.index_cast %add3A_1292 : i32 to index
        %get3A_1326 = arith.constant 32 : index
        %get3A_1327 = tpu.vector_load %arg6[%get3A_1324, %get3A_1325, %get3A_1326] {strides = array<i32>} : memref<2x80x64xi32, #tpu.memory_space<vmem>>, vector<16xi32>,
        %bitcast3A_1328 = vector.bitcast %get3A_1327 : vector<16xi32> to vector<32xbf16>
        %get3A_1329 = arith.constant 1 : i32
        %get3A_1330 = arith.index_cast %get3A_1329 : i32 to index
        %get3A_1331 = arith.index_cast %add3A_1292 : i32 to index
        %get3A_1332 = arith.constant 32 : index
        %get3A_1333 = tpu.vector_load %arg7[%get3A_1330, %get3A_1331, %get3A_1332] {strides = array<i32>} : memref<2x80x64xi32, #tpu.memory_space<vmem>>, vector<16xi32>,
        %bitcast3A_1334 = vector.bitcast %get3A_1333 : vector<16xi32> to vector<32xbf16>
        %mul3A_1335 = arith.mulf %bitcast3A_1328, %bitcast3A_1334 : vector<32xbf16>
        %get3A_1336 = arith.constant 1 : i32
        %get3A_1337 = arith.index_cast %get3A_1336 : i32 to index
        %get3A_1338 = arith.index_cast %add3A_1292 : i32 to index
        %get3A_1339 = arith.constant 48 : index
        %get3A_1340 = tpu.vector_load %arg6[%get3A_1337, %get3A_1338, %get3A_1339] {strides = array<i32>} : memref<2x80x64xi32, #tpu.memory_space<vmem>>, vector<16xi32>,
        %bitcast3A_1341 = vector.bitcast %get3A_1340 : vector<16xi32> to vector<32xbf16>
        %get3A_1342 = arith.constant 1 : i32
        %get3A_1343 = arith.index_cast %get3A_1342 : i32 to index
        %get3A_1344 = arith.index_cast %add3A_1292 : i32 to index
        %get3A_1345 = arith.constant 48 : index
        %get3A_1346 = tpu.vector_load %arg7[%get3A_1343, %get3A_1344, %get3A_1345] {strides = array<i32>} : memref<2x80x64xi32, #tpu.memory_space<vmem>>, vector<16xi32>,
        %bitcast3A_1347 = vector.bitcast %get3A_1346 : vector<16xi32> to vector<32xbf16>
        %mul3A_1348 = arith.mulf %bitcast3A_1341, %bitcast3A_1347 : vector<32xbf16>
        %add3A_1349 = arith.addf %mul3A_1335, %mul3A_1348 : vector<32xbf16>
        %unpack3A_1350 = tpu.unpack_subelements %add3A_1349, 0 {pack_format = #tpu.pack_format<interleaved>} : vector<32xbf16> -> vector<16xf32>
        %unpack3A_1351 = tpu.unpack_subelements %add3A_1349, 1 {pack_format = #tpu.pack_format<interleaved>} : vector<32xbf16> -> vector<16xf32>
        %add3A_1352 = arith.addf %unpack3A_1350, %unpack3A_1351 : vector<16xf32>
        %add3A_1353 = arith.addf %add3A_1322, %add3A_1352 : vector<16xf32>
        %swap3A_1354 = arith.constant 14 : i32
        %swap3A_1355 = arith.index_cast %swap3A_1354 : i32 to index
        %swap3A_1356 = arith.constant 0 : index
        %swap3A_1357 = tpu.vector_load %arg9[%swap3A_1355, %swap3A_1356] {strides = array<i32>} : memref<16x16xf32, #tpu.memory_space<vmem>>, vector<16xf32>,
        tpu.vector_store %arg9[%swap3A_1355, %swap3A_1356], %add3A_1353 {strides = array<i32>} : memref<16x16xf32, #tpu.memory_space<vmem>>, vector<16xf32>,
        %mul3A_1358 = arith.constant 16 : i32
        %mul3A_1359 = arith.muli %scan3A_325, %mul3A_1358 : i32
        %add3A_1360 = arith.constant 15 : i32
        %add3A_1361 = arith.addi %mul3A_1359, %add3A_1360 : i32
        %get3A_1362 = arith.constant 1 : i32
        %get3A_1363 = arith.index_cast %get3A_1362 : i32 to index
        %get3A_1364 = arith.index_cast %add3A_1361 : i32 to index
        %get3A_1365 = arith.constant 0 : index
        %get3A_1366 = tpu.vector_load %arg6[%get3A_1363, %get3A_1364, %get3A_1365] {strides = array<i32>} : memref<2x80x64xi32, #tpu.memory_space<vmem>>, vector<16xi32>,
        %bitcast3A_1367 = vector.bitcast %get3A_1366 : vector<16xi32> to vector<32xbf16>
        %get3A_1368 = arith.constant 1 : i32
        %get3A_1369 = arith.index_cast %get3A_1368 : i32 to index
        %get3A_1370 = arith.index_cast %add3A_1361 : i32 to index
        %get3A_1371 = arith.constant 0 : index
        %get3A_1372 = tpu.vector_load %arg7[%get3A_1369, %get3A_1370, %get3A_1371] {strides = array<i32>} : memref<2x80x64xi32, #tpu.memory_space<vmem>>, vector<16xi32>,
        %bitcast3A_1373 = vector.bitcast %get3A_1372 : vector<16xi32> to vector<32xbf16>
        %mul3A_1374 = arith.mulf %bitcast3A_1367, %bitcast3A_1373 : vector<32xbf16>
        %get3A_1375 = arith.constant 1 : i32
        %get3A_1376 = arith.index_cast %get3A_1375 : i32 to index
        %get3A_1377 = arith.index_cast %add3A_1361 : i32 to index
        %get3A_1378 = arith.constant 16 : index
        %get3A_1379 = tpu.vector_load %arg6[%get3A_1376, %get3A_1377, %get3A_1378] {strides = array<i32>} : memref<2x80x64xi32, #tpu.memory_space<vmem>>, vector<16xi32>,
        %bitcast3A_1380 = vector.bitcast %get3A_1379 : vector<16xi32> to vector<32xbf16>
        %get3A_1381 = arith.constant 1 : i32
        %get3A_1382 = arith.index_cast %get3A_1381 : i32 to index
        %get3A_1383 = arith.index_cast %add3A_1361 : i32 to index
        %get3A_1384 = arith.constant 16 : index
        %get3A_1385 = tpu.vector_load %arg7[%get3A_1382, %get3A_1383, %get3A_1384] {strides = array<i32>} : memref<2x80x64xi32, #tpu.memory_space<vmem>>, vector<16xi32>,
        %bitcast3A_1386 = vector.bitcast %get3A_1385 : vector<16xi32> to vector<32xbf16>
        %mul3A_1387 = arith.mulf %bitcast3A_1380, %bitcast3A_1386 : vector<32xbf16>
        %add3A_1388 = arith.addf %mul3A_1374, %mul3A_1387 : vector<32xbf16>
        %unpack3A_1389 = tpu.unpack_subelements %add3A_1388, 0 {pack_format = #tpu.pack_format<interleaved>} : vector<32xbf16> -> vector<16xf32>
        %unpack3A_1390 = tpu.unpack_subelements %add3A_1388, 1 {pack_format = #tpu.pack_format<interleaved>} : vector<32xbf16> -> vector<16xf32>
        %add3A_1391 = arith.addf %unpack3A_1389, %unpack3A_1390 : vector<16xf32>
        %get3A_1392 = arith.constant 1 : i32
        %get3A_1393 = arith.index_cast %get3A_1392 : i32 to index
        %get3A_1394 = arith.index_cast %add3A_1361 : i32 to index
        %get3A_1395 = arith.constant 32 : index
        %get3A_1396 = tpu.vector_load %arg6[%get3A_1393, %get3A_1394, %get3A_1395] {strides = array<i32>} : memref<2x80x64xi32, #tpu.memory_space<vmem>>, vector<16xi32>,
        %bitcast3A_1397 = vector.bitcast %get3A_1396 : vector<16xi32> to vector<32xbf16>
        %get3A_1398 = arith.constant 1 : i32
        %get3A_1399 = arith.index_cast %get3A_1398 : i32 to index
        %get3A_1400 = arith.index_cast %add3A_1361 : i32 to index
        %get3A_1401 = arith.constant 32 : index
        %get3A_1402 = tpu.vector_load %arg7[%get3A_1399, %get3A_1400, %get3A_1401] {strides = array<i32>} : memref<2x80x64xi32, #tpu.memory_space<vmem>>, vector<16xi32>,
        %bitcast3A_1403 = vector.bitcast %get3A_1402 : vector<16xi32> to vector<32xbf16>
        %mul3A_1404 = arith.mulf %bitcast3A_1397, %bitcast3A_1403 : vector<32xbf16>
        %get3A_1405 = arith.constant 1 : i32
        %get3A_1406 = arith.index_cast %get3A_1405 : i32 to index
        %get3A_1407 = arith.index_cast %add3A_1361 : i32 to index
        %get3A_1408 = arith.constant 48 : index
        %get3A_1409 = tpu.vector_load %arg6[%get3A_1406, %get3A_1407, %get3A_1408] {strides = array<i32>} : memref<2x80x64xi32, #tpu.memory_space<vmem>>, vector<16xi32>,
        %bitcast3A_1410 = vector.bitcast %get3A_1409 : vector<16xi32> to vector<32xbf16>
        %get3A_1411 = arith.constant 1 : i32
        %get3A_1412 = arith.index_cast %get3A_1411 : i32 to index
        %get3A_1413 = arith.index_cast %add3A_1361 : i32 to index
        %get3A_1414 = arith.constant 48 : index
        %get3A_1415 = tpu.vector_load %arg7[%get3A_1412, %get3A_1413, %get3A_1414] {strides = array<i32>} : memref<2x80x64xi32, #tpu.memory_space<vmem>>, vector<16xi32>,
        %bitcast3A_1416 = vector.bitcast %get3A_1415 : vector<16xi32> to vector<32xbf16>
        %mul3A_1417 = arith.mulf %bitcast3A_1410, %bitcast3A_1416 : vector<32xbf16>
        %add3A_1418 = arith.addf %mul3A_1404, %mul3A_1417 : vector<32xbf16>
        %unpack3A_1419 = tpu.unpack_subelements %add3A_1418, 0 {pack_format = #tpu.pack_format<interleaved>} : vector<32xbf16> -> vector<16xf32>
        %unpack3A_1420 = tpu.unpack_subelements %add3A_1418, 1 {pack_format = #tpu.pack_format<interleaved>} : vector<32xbf16> -> vector<16xf32>
        %add3A_1421 = arith.addf %unpack3A_1419, %unpack3A_1420 : vector<16xf32>
        %add3A_1422 = arith.addf %add3A_1391, %add3A_1421 : vector<16xf32>
        %swap3A_1423 = arith.constant 15 : i32
        %swap3A_1424 = arith.index_cast %swap3A_1423 : i32 to index
        %swap3A_1425 = arith.constant 0 : index
        %swap3A_1426 = tpu.vector_load %arg9[%swap3A_1424, %swap3A_1425] {strides = array<i32>} : memref<16x16xf32, #tpu.memory_space<vmem>>, vector<16xf32>,
        tpu.vector_store %arg9[%swap3A_1424, %swap3A_1425], %add3A_1422 {strides = array<i32>} : memref<16x16xf32, #tpu.memory_space<vmem>>, vector<16xf32>,
        %broadcast_in_dim3A = arith.constant 0.000000e+00 : f32
        %broadcast_in_dim3A_1427 = vector.broadcast %broadcast_in_dim3A : f32 to vector<16xf32>
        %broadcast_in_dim3A_1428 = arith.constant 0.000000e+00 : f32
        %broadcast_in_dim3A_1429 = vector.broadcast %broadcast_in_dim3A_1428 : f32 to vector<16xf32>
        %broadcast_in_dim3A_1430 = arith.constant 0.000000e+00 : f32
        %broadcast_in_dim3A_1431 = vector.broadcast %broadcast_in_dim3A_1430 : f32 to vector<16xf32>
        %broadcast_in_dim3A_1432 = arith.constant 0.000000e+00 : f32
        %broadcast_in_dim3A_1433 = vector.broadcast %broadcast_in_dim3A_1432 : f32 to vector<16xf32>
        %add3A_1434 = arith.constant 0 : i32
        %add3A_1435 = vector.broadcast %add3A_1434 : i32 to vector<16xi32>
        %add3A_1436 = arith.addi %iota3A, %add3A_1435 : vector<16xi32>
        %and3A = arith.constant 15 : i32
        %and3A_1437 = vector.broadcast %and3A : i32 to vector<16xi32>
        %and3A_1438 = arith.andi %add3A_1436, %and3A_1437 : vector<16xi32>
        %gather3A = tpu.vector_load_idx %arg9[%iota3A, %and3A_1438] : memref<16x16xf32, #tpu.memory_space<vmem>>[vector<16xi32>, vector<16xi32>], vector<16xf32>,
        %add3A_1439 = arith.addf %broadcast_in_dim3A_1427, %gather3A : vector<16xf32>
        %add3A_1440 = arith.constant 1 : i32
        %add3A_1441 = vector.broadcast %add3A_1440 : i32 to vector<16xi32>
        %add3A_1442 = arith.addi %iota3A, %add3A_1441 : vector<16xi32>
        %and3A_1443 = arith.constant 15 : i32
        %and3A_1444 = vector.broadcast %and3A_1443 : i32 to vector<16xi32>
        %and3A_1445 = arith.andi %add3A_1442, %and3A_1444 : vector<16xi32>
        %gather3A_1446 = tpu.vector_load_idx %arg9[%iota3A, %and3A_1445] : memref<16x16xf32, #tpu.memory_space<vmem>>[vector<16xi32>, vector<16xi32>], vector<16xf32>,
        %add3A_1447 = arith.addf %broadcast_in_dim3A_1429, %gather3A_1446 : vector<16xf32>
        %add3A_1448 = arith.constant 2 : i32
        %add3A_1449 = vector.broadcast %add3A_1448 : i32 to vector<16xi32>
        %add3A_1450 = arith.addi %iota3A, %add3A_1449 : vector<16xi32>
        %and3A_1451 = arith.constant 15 : i32
        %and3A_1452 = vector.broadcast %and3A_1451 : i32 to vector<16xi32>
        %and3A_1453 = arith.andi %add3A_1450, %and3A_1452 : vector<16xi32>
        %gather3A_1454 = tpu.vector_load_idx %arg9[%iota3A, %and3A_1453] : memref<16x16xf32, #tpu.memory_space<vmem>>[vector<16xi32>, vector<16xi32>], vector<16xf32>,
        %add3A_1455 = arith.addf %broadcast_in_dim3A_1431, %gather3A_1454 : vector<16xf32>
        %add3A_1456 = arith.constant 3 : i32
        %add3A_1457 = vector.broadcast %add3A_1456 : i32 to vector<16xi32>
        %add3A_1458 = arith.addi %iota3A, %add3A_1457 : vector<16xi32>
        %and3A_1459 = arith.constant 15 : i32
        %and3A_1460 = vector.broadcast %and3A_1459 : i32 to vector<16xi32>
        %and3A_1461 = arith.andi %add3A_1458, %and3A_1460 : vector<16xi32>
        %gather3A_1462 = tpu.vector_load_idx %arg9[%iota3A, %and3A_1461] : memref<16x16xf32, #tpu.memory_space<vmem>>[vector<16xi32>, vector<16xi32>], vector<16xf32>,
        %add3A_1463 = arith.addf %broadcast_in_dim3A_1433, %gather3A_1462 : vector<16xf32>
        %add3A_1464 = arith.constant 4 : i32
        %add3A_1465 = vector.broadcast %add3A_1464 : i32 to vector<16xi32>
        %add3A_1466 = arith.addi %iota3A, %add3A_1465 : vector<16xi32>
        %and3A_1467 = arith.constant 15 : i32
        %and3A_1468 = vector.broadcast %and3A_1467 : i32 to vector<16xi32>
        %and3A_1469 = arith.andi %add3A_1466, %and3A_1468 : vector<16xi32>
        %gather3A_1470 = tpu.vector_load_idx %arg9[%iota3A, %and3A_1469] : memref<16x16xf32, #tpu.memory_space<vmem>>[vector<16xi32>, vector<16xi32>], vector<16xf32>,
        %add3A_1471 = arith.addf %add3A_1439, %gather3A_1470 : vector<16xf32>
        %add3A_1472 = arith.constant 5 : i32
        %add3A_1473 = vector.broadcast %add3A_1472 : i32 to vector<16xi32>
        %add3A_1474 = arith.addi %iota3A, %add3A_1473 : vector<16xi32>
        %and3A_1475 = arith.constant 15 : i32
        %and3A_1476 = vector.broadcast %and3A_1475 : i32 to vector<16xi32>
        %and3A_1477 = arith.andi %add3A_1474, %and3A_1476 : vector<16xi32>
        %gather3A_1478 = tpu.vector_load_idx %arg9[%iota3A, %and3A_1477] : memref<16x16xf32, #tpu.memory_space<vmem>>[vector<16xi32>, vector<16xi32>], vector<16xf32>,
        %add3A_1479 = arith.addf %add3A_1447, %gather3A_1478 : vector<16xf32>
        %add3A_1480 = arith.constant 6 : i32
        %add3A_1481 = vector.broadcast %add3A_1480 : i32 to vector<16xi32>
        %add3A_1482 = arith.addi %iota3A, %add3A_1481 : vector<16xi32>
        %and3A_1483 = arith.constant 15 : i32
        %and3A_1484 = vector.broadcast %and3A_1483 : i32 to vector<16xi32>
        %and3A_1485 = arith.andi %add3A_1482, %and3A_1484 : vector<16xi32>
        %gather3A_1486 = tpu.vector_load_idx %arg9[%iota3A, %and3A_1485] : memref<16x16xf32, #tpu.memory_space<vmem>>[vector<16xi32>, vector<16xi32>], vector<16xf32>,
        %add3A_1487 = arith.addf %add3A_1455, %gather3A_1486 : vector<16xf32>
        %add3A_1488 = arith.constant 7 : i32
        %add3A_1489 = vector.broadcast %add3A_1488 : i32 to vector<16xi32>
        %add3A_1490 = arith.addi %iota3A, %add3A_1489 : vector<16xi32>
        %and3A_1491 = arith.constant 15 : i32
        %and3A_1492 = vector.broadcast %and3A_1491 : i32 to vector<16xi32>
        %and3A_1493 = arith.andi %add3A_1490, %and3A_1492 : vector<16xi32>
        %gather3A_1494 = tpu.vector_load_idx %arg9[%iota3A, %and3A_1493] : memref<16x16xf32, #tpu.memory_space<vmem>>[vector<16xi32>, vector<16xi32>], vector<16xf32>,
        %add3A_1495 = arith.addf %add3A_1463, %gather3A_1494 : vector<16xf32>
        %add3A_1496 = arith.constant 8 : i32
        %add3A_1497 = vector.broadcast %add3A_1496 : i32 to vector<16xi32>
        %add3A_1498 = arith.addi %iota3A, %add3A_1497 : vector<16xi32>
        %and3A_1499 = arith.constant 15 : i32
        %and3A_1500 = vector.broadcast %and3A_1499 : i32 to vector<16xi32>
        %and3A_1501 = arith.andi %add3A_1498, %and3A_1500 : vector<16xi32>
        %gather3A_1502 = tpu.vector_load_idx %arg9[%iota3A, %and3A_1501] : memref<16x16xf32, #tpu.memory_space<vmem>>[vector<16xi32>, vector<16xi32>], vector<16xf32>,
        %add3A_1503 = arith.addf %add3A_1471, %gather3A_1502 : vector<16xf32>
        %add3A_1504 = arith.constant 9 : i32
        %add3A_1505 = vector.broadcast %add3A_1504 : i32 to vector<16xi32>
        %add3A_1506 = arith.addi %iota3A, %add3A_1505 : vector<16xi32>
        %and3A_1507 = arith.constant 15 : i32
        %and3A_1508 = vector.broadcast %and3A_1507 : i32 to vector<16xi32>
        %and3A_1509 = arith.andi %add3A_1506, %and3A_1508 : vector<16xi32>
        %gather3A_1510 = tpu.vector_load_idx %arg9[%iota3A, %and3A_1509] : memref<16x16xf32, #tpu.memory_space<vmem>>[vector<16xi32>, vector<16xi32>], vector<16xf32>,
        %add3A_1511 = arith.addf %add3A_1479, %gather3A_1510 : vector<16xf32>
        %add3A_1512 = arith.constant 10 : i32
        %add3A_1513 = vector.broadcast %add3A_1512 : i32 to vector<16xi32>
        %add3A_1514 = arith.addi %iota3A, %add3A_1513 : vector<16xi32>
        %and3A_1515 = arith.constant 15 : i32
        %and3A_1516 = vector.broadcast %and3A_1515 : i32 to vector<16xi32>
        %and3A_1517 = arith.andi %add3A_1514, %and3A_1516 : vector<16xi32>
        %gather3A_1518 = tpu.vector_load_idx %arg9[%iota3A, %and3A_1517] : memref<16x16xf32, #tpu.memory_space<vmem>>[vector<16xi32>, vector<16xi32>], vector<16xf32>,
        %add3A_1519 = arith.addf %add3A_1487, %gather3A_1518 : vector<16xf32>
        %add3A_1520 = arith.constant 11 : i32
        %add3A_1521 = vector.broadcast %add3A_1520 : i32 to vector<16xi32>
        %add3A_1522 = arith.addi %iota3A, %add3A_1521 : vector<16xi32>
        %and3A_1523 = arith.constant 15 : i32
        %and3A_1524 = vector.broadcast %and3A_1523 : i32 to vector<16xi32>
        %and3A_1525 = arith.andi %add3A_1522, %and3A_1524 : vector<16xi32>
        %gather3A_1526 = tpu.vector_load_idx %arg9[%iota3A, %and3A_1525] : memref<16x16xf32, #tpu.memory_space<vmem>>[vector<16xi32>, vector<16xi32>], vector<16xf32>,
        %add3A_1527 = arith.addf %add3A_1495, %gather3A_1526 : vector<16xf32>
        %add3A_1528 = arith.constant 12 : i32
        %add3A_1529 = vector.broadcast %add3A_1528 : i32 to vector<16xi32>
        %add3A_1530 = arith.addi %iota3A, %add3A_1529 : vector<16xi32>
        %and3A_1531 = arith.constant 15 : i32
        %and3A_1532 = vector.broadcast %and3A_1531 : i32 to vector<16xi32>
        %and3A_1533 = arith.andi %add3A_1530, %and3A_1532 : vector<16xi32>
        %gather3A_1534 = tpu.vector_load_idx %arg9[%iota3A, %and3A_1533] : memref<16x16xf32, #tpu.memory_space<vmem>>[vector<16xi32>, vector<16xi32>], vector<16xf32>,
        %add3A_1535 = arith.addf %add3A_1503, %gather3A_1534 : vector<16xf32>
        %add3A_1536 = arith.constant 13 : i32
        %add3A_1537 = vector.broadcast %add3A_1536 : i32 to vector<16xi32>
        %add3A_1538 = arith.addi %iota3A, %add3A_1537 : vector<16xi32>
        %and3A_1539 = arith.constant 15 : i32
        %and3A_1540 = vector.broadcast %and3A_1539 : i32 to vector<16xi32>
        %and3A_1541 = arith.andi %add3A_1538, %and3A_1540 : vector<16xi32>
        %gather3A_1542 = tpu.vector_load_idx %arg9[%iota3A, %and3A_1541] : memref<16x16xf32, #tpu.memory_space<vmem>>[vector<16xi32>, vector<16xi32>], vector<16xf32>,
        %add3A_1543 = arith.addf %add3A_1511, %gather3A_1542 : vector<16xf32>
        %add3A_1544 = arith.constant 14 : i32
        %add3A_1545 = vector.broadcast %add3A_1544 : i32 to vector<16xi32>
        %add3A_1546 = arith.addi %iota3A, %add3A_1545 : vector<16xi32>
        %and3A_1547 = arith.constant 15 : i32
        %and3A_1548 = vector.broadcast %and3A_1547 : i32 to vector<16xi32>
        %and3A_1549 = arith.andi %add3A_1546, %and3A_1548 : vector<16xi32>
        %gather3A_1550 = tpu.vector_load_idx %arg9[%iota3A, %and3A_1549] : memref<16x16xf32, #tpu.memory_space<vmem>>[vector<16xi32>, vector<16xi32>], vector<16xf32>,
        %add3A_1551 = arith.addf %add3A_1519, %gather3A_1550 : vector<16xf32>
        %add3A_1552 = arith.constant 15 : i32
        %add3A_1553 = vector.broadcast %add3A_1552 : i32 to vector<16xi32>
        %add3A_1554 = arith.addi %iota3A, %add3A_1553 : vector<16xi32>
        %and3A_1555 = arith.constant 15 : i32
        %and3A_1556 = vector.broadcast %and3A_1555 : i32 to vector<16xi32>
        %and3A_1557 = arith.andi %add3A_1554, %and3A_1556 : vector<16xi32>
        %gather3A_1558 = tpu.vector_load_idx %arg9[%iota3A, %and3A_1557] : memref<16x16xf32, #tpu.memory_space<vmem>>[vector<16xi32>, vector<16xi32>], vector<16xf32>,
        %add3A_1559 = arith.addf %add3A_1527, %gather3A_1558 : vector<16xf32>
        %add3A_1560 = arith.addf %add3A_1535, %add3A_1543 : vector<16xf32>
        %add3A_1561 = arith.addf %add3A_1551, %add3A_1559 : vector<16xf32>
        %add3A_1562 = arith.addf %add3A_1560, %add3A_1561 : vector<16xf32>
        %mul3A_1563 = arith.constant 16 : i32
        %mul3A_1564 = arith.muli %scan3A_325, %mul3A_1563 : i32
        %swap3A_1565 = arith.constant 1 : i32
        %swap3A_1566 = arith.index_cast %swap3A_1565 : i32 to index
        %swap3A_1567 = arith.index_cast %mul3A_1564 : i32 to index
        %swap3A_1568 = tpu.vector_load %arg8[%swap3A_1566, %swap3A_1567] {strides = array<i32>} : memref<2x80xf32, #tpu.memory_space<vmem>>, vector<16xf32>,
        tpu.vector_store %arg8[%swap3A_1566, %swap3A_1567], %add3A_1562 {strides = array<i32>} : memref<2x80xf32, #tpu.memory_space<vmem>>, vector<16xf32>,
        %scan3A_1569 = arith.constant 0 : i32
        scf.yield %scan3A_1569 : i32
      }
      %scan3A_304 = arith.constant 5 : i32
      %mul3A_305 = arith.constant 125 : i32
      %mul3A_306 = arith.muli %add3A, %mul3A_305 : i32
      %add3A_307 = arith.addi %mul3A_306, %add3A_297 : i32
      %dma_start3A_308 = arith.constant 1 : i32
      %dma_start3A_309 = arith.constant 1 : i32
      %dma_start3A_310 = arith.constant 0 : i32
      %dma_start3A_311 = tpu.memref_slice %arg8[%dma_start3A_308, %dma_start3A_310] : memref<2x80xf32, #tpu.memory_space<vmem>> -> memref<1x80xf32, #tpu.memory_space<vmem>>
      %dma_start3A_312 = tpu.memref_squeeze %dma_start3A_311 : memref<1x80xf32, #tpu.memory_space<vmem>> -> memref<80xf32, #tpu.memory_space<vmem>>
      %dma_start3A_313 = arith.constant 0 : i32
      %dma_start3A_314 = tpu.memref_slice %arg4[%add3A_307, %dma_start3A_313] : memref<4000x80xf32, #tpu.memory_space<hbm>> -> memref<1x80xf32, #tpu.memory_space<hbm>>
      %dma_start3A_315 = tpu.memref_squeeze %dma_start3A_314 : memref<1x80xf32, #tpu.memory_space<hbm>> -> memref<80xf32, #tpu.memory_space<hbm>>
      %dma_start3A_316 = tpu.memref_slice %arg11[%dma_start3A_309] : memref<2x!tpu.dma_semaphore, #tpu.memory_space<semaphore_mem>> -> memref<1x!tpu.dma_semaphore, #tpu.memory_space<semaphore_mem>>
      %dma_start3A_317 = tpu.memref_squeeze %dma_start3A_316 : memref<1x!tpu.dma_semaphore, #tpu.memory_space<semaphore_mem>> -> memref<!tpu.dma_semaphore, #tpu.memory_space<semaphore_mem>>
      %dma_start3A_318 = arith.constant 0 : i32
      %dma_start3A_319 = tpu.memref_slice %arg4[%add3A_307, %dma_start3A_318] : memref<4000x80xf32, #tpu.memory_space<hbm>> -> memref<1x80xf32, #tpu.memory_space<hbm>>
      %dma_start3A_320 = tpu.memref_squeeze %dma_start3A_319 : memref<1x80xf32, #tpu.memory_space<hbm>> -> memref<80xf32, #tpu.memory_space<hbm>>
      %dma_start3A_321 = arith.constant 0 : i32
      %dma_start3A_322 = tpu.memref_slice %arg8[%dma_start3A_308, %dma_start3A_321] : memref<2x80xf32, #tpu.memory_space<vmem>> -> memref<1x80xf32, #tpu.memory_space<vmem>>
      %dma_start3A_323 = tpu.memref_squeeze %dma_start3A_322 : memref<1x80xf32, #tpu.memory_space<vmem>> -> memref<80xf32, #tpu.memory_space<vmem>>
      tpu.enqueue_dma source(%dma_start3A_323 : memref<80xf32, #tpu.memory_space<vmem>>) target(%dma_start3A_320 : memref<80xf32, #tpu.memory_space<hbm>>) target_semaphore(%dma_start3A_317 : memref<!tpu.dma_semaphore, #tpu.memory_space<semaphore_mem>>)
      %scan3A_324 = arith.constant 0 : i32
      scf.yield %scan3A_324 : i32
    }
    %scan3A_40 = arith.constant 62 : i32
    %dma_wait3A = arith.constant 0 : i32
    %dma_wait3A_41 = arith.constant 124 : i32
    %dma_wait3A_42 = arith.constant 0 : i32
    %dma_wait3A_43 = arith.constant 0 : i32
    %dma_wait3A_44 = arith.constant 0 : i32
    %dma_wait3A_45 = arith.constant 0 : i32
    %dma_wait3A_46 = tpu.memref_slice %arg6[%dma_wait3A_42, %dma_wait3A_44, %dma_wait3A_45] : memref<2x80x64xi32, #tpu.memory_space<vmem>> -> memref<1x80x64xi32, #tpu.memory_space<vmem>>
    %dma_wait3A_47 = tpu.memref_squeeze %dma_wait3A_46 : memref<1x80x64xi32, #tpu.memory_space<vmem>> -> memref<80x64xi32, #tpu.memory_space<vmem>>
    %dma_wait3A_48 = arith.constant 0 : i32
    %dma_wait3A_49 = tpu.memref_slice %arg5[%dma_wait3A, %dma_wait3A_41, %dma_wait3A_48] : memref<2x125x80xi32, #tpu.memory_space<vmem>> -> memref<1x1x80xi32, #tpu.memory_space<vmem>>
    %dma_wait3A_50 = tpu.memref_squeeze %dma_wait3A_49 : memref<1x1x80xi32, #tpu.memory_space<vmem>> -> memref<80xi32, #tpu.memory_space<vmem>>
    %dma_wait3A_51 = arith.constant 0 : i32
    %dma_wait3A_52 = arith.constant 0 : i32
    %dma_wait3A_53 = tpu.memref_slice %arg2[%dma_wait3A_51, %dma_wait3A_52] : memref<10000x64xi32, #tpu.memory_space<hbm>> -> memref<10000x64xi32, #tpu.memory_space<hbm>>
    %dma_wait3A_54 = tpu.memref_slice %arg10[%dma_wait3A_43] : memref<2x!tpu.dma_semaphore, #tpu.memory_space<semaphore_mem>> -> memref<1x!tpu.dma_semaphore, #tpu.memory_space<semaphore_mem>>
    %dma_wait3A_55 = tpu.memref_squeeze %dma_wait3A_54 : memref<1x!tpu.dma_semaphore, #tpu.memory_space<semaphore_mem>> -> memref<!tpu.dma_semaphore, #tpu.memory_space<semaphore_mem>>
    tpu.wait_indirect_dma semaphore(%dma_wait3A_55 : memref<!tpu.dma_semaphore, #tpu.memory_space<semaphore_mem>>) src(%dma_wait3A_53 : memref<10000x64xi32, #tpu.memory_space<hbm>>) dst(%dma_wait3A_47 : memref<80x64xi32, #tpu.memory_space<vmem>>)
    %dma_wait3A_56 = arith.constant 1 : i32
    %dma_wait3A_57 = arith.constant 124 : i32
    %dma_wait3A_58 = arith.constant 0 : i32
    %dma_wait3A_59 = arith.constant 0 : i32
    %dma_wait3A_60 = arith.constant 0 : i32
    %dma_wait3A_61 = arith.constant 0 : i32
    %dma_wait3A_62 = tpu.memref_slice %arg7[%dma_wait3A_58, %dma_wait3A_60, %dma_wait3A_61] : memref<2x80x64xi32, #tpu.memory_space<vmem>> -> memref<1x80x64xi32, #tpu.memory_space<vmem>>
    %dma_wait3A_63 = tpu.memref_squeeze %dma_wait3A_62 : memref<1x80x64xi32, #tpu.memory_space<vmem>> -> memref<80x64xi32, #tpu.memory_space<vmem>>
    %dma_wait3A_64 = arith.constant 0 : i32
    %dma_wait3A_65 = tpu.memref_slice %arg5[%dma_wait3A_56, %dma_wait3A_57, %dma_wait3A_64] : memref<2x125x80xi32, #tpu.memory_space<vmem>> -> memref<1x1x80xi32, #tpu.memory_space<vmem>>
    %dma_wait3A_66 = tpu.memref_squeeze %dma_wait3A_65 : memref<1x1x80xi32, #tpu.memory_space<vmem>> -> memref<80xi32, #tpu.memory_space<vmem>>
    %dma_wait3A_67 = arith.constant 0 : i32
    %dma_wait3A_68 = arith.constant 0 : i32
    %dma_wait3A_69 = tpu.memref_slice %arg2[%dma_wait3A_67, %dma_wait3A_68] : memref<10000x64xi32, #tpu.memory_space<hbm>> -> memref<10000x64xi32, #tpu.memory_space<hbm>>
    %dma_wait3A_70 = tpu.memref_slice %arg10[%dma_wait3A_59] : memref<2x!tpu.dma_semaphore, #tpu.memory_space<semaphore_mem>> -> memref<1x!tpu.dma_semaphore, #tpu.memory_space<semaphore_mem>>
    %dma_wait3A_71 = tpu.memref_squeeze %dma_wait3A_70 : memref<1x!tpu.dma_semaphore, #tpu.memory_space<semaphore_mem>> -> memref<!tpu.dma_semaphore, #tpu.memory_space<semaphore_mem>>
    tpu.wait_indirect_dma semaphore(%dma_wait3A_71 : memref<!tpu.dma_semaphore, #tpu.memory_space<semaphore_mem>>) src(%dma_wait3A_69 : memref<10000x64xi32, #tpu.memory_space<hbm>>) dst(%dma_wait3A_63 : memref<80x64xi32, #tpu.memory_space<vmem>>)
    %mul3A_72 = arith.constant 125 : i32
    %mul3A_73 = arith.muli %add3A, %mul3A_72 : i32
    %add3A_74 = arith.constant 122 : i32
    %add3A_75 = arith.addi %mul3A_73, %add3A_74 : i32
    %dma_wait3A_76 = arith.constant 0 : i32
    %dma_wait3A_77 = arith.constant 0 : i32
    %dma_wait3A_78 = arith.constant 0 : i32
    %dma_wait3A_79 = tpu.memref_slice %arg8[%dma_wait3A_76, %dma_wait3A_78] : memref<2x80xf32, #tpu.memory_space<vmem>> -> memref<1x80xf32, #tpu.memory_space<vmem>>
    %dma_wait3A_80 = tpu.memref_squeeze %dma_wait3A_79 : memref<1x80xf32, #tpu.memory_space<vmem>> -> memref<80xf32, #tpu.memory_space<vmem>>
    %dma_wait3A_81 = arith.constant 0 : i32
    %dma_wait3A_82 = tpu.memref_slice %arg4[%add3A_75, %dma_wait3A_81] : memref<4000x80xf32, #tpu.memory_space<hbm>> -> memref<1x80xf32, #tpu.memory_space<hbm>>
    %dma_wait3A_83 = tpu.memref_squeeze %dma_wait3A_82 : memref<1x80xf32, #tpu.memory_space<hbm>> -> memref<80xf32, #tpu.memory_space<hbm>>
    %dma_wait3A_84 = tpu.memref_slice %arg11[%dma_wait3A_77] : memref<2x!tpu.dma_semaphore, #tpu.memory_space<semaphore_mem>> -> memref<1x!tpu.dma_semaphore, #tpu.memory_space<semaphore_mem>>
    %dma_wait3A_85 = tpu.memref_squeeze %dma_wait3A_84 : memref<1x!tpu.dma_semaphore, #tpu.memory_space<semaphore_mem>> -> memref<!tpu.dma_semaphore, #tpu.memory_space<semaphore_mem>>
    %dma_wait3A_86 = arith.constant 0 : i32
    %dma_wait3A_87 = tpu.memref_slice %arg4[%add3A_75, %dma_wait3A_86] : memref<4000x80xf32, #tpu.memory_space<hbm>> -> memref<1x80xf32, #tpu.memory_space<hbm>>
    %dma_wait3A_88 = tpu.memref_squeeze %dma_wait3A_87 : memref<1x80xf32, #tpu.memory_space<hbm>> -> memref<80xf32, #tpu.memory_space<hbm>>
    %dma_wait3A_89 = arith.constant 0 : i32
    %dma_wait3A_90 = tpu.memref_slice %arg8[%dma_wait3A_76, %dma_wait3A_89] : memref<2x80xf32, #tpu.memory_space<vmem>> -> memref<1x80xf32, #tpu.memory_space<vmem>>
    %dma_wait3A_91 = tpu.memref_squeeze %dma_wait3A_90 : memref<1x80xf32, #tpu.memory_space<vmem>> -> memref<80xf32, #tpu.memory_space<vmem>>
    tpu.wait_dma2 semaphore(%dma_wait3A_85 : memref<!tpu.dma_semaphore, #tpu.memory_space<semaphore_mem>>) src(%dma_wait3A_91 : memref<80xf32, #tpu.memory_space<vmem>>) dst(%dma_wait3A_88 : memref<80xf32, #tpu.memory_space<hbm>>)
    %scan3A_92 = arith.constant 0 : i32
    %scan3A_93 = arith.constant 0 : i32
    %scan3A_94 = arith.constant 5 : i32
    %scan3A_95 = arith.addi %scan3A_93, %scan3A_94 : i32
    %scan3A_96 = arith.constant 1 : i32
    %scan3A_97 = scf.for %scan3A_159 = %scan3A_93 to %scan3A_95 step %scan3A_96 iter_args(%scan3A_160 = %scan3A_92) -> (i32)  : i32 {
      %mul3A_161 = arith.constant 16 : i32
      %mul3A_162 = arith.muli %scan3A_159, %mul3A_161 : i32
      %add3A_163 = arith.constant 0 : i32
      %add3A_164 = arith.addi %mul3A_162, %add3A_163 : i32
      %get3A = arith.constant 0 : i32
      %get3A_165 = arith.index_cast %get3A : i32 to index
      %get3A_166 = arith.index_cast %add3A_164 : i32 to index
      %get3A_167 = arith.constant 0 : index
      %get3A_168 = tpu.vector_load %arg6[%get3A_165, %get3A_166, %get3A_167] {strides = array<i32>} : memref<2x80x64xi32, #tpu.memory_space<vmem>>, vector<16xi32>,
      %bitcast3A = vector.bitcast %get3A_168 : vector<16xi32> to vector<32xbf16>
      %get3A_169 = arith.constant 0 : i32
      %get3A_170 = arith.index_cast %get3A_169 : i32 to index
      %get3A_171 = arith.index_cast %add3A_164 : i32 to index
      %get3A_172 = arith.constant 0 : index
      %get3A_173 = tpu.vector_load %arg7[%get3A_170, %get3A_171, %get3A_172] {strides = array<i32>} : memref<2x80x64xi32, #tpu.memory_space<vmem>>, vector<16xi32>,
      %bitcast3A_174 = vector.bitcast %get3A_173 : vector<16xi32> to vector<32xbf16>
      %mul3A_175 = arith.mulf %bitcast3A, %bitcast3A_174 : vector<32xbf16>
      %get3A_176 = arith.constant 0 : i32
      %get3A_177 = arith.index_cast %get3A_176 : i32 to index
      %get3A_178 = arith.index_cast %add3A_164 : i32 to index
      %get3A_179 = arith.constant 16 : index
      %get3A_180 = tpu.vector_load %arg6[%get3A_177, %get3A_178, %get3A_179] {strides = array<i32>} : memref<2x80x64xi32, #tpu.memory_space<vmem>>, vector<16xi32>,
      %bitcast3A_181 = vector.bitcast %get3A_180 : vector<16xi32> to vector<32xbf16>
      %get3A_182 = arith.constant 0 : i32
      %get3A_183 = arith.index_cast %get3A_182 : i32 to index
      %get3A_184 = arith.index_cast %add3A_164 : i32 to index
      %get3A_185 = arith.constant 16 : index
      %get3A_186 = tpu.vector_load %arg7[%get3A_183, %get3A_184, %get3A_185] {strides = array<i32>} : memref<2x80x64xi32, #tpu.memory_space<vmem>>, vector<16xi32>,
      %bitcast3A_187 = vector.bitcast %get3A_186 : vector<16xi32> to vector<32xbf16>
      %mul3A_188 = arith.mulf %bitcast3A_181, %bitcast3A_187 : vector<32xbf16>
      %add3A_189 = arith.addf %mul3A_175, %mul3A_188 : vector<32xbf16>
      %unpack3A = tpu.unpack_subelements %add3A_189, 0 {pack_format = #tpu.pack_format<interleaved>} : vector<32xbf16> -> vector<16xf32>
      %unpack3A_190 = tpu.unpack_subelements %add3A_189, 1 {pack_format = #tpu.pack_format<interleaved>} : vector<32xbf16> -> vector<16xf32>
      %add3A_191 = arith.addf %unpack3A, %unpack3A_190 : vector<16xf32>
      %get3A_192 = arith.constant 0 : i32
      %get3A_193 = arith.index_cast %get3A_192 : i32 to index
      %get3A_194 = arith.index_cast %add3A_164 : i32 to index
      %get3A_195 = arith.constant 32 : index
      %get3A_196 = tpu.vector_load %arg6[%get3A_193, %get3A_194, %get3A_195] {strides = array<i32>} : memref<2x80x64xi32, #tpu.memory_space<vmem>>, vector<16xi32>,
      %bitcast3A_197 = vector.bitcast %get3A_196 : vector<16xi32> to vector<32xbf16>
      %get3A_198 = arith.constant 0 : i32
      %get3A_199 = arith.index_cast %get3A_198 : i32 to index
      %get3A_200 = arith.index_cast %add3A_164 : i32 to index
      %get3A_201 = arith.constant 32 : index
      %get3A_202 = tpu.vector_load %arg7[%get3A_199, %get3A_200, %get3A_201] {strides = array<i32>} : memref<2x80x64xi32, #tpu.memory_space<vmem>>, vector<16xi32>,
      %bitcast3A_203 = vector.bitcast %get3A_202 : vector<16xi32> to vector<32xbf16>
      %mul3A_204 = arith.mulf %bitcast3A_197, %bitcast3A_203 : vector<32xbf16>
      %get3A_205 = arith.constant 0 : i32
      %get3A_206 = arith.index_cast %get3A_205 : i32 to index
      %get3A_207 = arith.index_cast %add3A_164 : i32 to index
      %get3A_208 = arith.constant 48 : index
      %get3A_209 = tpu.vector_load %arg6[%get3A_206, %get3A_207, %get3A_208] {strides = array<i32>} : memref<2x80x64xi32, #tpu.memory_space<vmem>>, vector<16xi32>,
      %bitcast3A_210 = vector.bitcast %get3A_209 : vector<16xi32> to vector<32xbf16>
      %get3A_211 = arith.constant 0 : i32
      %get3A_212 = arith.index_cast %get3A_211 : i32 to index
      %get3A_213 = arith.index_cast %add3A_164 : i32 to index
      %get3A_214 = arith.constant 48 : index
      %get3A_215 = tpu.vector_load %arg7[%get3A_212, %get3A_213, %get3A_214] {strides = array<i32>} : memref<2x80x64xi32, #tpu.memory_space<vmem>>, vector<16xi32>,
      %bitcast3A_216 = vector.bitcast %get3A_215 : vector<16xi32> to vector<32xbf16>
      %mul3A_217 = arith.mulf %bitcast3A_210, %bitcast3A_216 : vector<32xbf16>
      %add3A_218 = arith.addf %mul3A_204, %mul3A_217 : vector<32xbf16>
      %unpack3A_219 = tpu.unpack_subelements %add3A_218, 0 {pack_format = #tpu.pack_format<interleaved>} : vector<32xbf16> -> vector<16xf32>
      %unpack3A_220 = tpu.unpack_subelements %add3A_218, 1 {pack_format = #tpu.pack_format<interleaved>} : vector<32xbf16> -> vector<16xf32>
      %add3A_221 = arith.addf %unpack3A_219, %unpack3A_220 : vector<16xf32>
      %add3A_222 = arith.addf %add3A_191, %add3A_221 : vector<16xf32>
      %swap3A = arith.constant 0 : i32
      %swap3A_223 = arith.index_cast %swap3A : i32 to index
      %swap3A_224 = arith.constant 0 : index
      %swap3A_225 = tpu.vector_load %arg9[%swap3A_223, %swap3A_224] {strides = array<i32>} : memref<16x16xf32, #tpu.memory_space<vmem>>, vector<16xf32>,
      tpu.vector_store %arg9[%swap3A_223, %swap3A_224], %add3A_222 {strides = array<i32>} : memref<16x16xf32, #tpu.memory_space<vmem>>, vector<16xf32>,
      %mul3A_226 = arith.constant 16 : i32
      %mul3A_227 = arith.muli %scan3A_159, %mul3A_226 : i32
      %add3A_228 = arith.constant 1 : i32
      %add3A_229 = arith.addi %mul3A_227, %add3A_228 : i32
      %get3A_230 = arith.constant 0 : i32
      %get3A_231 = arith.index_cast %get3A_230 : i32 to index
      %get3A_232 = arith.index_cast %add3A_229 : i32 to index
      %get3A_233 = arith.constant 0 : index
      %get3A_234 = tpu.vector_load %arg6[%get3A_231, %get3A_232, %get3A_233] {strides = array<i32>} : memref<2x80x64xi32, #tpu.memory_space<vmem>>, vector<16xi32>,
      %bitcast3A_235 = vector.bitcast %get3A_234 : vector<16xi32> to vector<32xbf16>
      %get3A_236 = arith.constant 0 : i32
      %get3A_237 = arith.index_cast %get3A_236 : i32 to index
      %get3A_238 = arith.index_cast %add3A_229 : i32 to index
      %get3A_239 = arith.constant 0 : index
      %get3A_240 = tpu.vector_load %arg7[%get3A_237, %get3A_238, %get3A_239] {strides = array<i32>} : memref<2x80x64xi32, #tpu.memory_space<vmem>>, vector<16xi32>,
      %bitcast3A_241 = vector.bitcast %get3A_240 : vector<16xi32> to vector<32xbf16>
      %mul3A_242 = arith.mulf %bitcast3A_235, %bitcast3A_241 : vector<32xbf16>
      %get3A_243 = arith.constant 0 : i32
      %get3A_244 = arith.index_cast %get3A_243 : i32 to index
      %get3A_245 = arith.index_cast %add3A_229 : i32 to index
      %get3A_246 = arith.constant 16 : index
      %get3A_247 = tpu.vector_load %arg6[%get3A_244, %get3A_245, %get3A_246] {strides = array<i32>} : memref<2x80x64xi32, #tpu.memory_space<vmem>>, vector<16xi32>,
      %bitcast3A_248 = vector.bitcast %get3A_247 : vector<16xi32> to vector<32xbf16>
      %get3A_249 = arith.constant 0 : i32
      %get3A_250 = arith.index_cast %get3A_249 : i32 to index
      %get3A_251 = arith.index_cast %add3A_229 : i32 to index
      %get3A_252 = arith.constant 16 : index
      %get3A_253 = tpu.vector_load %arg7[%get3A_250, %get3A_251, %get3A_252] {strides = array<i32>} : memref<2x80x64xi32, #tpu.memory_space<vmem>>, vector<16xi32>,
      %bitcast3A_254 = vector.bitcast %get3A_253 : vector<16xi32> to vector<32xbf16>
      %mul3A_255 = arith.mulf %bitcast3A_248, %bitcast3A_254 : vector<32xbf16>
      %add3A_256 = arith.addf %mul3A_242, %mul3A_255 : vector<32xbf16>
      %unpack3A_257 = tpu.unpack_subelements %add3A_256, 0 {pack_format = #tpu.pack_format<interleaved>} : vector<32xbf16> -> vector<16xf32>
      %unpack3A_258 = tpu.unpack_subelements %add3A_256, 1 {pack_format = #tpu.pack_format<interleaved>} : vector<32xbf16> -> vector<16xf32>
      %add3A_259 = arith.addf %unpack3A_257, %unpack3A_258 : vector<16xf32>
      %get3A_260 = arith.constant 0 : i32
      %get3A_261 = arith.index_cast %get3A_260 : i32 to index
      %get3A_262 = arith.index_cast %add3A_229 : i32 to index
      %get3A_263 = arith.constant 32 : index
      %get3A_264 = tpu.vector_load %arg6[%get3A_261, %get3A_262, %get3A_263] {strides = array<i32>} : memref<2x80x64xi32, #tpu.memory_space<vmem>>, vector<16xi32>,
      %bitcast3A_265 = vector.bitcast %get3A_264 : vector<16xi32> to vector<32xbf16>
      %get3A_266 = arith.constant 0 : i32
      %get3A_267 = arith.index_cast %get3A_266 : i32 to index
      %get3A_268 = arith.index_cast %add3A_229 : i32 to index
      %get3A_269 = arith.constant 32 : index
      %get3A_270 = tpu.vector_load %arg7[%get3A_267, %get3A_268, %get3A_269] {strides = array<i32>} : memref<2x80x64xi32, #tpu.memory_space<vmem>>, vector<16xi32>,
      %bitcast3A_271 = vector.bitcast %get3A_270 : vector<16xi32> to vector<32xbf16>
      %mul3A_272 = arith.mulf %bitcast3A_265, %bitcast3A_271 : vector<32xbf16>
      %get3A_273 = arith.constant 0 : i32
      %get3A_274 = arith.index_cast %get3A_273 : i32 to index
      %get3A_275 = arith.index_cast %add3A_229 : i32 to index
      %get3A_276 = arith.constant 48 : index
      %get3A_277 = tpu.vector_load %arg6[%get3A_274, %get3A_275, %get3A_276] {strides = array<i32>} : memref<2x80x64xi32, #tpu.memory_space<vmem>>, vector<16xi32>,
      %bitcast3A_278 = vector.bitcast %get3A_277 : vector<16xi32> to vector<32xbf16>
      %get3A_279 = arith.constant 0 : i32
      %get3A_280 = arith.index_cast %get3A_279 : i32 to index
      %get3A_281 = arith.index_cast %add3A_229 : i32 to index
      %get3A_282 = arith.constant 48 : index
      %get3A_283 = tpu.vector_load %arg7[%get3A_280, %get3A_281, %get3A_282] {strides = array<i32>} : memref<2x80x64xi32, #tpu.memory_space<vmem>>, vector<16xi32>,
      %bitcast3A_284 = vector.bitcast %get3A_283 : vector<16xi32> to vector<32xbf16>
      %mul3A_285 = arith.mulf %bitcast3A_278, %bitcast3A_284 : vector<32xbf16>
      %add3A_286 = arith.addf %mul3A_272, %mul3A_285 : vector<32xbf16>
      %unpack3A_287 = tpu.unpack_subelements %add3A_286, 0 {pack_format = #tpu.pack_format<interleaved>} : vector<32xbf16> -> vector<16xf32>
      %unpack3A_288 = tpu.unpack_subelements %add3A_286, 1 {pack_format = #tpu.pack_format<interleaved>} : vector<32xbf16> -> vector<16xf32>
      %add3A_289 = arith.addf %unpack3A_287, %unpack3A_288 : vector<16xf32>
      %add3A_290 = arith.addf %add3A_259, %add3A_289 : vector<16xf32>
      %swap3A_291 = arith.constant 1 : i32
      %swap3A_292 = arith.index_cast %swap3A_291 : i32 to index
      %swap3A_293 = arith.constant 0 : index
      %swap3A_294 = tpu.vector_load %arg9[%swap3A_292, %swap3A_293] {strides = array<i32>} : memref<16x16xf32, #tpu.memory_space<vmem>>, vector<16xf32>,
      tpu.vector_store %arg9[%swap3A_292, %swap3A_293], %add3A_290 {strides = array<i32>} : memref<16x16xf32, #tpu.memory_space<vmem>>, vector<16xf32>,
      %mul3A_295 = arith.constant 16 : i32
      %mul3A_296 = arith.muli %scan3A_159, %mul3A_295 : i32
      %add3A_297 = arith.constant 2 : i32
      %add3A_298 = arith.addi %mul3A_296, %add3A_297 : i32
      %get3A_299 = arith.constant 0 : i32
      %get3A_300 = arith.index_cast %get3A_299 : i32 to index
      %get3A_301 = arith.index_cast %add3A_298 : i32 to index
      %get3A_302 = arith.constant 0 : index
      %get3A_303 = tpu.vector_load %arg6[%get3A_300, %get3A_301, %get3A_302] {strides = array<i32>} : memref<2x80x64xi32, #tpu.memory_space<vmem>>, vector<16xi32>,
      %bitcast3A_304 = vector.bitcast %get3A_303 : vector<16xi32> to vector<32xbf16>
      %get3A_305 = arith.constant 0 : i32
      %get3A_306 = arith.index_cast %get3A_305 : i32 to index
      %get3A_307 = arith.index_cast %add3A_298 : i32 to index
      %get3A_308 = arith.constant 0 : index
      %get3A_309 = tpu.vector_load %arg7[%get3A_306, %get3A_307, %get3A_308] {strides = array<i32>} : memref<2x80x64xi32, #tpu.memory_space<vmem>>, vector<16xi32>,
      %bitcast3A_310 = vector.bitcast %get3A_309 : vector<16xi32> to vector<32xbf16>
      %mul3A_311 = arith.mulf %bitcast3A_304, %bitcast3A_310 : vector<32xbf16>
      %get3A_312 = arith.constant 0 : i32
      %get3A_313 = arith.index_cast %get3A_312 : i32 to index
      %get3A_314 = arith.index_cast %add3A_298 : i32 to index
      %get3A_315 = arith.constant 16 : index
      %get3A_316 = tpu.vector_load %arg6[%get3A_313, %get3A_314, %get3A_315] {strides = array<i32>} : memref<2x80x64xi32, #tpu.memory_space<vmem>>, vector<16xi32>,
      %bitcast3A_317 = vector.bitcast %get3A_316 : vector<16xi32> to vector<32xbf16>
      %get3A_318 = arith.constant 0 : i32
      %get3A_319 = arith.index_cast %get3A_318 : i32 to index
      %get3A_320 = arith.index_cast %add3A_298 : i32 to index
      %get3A_321 = arith.constant 16 : index
      %get3A_322 = tpu.vector_load %arg7[%get3A_319, %get3A_320, %get3A_321] {strides = array<i32>} : memref<2x80x64xi32, #tpu.memory_space<vmem>>, vector<16xi32>,
      %bitcast3A_323 = vector.bitcast %get3A_322 : vector<16xi32> to vector<32xbf16>
      %mul3A_324 = arith.mulf %bitcast3A_317, %bitcast3A_323 : vector<32xbf16>
      %add3A_325 = arith.addf %mul3A_311, %mul3A_324 : vector<32xbf16>
      %unpack3A_326 = tpu.unpack_subelements %add3A_325, 0 {pack_format = #tpu.pack_format<interleaved>} : vector<32xbf16> -> vector<16xf32>
      %unpack3A_327 = tpu.unpack_subelements %add3A_325, 1 {pack_format = #tpu.pack_format<interleaved>} : vector<32xbf16> -> vector<16xf32>
      %add3A_328 = arith.addf %unpack3A_326, %unpack3A_327 : vector<16xf32>
      %get3A_329 = arith.constant 0 : i32
      %get3A_330 = arith.index_cast %get3A_329 : i32 to index
      %get3A_331 = arith.index_cast %add3A_298 : i32 to index
      %get3A_332 = arith.constant 32 : index
      %get3A_333 = tpu.vector_load %arg6[%get3A_330, %get3A_331, %get3A_332] {strides = array<i32>} : memref<2x80x64xi32, #tpu.memory_space<vmem>>, vector<16xi32>,
      %bitcast3A_334 = vector.bitcast %get3A_333 : vector<16xi32> to vector<32xbf16>
      %get3A_335 = arith.constant 0 : i32
      %get3A_336 = arith.index_cast %get3A_335 : i32 to index
      %get3A_337 = arith.index_cast %add3A_298 : i32 to index
      %get3A_338 = arith.constant 32 : index
      %get3A_339 = tpu.vector_load %arg7[%get3A_336, %get3A_337, %get3A_338] {strides = array<i32>} : memref<2x80x64xi32, #tpu.memory_space<vmem>>, vector<16xi32>,
      %bitcast3A_340 = vector.bitcast %get3A_339 : vector<16xi32> to vector<32xbf16>
      %mul3A_341 = arith.mulf %bitcast3A_334, %bitcast3A_340 : vector<32xbf16>
      %get3A_342 = arith.constant 0 : i32
      %get3A_343 = arith.index_cast %get3A_342 : i32 to index
      %get3A_344 = arith.index_cast %add3A_298 : i32 to index
      %get3A_345 = arith.constant 48 : index
      %get3A_346 = tpu.vector_load %arg6[%get3A_343, %get3A_344, %get3A_345] {strides = array<i32>} : memref<2x80x64xi32, #tpu.memory_space<vmem>>, vector<16xi32>,
      %bitcast3A_347 = vector.bitcast %get3A_346 : vector<16xi32> to vector<32xbf16>
      %get3A_348 = arith.constant 0 : i32
      %get3A_349 = arith.index_cast %get3A_348 : i32 to index
      %get3A_350 = arith.index_cast %add3A_298 : i32 to index
      %get3A_351 = arith.constant 48 : index
      %get3A_352 = tpu.vector_load %arg7[%get3A_349, %get3A_350, %get3A_351] {strides = array<i32>} : memref<2x80x64xi32, #tpu.memory_space<vmem>>, vector<16xi32>,
      %bitcast3A_353 = vector.bitcast %get3A_352 : vector<16xi32> to vector<32xbf16>
      %mul3A_354 = arith.mulf %bitcast3A_347, %bitcast3A_353 : vector<32xbf16>
      %add3A_355 = arith.addf %mul3A_341, %mul3A_354 : vector<32xbf16>
      %unpack3A_356 = tpu.unpack_subelements %add3A_355, 0 {pack_format = #tpu.pack_format<interleaved>} : vector<32xbf16> -> vector<16xf32>
      %unpack3A_357 = tpu.unpack_subelements %add3A_355, 1 {pack_format = #tpu.pack_format<interleaved>} : vector<32xbf16> -> vector<16xf32>
      %add3A_358 = arith.addf %unpack3A_356, %unpack3A_357 : vector<16xf32>
      %add3A_359 = arith.addf %add3A_328, %add3A_358 : vector<16xf32>
      %swap3A_360 = arith.constant 2 : i32
      %swap3A_361 = arith.index_cast %swap3A_360 : i32 to index
      %swap3A_362 = arith.constant 0 : index
      %swap3A_363 = tpu.vector_load %arg9[%swap3A_361, %swap3A_362] {strides = array<i32>} : memref<16x16xf32, #tpu.memory_space<vmem>>, vector<16xf32>,
      tpu.vector_store %arg9[%swap3A_361, %swap3A_362], %add3A_359 {strides = array<i32>} : memref<16x16xf32, #tpu.memory_space<vmem>>, vector<16xf32>,
      %mul3A_364 = arith.constant 16 : i32
      %mul3A_365 = arith.muli %scan3A_159, %mul3A_364 : i32
      %add3A_366 = arith.constant 3 : i32
      %add3A_367 = arith.addi %mul3A_365, %add3A_366 : i32
      %get3A_368 = arith.constant 0 : i32
      %get3A_369 = arith.index_cast %get3A_368 : i32 to index
      %get3A_370 = arith.index_cast %add3A_367 : i32 to index
      %get3A_371 = arith.constant 0 : index
      %get3A_372 = tpu.vector_load %arg6[%get3A_369, %get3A_370, %get3A_371] {strides = array<i32>} : memref<2x80x64xi32, #tpu.memory_space<vmem>>, vector<16xi32>,
      %bitcast3A_373 = vector.bitcast %get3A_372 : vector<16xi32> to vector<32xbf16>
      %get3A_374 = arith.constant 0 : i32
      %get3A_375 = arith.index_cast %get3A_374 : i32 to index
      %get3A_376 = arith.index_cast %add3A_367 : i32 to index
      %get3A_377 = arith.constant 0 : index
      %get3A_378 = tpu.vector_load %arg7[%get3A_375, %get3A_376, %get3A_377] {strides = array<i32>} : memref<2x80x64xi32, #tpu.memory_space<vmem>>, vector<16xi32>,
      %bitcast3A_379 = vector.bitcast %get3A_378 : vector<16xi32> to vector<32xbf16>
      %mul3A_380 = arith.mulf %bitcast3A_373, %bitcast3A_379 : vector<32xbf16>
      %get3A_381 = arith.constant 0 : i32
      %get3A_382 = arith.index_cast %get3A_381 : i32 to index
      %get3A_383 = arith.index_cast %add3A_367 : i32 to index
      %get3A_384 = arith.constant 16 : index
      %get3A_385 = tpu.vector_load %arg6[%get3A_382, %get3A_383, %get3A_384] {strides = array<i32>} : memref<2x80x64xi32, #tpu.memory_space<vmem>>, vector<16xi32>,
      %bitcast3A_386 = vector.bitcast %get3A_385 : vector<16xi32> to vector<32xbf16>
      %get3A_387 = arith.constant 0 : i32
      %get3A_388 = arith.index_cast %get3A_387 : i32 to index
      %get3A_389 = arith.index_cast %add3A_367 : i32 to index
      %get3A_390 = arith.constant 16 : index
      %get3A_391 = tpu.vector_load %arg7[%get3A_388, %get3A_389, %get3A_390] {strides = array<i32>} : memref<2x80x64xi32, #tpu.memory_space<vmem>>, vector<16xi32>,
      %bitcast3A_392 = vector.bitcast %get3A_391 : vector<16xi32> to vector<32xbf16>
      %mul3A_393 = arith.mulf %bitcast3A_386, %bitcast3A_392 : vector<32xbf16>
      %add3A_394 = arith.addf %mul3A_380, %mul3A_393 : vector<32xbf16>
      %unpack3A_395 = tpu.unpack_subelements %add3A_394, 0 {pack_format = #tpu.pack_format<interleaved>} : vector<32xbf16> -> vector<16xf32>
      %unpack3A_396 = tpu.unpack_subelements %add3A_394, 1 {pack_format = #tpu.pack_format<interleaved>} : vector<32xbf16> -> vector<16xf32>
      %add3A_397 = arith.addf %unpack3A_395, %unpack3A_396 : vector<16xf32>
      %get3A_398 = arith.constant 0 : i32
      %get3A_399 = arith.index_cast %get3A_398 : i32 to index
      %get3A_400 = arith.index_cast %add3A_367 : i32 to index
      %get3A_401 = arith.constant 32 : index
      %get3A_402 = tpu.vector_load %arg6[%get3A_399, %get3A_400, %get3A_401] {strides = array<i32>} : memref<2x80x64xi32, #tpu.memory_space<vmem>>, vector<16xi32>,
      %bitcast3A_403 = vector.bitcast %get3A_402 : vector<16xi32> to vector<32xbf16>
      %get3A_404 = arith.constant 0 : i32
      %get3A_405 = arith.index_cast %get3A_404 : i32 to index
      %get3A_406 = arith.index_cast %add3A_367 : i32 to index
      %get3A_407 = arith.constant 32 : index
      %get3A_408 = tpu.vector_load %arg7[%get3A_405, %get3A_406, %get3A_407] {strides = array<i32>} : memref<2x80x64xi32, #tpu.memory_space<vmem>>, vector<16xi32>,
      %bitcast3A_409 = vector.bitcast %get3A_408 : vector<16xi32> to vector<32xbf16>
      %mul3A_410 = arith.mulf %bitcast3A_403, %bitcast3A_409 : vector<32xbf16>
      %get3A_411 = arith.constant 0 : i32
      %get3A_412 = arith.index_cast %get3A_411 : i32 to index
      %get3A_413 = arith.index_cast %add3A_367 : i32 to index
      %get3A_414 = arith.constant 48 : index
      %get3A_415 = tpu.vector_load %arg6[%get3A_412, %get3A_413, %get3A_414] {strides = array<i32>} : memref<2x80x64xi32, #tpu.memory_space<vmem>>, vector<16xi32>,
      %bitcast3A_416 = vector.bitcast %get3A_415 : vector<16xi32> to vector<32xbf16>
      %get3A_417 = arith.constant 0 : i32
      %get3A_418 = arith.index_cast %get3A_417 : i32 to index
      %get3A_419 = arith.index_cast %add3A_367 : i32 to index
      %get3A_420 = arith.constant 48 : index
      %get3A_421 = tpu.vector_load %arg7[%get3A_418, %get3A_419, %get3A_420] {strides = array<i32>} : memref<2x80x64xi32, #tpu.memory_space<vmem>>, vector<16xi32>,
      %bitcast3A_422 = vector.bitcast %get3A_421 : vector<16xi32> to vector<32xbf16>
      %mul3A_423 = arith.mulf %bitcast3A_416, %bitcast3A_422 : vector<32xbf16>
      %add3A_424 = arith.addf %mul3A_410, %mul3A_423 : vector<32xbf16>
      %unpack3A_425 = tpu.unpack_subelements %add3A_424, 0 {pack_format = #tpu.pack_format<interleaved>} : vector<32xbf16> -> vector<16xf32>
      %unpack3A_426 = tpu.unpack_subelements %add3A_424, 1 {pack_format = #tpu.pack_format<interleaved>} : vector<32xbf16> -> vector<16xf32>
      %add3A_427 = arith.addf %unpack3A_425, %unpack3A_426 : vector<16xf32>
      %add3A_428 = arith.addf %add3A_397, %add3A_427 : vector<16xf32>
      %swap3A_429 = arith.constant 3 : i32
      %swap3A_430 = arith.index_cast %swap3A_429 : i32 to index
      %swap3A_431 = arith.constant 0 : index
      %swap3A_432 = tpu.vector_load %arg9[%swap3A_430, %swap3A_431] {strides = array<i32>} : memref<16x16xf32, #tpu.memory_space<vmem>>, vector<16xf32>,
      tpu.vector_store %arg9[%swap3A_430, %swap3A_431], %add3A_428 {strides = array<i32>} : memref<16x16xf32, #tpu.memory_space<vmem>>, vector<16xf32>,
      %mul3A_433 = arith.constant 16 : i32
      %mul3A_434 = arith.muli %scan3A_159, %mul3A_433 : i32
      %add3A_435 = arith.constant 4 : i32
      %add3A_436 = arith.addi %mul3A_434, %add3A_435 : i32
      %get3A_437 = arith.constant 0 : i32
      %get3A_438 = arith.index_cast %get3A_437 : i32 to index
      %get3A_439 = arith.index_cast %add3A_436 : i32 to index
      %get3A_440 = arith.constant 0 : index
      %get3A_441 = tpu.vector_load %arg6[%get3A_438, %get3A_439, %get3A_440] {strides = array<i32>} : memref<2x80x64xi32, #tpu.memory_space<vmem>>, vector<16xi32>,
      %bitcast3A_442 = vector.bitcast %get3A_441 : vector<16xi32> to vector<32xbf16>
      %get3A_443 = arith.constant 0 : i32
      %get3A_444 = arith.index_cast %get3A_443 : i32 to index
      %get3A_445 = arith.index_cast %add3A_436 : i32 to index
      %get3A_446 = arith.constant 0 : index
      %get3A_447 = tpu.vector_load %arg7[%get3A_444, %get3A_445, %get3A_446] {strides = array<i32>} : memref<2x80x64xi32, #tpu.memory_space<vmem>>, vector<16xi32>,
      %bitcast3A_448 = vector.bitcast %get3A_447 : vector<16xi32> to vector<32xbf16>
      %mul3A_449 = arith.mulf %bitcast3A_442, %bitcast3A_448 : vector<32xbf16>
      %get3A_450 = arith.constant 0 : i32
      %get3A_451 = arith.index_cast %get3A_450 : i32 to index
      %get3A_452 = arith.index_cast %add3A_436 : i32 to index
      %get3A_453 = arith.constant 16 : index
      %get3A_454 = tpu.vector_load %arg6[%get3A_451, %get3A_452, %get3A_453] {strides = array<i32>} : memref<2x80x64xi32, #tpu.memory_space<vmem>>, vector<16xi32>,
      %bitcast3A_455 = vector.bitcast %get3A_454 : vector<16xi32> to vector<32xbf16>
      %get3A_456 = arith.constant 0 : i32
      %get3A_457 = arith.index_cast %get3A_456 : i32 to index
      %get3A_458 = arith.index_cast %add3A_436 : i32 to index
      %get3A_459 = arith.constant 16 : index
      %get3A_460 = tpu.vector_load %arg7[%get3A_457, %get3A_458, %get3A_459] {strides = array<i32>} : memref<2x80x64xi32, #tpu.memory_space<vmem>>, vector<16xi32>,
      %bitcast3A_461 = vector.bitcast %get3A_460 : vector<16xi32> to vector<32xbf16>
      %mul3A_462 = arith.mulf %bitcast3A_455, %bitcast3A_461 : vector<32xbf16>
      %add3A_463 = arith.addf %mul3A_449, %mul3A_462 : vector<32xbf16>
      %unpack3A_464 = tpu.unpack_subelements %add3A_463, 0 {pack_format = #tpu.pack_format<interleaved>} : vector<32xbf16> -> vector<16xf32>
      %unpack3A_465 = tpu.unpack_subelements %add3A_463, 1 {pack_format = #tpu.pack_format<interleaved>} : vector<32xbf16> -> vector<16xf32>
      %add3A_466 = arith.addf %unpack3A_464, %unpack3A_465 : vector<16xf32>
      %get3A_467 = arith.constant 0 : i32
      %get3A_468 = arith.index_cast %get3A_467 : i32 to index
      %get3A_469 = arith.index_cast %add3A_436 : i32 to index
      %get3A_470 = arith.constant 32 : index
      %get3A_471 = tpu.vector_load %arg6[%get3A_468, %get3A_469, %get3A_470] {strides = array<i32>} : memref<2x80x64xi32, #tpu.memory_space<vmem>>, vector<16xi32>,
      %bitcast3A_472 = vector.bitcast %get3A_471 : vector<16xi32> to vector<32xbf16>
      %get3A_473 = arith.constant 0 : i32
      %get3A_474 = arith.index_cast %get3A_473 : i32 to index
      %get3A_475 = arith.index_cast %add3A_436 : i32 to index
      %get3A_476 = arith.constant 32 : index
      %get3A_477 = tpu.vector_load %arg7[%get3A_474, %get3A_475, %get3A_476] {strides = array<i32>} : memref<2x80x64xi32, #tpu.memory_space<vmem>>, vector<16xi32>,
      %bitcast3A_478 = vector.bitcast %get3A_477 : vector<16xi32> to vector<32xbf16>
      %mul3A_479 = arith.mulf %bitcast3A_472, %bitcast3A_478 : vector<32xbf16>
      %get3A_480 = arith.constant 0 : i32
      %get3A_481 = arith.index_cast %get3A_480 : i32 to index
      %get3A_482 = arith.index_cast %add3A_436 : i32 to index
      %get3A_483 = arith.constant 48 : index
      %get3A_484 = tpu.vector_load %arg6[%get3A_481, %get3A_482, %get3A_483] {strides = array<i32>} : memref<2x80x64xi32, #tpu.memory_space<vmem>>, vector<16xi32>,
      %bitcast3A_485 = vector.bitcast %get3A_484 : vector<16xi32> to vector<32xbf16>
      %get3A_486 = arith.constant 0 : i32
      %get3A_487 = arith.index_cast %get3A_486 : i32 to index
      %get3A_488 = arith.index_cast %add3A_436 : i32 to index
      %get3A_489 = arith.constant 48 : index
      %get3A_490 = tpu.vector_load %arg7[%get3A_487, %get3A_488, %get3A_489] {strides = array<i32>} : memref<2x80x64xi32, #tpu.memory_space<vmem>>, vector<16xi32>,
      %bitcast3A_491 = vector.bitcast %get3A_490 : vector<16xi32> to vector<32xbf16>
      %mul3A_492 = arith.mulf %bitcast3A_485, %bitcast3A_491 : vector<32xbf16>
      %add3A_493 = arith.addf %mul3A_479, %mul3A_492 : vector<32xbf16>
      %unpack3A_494 = tpu.unpack_subelements %add3A_493, 0 {pack_format = #tpu.pack_format<interleaved>} : vector<32xbf16> -> vector<16xf32>
      %unpack3A_495 = tpu.unpack_subelements %add3A_493, 1 {pack_format = #tpu.pack_format<interleaved>} : vector<32xbf16> -> vector<16xf32>
      %add3A_496 = arith.addf %unpack3A_494, %unpack3A_495 : vector<16xf32>
      %add3A_497 = arith.addf %add3A_466, %add3A_496 : vector<16xf32>
      %swap3A_498 = arith.constant 4 : i32
      %swap3A_499 = arith.index_cast %swap3A_498 : i32 to index
      %swap3A_500 = arith.constant 0 : index
      %swap3A_501 = tpu.vector_load %arg9[%swap3A_499, %swap3A_500] {strides = array<i32>} : memref<16x16xf32, #tpu.memory_space<vmem>>, vector<16xf32>,
      tpu.vector_store %arg9[%swap3A_499, %swap3A_500], %add3A_497 {strides = array<i32>} : memref<16x16xf32, #tpu.memory_space<vmem>>, vector<16xf32>,
      %mul3A_502 = arith.constant 16 : i32
      %mul3A_503 = arith.muli %scan3A_159, %mul3A_502 : i32
      %add3A_504 = arith.constant 5 : i32
      %add3A_505 = arith.addi %mul3A_503, %add3A_504 : i32
      %get3A_506 = arith.constant 0 : i32
      %get3A_507 = arith.index_cast %get3A_506 : i32 to index
      %get3A_508 = arith.index_cast %add3A_505 : i32 to index
      %get3A_509 = arith.constant 0 : index
      %get3A_510 = tpu.vector_load %arg6[%get3A_507, %get3A_508, %get3A_509] {strides = array<i32>} : memref<2x80x64xi32, #tpu.memory_space<vmem>>, vector<16xi32>,
      %bitcast3A_511 = vector.bitcast %get3A_510 : vector<16xi32> to vector<32xbf16>
      %get3A_512 = arith.constant 0 : i32
      %get3A_513 = arith.index_cast %get3A_512 : i32 to index
      %get3A_514 = arith.index_cast %add3A_505 : i32 to index
      %get3A_515 = arith.constant 0 : index
      %get3A_516 = tpu.vector_load %arg7[%get3A_513, %get3A_514, %get3A_515] {strides = array<i32>} : memref<2x80x64xi32, #tpu.memory_space<vmem>>, vector<16xi32>,
      %bitcast3A_517 = vector.bitcast %get3A_516 : vector<16xi32> to vector<32xbf16>
      %mul3A_518 = arith.mulf %bitcast3A_511, %bitcast3A_517 : vector<32xbf16>
      %get3A_519 = arith.constant 0 : i32
      %get3A_520 = arith.index_cast %get3A_519 : i32 to index
      %get3A_521 = arith.index_cast %add3A_505 : i32 to index
      %get3A_522 = arith.constant 16 : index
      %get3A_523 = tpu.vector_load %arg6[%get3A_520, %get3A_521, %get3A_522] {strides = array<i32>} : memref<2x80x64xi32, #tpu.memory_space<vmem>>, vector<16xi32>,
      %bitcast3A_524 = vector.bitcast %get3A_523 : vector<16xi32> to vector<32xbf16>
      %get3A_525 = arith.constant 0 : i32
      %get3A_526 = arith.index_cast %get3A_525 : i32 to index
      %get3A_527 = arith.index_cast %add3A_505 : i32 to index
      %get3A_528 = arith.constant 16 : index
      %get3A_529 = tpu.vector_load %arg7[%get3A_526, %get3A_527, %get3A_528] {strides = array<i32>} : memref<2x80x64xi32, #tpu.memory_space<vmem>>, vector<16xi32>,
      %bitcast3A_530 = vector.bitcast %get3A_529 : vector<16xi32> to vector<32xbf16>
      %mul3A_531 = arith.mulf %bitcast3A_524, %bitcast3A_530 : vector<32xbf16>
      %add3A_532 = arith.addf %mul3A_518, %mul3A_531 : vector<32xbf16>
      %unpack3A_533 = tpu.unpack_subelements %add3A_532, 0 {pack_format = #tpu.pack_format<interleaved>} : vector<32xbf16> -> vector<16xf32>
      %unpack3A_534 = tpu.unpack_subelements %add3A_532, 1 {pack_format = #tpu.pack_format<interleaved>} : vector<32xbf16> -> vector<16xf32>
      %add3A_535 = arith.addf %unpack3A_533, %unpack3A_534 : vector<16xf32>
      %get3A_536 = arith.constant 0 : i32
      %get3A_537 = arith.index_cast %get3A_536 : i32 to index
      %get3A_538 = arith.index_cast %add3A_505 : i32 to index
      %get3A_539 = arith.constant 32 : index
      %get3A_540 = tpu.vector_load %arg6[%get3A_537, %get3A_538, %get3A_539] {strides = array<i32>} : memref<2x80x64xi32, #tpu.memory_space<vmem>>, vector<16xi32>,
      %bitcast3A_541 = vector.bitcast %get3A_540 : vector<16xi32> to vector<32xbf16>
      %get3A_542 = arith.constant 0 : i32
      %get3A_543 = arith.index_cast %get3A_542 : i32 to index
      %get3A_544 = arith.index_cast %add3A_505 : i32 to index
      %get3A_545 = arith.constant 32 : index
      %get3A_546 = tpu.vector_load %arg7[%get3A_543, %get3A_544, %get3A_545] {strides = array<i32>} : memref<2x80x64xi32, #tpu.memory_space<vmem>>, vector<16xi32>,
      %bitcast3A_547 = vector.bitcast %get3A_546 : vector<16xi32> to vector<32xbf16>
      %mul3A_548 = arith.mulf %bitcast3A_541, %bitcast3A_547 : vector<32xbf16>
      %get3A_549 = arith.constant 0 : i32
      %get3A_550 = arith.index_cast %get3A_549 : i32 to index
      %get3A_551 = arith.index_cast %add3A_505 : i32 to index
      %get3A_552 = arith.constant 48 : index
      %get3A_553 = tpu.vector_load %arg6[%get3A_550, %get3A_551, %get3A_552] {strides = array<i32>} : memref<2x80x64xi32, #tpu.memory_space<vmem>>, vector<16xi32>,
      %bitcast3A_554 = vector.bitcast %get3A_553 : vector<16xi32> to vector<32xbf16>
      %get3A_555 = arith.constant 0 : i32
      %get3A_556 = arith.index_cast %get3A_555 : i32 to index
      %get3A_557 = arith.index_cast %add3A_505 : i32 to index
      %get3A_558 = arith.constant 48 : index
      %get3A_559 = tpu.vector_load %arg7[%get3A_556, %get3A_557, %get3A_558] {strides = array<i32>} : memref<2x80x64xi32, #tpu.memory_space<vmem>>, vector<16xi32>,
      %bitcast3A_560 = vector.bitcast %get3A_559 : vector<16xi32> to vector<32xbf16>
      %mul3A_561 = arith.mulf %bitcast3A_554, %bitcast3A_560 : vector<32xbf16>
      %add3A_562 = arith.addf %mul3A_548, %mul3A_561 : vector<32xbf16>
      %unpack3A_563 = tpu.unpack_subelements %add3A_562, 0 {pack_format = #tpu.pack_format<interleaved>} : vector<32xbf16> -> vector<16xf32>
      %unpack3A_564 = tpu.unpack_subelements %add3A_562, 1 {pack_format = #tpu.pack_format<interleaved>} : vector<32xbf16> -> vector<16xf32>
      %add3A_565 = arith.addf %unpack3A_563, %unpack3A_564 : vector<16xf32>
      %add3A_566 = arith.addf %add3A_535, %add3A_565 : vector<16xf32>
      %swap3A_567 = arith.constant 5 : i32
      %swap3A_568 = arith.index_cast %swap3A_567 : i32 to index
      %swap3A_569 = arith.constant 0 : index
      %swap3A_570 = tpu.vector_load %arg9[%swap3A_568, %swap3A_569] {strides = array<i32>} : memref<16x16xf32, #tpu.memory_space<vmem>>, vector<16xf32>,
      tpu.vector_store %arg9[%swap3A_568, %swap3A_569], %add3A_566 {strides = array<i32>} : memref<16x16xf32, #tpu.memory_space<vmem>>, vector<16xf32>,
      %mul3A_571 = arith.constant 16 : i32
      %mul3A_572 = arith.muli %scan3A_159, %mul3A_571 : i32
      %add3A_573 = arith.constant 6 : i32
      %add3A_574 = arith.addi %mul3A_572, %add3A_573 : i32
      %get3A_575 = arith.constant 0 : i32
      %get3A_576 = arith.index_cast %get3A_575 : i32 to index
      %get3A_577 = arith.index_cast %add3A_574 : i32 to index
      %get3A_578 = arith.constant 0 : index
      %get3A_579 = tpu.vector_load %arg6[%get3A_576, %get3A_577, %get3A_578] {strides = array<i32>} : memref<2x80x64xi32, #tpu.memory_space<vmem>>, vector<16xi32>,
      %bitcast3A_580 = vector.bitcast %get3A_579 : vector<16xi32> to vector<32xbf16>
      %get3A_581 = arith.constant 0 : i32
      %get3A_582 = arith.index_cast %get3A_581 : i32 to index
      %get3A_583 = arith.index_cast %add3A_574 : i32 to index
      %get3A_584 = arith.constant 0 : index
      %get3A_585 = tpu.vector_load %arg7[%get3A_582, %get3A_583, %get3A_584] {strides = array<i32>} : memref<2x80x64xi32, #tpu.memory_space<vmem>>, vector<16xi32>,
      %bitcast3A_586 = vector.bitcast %get3A_585 : vector<16xi32> to vector<32xbf16>
      %mul3A_587 = arith.mulf %bitcast3A_580, %bitcast3A_586 : vector<32xbf16>
      %get3A_588 = arith.constant 0 : i32
      %get3A_589 = arith.index_cast %get3A_588 : i32 to index
      %get3A_590 = arith.index_cast %add3A_574 : i32 to index
      %get3A_591 = arith.constant 16 : index
      %get3A_592 = tpu.vector_load %arg6[%get3A_589, %get3A_590, %get3A_591] {strides = array<i32>} : memref<2x80x64xi32, #tpu.memory_space<vmem>>, vector<16xi32>,
      %bitcast3A_593 = vector.bitcast %get3A_592 : vector<16xi32> to vector<32xbf16>
      %get3A_594 = arith.constant 0 : i32
      %get3A_595 = arith.index_cast %get3A_594 : i32 to index
      %get3A_596 = arith.index_cast %add3A_574 : i32 to index
      %get3A_597 = arith.constant 16 : index
      %get3A_598 = tpu.vector_load %arg7[%get3A_595, %get3A_596, %get3A_597] {strides = array<i32>} : memref<2x80x64xi32, #tpu.memory_space<vmem>>, vector<16xi32>,
      %bitcast3A_599 = vector.bitcast %get3A_598 : vector<16xi32> to vector<32xbf16>
      %mul3A_600 = arith.mulf %bitcast3A_593, %bitcast3A_599 : vector<32xbf16>
      %add3A_601 = arith.addf %mul3A_587, %mul3A_600 : vector<32xbf16>
      %unpack3A_602 = tpu.unpack_subelements %add3A_601, 0 {pack_format = #tpu.pack_format<interleaved>} : vector<32xbf16> -> vector<16xf32>
      %unpack3A_603 = tpu.unpack_subelements %add3A_601, 1 {pack_format = #tpu.pack_format<interleaved>} : vector<32xbf16> -> vector<16xf32>
      %add3A_604 = arith.addf %unpack3A_602, %unpack3A_603 : vector<16xf32>
      %get3A_605 = arith.constant 0 : i32
      %get3A_606 = arith.index_cast %get3A_605 : i32 to index
      %get3A_607 = arith.index_cast %add3A_574 : i32 to index
      %get3A_608 = arith.constant 32 : index
      %get3A_609 = tpu.vector_load %arg6[%get3A_606, %get3A_607, %get3A_608] {strides = array<i32>} : memref<2x80x64xi32, #tpu.memory_space<vmem>>, vector<16xi32>,
      %bitcast3A_610 = vector.bitcast %get3A_609 : vector<16xi32> to vector<32xbf16>
      %get3A_611 = arith.constant 0 : i32
      %get3A_612 = arith.index_cast %get3A_611 : i32 to index
      %get3A_613 = arith.index_cast %add3A_574 : i32 to index
      %get3A_614 = arith.constant 32 : index
      %get3A_615 = tpu.vector_load %arg7[%get3A_612, %get3A_613, %get3A_614] {strides = array<i32>} : memref<2x80x64xi32, #tpu.memory_space<vmem>>, vector<16xi32>,
      %bitcast3A_616 = vector.bitcast %get3A_615 : vector<16xi32> to vector<32xbf16>
      %mul3A_617 = arith.mulf %bitcast3A_610, %bitcast3A_616 : vector<32xbf16>
      %get3A_618 = arith.constant 0 : i32
      %get3A_619 = arith.index_cast %get3A_618 : i32 to index
      %get3A_620 = arith.index_cast %add3A_574 : i32 to index
      %get3A_621 = arith.constant 48 : index
      %get3A_622 = tpu.vector_load %arg6[%get3A_619, %get3A_620, %get3A_621] {strides = array<i32>} : memref<2x80x64xi32, #tpu.memory_space<vmem>>, vector<16xi32>,
      %bitcast3A_623 = vector.bitcast %get3A_622 : vector<16xi32> to vector<32xbf16>
      %get3A_624 = arith.constant 0 : i32
      %get3A_625 = arith.index_cast %get3A_624 : i32 to index
      %get3A_626 = arith.index_cast %add3A_574 : i32 to index
      %get3A_627 = arith.constant 48 : index
      %get3A_628 = tpu.vector_load %arg7[%get3A_625, %get3A_626, %get3A_627] {strides = array<i32>} : memref<2x80x64xi32, #tpu.memory_space<vmem>>, vector<16xi32>,
      %bitcast3A_629 = vector.bitcast %get3A_628 : vector<16xi32> to vector<32xbf16>
      %mul3A_630 = arith.mulf %bitcast3A_623, %bitcast3A_629 : vector<32xbf16>
      %add3A_631 = arith.addf %mul3A_617, %mul3A_630 : vector<32xbf16>
      %unpack3A_632 = tpu.unpack_subelements %add3A_631, 0 {pack_format = #tpu.pack_format<interleaved>} : vector<32xbf16> -> vector<16xf32>
      %unpack3A_633 = tpu.unpack_subelements %add3A_631, 1 {pack_format = #tpu.pack_format<interleaved>} : vector<32xbf16> -> vector<16xf32>
      %add3A_634 = arith.addf %unpack3A_632, %unpack3A_633 : vector<16xf32>
      %add3A_635 = arith.addf %add3A_604, %add3A_634 : vector<16xf32>
      %swap3A_636 = arith.constant 6 : i32
      %swap3A_637 = arith.index_cast %swap3A_636 : i32 to index
      %swap3A_638 = arith.constant 0 : index
      %swap3A_639 = tpu.vector_load %arg9[%swap3A_637, %swap3A_638] {strides = array<i32>} : memref<16x16xf32, #tpu.memory_space<vmem>>, vector<16xf32>,
      tpu.vector_store %arg9[%swap3A_637, %swap3A_638], %add3A_635 {strides = array<i32>} : memref<16x16xf32, #tpu.memory_space<vmem>>, vector<16xf32>,
      %mul3A_640 = arith.constant 16 : i32
      %mul3A_641 = arith.muli %scan3A_159, %mul3A_640 : i32
      %add3A_642 = arith.constant 7 : i32
      %add3A_643 = arith.addi %mul3A_641, %add3A_642 : i32
      %get3A_644 = arith.constant 0 : i32
      %get3A_645 = arith.index_cast %get3A_644 : i32 to index
      %get3A_646 = arith.index_cast %add3A_643 : i32 to index
      %get3A_647 = arith.constant 0 : index
      %get3A_648 = tpu.vector_load %arg6[%get3A_645, %get3A_646, %get3A_647] {strides = array<i32>} : memref<2x80x64xi32, #tpu.memory_space<vmem>>, vector<16xi32>,
      %bitcast3A_649 = vector.bitcast %get3A_648 : vector<16xi32> to vector<32xbf16>
      %get3A_650 = arith.constant 0 : i32
      %get3A_651 = arith.index_cast %get3A_650 : i32 to index
      %get3A_652 = arith.index_cast %add3A_643 : i32 to index
      %get3A_653 = arith.constant 0 : index
      %get3A_654 = tpu.vector_load %arg7[%get3A_651, %get3A_652, %get3A_653] {strides = array<i32>} : memref<2x80x64xi32, #tpu.memory_space<vmem>>, vector<16xi32>,
      %bitcast3A_655 = vector.bitcast %get3A_654 : vector<16xi32> to vector<32xbf16>
      %mul3A_656 = arith.mulf %bitcast3A_649, %bitcast3A_655 : vector<32xbf16>
      %get3A_657 = arith.constant 0 : i32
      %get3A_658 = arith.index_cast %get3A_657 : i32 to index
      %get3A_659 = arith.index_cast %add3A_643 : i32 to index
      %get3A_660 = arith.constant 16 : index
      %get3A_661 = tpu.vector_load %arg6[%get3A_658, %get3A_659, %get3A_660] {strides = array<i32>} : memref<2x80x64xi32, #tpu.memory_space<vmem>>, vector<16xi32>,
      %bitcast3A_662 = vector.bitcast %get3A_661 : vector<16xi32> to vector<32xbf16>
      %get3A_663 = arith.constant 0 : i32
      %get3A_664 = arith.index_cast %get3A_663 : i32 to index
      %get3A_665 = arith.index_cast %add3A_643 : i32 to index
      %get3A_666 = arith.constant 16 : index
      %get3A_667 = tpu.vector_load %arg7[%get3A_664, %get3A_665, %get3A_666] {strides = array<i32>} : memref<2x80x64xi32, #tpu.memory_space<vmem>>, vector<16xi32>,
      %bitcast3A_668 = vector.bitcast %get3A_667 : vector<16xi32> to vector<32xbf16>
      %mul3A_669 = arith.mulf %bitcast3A_662, %bitcast3A_668 : vector<32xbf16>
      %add3A_670 = arith.addf %mul3A_656, %mul3A_669 : vector<32xbf16>
      %unpack3A_671 = tpu.unpack_subelements %add3A_670, 0 {pack_format = #tpu.pack_format<interleaved>} : vector<32xbf16> -> vector<16xf32>
      %unpack3A_672 = tpu.unpack_subelements %add3A_670, 1 {pack_format = #tpu.pack_format<interleaved>} : vector<32xbf16> -> vector<16xf32>
      %add3A_673 = arith.addf %unpack3A_671, %unpack3A_672 : vector<16xf32>
      %get3A_674 = arith.constant 0 : i32
      %get3A_675 = arith.index_cast %get3A_674 : i32 to index
      %get3A_676 = arith.index_cast %add3A_643 : i32 to index
      %get3A_677 = arith.constant 32 : index
      %get3A_678 = tpu.vector_load %arg6[%get3A_675, %get3A_676, %get3A_677] {strides = array<i32>} : memref<2x80x64xi32, #tpu.memory_space<vmem>>, vector<16xi32>,
      %bitcast3A_679 = vector.bitcast %get3A_678 : vector<16xi32> to vector<32xbf16>
      %get3A_680 = arith.constant 0 : i32
      %get3A_681 = arith.index_cast %get3A_680 : i32 to index
      %get3A_682 = arith.index_cast %add3A_643 : i32 to index
      %get3A_683 = arith.constant 32 : index
      %get3A_684 = tpu.vector_load %arg7[%get3A_681, %get3A_682, %get3A_683] {strides = array<i32>} : memref<2x80x64xi32, #tpu.memory_space<vmem>>, vector<16xi32>,
      %bitcast3A_685 = vector.bitcast %get3A_684 : vector<16xi32> to vector<32xbf16>
      %mul3A_686 = arith.mulf %bitcast3A_679, %bitcast3A_685 : vector<32xbf16>
      %get3A_687 = arith.constant 0 : i32
      %get3A_688 = arith.index_cast %get3A_687 : i32 to index
      %get3A_689 = arith.index_cast %add3A_643 : i32 to index
      %get3A_690 = arith.constant 48 : index
      %get3A_691 = tpu.vector_load %arg6[%get3A_688, %get3A_689, %get3A_690] {strides = array<i32>} : memref<2x80x64xi32, #tpu.memory_space<vmem>>, vector<16xi32>,
      %bitcast3A_692 = vector.bitcast %get3A_691 : vector<16xi32> to vector<32xbf16>
      %get3A_693 = arith.constant 0 : i32
      %get3A_694 = arith.index_cast %get3A_693 : i32 to index
      %get3A_695 = arith.index_cast %add3A_643 : i32 to index
      %get3A_696 = arith.constant 48 : index
      %get3A_697 = tpu.vector_load %arg7[%get3A_694, %get3A_695, %get3A_696] {strides = array<i32>} : memref<2x80x64xi32, #tpu.memory_space<vmem>>, vector<16xi32>,
      %bitcast3A_698 = vector.bitcast %get3A_697 : vector<16xi32> to vector<32xbf16>
      %mul3A_699 = arith.mulf %bitcast3A_692, %bitcast3A_698 : vector<32xbf16>
      %add3A_700 = arith.addf %mul3A_686, %mul3A_699 : vector<32xbf16>
      %unpack3A_701 = tpu.unpack_subelements %add3A_700, 0 {pack_format = #tpu.pack_format<interleaved>} : vector<32xbf16> -> vector<16xf32>
      %unpack3A_702 = tpu.unpack_subelements %add3A_700, 1 {pack_format = #tpu.pack_format<interleaved>} : vector<32xbf16> -> vector<16xf32>
      %add3A_703 = arith.addf %unpack3A_701, %unpack3A_702 : vector<16xf32>
      %add3A_704 = arith.addf %add3A_673, %add3A_703 : vector<16xf32>
      %swap3A_705 = arith.constant 7 : i32
      %swap3A_706 = arith.index_cast %swap3A_705 : i32 to index
      %swap3A_707 = arith.constant 0 : index
      %swap3A_708 = tpu.vector_load %arg9[%swap3A_706, %swap3A_707] {strides = array<i32>} : memref<16x16xf32, #tpu.memory_space<vmem>>, vector<16xf32>,
      tpu.vector_store %arg9[%swap3A_706, %swap3A_707], %add3A_704 {strides = array<i32>} : memref<16x16xf32, #tpu.memory_space<vmem>>, vector<16xf32>,
      %mul3A_709 = arith.constant 16 : i32
      %mul3A_710 = arith.muli %scan3A_159, %mul3A_709 : i32
      %add3A_711 = arith.constant 8 : i32
      %add3A_712 = arith.addi %mul3A_710, %add3A_711 : i32
      %get3A_713 = arith.constant 0 : i32
      %get3A_714 = arith.index_cast %get3A_713 : i32 to index
      %get3A_715 = arith.index_cast %add3A_712 : i32 to index
      %get3A_716 = arith.constant 0 : index
      %get3A_717 = tpu.vector_load %arg6[%get3A_714, %get3A_715, %get3A_716] {strides = array<i32>} : memref<2x80x64xi32, #tpu.memory_space<vmem>>, vector<16xi32>,
      %bitcast3A_718 = vector.bitcast %get3A_717 : vector<16xi32> to vector<32xbf16>
      %get3A_719 = arith.constant 0 : i32
      %get3A_720 = arith.index_cast %get3A_719 : i32 to index
      %get3A_721 = arith.index_cast %add3A_712 : i32 to index
      %get3A_722 = arith.constant 0 : index
      %get3A_723 = tpu.vector_load %arg7[%get3A_720, %get3A_721, %get3A_722] {strides = array<i32>} : memref<2x80x64xi32, #tpu.memory_space<vmem>>, vector<16xi32>,
      %bitcast3A_724 = vector.bitcast %get3A_723 : vector<16xi32> to vector<32xbf16>
      %mul3A_725 = arith.mulf %bitcast3A_718, %bitcast3A_724 : vector<32xbf16>
      %get3A_726 = arith.constant 0 : i32
      %get3A_727 = arith.index_cast %get3A_726 : i32 to index
      %get3A_728 = arith.index_cast %add3A_712 : i32 to index
      %get3A_729 = arith.constant 16 : index
      %get3A_730 = tpu.vector_load %arg6[%get3A_727, %get3A_728, %get3A_729] {strides = array<i32>} : memref<2x80x64xi32, #tpu.memory_space<vmem>>, vector<16xi32>,
      %bitcast3A_731 = vector.bitcast %get3A_730 : vector<16xi32> to vector<32xbf16>
      %get3A_732 = arith.constant 0 : i32
      %get3A_733 = arith.index_cast %get3A_732 : i32 to index
      %get3A_734 = arith.index_cast %add3A_712 : i32 to index
      %get3A_735 = arith.constant 16 : index
      %get3A_736 = tpu.vector_load %arg7[%get3A_733, %get3A_734, %get3A_735] {strides = array<i32>} : memref<2x80x64xi32, #tpu.memory_space<vmem>>, vector<16xi32>,
      %bitcast3A_737 = vector.bitcast %get3A_736 : vector<16xi32> to vector<32xbf16>
      %mul3A_738 = arith.mulf %bitcast3A_731, %bitcast3A_737 : vector<32xbf16>
      %add3A_739 = arith.addf %mul3A_725, %mul3A_738 : vector<32xbf16>
      %unpack3A_740 = tpu.unpack_subelements %add3A_739, 0 {pack_format = #tpu.pack_format<interleaved>} : vector<32xbf16> -> vector<16xf32>
      %unpack3A_741 = tpu.unpack_subelements %add3A_739, 1 {pack_format = #tpu.pack_format<interleaved>} : vector<32xbf16> -> vector<16xf32>
      %add3A_742 = arith.addf %unpack3A_740, %unpack3A_741 : vector<16xf32>
      %get3A_743 = arith.constant 0 : i32
      %get3A_744 = arith.index_cast %get3A_743 : i32 to index
      %get3A_745 = arith.index_cast %add3A_712 : i32 to index
      %get3A_746 = arith.constant 32 : index
      %get3A_747 = tpu.vector_load %arg6[%get3A_744, %get3A_745, %get3A_746] {strides = array<i32>} : memref<2x80x64xi32, #tpu.memory_space<vmem>>, vector<16xi32>,
      %bitcast3A_748 = vector.bitcast %get3A_747 : vector<16xi32> to vector<32xbf16>
      %get3A_749 = arith.constant 0 : i32
      %get3A_750 = arith.index_cast %get3A_749 : i32 to index
      %get3A_751 = arith.index_cast %add3A_712 : i32 to index
      %get3A_752 = arith.constant 32 : index
      %get3A_753 = tpu.vector_load %arg7[%get3A_750, %get3A_751, %get3A_752] {strides = array<i32>} : memref<2x80x64xi32, #tpu.memory_space<vmem>>, vector<16xi32>,
      %bitcast3A_754 = vector.bitcast %get3A_753 : vector<16xi32> to vector<32xbf16>
      %mul3A_755 = arith.mulf %bitcast3A_748, %bitcast3A_754 : vector<32xbf16>
      %get3A_756 = arith.constant 0 : i32
      %get3A_757 = arith.index_cast %get3A_756 : i32 to index
      %get3A_758 = arith.index_cast %add3A_712 : i32 to index
      %get3A_759 = arith.constant 48 : index
      %get3A_760 = tpu.vector_load %arg6[%get3A_757, %get3A_758, %get3A_759] {strides = array<i32>} : memref<2x80x64xi32, #tpu.memory_space<vmem>>, vector<16xi32>,
      %bitcast3A_761 = vector.bitcast %get3A_760 : vector<16xi32> to vector<32xbf16>
      %get3A_762 = arith.constant 0 : i32
      %get3A_763 = arith.index_cast %get3A_762 : i32 to index
      %get3A_764 = arith.index_cast %add3A_712 : i32 to index
      %get3A_765 = arith.constant 48 : index
      %get3A_766 = tpu.vector_load %arg7[%get3A_763, %get3A_764, %get3A_765] {strides = array<i32>} : memref<2x80x64xi32, #tpu.memory_space<vmem>>, vector<16xi32>,
      %bitcast3A_767 = vector.bitcast %get3A_766 : vector<16xi32> to vector<32xbf16>
      %mul3A_768 = arith.mulf %bitcast3A_761, %bitcast3A_767 : vector<32xbf16>
      %add3A_769 = arith.addf %mul3A_755, %mul3A_768 : vector<32xbf16>
      %unpack3A_770 = tpu.unpack_subelements %add3A_769, 0 {pack_format = #tpu.pack_format<interleaved>} : vector<32xbf16> -> vector<16xf32>
      %unpack3A_771 = tpu.unpack_subelements %add3A_769, 1 {pack_format = #tpu.pack_format<interleaved>} : vector<32xbf16> -> vector<16xf32>
      %add3A_772 = arith.addf %unpack3A_770, %unpack3A_771 : vector<16xf32>
      %add3A_773 = arith.addf %add3A_742, %add3A_772 : vector<16xf32>
      %swap3A_774 = arith.constant 8 : i32
      %swap3A_775 = arith.index_cast %swap3A_774 : i32 to index
      %swap3A_776 = arith.constant 0 : index
      %swap3A_777 = tpu.vector_load %arg9[%swap3A_775, %swap3A_776] {strides = array<i32>} : memref<16x16xf32, #tpu.memory_space<vmem>>, vector<16xf32>,
      tpu.vector_store %arg9[%swap3A_775, %swap3A_776], %add3A_773 {strides = array<i32>} : memref<16x16xf32, #tpu.memory_space<vmem>>, vector<16xf32>,
      %mul3A_778 = arith.constant 16 : i32
      %mul3A_779 = arith.muli %scan3A_159, %mul3A_778 : i32
      %add3A_780 = arith.constant 9 : i32
      %add3A_781 = arith.addi %mul3A_779, %add3A_780 : i32
      %get3A_782 = arith.constant 0 : i32
      %get3A_783 = arith.index_cast %get3A_782 : i32 to index
      %get3A_784 = arith.index_cast %add3A_781 : i32 to index
      %get3A_785 = arith.constant 0 : index
      %get3A_786 = tpu.vector_load %arg6[%get3A_783, %get3A_784, %get3A_785] {strides = array<i32>} : memref<2x80x64xi32, #tpu.memory_space<vmem>>, vector<16xi32>,
      %bitcast3A_787 = vector.bitcast %get3A_786 : vector<16xi32> to vector<32xbf16>
      %get3A_788 = arith.constant 0 : i32
      %get3A_789 = arith.index_cast %get3A_788 : i32 to index
      %get3A_790 = arith.index_cast %add3A_781 : i32 to index
      %get3A_791 = arith.constant 0 : index
      %get3A_792 = tpu.vector_load %arg7[%get3A_789, %get3A_790, %get3A_791] {strides = array<i32>} : memref<2x80x64xi32, #tpu.memory_space<vmem>>, vector<16xi32>,
      %bitcast3A_793 = vector.bitcast %get3A_792 : vector<16xi32> to vector<32xbf16>
      %mul3A_794 = arith.mulf %bitcast3A_787, %bitcast3A_793 : vector<32xbf16>
      %get3A_795 = arith.constant 0 : i32
      %get3A_796 = arith.index_cast %get3A_795 : i32 to index
      %get3A_797 = arith.index_cast %add3A_781 : i32 to index
      %get3A_798 = arith.constant 16 : index
      %get3A_799 = tpu.vector_load %arg6[%get3A_796, %get3A_797, %get3A_798] {strides = array<i32>} : memref<2x80x64xi32, #tpu.memory_space<vmem>>, vector<16xi32>,
      %bitcast3A_800 = vector.bitcast %get3A_799 : vector<16xi32> to vector<32xbf16>
      %get3A_801 = arith.constant 0 : i32
      %get3A_802 = arith.index_cast %get3A_801 : i32 to index
      %get3A_803 = arith.index_cast %add3A_781 : i32 to index
      %get3A_804 = arith.constant 16 : index
      %get3A_805 = tpu.vector_load %arg7[%get3A_802, %get3A_803, %get3A_804] {strides = array<i32>} : memref<2x80x64xi32, #tpu.memory_space<vmem>>, vector<16xi32>,
      %bitcast3A_806 = vector.bitcast %get3A_805 : vector<16xi32> to vector<32xbf16>
      %mul3A_807 = arith.mulf %bitcast3A_800, %bitcast3A_806 : vector<32xbf16>
      %add3A_808 = arith.addf %mul3A_794, %mul3A_807 : vector<32xbf16>
      %unpack3A_809 = tpu.unpack_subelements %add3A_808, 0 {pack_format = #tpu.pack_format<interleaved>} : vector<32xbf16> -> vector<16xf32>
      %unpack3A_810 = tpu.unpack_subelements %add3A_808, 1 {pack_format = #tpu.pack_format<interleaved>} : vector<32xbf16> -> vector<16xf32>
      %add3A_811 = arith.addf %unpack3A_809, %unpack3A_810 : vector<16xf32>
      %get3A_812 = arith.constant 0 : i32
      %get3A_813 = arith.index_cast %get3A_812 : i32 to index
      %get3A_814 = arith.index_cast %add3A_781 : i32 to index
      %get3A_815 = arith.constant 32 : index
      %get3A_816 = tpu.vector_load %arg6[%get3A_813, %get3A_814, %get3A_815] {strides = array<i32>} : memref<2x80x64xi32, #tpu.memory_space<vmem>>, vector<16xi32>,
      %bitcast3A_817 = vector.bitcast %get3A_816 : vector<16xi32> to vector<32xbf16>
      %get3A_818 = arith.constant 0 : i32
      %get3A_819 = arith.index_cast %get3A_818 : i32 to index
      %get3A_820 = arith.index_cast %add3A_781 : i32 to index
      %get3A_821 = arith.constant 32 : index
      %get3A_822 = tpu.vector_load %arg7[%get3A_819, %get3A_820, %get3A_821] {strides = array<i32>} : memref<2x80x64xi32, #tpu.memory_space<vmem>>, vector<16xi32>,
      %bitcast3A_823 = vector.bitcast %get3A_822 : vector<16xi32> to vector<32xbf16>
      %mul3A_824 = arith.mulf %bitcast3A_817, %bitcast3A_823 : vector<32xbf16>
      %get3A_825 = arith.constant 0 : i32
      %get3A_826 = arith.index_cast %get3A_825 : i32 to index
      %get3A_827 = arith.index_cast %add3A_781 : i32 to index
      %get3A_828 = arith.constant 48 : index
      %get3A_829 = tpu.vector_load %arg6[%get3A_826, %get3A_827, %get3A_828] {strides = array<i32>} : memref<2x80x64xi32, #tpu.memory_space<vmem>>, vector<16xi32>,
      %bitcast3A_830 = vector.bitcast %get3A_829 : vector<16xi32> to vector<32xbf16>
      %get3A_831 = arith.constant 0 : i32
      %get3A_832 = arith.index_cast %get3A_831 : i32 to index
      %get3A_833 = arith.index_cast %add3A_781 : i32 to index
      %get3A_834 = arith.constant 48 : index
      %get3A_835 = tpu.vector_load %arg7[%get3A_832, %get3A_833, %get3A_834] {strides = array<i32>} : memref<2x80x64xi32, #tpu.memory_space<vmem>>, vector<16xi32>,
      %bitcast3A_836 = vector.bitcast %get3A_835 : vector<16xi32> to vector<32xbf16>
      %mul3A_837 = arith.mulf %bitcast3A_830, %bitcast3A_836 : vector<32xbf16>
      %add3A_838 = arith.addf %mul3A_824, %mul3A_837 : vector<32xbf16>
      %unpack3A_839 = tpu.unpack_subelements %add3A_838, 0 {pack_format = #tpu.pack_format<interleaved>} : vector<32xbf16> -> vector<16xf32>
      %unpack3A_840 = tpu.unpack_subelements %add3A_838, 1 {pack_format = #tpu.pack_format<interleaved>} : vector<32xbf16> -> vector<16xf32>
      %add3A_841 = arith.addf %unpack3A_839, %unpack3A_840 : vector<16xf32>
      %add3A_842 = arith.addf %add3A_811, %add3A_841 : vector<16xf32>
      %swap3A_843 = arith.constant 9 : i32
      %swap3A_844 = arith.index_cast %swap3A_843 : i32 to index
      %swap3A_845 = arith.constant 0 : index
      %swap3A_846 = tpu.vector_load %arg9[%swap3A_844, %swap3A_845] {strides = array<i32>} : memref<16x16xf32, #tpu.memory_space<vmem>>, vector<16xf32>,
      tpu.vector_store %arg9[%swap3A_844, %swap3A_845], %add3A_842 {strides = array<i32>} : memref<16x16xf32, #tpu.memory_space<vmem>>, vector<16xf32>,
      %mul3A_847 = arith.constant 16 : i32
      %mul3A_848 = arith.muli %scan3A_159, %mul3A_847 : i32
      %add3A_849 = arith.constant 10 : i32
      %add3A_850 = arith.addi %mul3A_848, %add3A_849 : i32
      %get3A_851 = arith.constant 0 : i32
      %get3A_852 = arith.index_cast %get3A_851 : i32 to index
      %get3A_853 = arith.index_cast %add3A_850 : i32 to index
      %get3A_854 = arith.constant 0 : index
      %get3A_855 = tpu.vector_load %arg6[%get3A_852, %get3A_853, %get3A_854] {strides = array<i32>} : memref<2x80x64xi32, #tpu.memory_space<vmem>>, vector<16xi32>,
      %bitcast3A_856 = vector.bitcast %get3A_855 : vector<16xi32> to vector<32xbf16>
      %get3A_857 = arith.constant 0 : i32
      %get3A_858 = arith.index_cast %get3A_857 : i32 to index
      %get3A_859 = arith.index_cast %add3A_850 : i32 to index
      %get3A_860 = arith.constant 0 : index
      %get3A_861 = tpu.vector_load %arg7[%get3A_858, %get3A_859, %get3A_860] {strides = array<i32>} : memref<2x80x64xi32, #tpu.memory_space<vmem>>, vector<16xi32>,
      %bitcast3A_862 = vector.bitcast %get3A_861 : vector<16xi32> to vector<32xbf16>
      %mul3A_863 = arith.mulf %bitcast3A_856, %bitcast3A_862 : vector<32xbf16>
      %get3A_864 = arith.constant 0 : i32
      %get3A_865 = arith.index_cast %get3A_864 : i32 to index
      %get3A_866 = arith.index_cast %add3A_850 : i32 to index
      %get3A_867 = arith.constant 16 : index
      %get3A_868 = tpu.vector_load %arg6[%get3A_865, %get3A_866, %get3A_867] {strides = array<i32>} : memref<2x80x64xi32, #tpu.memory_space<vmem>>, vector<16xi32>,
      %bitcast3A_869 = vector.bitcast %get3A_868 : vector<16xi32> to vector<32xbf16>
      %get3A_870 = arith.constant 0 : i32
      %get3A_871 = arith.index_cast %get3A_870 : i32 to index
      %get3A_872 = arith.index_cast %add3A_850 : i32 to index
      %get3A_873 = arith.constant 16 : index
      %get3A_874 = tpu.vector_load %arg7[%get3A_871, %get3A_872, %get3A_873] {strides = array<i32>} : memref<2x80x64xi32, #tpu.memory_space<vmem>>, vector<16xi32>,
      %bitcast3A_875 = vector.bitcast %get3A_874 : vector<16xi32> to vector<32xbf16>
      %mul3A_876 = arith.mulf %bitcast3A_869, %bitcast3A_875 : vector<32xbf16>
      %add3A_877 = arith.addf %mul3A_863, %mul3A_876 : vector<32xbf16>
      %unpack3A_878 = tpu.unpack_subelements %add3A_877, 0 {pack_format = #tpu.pack_format<interleaved>} : vector<32xbf16> -> vector<16xf32>
      %unpack3A_879 = tpu.unpack_subelements %add3A_877, 1 {pack_format = #tpu.pack_format<interleaved>} : vector<32xbf16> -> vector<16xf32>
      %add3A_880 = arith.addf %unpack3A_878, %unpack3A_879 : vector<16xf32>
      %get3A_881 = arith.constant 0 : i32
      %get3A_882 = arith.index_cast %get3A_881 : i32 to index
      %get3A_883 = arith.index_cast %add3A_850 : i32 to index
      %get3A_884 = arith.constant 32 : index
      %get3A_885 = tpu.vector_load %arg6[%get3A_882, %get3A_883, %get3A_884] {strides = array<i32>} : memref<2x80x64xi32, #tpu.memory_space<vmem>>, vector<16xi32>,
      %bitcast3A_886 = vector.bitcast %get3A_885 : vector<16xi32> to vector<32xbf16>
      %get3A_887 = arith.constant 0 : i32
      %get3A_888 = arith.index_cast %get3A_887 : i32 to index
      %get3A_889 = arith.index_cast %add3A_850 : i32 to index
      %get3A_890 = arith.constant 32 : index
      %get3A_891 = tpu.vector_load %arg7[%get3A_888, %get3A_889, %get3A_890] {strides = array<i32>} : memref<2x80x64xi32, #tpu.memory_space<vmem>>, vector<16xi32>,
      %bitcast3A_892 = vector.bitcast %get3A_891 : vector<16xi32> to vector<32xbf16>
      %mul3A_893 = arith.mulf %bitcast3A_886, %bitcast3A_892 : vector<32xbf16>
      %get3A_894 = arith.constant 0 : i32
      %get3A_895 = arith.index_cast %get3A_894 : i32 to index
      %get3A_896 = arith.index_cast %add3A_850 : i32 to index
      %get3A_897 = arith.constant 48 : index
      %get3A_898 = tpu.vector_load %arg6[%get3A_895, %get3A_896, %get3A_897] {strides = array<i32>} : memref<2x80x64xi32, #tpu.memory_space<vmem>>, vector<16xi32>,
      %bitcast3A_899 = vector.bitcast %get3A_898 : vector<16xi32> to vector<32xbf16>
      %get3A_900 = arith.constant 0 : i32
      %get3A_901 = arith.index_cast %get3A_900 : i32 to index
      %get3A_902 = arith.index_cast %add3A_850 : i32 to index
      %get3A_903 = arith.constant 48 : index
      %get3A_904 = tpu.vector_load %arg7[%get3A_901, %get3A_902, %get3A_903] {strides = array<i32>} : memref<2x80x64xi32, #tpu.memory_space<vmem>>, vector<16xi32>,
      %bitcast3A_905 = vector.bitcast %get3A_904 : vector<16xi32> to vector<32xbf16>
      %mul3A_906 = arith.mulf %bitcast3A_899, %bitcast3A_905 : vector<32xbf16>
      %add3A_907 = arith.addf %mul3A_893, %mul3A_906 : vector<32xbf16>
      %unpack3A_908 = tpu.unpack_subelements %add3A_907, 0 {pack_format = #tpu.pack_format<interleaved>} : vector<32xbf16> -> vector<16xf32>
      %unpack3A_909 = tpu.unpack_subelements %add3A_907, 1 {pack_format = #tpu.pack_format<interleaved>} : vector<32xbf16> -> vector<16xf32>
      %add3A_910 = arith.addf %unpack3A_908, %unpack3A_909 : vector<16xf32>
      %add3A_911 = arith.addf %add3A_880, %add3A_910 : vector<16xf32>
      %swap3A_912 = arith.constant 10 : i32
      %swap3A_913 = arith.index_cast %swap3A_912 : i32 to index
      %swap3A_914 = arith.constant 0 : index
      %swap3A_915 = tpu.vector_load %arg9[%swap3A_913, %swap3A_914] {strides = array<i32>} : memref<16x16xf32, #tpu.memory_space<vmem>>, vector<16xf32>,
      tpu.vector_store %arg9[%swap3A_913, %swap3A_914], %add3A_911 {strides = array<i32>} : memref<16x16xf32, #tpu.memory_space<vmem>>, vector<16xf32>,
      %mul3A_916 = arith.constant 16 : i32
      %mul3A_917 = arith.muli %scan3A_159, %mul3A_916 : i32
      %add3A_918 = arith.constant 11 : i32
      %add3A_919 = arith.addi %mul3A_917, %add3A_918 : i32
      %get3A_920 = arith.constant 0 : i32
      %get3A_921 = arith.index_cast %get3A_920 : i32 to index
      %get3A_922 = arith.index_cast %add3A_919 : i32 to index
      %get3A_923 = arith.constant 0 : index
      %get3A_924 = tpu.vector_load %arg6[%get3A_921, %get3A_922, %get3A_923] {strides = array<i32>} : memref<2x80x64xi32, #tpu.memory_space<vmem>>, vector<16xi32>,
      %bitcast3A_925 = vector.bitcast %get3A_924 : vector<16xi32> to vector<32xbf16>
      %get3A_926 = arith.constant 0 : i32
      %get3A_927 = arith.index_cast %get3A_926 : i32 to index
      %get3A_928 = arith.index_cast %add3A_919 : i32 to index
      %get3A_929 = arith.constant 0 : index
      %get3A_930 = tpu.vector_load %arg7[%get3A_927, %get3A_928, %get3A_929] {strides = array<i32>} : memref<2x80x64xi32, #tpu.memory_space<vmem>>, vector<16xi32>,
      %bitcast3A_931 = vector.bitcast %get3A_930 : vector<16xi32> to vector<32xbf16>
      %mul3A_932 = arith.mulf %bitcast3A_925, %bitcast3A_931 : vector<32xbf16>
      %get3A_933 = arith.constant 0 : i32
      %get3A_934 = arith.index_cast %get3A_933 : i32 to index
      %get3A_935 = arith.index_cast %add3A_919 : i32 to index
      %get3A_936 = arith.constant 16 : index
      %get3A_937 = tpu.vector_load %arg6[%get3A_934, %get3A_935, %get3A_936] {strides = array<i32>} : memref<2x80x64xi32, #tpu.memory_space<vmem>>, vector<16xi32>,
      %bitcast3A_938 = vector.bitcast %get3A_937 : vector<16xi32> to vector<32xbf16>
      %get3A_939 = arith.constant 0 : i32
      %get3A_940 = arith.index_cast %get3A_939 : i32 to index
      %get3A_941 = arith.index_cast %add3A_919 : i32 to index
      %get3A_942 = arith.constant 16 : index
      %get3A_943 = tpu.vector_load %arg7[%get3A_940, %get3A_941, %get3A_942] {strides = array<i32>} : memref<2x80x64xi32, #tpu.memory_space<vmem>>, vector<16xi32>,
      %bitcast3A_944 = vector.bitcast %get3A_943 : vector<16xi32> to vector<32xbf16>
      %mul3A_945 = arith.mulf %bitcast3A_938, %bitcast3A_944 : vector<32xbf16>
      %add3A_946 = arith.addf %mul3A_932, %mul3A_945 : vector<32xbf16>
      %unpack3A_947 = tpu.unpack_subelements %add3A_946, 0 {pack_format = #tpu.pack_format<interleaved>} : vector<32xbf16> -> vector<16xf32>
      %unpack3A_948 = tpu.unpack_subelements %add3A_946, 1 {pack_format = #tpu.pack_format<interleaved>} : vector<32xbf16> -> vector<16xf32>
      %add3A_949 = arith.addf %unpack3A_947, %unpack3A_948 : vector<16xf32>
      %get3A_950 = arith.constant 0 : i32
      %get3A_951 = arith.index_cast %get3A_950 : i32 to index
      %get3A_952 = arith.index_cast %add3A_919 : i32 to index
      %get3A_953 = arith.constant 32 : index
      %get3A_954 = tpu.vector_load %arg6[%get3A_951, %get3A_952, %get3A_953] {strides = array<i32>} : memref<2x80x64xi32, #tpu.memory_space<vmem>>, vector<16xi32>,
      %bitcast3A_955 = vector.bitcast %get3A_954 : vector<16xi32> to vector<32xbf16>
      %get3A_956 = arith.constant 0 : i32
      %get3A_957 = arith.index_cast %get3A_956 : i32 to index
      %get3A_958 = arith.index_cast %add3A_919 : i32 to index
      %get3A_959 = arith.constant 32 : index
      %get3A_960 = tpu.vector_load %arg7[%get3A_957, %get3A_958, %get3A_959] {strides = array<i32>} : memref<2x80x64xi32, #tpu.memory_space<vmem>>, vector<16xi32>,
      %bitcast3A_961 = vector.bitcast %get3A_960 : vector<16xi32> to vector<32xbf16>
      %mul3A_962 = arith.mulf %bitcast3A_955, %bitcast3A_961 : vector<32xbf16>
      %get3A_963 = arith.constant 0 : i32
      %get3A_964 = arith.index_cast %get3A_963 : i32 to index
      %get3A_965 = arith.index_cast %add3A_919 : i32 to index
      %get3A_966 = arith.constant 48 : index
      %get3A_967 = tpu.vector_load %arg6[%get3A_964, %get3A_965, %get3A_966] {strides = array<i32>} : memref<2x80x64xi32, #tpu.memory_space<vmem>>, vector<16xi32>,
      %bitcast3A_968 = vector.bitcast %get3A_967 : vector<16xi32> to vector<32xbf16>
      %get3A_969 = arith.constant 0 : i32
      %get3A_970 = arith.index_cast %get3A_969 : i32 to index
      %get3A_971 = arith.index_cast %add3A_919 : i32 to index
      %get3A_972 = arith.constant 48 : index
      %get3A_973 = tpu.vector_load %arg7[%get3A_970, %get3A_971, %get3A_972] {strides = array<i32>} : memref<2x80x64xi32, #tpu.memory_space<vmem>>, vector<16xi32>,
      %bitcast3A_974 = vector.bitcast %get3A_973 : vector<16xi32> to vector<32xbf16>
      %mul3A_975 = arith.mulf %bitcast3A_968, %bitcast3A_974 : vector<32xbf16>
      %add3A_976 = arith.addf %mul3A_962, %mul3A_975 : vector<32xbf16>
      %unpack3A_977 = tpu.unpack_subelements %add3A_976, 0 {pack_format = #tpu.pack_format<interleaved>} : vector<32xbf16> -> vector<16xf32>
      %unpack3A_978 = tpu.unpack_subelements %add3A_976, 1 {pack_format = #tpu.pack_format<interleaved>} : vector<32xbf16> -> vector<16xf32>
      %add3A_979 = arith.addf %unpack3A_977, %unpack3A_978 : vector<16xf32>
      %add3A_980 = arith.addf %add3A_949, %add3A_979 : vector<16xf32>
      %swap3A_981 = arith.constant 11 : i32
      %swap3A_982 = arith.index_cast %swap3A_981 : i32 to index
      %swap3A_983 = arith.constant 0 : index
      %swap3A_984 = tpu.vector_load %arg9[%swap3A_982, %swap3A_983] {strides = array<i32>} : memref<16x16xf32, #tpu.memory_space<vmem>>, vector<16xf32>,
      tpu.vector_store %arg9[%swap3A_982, %swap3A_983], %add3A_980 {strides = array<i32>} : memref<16x16xf32, #tpu.memory_space<vmem>>, vector<16xf32>,
      %mul3A_985 = arith.constant 16 : i32
      %mul3A_986 = arith.muli %scan3A_159, %mul3A_985 : i32
      %add3A_987 = arith.constant 12 : i32
      %add3A_988 = arith.addi %mul3A_986, %add3A_987 : i32
      %get3A_989 = arith.constant 0 : i32
      %get3A_990 = arith.index_cast %get3A_989 : i32 to index
      %get3A_991 = arith.index_cast %add3A_988 : i32 to index
      %get3A_992 = arith.constant 0 : index
      %get3A_993 = tpu.vector_load %arg6[%get3A_990, %get3A_991, %get3A_992] {strides = array<i32>} : memref<2x80x64xi32, #tpu.memory_space<vmem>>, vector<16xi32>,
      %bitcast3A_994 = vector.bitcast %get3A_993 : vector<16xi32> to vector<32xbf16>
      %get3A_995 = arith.constant 0 : i32
      %get3A_996 = arith.index_cast %get3A_995 : i32 to index
      %get3A_997 = arith.index_cast %add3A_988 : i32 to index
      %get3A_998 = arith.constant 0 : index
      %get3A_999 = tpu.vector_load %arg7[%get3A_996, %get3A_997, %get3A_998] {strides = array<i32>} : memref<2x80x64xi32, #tpu.memory_space<vmem>>, vector<16xi32>,
      %bitcast3A_1000 = vector.bitcast %get3A_999 : vector<16xi32> to vector<32xbf16>
      %mul3A_1001 = arith.mulf %bitcast3A_994, %bitcast3A_1000 : vector<32xbf16>
      %get3A_1002 = arith.constant 0 : i32
      %get3A_1003 = arith.index_cast %get3A_1002 : i32 to index
      %get3A_1004 = arith.index_cast %add3A_988 : i32 to index
      %get3A_1005 = arith.constant 16 : index
      %get3A_1006 = tpu.vector_load %arg6[%get3A_1003, %get3A_1004, %get3A_1005] {strides = array<i32>} : memref<2x80x64xi32, #tpu.memory_space<vmem>>, vector<16xi32>,
      %bitcast3A_1007 = vector.bitcast %get3A_1006 : vector<16xi32> to vector<32xbf16>
      %get3A_1008 = arith.constant 0 : i32
      %get3A_1009 = arith.index_cast %get3A_1008 : i32 to index
      %get3A_1010 = arith.index_cast %add3A_988 : i32 to index
      %get3A_1011 = arith.constant 16 : index
      %get3A_1012 = tpu.vector_load %arg7[%get3A_1009, %get3A_1010, %get3A_1011] {strides = array<i32>} : memref<2x80x64xi32, #tpu.memory_space<vmem>>, vector<16xi32>,
      %bitcast3A_1013 = vector.bitcast %get3A_1012 : vector<16xi32> to vector<32xbf16>
      %mul3A_1014 = arith.mulf %bitcast3A_1007, %bitcast3A_1013 : vector<32xbf16>
      %add3A_1015 = arith.addf %mul3A_1001, %mul3A_1014 : vector<32xbf16>
      %unpack3A_1016 = tpu.unpack_subelements %add3A_1015, 0 {pack_format = #tpu.pack_format<interleaved>} : vector<32xbf16> -> vector<16xf32>
      %unpack3A_1017 = tpu.unpack_subelements %add3A_1015, 1 {pack_format = #tpu.pack_format<interleaved>} : vector<32xbf16> -> vector<16xf32>
      %add3A_1018 = arith.addf %unpack3A_1016, %unpack3A_1017 : vector<16xf32>
      %get3A_1019 = arith.constant 0 : i32
      %get3A_1020 = arith.index_cast %get3A_1019 : i32 to index
      %get3A_1021 = arith.index_cast %add3A_988 : i32 to index
      %get3A_1022 = arith.constant 32 : index
      %get3A_1023 = tpu.vector_load %arg6[%get3A_1020, %get3A_1021, %get3A_1022] {strides = array<i32>} : memref<2x80x64xi32, #tpu.memory_space<vmem>>, vector<16xi32>,
      %bitcast3A_1024 = vector.bitcast %get3A_1023 : vector<16xi32> to vector<32xbf16>
      %get3A_1025 = arith.constant 0 : i32
      %get3A_1026 = arith.index_cast %get3A_1025 : i32 to index
      %get3A_1027 = arith.index_cast %add3A_988 : i32 to index
      %get3A_1028 = arith.constant 32 : index
      %get3A_1029 = tpu.vector_load %arg7[%get3A_1026, %get3A_1027, %get3A_1028] {strides = array<i32>} : memref<2x80x64xi32, #tpu.memory_space<vmem>>, vector<16xi32>,
      %bitcast3A_1030 = vector.bitcast %get3A_1029 : vector<16xi32> to vector<32xbf16>
      %mul3A_1031 = arith.mulf %bitcast3A_1024, %bitcast3A_1030 : vector<32xbf16>
      %get3A_1032 = arith.constant 0 : i32
      %get3A_1033 = arith.index_cast %get3A_1032 : i32 to index
      %get3A_1034 = arith.index_cast %add3A_988 : i32 to index
      %get3A_1035 = arith.constant 48 : index
      %get3A_1036 = tpu.vector_load %arg6[%get3A_1033, %get3A_1034, %get3A_1035] {strides = array<i32>} : memref<2x80x64xi32, #tpu.memory_space<vmem>>, vector<16xi32>,
      %bitcast3A_1037 = vector.bitcast %get3A_1036 : vector<16xi32> to vector<32xbf16>
      %get3A_1038 = arith.constant 0 : i32
      %get3A_1039 = arith.index_cast %get3A_1038 : i32 to index
      %get3A_1040 = arith.index_cast %add3A_988 : i32 to index
      %get3A_1041 = arith.constant 48 : index
      %get3A_1042 = tpu.vector_load %arg7[%get3A_1039, %get3A_1040, %get3A_1041] {strides = array<i32>} : memref<2x80x64xi32, #tpu.memory_space<vmem>>, vector<16xi32>,
      %bitcast3A_1043 = vector.bitcast %get3A_1042 : vector<16xi32> to vector<32xbf16>
      %mul3A_1044 = arith.mulf %bitcast3A_1037, %bitcast3A_1043 : vector<32xbf16>
      %add3A_1045 = arith.addf %mul3A_1031, %mul3A_1044 : vector<32xbf16>
      %unpack3A_1046 = tpu.unpack_subelements %add3A_1045, 0 {pack_format = #tpu.pack_format<interleaved>} : vector<32xbf16> -> vector<16xf32>
      %unpack3A_1047 = tpu.unpack_subelements %add3A_1045, 1 {pack_format = #tpu.pack_format<interleaved>} : vector<32xbf16> -> vector<16xf32>
      %add3A_1048 = arith.addf %unpack3A_1046, %unpack3A_1047 : vector<16xf32>
      %add3A_1049 = arith.addf %add3A_1018, %add3A_1048 : vector<16xf32>
      %swap3A_1050 = arith.constant 12 : i32
      %swap3A_1051 = arith.index_cast %swap3A_1050 : i32 to index
      %swap3A_1052 = arith.constant 0 : index
      %swap3A_1053 = tpu.vector_load %arg9[%swap3A_1051, %swap3A_1052] {strides = array<i32>} : memref<16x16xf32, #tpu.memory_space<vmem>>, vector<16xf32>,
      tpu.vector_store %arg9[%swap3A_1051, %swap3A_1052], %add3A_1049 {strides = array<i32>} : memref<16x16xf32, #tpu.memory_space<vmem>>, vector<16xf32>,
      %mul3A_1054 = arith.constant 16 : i32
      %mul3A_1055 = arith.muli %scan3A_159, %mul3A_1054 : i32
      %add3A_1056 = arith.constant 13 : i32
      %add3A_1057 = arith.addi %mul3A_1055, %add3A_1056 : i32
      %get3A_1058 = arith.constant 0 : i32
      %get3A_1059 = arith.index_cast %get3A_1058 : i32 to index
      %get3A_1060 = arith.index_cast %add3A_1057 : i32 to index
      %get3A_1061 = arith.constant 0 : index
      %get3A_1062 = tpu.vector_load %arg6[%get3A_1059, %get3A_1060, %get3A_1061] {strides = array<i32>} : memref<2x80x64xi32, #tpu.memory_space<vmem>>, vector<16xi32>,
      %bitcast3A_1063 = vector.bitcast %get3A_1062 : vector<16xi32> to vector<32xbf16>
      %get3A_1064 = arith.constant 0 : i32
      %get3A_1065 = arith.index_cast %get3A_1064 : i32 to index
      %get3A_1066 = arith.index_cast %add3A_1057 : i32 to index
      %get3A_1067 = arith.constant 0 : index
      %get3A_1068 = tpu.vector_load %arg7[%get3A_1065, %get3A_1066, %get3A_1067] {strides = array<i32>} : memref<2x80x64xi32, #tpu.memory_space<vmem>>, vector<16xi32>,
      %bitcast3A_1069 = vector.bitcast %get3A_1068 : vector<16xi32> to vector<32xbf16>
      %mul3A_1070 = arith.mulf %bitcast3A_1063, %bitcast3A_1069 : vector<32xbf16>
      %get3A_1071 = arith.constant 0 : i32
      %get3A_1072 = arith.index_cast %get3A_1071 : i32 to index
      %get3A_1073 = arith.index_cast %add3A_1057 : i32 to index
      %get3A_1074 = arith.constant 16 : index
      %get3A_1075 = tpu.vector_load %arg6[%get3A_1072, %get3A_1073, %get3A_1074] {strides = array<i32>} : memref<2x80x64xi32, #tpu.memory_space<vmem>>, vector<16xi32>,
      %bitcast3A_1076 = vector.bitcast %get3A_1075 : vector<16xi32> to vector<32xbf16>
      %get3A_1077 = arith.constant 0 : i32
      %get3A_1078 = arith.index_cast %get3A_1077 : i32 to index
      %get3A_1079 = arith.index_cast %add3A_1057 : i32 to index
      %get3A_1080 = arith.constant 16 : index
      %get3A_1081 = tpu.vector_load %arg7[%get3A_1078, %get3A_1079, %get3A_1080] {strides = array<i32>} : memref<2x80x64xi32, #tpu.memory_space<vmem>>, vector<16xi32>,
      %bitcast3A_1082 = vector.bitcast %get3A_1081 : vector<16xi32> to vector<32xbf16>
      %mul3A_1083 = arith.mulf %bitcast3A_1076, %bitcast3A_1082 : vector<32xbf16>
      %add3A_1084 = arith.addf %mul3A_1070, %mul3A_1083 : vector<32xbf16>
      %unpack3A_1085 = tpu.unpack_subelements %add3A_1084, 0 {pack_format = #tpu.pack_format<interleaved>} : vector<32xbf16> -> vector<16xf32>
      %unpack3A_1086 = tpu.unpack_subelements %add3A_1084, 1 {pack_format = #tpu.pack_format<interleaved>} : vector<32xbf16> -> vector<16xf32>
      %add3A_1087 = arith.addf %unpack3A_1085, %unpack3A_1086 : vector<16xf32>
      %get3A_1088 = arith.constant 0 : i32
      %get3A_1089 = arith.index_cast %get3A_1088 : i32 to index
      %get3A_1090 = arith.index_cast %add3A_1057 : i32 to index
      %get3A_1091 = arith.constant 32 : index
      %get3A_1092 = tpu.vector_load %arg6[%get3A_1089, %get3A_1090, %get3A_1091] {strides = array<i32>} : memref<2x80x64xi32, #tpu.memory_space<vmem>>, vector<16xi32>,
      %bitcast3A_1093 = vector.bitcast %get3A_1092 : vector<16xi32> to vector<32xbf16>
      %get3A_1094 = arith.constant 0 : i32
      %get3A_1095 = arith.index_cast %get3A_1094 : i32 to index
      %get3A_1096 = arith.index_cast %add3A_1057 : i32 to index
      %get3A_1097 = arith.constant 32 : index
      %get3A_1098 = tpu.vector_load %arg7[%get3A_1095, %get3A_1096, %get3A_1097] {strides = array<i32>} : memref<2x80x64xi32, #tpu.memory_space<vmem>>, vector<16xi32>,
      %bitcast3A_1099 = vector.bitcast %get3A_1098 : vector<16xi32> to vector<32xbf16>
      %mul3A_1100 = arith.mulf %bitcast3A_1093, %bitcast3A_1099 : vector<32xbf16>
      %get3A_1101 = arith.constant 0 : i32
      %get3A_1102 = arith.index_cast %get3A_1101 : i32 to index
      %get3A_1103 = arith.index_cast %add3A_1057 : i32 to index
      %get3A_1104 = arith.constant 48 : index
      %get3A_1105 = tpu.vector_load %arg6[%get3A_1102, %get3A_1103, %get3A_1104] {strides = array<i32>} : memref<2x80x64xi32, #tpu.memory_space<vmem>>, vector<16xi32>,
      %bitcast3A_1106 = vector.bitcast %get3A_1105 : vector<16xi32> to vector<32xbf16>
      %get3A_1107 = arith.constant 0 : i32
      %get3A_1108 = arith.index_cast %get3A_1107 : i32 to index
      %get3A_1109 = arith.index_cast %add3A_1057 : i32 to index
      %get3A_1110 = arith.constant 48 : index
      %get3A_1111 = tpu.vector_load %arg7[%get3A_1108, %get3A_1109, %get3A_1110] {strides = array<i32>} : memref<2x80x64xi32, #tpu.memory_space<vmem>>, vector<16xi32>,
      %bitcast3A_1112 = vector.bitcast %get3A_1111 : vector<16xi32> to vector<32xbf16>
      %mul3A_1113 = arith.mulf %bitcast3A_1106, %bitcast3A_1112 : vector<32xbf16>
      %add3A_1114 = arith.addf %mul3A_1100, %mul3A_1113 : vector<32xbf16>
      %unpack3A_1115 = tpu.unpack_subelements %add3A_1114, 0 {pack_format = #tpu.pack_format<interleaved>} : vector<32xbf16> -> vector<16xf32>
      %unpack3A_1116 = tpu.unpack_subelements %add3A_1114, 1 {pack_format = #tpu.pack_format<interleaved>} : vector<32xbf16> -> vector<16xf32>
      %add3A_1117 = arith.addf %unpack3A_1115, %unpack3A_1116 : vector<16xf32>
      %add3A_1118 = arith.addf %add3A_1087, %add3A_1117 : vector<16xf32>
      %swap3A_1119 = arith.constant 13 : i32
      %swap3A_1120 = arith.index_cast %swap3A_1119 : i32 to index
      %swap3A_1121 = arith.constant 0 : index
      %swap3A_1122 = tpu.vector_load %arg9[%swap3A_1120, %swap3A_1121] {strides = array<i32>} : memref<16x16xf32, #tpu.memory_space<vmem>>, vector<16xf32>,
      tpu.vector_store %arg9[%swap3A_1120, %swap3A_1121], %add3A_1118 {strides = array<i32>} : memref<16x16xf32, #tpu.memory_space<vmem>>, vector<16xf32>,
      %mul3A_1123 = arith.constant 16 : i32
      %mul3A_1124 = arith.muli %scan3A_159, %mul3A_1123 : i32
      %add3A_1125 = arith.constant 14 : i32
      %add3A_1126 = arith.addi %mul3A_1124, %add3A_1125 : i32
      %get3A_1127 = arith.constant 0 : i32
      %get3A_1128 = arith.index_cast %get3A_1127 : i32 to index
      %get3A_1129 = arith.index_cast %add3A_1126 : i32 to index
      %get3A_1130 = arith.constant 0 : index
      %get3A_1131 = tpu.vector_load %arg6[%get3A_1128, %get3A_1129, %get3A_1130] {strides = array<i32>} : memref<2x80x64xi32, #tpu.memory_space<vmem>>, vector<16xi32>,
      %bitcast3A_1132 = vector.bitcast %get3A_1131 : vector<16xi32> to vector<32xbf16>
      %get3A_1133 = arith.constant 0 : i32
      %get3A_1134 = arith.index_cast %get3A_1133 : i32 to index
      %get3A_1135 = arith.index_cast %add3A_1126 : i32 to index
      %get3A_1136 = arith.constant 0 : index
      %get3A_1137 = tpu.vector_load %arg7[%get3A_1134, %get3A_1135, %get3A_1136] {strides = array<i32>} : memref<2x80x64xi32, #tpu.memory_space<vmem>>, vector<16xi32>,
      %bitcast3A_1138 = vector.bitcast %get3A_1137 : vector<16xi32> to vector<32xbf16>
      %mul3A_1139 = arith.mulf %bitcast3A_1132, %bitcast3A_1138 : vector<32xbf16>
      %get3A_1140 = arith.constant 0 : i32
      %get3A_1141 = arith.index_cast %get3A_1140 : i32 to index
      %get3A_1142 = arith.index_cast %add3A_1126 : i32 to index
      %get3A_1143 = arith.constant 16 : index
      %get3A_1144 = tpu.vector_load %arg6[%get3A_1141, %get3A_1142, %get3A_1143] {strides = array<i32>} : memref<2x80x64xi32, #tpu.memory_space<vmem>>, vector<16xi32>,
      %bitcast3A_1145 = vector.bitcast %get3A_1144 : vector<16xi32> to vector<32xbf16>
      %get3A_1146 = arith.constant 0 : i32
      %get3A_1147 = arith.index_cast %get3A_1146 : i32 to index
      %get3A_1148 = arith.index_cast %add3A_1126 : i32 to index
      %get3A_1149 = arith.constant 16 : index
      %get3A_1150 = tpu.vector_load %arg7[%get3A_1147, %get3A_1148, %get3A_1149] {strides = array<i32>} : memref<2x80x64xi32, #tpu.memory_space<vmem>>, vector<16xi32>,
      %bitcast3A_1151 = vector.bitcast %get3A_1150 : vector<16xi32> to vector<32xbf16>
      %mul3A_1152 = arith.mulf %bitcast3A_1145, %bitcast3A_1151 : vector<32xbf16>
      %add3A_1153 = arith.addf %mul3A_1139, %mul3A_1152 : vector<32xbf16>
      %unpack3A_1154 = tpu.unpack_subelements %add3A_1153, 0 {pack_format = #tpu.pack_format<interleaved>} : vector<32xbf16> -> vector<16xf32>
      %unpack3A_1155 = tpu.unpack_subelements %add3A_1153, 1 {pack_format = #tpu.pack_format<interleaved>} : vector<32xbf16> -> vector<16xf32>
      %add3A_1156 = arith.addf %unpack3A_1154, %unpack3A_1155 : vector<16xf32>
      %get3A_1157 = arith.constant 0 : i32
      %get3A_1158 = arith.index_cast %get3A_1157 : i32 to index
      %get3A_1159 = arith.index_cast %add3A_1126 : i32 to index
      %get3A_1160 = arith.constant 32 : index
      %get3A_1161 = tpu.vector_load %arg6[%get3A_1158, %get3A_1159, %get3A_1160] {strides = array<i32>} : memref<2x80x64xi32, #tpu.memory_space<vmem>>, vector<16xi32>,
      %bitcast3A_1162 = vector.bitcast %get3A_1161 : vector<16xi32> to vector<32xbf16>
      %get3A_1163 = arith.constant 0 : i32
      %get3A_1164 = arith.index_cast %get3A_1163 : i32 to index
      %get3A_1165 = arith.index_cast %add3A_1126 : i32 to index
      %get3A_1166 = arith.constant 32 : index
      %get3A_1167 = tpu.vector_load %arg7[%get3A_1164, %get3A_1165, %get3A_1166] {strides = array<i32>} : memref<2x80x64xi32, #tpu.memory_space<vmem>>, vector<16xi32>,
      %bitcast3A_1168 = vector.bitcast %get3A_1167 : vector<16xi32> to vector<32xbf16>
      %mul3A_1169 = arith.mulf %bitcast3A_1162, %bitcast3A_1168 : vector<32xbf16>
      %get3A_1170 = arith.constant 0 : i32
      %get3A_1171 = arith.index_cast %get3A_1170 : i32 to index
      %get3A_1172 = arith.index_cast %add3A_1126 : i32 to index
      %get3A_1173 = arith.constant 48 : index
      %get3A_1174 = tpu.vector_load %arg6[%get3A_1171, %get3A_1172, %get3A_1173] {strides = array<i32>} : memref<2x80x64xi32, #tpu.memory_space<vmem>>, vector<16xi32>,
      %bitcast3A_1175 = vector.bitcast %get3A_1174 : vector<16xi32> to vector<32xbf16>
      %get3A_1176 = arith.constant 0 : i32
      %get3A_1177 = arith.index_cast %get3A_1176 : i32 to index
      %get3A_1178 = arith.index_cast %add3A_1126 : i32 to index
      %get3A_1179 = arith.constant 48 : index
      %get3A_1180 = tpu.vector_load %arg7[%get3A_1177, %get3A_1178, %get3A_1179] {strides = array<i32>} : memref<2x80x64xi32, #tpu.memory_space<vmem>>, vector<16xi32>,
      %bitcast3A_1181 = vector.bitcast %get3A_1180 : vector<16xi32> to vector<32xbf16>
      %mul3A_1182 = arith.mulf %bitcast3A_1175, %bitcast3A_1181 : vector<32xbf16>
      %add3A_1183 = arith.addf %mul3A_1169, %mul3A_1182 : vector<32xbf16>
      %unpack3A_1184 = tpu.unpack_subelements %add3A_1183, 0 {pack_format = #tpu.pack_format<interleaved>} : vector<32xbf16> -> vector<16xf32>
      %unpack3A_1185 = tpu.unpack_subelements %add3A_1183, 1 {pack_format = #tpu.pack_format<interleaved>} : vector<32xbf16> -> vector<16xf32>
      %add3A_1186 = arith.addf %unpack3A_1184, %unpack3A_1185 : vector<16xf32>
      %add3A_1187 = arith.addf %add3A_1156, %add3A_1186 : vector<16xf32>
      %swap3A_1188 = arith.constant 14 : i32
      %swap3A_1189 = arith.index_cast %swap3A_1188 : i32 to index
      %swap3A_1190 = arith.constant 0 : index
      %swap3A_1191 = tpu.vector_load %arg9[%swap3A_1189, %swap3A_1190] {strides = array<i32>} : memref<16x16xf32, #tpu.memory_space<vmem>>, vector<16xf32>,
      tpu.vector_store %arg9[%swap3A_1189, %swap3A_1190], %add3A_1187 {strides = array<i32>} : memref<16x16xf32, #tpu.memory_space<vmem>>, vector<16xf32>,
      %mul3A_1192 = arith.constant 16 : i32
      %mul3A_1193 = arith.muli %scan3A_159, %mul3A_1192 : i32
      %add3A_1194 = arith.constant 15 : i32
      %add3A_1195 = arith.addi %mul3A_1193, %add3A_1194 : i32
      %get3A_1196 = arith.constant 0 : i32
      %get3A_1197 = arith.index_cast %get3A_1196 : i32 to index
      %get3A_1198 = arith.index_cast %add3A_1195 : i32 to index
      %get3A_1199 = arith.constant 0 : index
      %get3A_1200 = tpu.vector_load %arg6[%get3A_1197, %get3A_1198, %get3A_1199] {strides = array<i32>} : memref<2x80x64xi32, #tpu.memory_space<vmem>>, vector<16xi32>,
      %bitcast3A_1201 = vector.bitcast %get3A_1200 : vector<16xi32> to vector<32xbf16>
      %get3A_1202 = arith.constant 0 : i32
      %get3A_1203 = arith.index_cast %get3A_1202 : i32 to index
      %get3A_1204 = arith.index_cast %add3A_1195 : i32 to index
      %get3A_1205 = arith.constant 0 : index
      %get3A_1206 = tpu.vector_load %arg7[%get3A_1203, %get3A_1204, %get3A_1205] {strides = array<i32>} : memref<2x80x64xi32, #tpu.memory_space<vmem>>, vector<16xi32>,
      %bitcast3A_1207 = vector.bitcast %get3A_1206 : vector<16xi32> to vector<32xbf16>
      %mul3A_1208 = arith.mulf %bitcast3A_1201, %bitcast3A_1207 : vector<32xbf16>
      %get3A_1209 = arith.constant 0 : i32
      %get3A_1210 = arith.index_cast %get3A_1209 : i32 to index
      %get3A_1211 = arith.index_cast %add3A_1195 : i32 to index
      %get3A_1212 = arith.constant 16 : index
      %get3A_1213 = tpu.vector_load %arg6[%get3A_1210, %get3A_1211, %get3A_1212] {strides = array<i32>} : memref<2x80x64xi32, #tpu.memory_space<vmem>>, vector<16xi32>,
      %bitcast3A_1214 = vector.bitcast %get3A_1213 : vector<16xi32> to vector<32xbf16>
      %get3A_1215 = arith.constant 0 : i32
      %get3A_1216 = arith.index_cast %get3A_1215 : i32 to index
      %get3A_1217 = arith.index_cast %add3A_1195 : i32 to index
      %get3A_1218 = arith.constant 16 : index
      %get3A_1219 = tpu.vector_load %arg7[%get3A_1216, %get3A_1217, %get3A_1218] {strides = array<i32>} : memref<2x80x64xi32, #tpu.memory_space<vmem>>, vector<16xi32>,
      %bitcast3A_1220 = vector.bitcast %get3A_1219 : vector<16xi32> to vector<32xbf16>
      %mul3A_1221 = arith.mulf %bitcast3A_1214, %bitcast3A_1220 : vector<32xbf16>
      %add3A_1222 = arith.addf %mul3A_1208, %mul3A_1221 : vector<32xbf16>
      %unpack3A_1223 = tpu.unpack_subelements %add3A_1222, 0 {pack_format = #tpu.pack_format<interleaved>} : vector<32xbf16> -> vector<16xf32>
      %unpack3A_1224 = tpu.unpack_subelements %add3A_1222, 1 {pack_format = #tpu.pack_format<interleaved>} : vector<32xbf16> -> vector<16xf32>
      %add3A_1225 = arith.addf %unpack3A_1223, %unpack3A_1224 : vector<16xf32>
      %get3A_1226 = arith.constant 0 : i32
      %get3A_1227 = arith.index_cast %get3A_1226 : i32 to index
      %get3A_1228 = arith.index_cast %add3A_1195 : i32 to index
      %get3A_1229 = arith.constant 32 : index
      %get3A_1230 = tpu.vector_load %arg6[%get3A_1227, %get3A_1228, %get3A_1229] {strides = array<i32>} : memref<2x80x64xi32, #tpu.memory_space<vmem>>, vector<16xi32>,
      %bitcast3A_1231 = vector.bitcast %get3A_1230 : vector<16xi32> to vector<32xbf16>
      %get3A_1232 = arith.constant 0 : i32
      %get3A_1233 = arith.index_cast %get3A_1232 : i32 to index
      %get3A_1234 = arith.index_cast %add3A_1195 : i32 to index
      %get3A_1235 = arith.constant 32 : index
      %get3A_1236 = tpu.vector_load %arg7[%get3A_1233, %get3A_1234, %get3A_1235] {strides = array<i32>} : memref<2x80x64xi32, #tpu.memory_space<vmem>>, vector<16xi32>,
      %bitcast3A_1237 = vector.bitcast %get3A_1236 : vector<16xi32> to vector<32xbf16>
      %mul3A_1238 = arith.mulf %bitcast3A_1231, %bitcast3A_1237 : vector<32xbf16>
      %get3A_1239 = arith.constant 0 : i32
      %get3A_1240 = arith.index_cast %get3A_1239 : i32 to index
      %get3A_1241 = arith.index_cast %add3A_1195 : i32 to index
      %get3A_1242 = arith.constant 48 : index
      %get3A_1243 = tpu.vector_load %arg6[%get3A_1240, %get3A_1241, %get3A_1242] {strides = array<i32>} : memref<2x80x64xi32, #tpu.memory_space<vmem>>, vector<16xi32>,
      %bitcast3A_1244 = vector.bitcast %get3A_1243 : vector<16xi32> to vector<32xbf16>
      %get3A_1245 = arith.constant 0 : i32
      %get3A_1246 = arith.index_cast %get3A_1245 : i32 to index
      %get3A_1247 = arith.index_cast %add3A_1195 : i32 to index
      %get3A_1248 = arith.constant 48 : index
      %get3A_1249 = tpu.vector_load %arg7[%get3A_1246, %get3A_1247, %get3A_1248] {strides = array<i32>} : memref<2x80x64xi32, #tpu.memory_space<vmem>>, vector<16xi32>,
      %bitcast3A_1250 = vector.bitcast %get3A_1249 : vector<16xi32> to vector<32xbf16>
      %mul3A_1251 = arith.mulf %bitcast3A_1244, %bitcast3A_1250 : vector<32xbf16>
      %add3A_1252 = arith.addf %mul3A_1238, %mul3A_1251 : vector<32xbf16>
      %unpack3A_1253 = tpu.unpack_subelements %add3A_1252, 0 {pack_format = #tpu.pack_format<interleaved>} : vector<32xbf16> -> vector<16xf32>
      %unpack3A_1254 = tpu.unpack_subelements %add3A_1252, 1 {pack_format = #tpu.pack_format<interleaved>} : vector<32xbf16> -> vector<16xf32>
      %add3A_1255 = arith.addf %unpack3A_1253, %unpack3A_1254 : vector<16xf32>
      %add3A_1256 = arith.addf %add3A_1225, %add3A_1255 : vector<16xf32>
      %swap3A_1257 = arith.constant 15 : i32
      %swap3A_1258 = arith.index_cast %swap3A_1257 : i32 to index
      %swap3A_1259 = arith.constant 0 : index
      %swap3A_1260 = tpu.vector_load %arg9[%swap3A_1258, %swap3A_1259] {strides = array<i32>} : memref<16x16xf32, #tpu.memory_space<vmem>>, vector<16xf32>,
      tpu.vector_store %arg9[%swap3A_1258, %swap3A_1259], %add3A_1256 {strides = array<i32>} : memref<16x16xf32, #tpu.memory_space<vmem>>, vector<16xf32>,
      %broadcast_in_dim3A = arith.constant 0.000000e+00 : f32
      %broadcast_in_dim3A_1261 = vector.broadcast %broadcast_in_dim3A : f32 to vector<16xf32>
      %broadcast_in_dim3A_1262 = arith.constant 0.000000e+00 : f32
      %broadcast_in_dim3A_1263 = vector.broadcast %broadcast_in_dim3A_1262 : f32 to vector<16xf32>
      %broadcast_in_dim3A_1264 = arith.constant 0.000000e+00 : f32
      %broadcast_in_dim3A_1265 = vector.broadcast %broadcast_in_dim3A_1264 : f32 to vector<16xf32>
      %broadcast_in_dim3A_1266 = arith.constant 0.000000e+00 : f32
      %broadcast_in_dim3A_1267 = vector.broadcast %broadcast_in_dim3A_1266 : f32 to vector<16xf32>
      %add3A_1268 = arith.constant 0 : i32
      %add3A_1269 = vector.broadcast %add3A_1268 : i32 to vector<16xi32>
      %add3A_1270 = arith.addi %iota3A, %add3A_1269 : vector<16xi32>
      %and3A = arith.constant 15 : i32
      %and3A_1271 = vector.broadcast %and3A : i32 to vector<16xi32>
      %and3A_1272 = arith.andi %add3A_1270, %and3A_1271 : vector<16xi32>
      %gather3A = tpu.vector_load_idx %arg9[%iota3A, %and3A_1272] : memref<16x16xf32, #tpu.memory_space<vmem>>[vector<16xi32>, vector<16xi32>], vector<16xf32>,
      %add3A_1273 = arith.addf %broadcast_in_dim3A_1261, %gather3A : vector<16xf32>
      %add3A_1274 = arith.constant 1 : i32
      %add3A_1275 = vector.broadcast %add3A_1274 : i32 to vector<16xi32>
      %add3A_1276 = arith.addi %iota3A, %add3A_1275 : vector<16xi32>
      %and3A_1277 = arith.constant 15 : i32
      %and3A_1278 = vector.broadcast %and3A_1277 : i32 to vector<16xi32>
      %and3A_1279 = arith.andi %add3A_1276, %and3A_1278 : vector<16xi32>
      %gather3A_1280 = tpu.vector_load_idx %arg9[%iota3A, %and3A_1279] : memref<16x16xf32, #tpu.memory_space<vmem>>[vector<16xi32>, vector<16xi32>], vector<16xf32>,
      %add3A_1281 = arith.addf %broadcast_in_dim3A_1263, %gather3A_1280 : vector<16xf32>
      %add3A_1282 = arith.constant 2 : i32
      %add3A_1283 = vector.broadcast %add3A_1282 : i32 to vector<16xi32>
      %add3A_1284 = arith.addi %iota3A, %add3A_1283 : vector<16xi32>
      %and3A_1285 = arith.constant 15 : i32
      %and3A_1286 = vector.broadcast %and3A_1285 : i32 to vector<16xi32>
      %and3A_1287 = arith.andi %add3A_1284, %and3A_1286 : vector<16xi32>
      %gather3A_1288 = tpu.vector_load_idx %arg9[%iota3A, %and3A_1287] : memref<16x16xf32, #tpu.memory_space<vmem>>[vector<16xi32>, vector<16xi32>], vector<16xf32>,
      %add3A_1289 = arith.addf %broadcast_in_dim3A_1265, %gather3A_1288 : vector<16xf32>
      %add3A_1290 = arith.constant 3 : i32
      %add3A_1291 = vector.broadcast %add3A_1290 : i32 to vector<16xi32>
      %add3A_1292 = arith.addi %iota3A, %add3A_1291 : vector<16xi32>
      %and3A_1293 = arith.constant 15 : i32
      %and3A_1294 = vector.broadcast %and3A_1293 : i32 to vector<16xi32>
      %and3A_1295 = arith.andi %add3A_1292, %and3A_1294 : vector<16xi32>
      %gather3A_1296 = tpu.vector_load_idx %arg9[%iota3A, %and3A_1295] : memref<16x16xf32, #tpu.memory_space<vmem>>[vector<16xi32>, vector<16xi32>], vector<16xf32>,
      %add3A_1297 = arith.addf %broadcast_in_dim3A_1267, %gather3A_1296 : vector<16xf32>
      %add3A_1298 = arith.constant 4 : i32
      %add3A_1299 = vector.broadcast %add3A_1298 : i32 to vector<16xi32>
      %add3A_1300 = arith.addi %iota3A, %add3A_1299 : vector<16xi32>
      %and3A_1301 = arith.constant 15 : i32
      %and3A_1302 = vector.broadcast %and3A_1301 : i32 to vector<16xi32>
      %and3A_1303 = arith.andi %add3A_1300, %and3A_1302 : vector<16xi32>
      %gather3A_1304 = tpu.vector_load_idx %arg9[%iota3A, %and3A_1303] : memref<16x16xf32, #tpu.memory_space<vmem>>[vector<16xi32>, vector<16xi32>], vector<16xf32>,
      %add3A_1305 = arith.addf %add3A_1273, %gather3A_1304 : vector<16xf32>
      %add3A_1306 = arith.constant 5 : i32
      %add3A_1307 = vector.broadcast %add3A_1306 : i32 to vector<16xi32>
      %add3A_1308 = arith.addi %iota3A, %add3A_1307 : vector<16xi32>
      %and3A_1309 = arith.constant 15 : i32
      %and3A_1310 = vector.broadcast %and3A_1309 : i32 to vector<16xi32>
      %and3A_1311 = arith.andi %add3A_1308, %and3A_1310 : vector<16xi32>
      %gather3A_1312 = tpu.vector_load_idx %arg9[%iota3A, %and3A_1311] : memref<16x16xf32, #tpu.memory_space<vmem>>[vector<16xi32>, vector<16xi32>], vector<16xf32>,
      %add3A_1313 = arith.addf %add3A_1281, %gather3A_1312 : vector<16xf32>
      %add3A_1314 = arith.constant 6 : i32
      %add3A_1315 = vector.broadcast %add3A_1314 : i32 to vector<16xi32>
      %add3A_1316 = arith.addi %iota3A, %add3A_1315 : vector<16xi32>
      %and3A_1317 = arith.constant 15 : i32
      %and3A_1318 = vector.broadcast %and3A_1317 : i32 to vector<16xi32>
      %and3A_1319 = arith.andi %add3A_1316, %and3A_1318 : vector<16xi32>
      %gather3A_1320 = tpu.vector_load_idx %arg9[%iota3A, %and3A_1319] : memref<16x16xf32, #tpu.memory_space<vmem>>[vector<16xi32>, vector<16xi32>], vector<16xf32>,
      %add3A_1321 = arith.addf %add3A_1289, %gather3A_1320 : vector<16xf32>
      %add3A_1322 = arith.constant 7 : i32
      %add3A_1323 = vector.broadcast %add3A_1322 : i32 to vector<16xi32>
      %add3A_1324 = arith.addi %iota3A, %add3A_1323 : vector<16xi32>
      %and3A_1325 = arith.constant 15 : i32
      %and3A_1326 = vector.broadcast %and3A_1325 : i32 to vector<16xi32>
      %and3A_1327 = arith.andi %add3A_1324, %and3A_1326 : vector<16xi32>
      %gather3A_1328 = tpu.vector_load_idx %arg9[%iota3A, %and3A_1327] : memref<16x16xf32, #tpu.memory_space<vmem>>[vector<16xi32>, vector<16xi32>], vector<16xf32>,
      %add3A_1329 = arith.addf %add3A_1297, %gather3A_1328 : vector<16xf32>
      %add3A_1330 = arith.constant 8 : i32
      %add3A_1331 = vector.broadcast %add3A_1330 : i32 to vector<16xi32>
      %add3A_1332 = arith.addi %iota3A, %add3A_1331 : vector<16xi32>
      %and3A_1333 = arith.constant 15 : i32
      %and3A_1334 = vector.broadcast %and3A_1333 : i32 to vector<16xi32>
      %and3A_1335 = arith.andi %add3A_1332, %and3A_1334 : vector<16xi32>
      %gather3A_1336 = tpu.vector_load_idx %arg9[%iota3A, %and3A_1335] : memref<16x16xf32, #tpu.memory_space<vmem>>[vector<16xi32>, vector<16xi32>], vector<16xf32>,
      %add3A_1337 = arith.addf %add3A_1305, %gather3A_1336 : vector<16xf32>
      %add3A_1338 = arith.constant 9 : i32
      %add3A_1339 = vector.broadcast %add3A_1338 : i32 to vector<16xi32>
      %add3A_1340 = arith.addi %iota3A, %add3A_1339 : vector<16xi32>
      %and3A_1341 = arith.constant 15 : i32
      %and3A_1342 = vector.broadcast %and3A_1341 : i32 to vector<16xi32>
      %and3A_1343 = arith.andi %add3A_1340, %and3A_1342 : vector<16xi32>
      %gather3A_1344 = tpu.vector_load_idx %arg9[%iota3A, %and3A_1343] : memref<16x16xf32, #tpu.memory_space<vmem>>[vector<16xi32>, vector<16xi32>], vector<16xf32>,
      %add3A_1345 = arith.addf %add3A_1313, %gather3A_1344 : vector<16xf32>
      %add3A_1346 = arith.constant 10 : i32
      %add3A_1347 = vector.broadcast %add3A_1346 : i32 to vector<16xi32>
      %add3A_1348 = arith.addi %iota3A, %add3A_1347 : vector<16xi32>
      %and3A_1349 = arith.constant 15 : i32
      %and3A_1350 = vector.broadcast %and3A_1349 : i32 to vector<16xi32>
      %and3A_1351 = arith.andi %add3A_1348, %and3A_1350 : vector<16xi32>
      %gather3A_1352 = tpu.vector_load_idx %arg9[%iota3A, %and3A_1351] : memref<16x16xf32, #tpu.memory_space<vmem>>[vector<16xi32>, vector<16xi32>], vector<16xf32>,
      %add3A_1353 = arith.addf %add3A_1321, %gather3A_1352 : vector<16xf32>
      %add3A_1354 = arith.constant 11 : i32
      %add3A_1355 = vector.broadcast %add3A_1354 : i32 to vector<16xi32>
      %add3A_1356 = arith.addi %iota3A, %add3A_1355 : vector<16xi32>
      %and3A_1357 = arith.constant 15 : i32
      %and3A_1358 = vector.broadcast %and3A_1357 : i32 to vector<16xi32>
      %and3A_1359 = arith.andi %add3A_1356, %and3A_1358 : vector<16xi32>
      %gather3A_1360 = tpu.vector_load_idx %arg9[%iota3A, %and3A_1359] : memref<16x16xf32, #tpu.memory_space<vmem>>[vector<16xi32>, vector<16xi32>], vector<16xf32>,
      %add3A_1361 = arith.addf %add3A_1329, %gather3A_1360 : vector<16xf32>
      %add3A_1362 = arith.constant 12 : i32
      %add3A_1363 = vector.broadcast %add3A_1362 : i32 to vector<16xi32>
      %add3A_1364 = arith.addi %iota3A, %add3A_1363 : vector<16xi32>
      %and3A_1365 = arith.constant 15 : i32
      %and3A_1366 = vector.broadcast %and3A_1365 : i32 to vector<16xi32>
      %and3A_1367 = arith.andi %add3A_1364, %and3A_1366 : vector<16xi32>
      %gather3A_1368 = tpu.vector_load_idx %arg9[%iota3A, %and3A_1367] : memref<16x16xf32, #tpu.memory_space<vmem>>[vector<16xi32>, vector<16xi32>], vector<16xf32>,
      %add3A_1369 = arith.addf %add3A_1337, %gather3A_1368 : vector<16xf32>
      %add3A_1370 = arith.constant 13 : i32
      %add3A_1371 = vector.broadcast %add3A_1370 : i32 to vector<16xi32>
      %add3A_1372 = arith.addi %iota3A, %add3A_1371 : vector<16xi32>
      %and3A_1373 = arith.constant 15 : i32
      %and3A_1374 = vector.broadcast %and3A_1373 : i32 to vector<16xi32>
      %and3A_1375 = arith.andi %add3A_1372, %and3A_1374 : vector<16xi32>
      %gather3A_1376 = tpu.vector_load_idx %arg9[%iota3A, %and3A_1375] : memref<16x16xf32, #tpu.memory_space<vmem>>[vector<16xi32>, vector<16xi32>], vector<16xf32>,
      %add3A_1377 = arith.addf %add3A_1345, %gather3A_1376 : vector<16xf32>
      %add3A_1378 = arith.constant 14 : i32
      %add3A_1379 = vector.broadcast %add3A_1378 : i32 to vector<16xi32>
      %add3A_1380 = arith.addi %iota3A, %add3A_1379 : vector<16xi32>
      %and3A_1381 = arith.constant 15 : i32
      %and3A_1382 = vector.broadcast %and3A_1381 : i32 to vector<16xi32>
      %and3A_1383 = arith.andi %add3A_1380, %and3A_1382 : vector<16xi32>
      %gather3A_1384 = tpu.vector_load_idx %arg9[%iota3A, %and3A_1383] : memref<16x16xf32, #tpu.memory_space<vmem>>[vector<16xi32>, vector<16xi32>], vector<16xf32>,
      %add3A_1385 = arith.addf %add3A_1353, %gather3A_1384 : vector<16xf32>
      %add3A_1386 = arith.constant 15 : i32
      %add3A_1387 = vector.broadcast %add3A_1386 : i32 to vector<16xi32>
      %add3A_1388 = arith.addi %iota3A, %add3A_1387 : vector<16xi32>
      %and3A_1389 = arith.constant 15 : i32
      %and3A_1390 = vector.broadcast %and3A_1389 : i32 to vector<16xi32>
      %and3A_1391 = arith.andi %add3A_1388, %and3A_1390 : vector<16xi32>
      %gather3A_1392 = tpu.vector_load_idx %arg9[%iota3A, %and3A_1391] : memref<16x16xf32, #tpu.memory_space<vmem>>[vector<16xi32>, vector<16xi32>], vector<16xf32>,
      %add3A_1393 = arith.addf %add3A_1361, %gather3A_1392 : vector<16xf32>
      %add3A_1394 = arith.addf %add3A_1369, %add3A_1377 : vector<16xf32>
      %add3A_1395 = arith.addf %add3A_1385, %add3A_1393 : vector<16xf32>
      %add3A_1396 = arith.addf %add3A_1394, %add3A_1395 : vector<16xf32>
      %mul3A_1397 = arith.constant 16 : i32
      %mul3A_1398 = arith.muli %scan3A_159, %mul3A_1397 : i32
      %swap3A_1399 = arith.constant 0 : i32
      %swap3A_1400 = arith.index_cast %swap3A_1399 : i32 to index
      %swap3A_1401 = arith.index_cast %mul3A_1398 : i32 to index
      %swap3A_1402 = tpu.vector_load %arg8[%swap3A_1400, %swap3A_1401] {strides = array<i32>} : memref<2x80xf32, #tpu.memory_space<vmem>>, vector<16xf32>,
      tpu.vector_store %arg8[%swap3A_1400, %swap3A_1401], %add3A_1396 {strides = array<i32>} : memref<2x80xf32, #tpu.memory_space<vmem>>, vector<16xf32>,
      %scan3A_1403 = arith.constant 0 : i32
      scf.yield %scan3A_1403 : i32
    }
    %scan3A_98 = arith.constant 5 : i32
    %mul3A_99 = arith.constant 125 : i32
    %mul3A_100 = arith.muli %add3A, %mul3A_99 : i32
    %add3A_101 = arith.constant 124 : i32
    %add3A_102 = arith.addi %mul3A_100, %add3A_101 : i32
    %dma_start3A_103 = arith.constant 0 : i32
    %dma_start3A_104 = arith.constant 0 : i32
    %dma_start3A_105 = arith.constant 0 : i32
    %dma_start3A_106 = tpu.memref_slice %arg8[%dma_start3A_103, %dma_start3A_105] : memref<2x80xf32, #tpu.memory_space<vmem>> -> memref<1x80xf32, #tpu.memory_space<vmem>>
    %dma_start3A_107 = tpu.memref_squeeze %dma_start3A_106 : memref<1x80xf32, #tpu.memory_space<vmem>> -> memref<80xf32, #tpu.memory_space<vmem>>
    %dma_start3A_108 = arith.constant 0 : i32
    %dma_start3A_109 = tpu.memref_slice %arg4[%add3A_102, %dma_start3A_108] : memref<4000x80xf32, #tpu.memory_space<hbm>> -> memref<1x80xf32, #tpu.memory_space<hbm>>
    %dma_start3A_110 = tpu.memref_squeeze %dma_start3A_109 : memref<1x80xf32, #tpu.memory_space<hbm>> -> memref<80xf32, #tpu.memory_space<hbm>>
    %dma_start3A_111 = tpu.memref_slice %arg11[%dma_start3A_104] : memref<2x!tpu.dma_semaphore, #tpu.memory_space<semaphore_mem>> -> memref<1x!tpu.dma_semaphore, #tpu.memory_space<semaphore_mem>>
    %dma_start3A_112 = tpu.memref_squeeze %dma_start3A_111 : memref<1x!tpu.dma_semaphore, #tpu.memory_space<semaphore_mem>> -> memref<!tpu.dma_semaphore, #tpu.memory_space<semaphore_mem>>
    %dma_start3A_113 = arith.constant 0 : i32
    %dma_start3A_114 = tpu.memref_slice %arg4[%add3A_102, %dma_start3A_113] : memref<4000x80xf32, #tpu.memory_space<hbm>> -> memref<1x80xf32, #tpu.memory_space<hbm>>
    %dma_start3A_115 = tpu.memref_squeeze %dma_start3A_114 : memref<1x80xf32, #tpu.memory_space<hbm>> -> memref<80xf32, #tpu.memory_space<hbm>>
    %dma_start3A_116 = arith.constant 0 : i32
    %dma_start3A_117 = tpu.memref_slice %arg8[%dma_start3A_103, %dma_start3A_116] : memref<2x80xf32, #tpu.memory_space<vmem>> -> memref<1x80xf32, #tpu.memory_space<vmem>>
    %dma_start3A_118 = tpu.memref_squeeze %dma_start3A_117 : memref<1x80xf32, #tpu.memory_space<vmem>> -> memref<80xf32, #tpu.memory_space<vmem>>
    tpu.enqueue_dma source(%dma_start3A_118 : memref<80xf32, #tpu.memory_space<vmem>>) target(%dma_start3A_115 : memref<80xf32, #tpu.memory_space<hbm>>) target_semaphore(%dma_start3A_112 : memref<!tpu.dma_semaphore, #tpu.memory_space<semaphore_mem>>)
    %mul3A_119 = arith.constant 125 : i32
    %mul3A_120 = arith.muli %add3A, %mul3A_119 : i32
    %add3A_121 = arith.constant 123 : i32
    %add3A_122 = arith.addi %mul3A_120, %add3A_121 : i32
    %dma_wait3A_123 = arith.constant 1 : i32
    %dma_wait3A_124 = arith.constant 1 : i32
    %dma_wait3A_125 = arith.constant 0 : i32
    %dma_wait3A_126 = tpu.memref_slice %arg8[%dma_wait3A_123, %dma_wait3A_125] : memref<2x80xf32, #tpu.memory_space<vmem>> -> memref<1x80xf32, #tpu.memory_space<vmem>>
    %dma_wait3A_127 = tpu.memref_squeeze %dma_wait3A_126 : memref<1x80xf32, #tpu.memory_space<vmem>> -> memref<80xf32, #tpu.memory_space<vmem>>
    %dma_wait3A_128 = arith.constant 0 : i32
    %dma_wait3A_129 = tpu.memref_slice %arg4[%add3A_122, %dma_wait3A_128] : memref<4000x80xf32, #tpu.memory_space<hbm>> -> memref<1x80xf32, #tpu.memory_space<hbm>>
    %dma_wait3A_130 = tpu.memref_squeeze %dma_wait3A_129 : memref<1x80xf32, #tpu.memory_space<hbm>> -> memref<80xf32, #tpu.memory_space<hbm>>
    %dma_wait3A_131 = tpu.memref_slice %arg11[%dma_wait3A_124] : memref<2x!tpu.dma_semaphore, #tpu.memory_space<semaphore_mem>> -> memref<1x!tpu.dma_semaphore, #tpu.memory_space<semaphore_mem>>
    %dma_wait3A_132 = tpu.memref_squeeze %dma_wait3A_131 : memref<1x!tpu.dma_semaphore, #tpu.memory_space<semaphore_mem>> -> memref<!tpu.dma_semaphore, #tpu.memory_space<semaphore_mem>>
    %dma_wait3A_133 = arith.constant 0 : i32
    %dma_wait3A_134 = tpu.memref_slice %arg4[%add3A_122, %dma_wait3A_133] : memref<4000x80xf32, #tpu.memory_space<hbm>> -> memref<1x80xf32, #tpu.memory_space<hbm>>
    %dma_wait3A_135 = tpu.memref_squeeze %dma_wait3A_134 : memref<1x80xf32, #tpu.memory_space<hbm>> -> memref<80xf32, #tpu.memory_space<hbm>>
    %dma_wait3A_136 = arith.constant 0 : i32
    %dma_wait3A_137 = tpu.memref_slice %arg8[%dma_wait3A_123, %dma_wait3A_136] : memref<2x80xf32, #tpu.memory_space<vmem>> -> memref<1x80xf32, #tpu.memory_space<vmem>>
    %dma_wait3A_138 = tpu.memref_squeeze %dma_wait3A_137 : memref<1x80xf32, #tpu.memory_space<vmem>> -> memref<80xf32, #tpu.memory_space<vmem>>
    tpu.wait_dma2 semaphore(%dma_wait3A_132 : memref<!tpu.dma_semaphore, #tpu.memory_space<semaphore_mem>>) src(%dma_wait3A_138 : memref<80xf32, #tpu.memory_space<vmem>>) dst(%dma_wait3A_135 : memref<80xf32, #tpu.memory_space<hbm>>)
    %mul3A_139 = arith.constant 125 : i32
    %mul3A_140 = arith.muli %add3A, %mul3A_139 : i32
    %add3A_141 = arith.constant 124 : i32
    %add3A_142 = arith.addi %mul3A_140, %add3A_141 : i32
    %dma_wait3A_143 = arith.constant 0 : i32
    %dma_wait3A_144 = arith.constant 0 : i32
    %dma_wait3A_145 = arith.constant 0 : i32
    %dma_wait3A_146 = tpu.memref_slice %arg8[%dma_wait3A_143, %dma_wait3A_145] : memref<2x80xf32, #tpu.memory_space<vmem>> -> memref<1x80xf32, #tpu.memory_space<vmem>>
    %dma_wait3A_147 = tpu.memref_squeeze %dma_wait3A_146 : memref<1x80xf32, #tpu.memory_space<vmem>> -> memref<80xf32, #tpu.memory_space<vmem>>
    %dma_wait3A_148 = arith.constant 0 : i32
    %dma_wait3A_149 = tpu.memref_slice %arg4[%add3A_142, %dma_wait3A_148] : memref<4000x80xf32, #tpu.memory_space<hbm>> -> memref<1x80xf32, #tpu.memory_space<hbm>>
    %dma_wait3A_150 = tpu.memref_squeeze %dma_wait3A_149 : memref<1x80xf32, #tpu.memory_space<hbm>> -> memref<80xf32, #tpu.memory_space<hbm>>
    %dma_wait3A_151 = tpu.memref_slice %arg11[%dma_wait3A_144] : memref<2x!tpu.dma_semaphore, #tpu.memory_space<semaphore_mem>> -> memref<1x!tpu.dma_semaphore, #tpu.memory_space<semaphore_mem>>
    %dma_wait3A_152 = tpu.memref_squeeze %dma_wait3A_151 : memref<1x!tpu.dma_semaphore, #tpu.memory_space<semaphore_mem>> -> memref<!tpu.dma_semaphore, #tpu.memory_space<semaphore_mem>>
    %dma_wait3A_153 = arith.constant 0 : i32
    %dma_wait3A_154 = tpu.memref_slice %arg4[%add3A_142, %dma_wait3A_153] : memref<4000x80xf32, #tpu.memory_space<hbm>> -> memref<1x80xf32, #tpu.memory_space<hbm>>
    %dma_wait3A_155 = tpu.memref_squeeze %dma_wait3A_154 : memref<1x80xf32, #tpu.memory_space<hbm>> -> memref<80xf32, #tpu.memory_space<hbm>>
    %dma_wait3A_156 = arith.constant 0 : i32
    %dma_wait3A_157 = tpu.memref_slice %arg8[%dma_wait3A_143, %dma_wait3A_156] : memref<2x80xf32, #tpu.memory_space<vmem>> -> memref<1x80xf32, #tpu.memory_space<vmem>>
    %dma_wait3A_158 = tpu.memref_squeeze %dma_wait3A_157 : memref<1x80xf32, #tpu.memory_space<vmem>> -> memref<80xf32, #tpu.memory_space<vmem>>
    tpu.wait_dma2 semaphore(%dma_wait3A_152 : memref<!tpu.dma_semaphore, #tpu.memory_space<semaphore_mem>>) src(%dma_wait3A_158 : memref<80xf32, #tpu.memory_space<vmem>>) dst(%dma_wait3A_155 : memref<80xf32, #tpu.memory_space<hbm>>)
    return
  }
}

</mosaic_0001>

<sc_bundles>
// kernel: kernel.3.cloned.1.call-start
scs
__scs_entry_jumppad:
0x0: {  	(pc) =	sbr.rel $0x88, $3  }
0x1: {  	(tag) =	ssettag $0x0;
	lr =	simm.s32 $0x1  }
0x2: {  	[smem:$0x3F9F] =	sst lr;
	_ =	strace $0xD0000000  }
0x3: {  	_ = 	snop  }
0x4: {  	_ = 	snop  }
0x5: {  	_ = 	snop  }
0x6: {  	_ = 	snop  }
0x7: {  	_ = 	snop  }
__scs_overlays_trampoline_lowered:
0x8: {  	[smem:$0x3FAE] =	sst s0  }
0x9: {  	[smem:$0x3FAF] =	sst s1  }
0xa: {  	[smem:$0x3FB0] =	sst s2  }
0xb: {  	[smem:$0x3FB1] =	sst s3  }
0xc: {  	[smem:$0x3FB2] =	sst s4  }
0xd: {  	[smem:$0x3FB3] =	sst s5  }
0xe: {  	[smem:$0x3FB4] =	sst s6  }
0xf: {  	[smem:$0x3FB5] =	sst s7  }
0x10: {  	[smem:$0x3FB6] =	sst s8  }
0x11: {  	[smem:$0x3FB7] =	sst s9;
	s0 =	simm.s32 @!p0 $0x0  }
0x12: {  	s1 =	sld [smem:$0x3F9D];
	s0 =	simm.s32 @p0 $0x1  }
0x13: {  	[smem:$0x3FB8] =	sst s0;
	s0 =	simm.s32 @!p1 $0x0  }
0x14: {  	s2 =	sld [smem:$0x3F9C];
	s0 =	simm.s32 @p1 $0x1  }
0x15: {  	[smem:$0x3FB9] =	sst s0;
	s0 =	simm.s32 @!p2 $0x0  }
0x16: {  	s3 =	sld [smem:$0x3FDB];
	s0 =	simm.s32 @p2 $0x1  }
0x17: {  	s4 =	simm.s32 $0x1BF5;
	[smem:$0x3FBB] =	sst s0  }
0x18: {  	s0 =	sld [smem:$0x3F9E];
	_ =	swait.ge [sflag:s4], $0x0  }
0x19: {  	s7 =	sld [smem:$0x3F9F]  }
0x1a: {  	s8 =	sadd.s32 $0xFFFFE003, lr  }
0x1b: {  	s9 =	sadd.s32 $0xFFFFFEF7, lr;
	s5 =	simm.s32 $0xFFFFFFFF;
	p2 =	slt.u32 s8, $0xFFFFF086  }
0x1c: {  	p1 =	slt.u32 s9, $0xF7A;
	s5 =	simm.s32 @!p2 $0x0  }
0x1d: {  	s5 =	simm.s32 @p1 $0x1;
	p0 =	seq.s32 s7, s2  }
0x1e: {  	s7 =	smul.u32 @!p0 $0xF7A, s2;
	p2 =	seq.s32 @!p0 s5, $0x0  }
0x1f: {  	s9 =	smul.u32 $0xF7A, s1;
	s8 =	simm.s32 @!p0 $0x1BF5;
	p2 =	por !p2, p0  }
0x20: {  	[sflag:s8] =	ssyncset.s32 @!p0 $0xFFFFF086;
	s6 =	sadd.s32 @!p0 s3, s7;
	s7 =	simm.s32 @!p0 $0x108  }
0x21: {  	s3 =	sadd.s32 s3, s9;
	s6 =	sadd.s32 @!p0 $0x88, s6;
	s7 =	simm.s32 @p2 $0x1082  }
0x22: {  	[simem:s7], [sflag:s8] =	dma.local @!p0 [hbm:s6], $0xF7A  }
0x23: {  	s9 =	sor.u32 $0xD0000000, s2;
	s6 =	simm.s32 $0x108;
	_ =	swait.ge @!p0 [sflag:s8], $0x0  }
0x24: {  	s3 =	sadd.s32 $0x88, s3;
	s6 =	simm.s32 @!p1 $0x1082;
	[sflag:s4] =	ssyncset.s32 $0xFFFFF086  }
0x25: {  	[simem:s6], [sflag:s4] =	dma.local [hbm:s3], $0xF7A  }
0x26: {  	[smem:$0x3F9F] =	sst s1;
	(tag) =	ssettag s2;
	_ =	strace s9  }
0x27: {  	s1 =	sld [smem:$0x3FAF]  }
0x28: {  	s2 =	sld [smem:$0x3FB0]  }
0x29: {  	s4 =	sld [smem:$0x3FB2]  }
0x2a: {  	p0 =	seq.s32 s5, $0x0;
	s5 =	sld [smem:$0x3FB3]  }
0x2b: {  	s6 =	sld [smem:$0x3FB4]  }
0x2c: {  	s7 =	sld [smem:$0x3FB5]  }
0x2d: {  	s3 =	simm.s32 $0x108;
	s8 =	sld [smem:$0x3FB6]  }
0x2e: {  	s3 =	simm.s32 @!p0 $0x1082;
	s9 =	sld [smem:$0x3FB7]  }
0x2f: {  	lr =	sadd.s32 s0, s3;
	s0 =	sld [smem:$0x3FAE]  }
0x30: {  	s3 =	sld [smem:$0x3FB1]  }
0x31: {  	[smem:$0x3FBA] =	sst s10  }
0x32: {  	s10 =	sld [smem:$0x3FB8];
	_ =	sdelay $0x3  }
0x33: {  	p0 =	seq.s32 s10, $0x1;
	s10 =	sld [smem:$0x3FBA];
	_ =	sdelay $0x3  }
0x34: {  	[smem:$0x3FBA] =	sst s10  }
0x35: {  	s10 =	sld [smem:$0x3FB9];
	_ =	sdelay $0x3  }
0x36: {  	p1 =	seq.s32 s10, $0x1;
	s10 =	sld [smem:$0x3FBA];
	_ =	sdelay $0x3  }
0x37: {  	[smem:$0x3FBA] =	sst s10  }
0x38: {  	s10 =	sld [smem:$0x3FBB]  }
0x39: {  	_ = 	snop;
	(pc) =	sbr.ind lr, $3  }
0x3a: {  	_ = 	snop  }
0x3b: {  	_ = 	snop  }
0x3c: {  	p2 =	seq.s32 s10, $0x1;
	s10 =	sld [smem:$0x3FBA]  }
0x3d: {  	_ =	shalt  }
0x3e: {  	_ =	shalt  }
0x3f: {  	_ =	shalt  }
0x40: {  	_ =	shalt  }
0x41: {  	_ =	shalt  }
0x42: {  	_ =	shalt  }
0x43: {  	_ =	shalt  }
0x44: {  	_ =	shalt  }
0x45: {  	_ =	shalt  }
0x46: {  	_ =	shalt  }
0x47: {  	_ =	shalt  }
0x48: {  	_ =	shalt  }
0x49: {  	_ =	shalt  }
0x4a: {  	_ =	shalt  }
0x4b: {  	_ =	shalt  }
0x4c: {  	_ =	shalt  }
0x4d: {  	_ =	shalt  }
0x4e: {  	_ =	shalt  }
0x4f: {  	_ =	shalt  }
0x50: {  	_ =	shalt  }
0x51: {  	_ =	shalt  }
0x52: {  	_ =	shalt  }
0x53: {  	_ =	shalt  }
0x54: {  	_ =	shalt  }
0x55: {  	_ =	shalt  }
0x56: {  	_ =	shalt  }
0x57: {  	_ =	shalt  }
0x58: {  	_ =	shalt  }
0x59: {  	_ =	shalt  }
0x5a: {  	_ =	shalt  }
0x5b: {  	_ =	shalt  }
0x5c: {  	_ =	shalt  }
0x5d: {  	_ =	shalt  }
0x5e: {  	_ =	shalt  }
0x5f: {  	_ =	shalt  }
0x60: {  	_ =	shalt  }
0x61: {  	_ =	shalt  }
0x62: {  	_ =	shalt  }
0x63: {  	_ =	shalt  }
0x64: {  	_ =	shalt  }
0x65: {  	_ =	shalt  }
0x66: {  	_ =	shalt  }
0x67: {  	_ =	shalt  }
0x68: {  	_ =	shalt  }
0x69: {  	_ =	shalt  }
0x6a: {  	_ =	shalt  }
0x6b: {  	_ =	shalt  }
0x6c: {  	_ =	shalt  }
0x6d: {  	_ =	shalt  }
0x6e: {  	_ =	shalt  }
0x6f: {  	_ =	shalt  }
0x70: {  	_ =	shalt  }
0x71: {  	_ =	shalt  }
0x72: {  	_ =	shalt  }
0x73: {  	_ =	shalt  }
0x74: {  	_ =	shalt  }
0x75: {  	_ =	shalt  }
0x76: {  	_ =	shalt  }
0x77: {  	_ =	shalt  }
0x78: {  	_ =	shalt  }
0x79: {  	_ =	shalt  }
0x7a: {  	_ =	shalt  }
0x7b: {  	_ =	shalt  }
0x7c: {  	_ =	shalt  }
0x7d: {  	_ =	shalt  }
0x7e: {  	_ =	shalt  }
0x7f: {  	_ =	shalt  }
0x80: {  	_ =	shalt  }
0x81: {  	_ =	shalt  }
0x82: {  	_ =	shalt  }
0x83: {  	_ =	shalt  }
0x84: {  	_ =	shalt  }
0x85: {  	_ =	shalt  }
0x86: {  	_ =	shalt  }
0x87: {  	_ =	shalt  }
.Lfunc_end0:
.L_simem_size_0:
called_computation_lowered:
.L_overlay_start_0:
0x88: {  	s2 =	sld [smem:$0x3FD9]  }
0x89: {  	s3 =	sld [smem:$0x3FFE];
	_ =	sdelay $0x1  }
0x8a: {  	s1 =	srdreg.scid  }
0x8b: {  	s0 =	sand.u32 $0x1, s1  }
0x8c: {  	s16 =	sshll.u32 s0, $0xA;
	s2 =	sadd.s32 s3, s2  }
0x8d: {  	s2 =	sadd.s32 s2, s16  }
0x8e: {  	[smem:$0x3FC6] =	sst s2  }
0x8f: {  	_ = 	snop  }
0x90: {  	(tm) =	ssettm $0x1  }
0x91: {  	s17 =	sld [smem:$0x3FFB];
	_ =	sdelay $0x3  }
0x92: {  	_ =	strace s17  }
0x93: {  	s2 =	sld [smem:$0x3FFC];
	_ =	sdelay $0x3  }
0x94: {  	_ =	strace s2  }
0x95: {  	s2 =	sld [smem:$0x3FFD];
	_ =	sdelay $0x3  }
0x96: {  	_ =	strace s2  }
0x97: {  	_ =	strace $0x8FFFFFFF  }
0x98: {  	s18 =	sld [smem:$0x3FDB];
	_ =	sdelay $0x1  }
0x99: {  	s19 =	simm.s32 $_scs_section_size  }
0x9a: {  	s4 =	simm.s32 $_size__tile_overlayer_lowered;
	s5 =	simm.s32 $_tile_overlayer_lowered  }
0x9b: {  	s22 =	simm.s32 $0x1BFF;
	s21 =	sshll.u32 s5, $0x1;
	s2 =	sadd.s32 s19, s18  }
0x9c: {  	s6 =	simm.s32 $0x0;
	s20 =	sshll.u32 s4, $0x1;
	s4 =	sadd.s32 s21, s2  }
0x9d: {  	[timem:s6], [sflag:s22] =	dma.local [hbm:s4], s20  }
0x9e: {  	_ =	swait.ge [sflag:s22], s20  }
0x9f: {  	s3 =	ssub.s32 $0x0, s20;
	[sflag:s22] =	ssyncset.done $0x0  }
0xa0: {  	[sflag:s22] =	ssyncadd.s32 s3;
	_ =	sdelay $0x1  }
0xa1: {  	s23 =	simm.s32 $0x1B8B  }
0xa2: {  	_ =	swait.ge [sflag:s23], $0x1  }
0xa3: {  	[sflag:s23] =	ssyncset.done $0x0  }
0xa4: {  	s25 =	simm.s32 $0x1B8E;
	s24 =	sld [smem:$0x3FFE];
	[sflag:s23] =	ssyncadd.s32 $0xFFFFFFFF  }
0xa5: {  	s26 =	simm.s32 $execute0_lowered;
	[smem:$0x3FD2] =	sst s25  }
0xa6: {  	s4 =	sshll.u32 s26, $0x1;
	_ =	strace $0x80000046;
	[dreg:$0x1] =	wrdreg $0xFFFFFFFF  }
0xa7: {  	s28 =	simm.s32 $_size_execute0_lowered;
	s2 =	sadd.s32 s2, s4;
	[dreg:$0x0] =	wrdreg $0x0  }
0xa8: {  	s4 =	sshll.u32 s28, $0x1;
	[dreg:$0x2] =	wrdreg s2  }
0xa9: {  	[dreg:$0x3] =	wrdreg s4  }
0xaa: {  	[dreg:$0x4] =	wrdreg $0xC0  }
0xab: {  	_ =	task [dreg:s6], $0x5FFFF  }
0xac: {  	[dreg:$0x1] =	wrdreg $0xFFFFFFFF  }
0xad: {  	[dreg:$0x0] =	wrdreg $0x60  }
0xae: {  	[dreg:$0x2] =	wrdreg s24  }
0xaf: {  	[dreg:$0x3] =	wrdreg $0x9  }
0xb0: {  	_ =	task.clear_ibuf [dreg:s6], $0x4FFFF;
	_ =	strace $0x90000046  }
0xb1: {  	s29 =	simm.s32 $0x9;
	_ =	strace $0x80000048  }
0xb2: {  	_ =	swait.ge [sflag:s29], $0x1  }
0xb3: {  	[sflag:s29] =	ssyncadd.s32 $0xFFFFFFFF  }
0xb4: {  	_ =	strace $0x90000048  }
0xb5: {  	_ =	sfence  }
0xb6: {  	s30 =	sld [smem:$0x0];
	_ =	sdelay $0x2  }
0xb7: {  	s31 =	sshll.u32 s1, $0xD;
	s1 =	sshrl.u32 s1, $0x2  }
0xb8: {  	s3 =	sand.u32 $0x4000, s31;
	s1 =	sadd.s32 s1, s30  }
0xb9: {  	s0 =	sor.u32 s3, s0;
	s1 =	sshll.u32 s1, $0x11  }
0xba: {  	s0 =	sor.u32 s1, s0  }
0xbb: {  	s0 =	sadd.s32 $0x8F2B, s0  }
0xbc: {  	[sflag:s0] =	ssyncadd.remote.s32 $0x1  }
0xbd: {  	_ =	sfence.sel $0xFFFF  }
0xbe: {  	[dreg:$0x0] =	wrdreg $0xFFFFFFFF;
	(pc) =	sbr.abs _section_cstart, $3  }
0xbf: {  	[dreg:$0x1] =	wrdreg $0xFFFFFFFF  }
0xc0: {  	_ =	task.clear_ibuf [dreg:s6], $0x2FFFF;
	_ =	strace $0x9FFFFFFF  }
0xc1: {  	(tm) =	ssettm $0x7FFFFFFF  }
tec
execute0_lowered:
.L_overlay_start_1:
0x0: {  	(tag) =	ssettag $0x1  }
0x1: {  	v0 =	vimm.s32 $0xBCAB9A89;
	v1 =	vimm.s32 $0xF0EFDECD;
	vm0 =	vcmask $0x1F10  }
0x2: {  	v2 =	vimm.s32 $0x78675645;
	v3 =	vimm.s32 $0xBDAC9B8A;
	v4 =	vimm.s32 $0xF1E0DFCE  }
0x3: {  	v5 =	vimm.s32 $0x35241302;
	v6 =	vimm.s32 $0x79685746;
	v7 =	vimm.s32 $0xBEAD9C8B  }
0x4: {  	v8 =	vimm.s32 $0xF2E1D0CF;
	v9 =	vimm.s32 $0x39281706;
	v10 =	vimm.s32 $0x7D6C5B4A  }
0x5: {  	v11 =	vimm.s32 $0xB2A1908F;
	v12 =	vimm.s32 $0xF6E5D4C3;
	v13 =	vimm.s32 $0x3D2C1B0A  }
0x6: {  	v14 =	vimm.s32 $0x71605F4E;
	v15 =	vimm.s32 $0xB6A59483;
	v16 =	vimm.s32 $0xFAE9D8C7  }
0x7: {  	v17 =	vimm.s32 $0x75645342;
	v18 =	vimm.s32 $0xBAA99887;
	v19 =	vimm.s32 $0xFEEDDCCB  }
0x8: {  	v20 =	vimm.s32 $0x3221100F;
	v21 =	vimm.s32 $0x76655443;
	v0 =	vunpack.c.0.s8.s32 v0  }
0x9: {  	v1 =	vunpack.c.0.s8.s32 v1;
	v2 =	vunpack.c.0.s8.s32 v2;
	v3 =	vunpack.c.0.s8.s32 v3  }
0xa: {  	v4 =	vunpack.c.0.s8.s32 v4;
	v5 =	vunpack.c.0.s8.s32 v5;
	v6 =	vunpack.c.0.s8.s32 v6  }
0xb: {  	v7 =	vunpack.c.0.s8.s32 v7;
	v8 =	vunpack.c.0.s8.s32 v8;
	v9 =	vunpack.c.0.s8.s32 v9  }
0xc: {  	v10 =	vunpack.c.0.s8.s32 v10;
	v11 =	vunpack.c.0.s8.s32 v11;
	v12 =	vunpack.c.0.s8.s32 v12  }
0xd: {  	v13 =	vunpack.c.0.s8.s32 v13;
	v0 =	vsel vm0, v1, v0;
	v1 =	vimm.s32 $0x34231201  }
0xe: {  	v14 =	vunpack.c.0.s8.s32 v14;
	v17 =	vunpack.c.0.s8.s32 v17;
	v1 =	vunpack.c.0.s8.s32 v1  }
0xf: {  	v18 =	vunpack.c.0.s8.s32 v18;
	v19 =	vunpack.c.0.s8.s32 v19;
	v20 =	vunpack.c.0.s8.s32 v20  }
0x10: {  	v21 =	vunpack.c.0.s8.s32 v21;
	v1 =	vsel vm0, v2, v1;
	v2 =	vsel vm0, v6, v5  }
0x11: {  	v5 =	vimm.s32 $0xBFAE9D8C;
	v6 =	vimm.s32 $0xF3E2D1C0;
	v1 =	vcombine.low v1, v0  }
0x12: {  	v0 =	vsel vm0, v4, v3;
	v3 =	vimm.s32 $0x36251403;
	v4 =	vimm.s32 $0x7A695847  }
0x13: {  	v5 =	vunpack.c.0.s8.s32 v5;
	v6 =	vunpack.c.0.s8.s32 v6;
	v2 =	vcombine.low v2, v0  }
0x14: {  	v0 =	vsel vm0, v8, v7;
	v3 =	vunpack.c.0.s8.s32 v3;
	v4 =	vunpack.c.0.s8.s32 v4  }
0x15: {  	v7 =	vimm.s32 $0x37261504;
	v8 =	vimm.s32 $0x7B6A5948;
	v5 =	vsel vm0, v6, v5  }
0x16: {  	v3 =	vsel vm0, v4, v3;
	v4 =	vunpack.c.0.s8.s32 v7;
	v7 =	vunpack.c.0.s8.s32 v8  }
0x17: {  	v6 =	vimm.s32 $0xB0AF9E8D;
	v1 =	vand.u32 $0xFF, v1;
	v8 =	vimm.s32 $0xF4E3D2C1  }
0x18: {  	v6 =	vunpack.c.0.s8.s32 v6;
	v4 =	vsel vm0, v7, v4;
	v7 =	vunpack.c.0.s8.s32 v8  }
0x19: {  	v2 =	vand.u32 $0xFF, v2;
	v3 =	vcombine.low v3, v0;
	v4 =	vcombine.low v4, v5  }
0x1a: {  	v5 =	vimm.s32 $0x38271605;
	v0 =	vsel vm0, v7, v6;
	v6 =	vimm.s32 $0x7C6B5A49  }
0x1b: {  	v8 =	vimm.s32 $0xF5E4D3C2;
	v5 =	vunpack.c.0.s8.s32 v5;
	v6 =	vunpack.c.0.s8.s32 v6  }
0x1c: {  	v8 =	vunpack.c.0.s8.s32 v8;
	v3 =	vand.u32 $0xFF, v3;
	v7 =	vimm.s32 $0xB1A09F8E  }
0x1d: {  	v7 =	vunpack.c.0.s8.s32 v7;
	v4 =	vand.u32 $0xFF, v4;
	v5 =	vsel vm0, v6, v5  }
0x1e: {  	v6 =	vsel vm0, v10, v9;
	v9 =	vimm.s32 $0xB3A29180;
	v10 =	vimm.s32 $0xF7E6D5C4  }
0x1f: {  	v5 =	vcombine.low v5, v0;
	v0 =	vsel vm0, v8, v7;
	v7 =	vimm.s32 $0x3A291807  }
0x20: {  	v8 =	vimm.s32 $0x7E6D5C4B;
	v9 =	vunpack.c.0.s8.s32 v9;
	v10 =	vunpack.c.0.s8.s32 v10  }
0x21: {  	v6 =	vcombine.low v6, v0;
	v7 =	vunpack.c.0.s8.s32 v7;
	v8 =	vunpack.c.0.s8.s32 v8  }
0x22: {  	v0 =	vsel vm0, v12, v11;
	v11 =	vimm.s32 $0x3B2A1908;
	v12 =	vimm.s32 $0x7F6E5D4C  }
0x23: {  	v7 =	vsel vm0, v8, v7;
	v8 =	vunpack.c.0.s8.s32 v11;
	v11 =	vunpack.c.0.s8.s32 v12  }
0x24: {  	v9 =	vsel vm0, v10, v9;
	v10 =	vimm.s32 $0xB4A39281;
	v12 =	vimm.s32 $0xF8E7D6C5  }
0x25: {  	v10 =	vunpack.c.0.s8.s32 v10;
	v8 =	vsel vm0, v11, v8;
	v11 =	vunpack.c.0.s8.s32 v12  }
0x26: {  	v7 =	vcombine.low v7, v0;
	v12 =	vimm.s32 $0xF9E8D7C6;
	v8 =	vcombine.low v8, v9  }
0x27: {  	v9 =	vimm.s32 $0x3C2B1A09;
	v0 =	vsel vm0, v11, v10;
	v10 =	vimm.s32 $0x706F5E4D  }
0x28: {  	v9 =	vunpack.c.0.s8.s32 v9;
	v11 =	vimm.s32 $0xB5A49382;
	v10 =	vunpack.c.0.s8.s32 v10  }
0x29: {  	v5 =	vand.u32 $0xFF, v5;
	v12 =	vunpack.c.0.s8.s32 v12;
	v11 =	vunpack.c.0.s8.s32 v11  }
0x2a: {  	v9 =	vsel vm0, v10, v9;
	v10 =	vunpack.c.0.s8.s32 v15;
	v15 =	vunpack.c.0.s8.s32 v16  }
0x2b: {  	v16 =	vimm.s32 $0x73625140;
	v9 =	vcombine.low v9, v0;
	v0 =	vsel vm0, v12, v11  }
0x2c: {  	v11 =	vsel vm0, v14, v13;
	v12 =	vimm.s32 $0x7261504F;
	v13 =	vimm.s32 $0xB7A69584  }
0x2d: {  	v11 =	vcombine.low v11, v0;
	v0 =	vsel vm0, v15, v10;
	v10 =	vimm.s32 $0x3E2D1C0B  }
0x2e: {  	v14 =	vimm.s32 $0xFBEAD9C8;
	v12 =	vunpack.c.0.s8.s32 v12;
	v10 =	vunpack.c.0.s8.s32 v10  }
0x2f: {  	v13 =	vunpack.c.0.s8.s32 v13;
	v14 =	vunpack.c.0.s8.s32 v14;
	v15 =	vimm.s32 $0x3F2E1D0C  }
0x30: {  	v10 =	vsel vm0, v12, v10;
	v12 =	vunpack.c.0.s8.s32 v15;
	v15 =	vunpack.c.0.s8.s32 v16  }
0x31: {  	s4 =	rddreg [dreg:$0x0];
	s1 =	simm.s32 $0x0;
	s2 =	srdreg.scid;
	v16 =	vcombine.low v10, v0;
	v0 =	vsel vm0, v14, v13;
	v10 =	vimm.s32 $0xB8A79685  }
0x32: {  	s0 =	stileid.u32;
	s11 =	simm.s32 $0x2710;
	s12 =	simm.s32 $0x50;
	v13 =	vimm.s32 $0xFCEBDAC9;
	v14 =	vimm.s32 $0x302F1E0D;
	v12 =	vsel vm0, v15, v12  }
0x33: {  	s13 =	simm.s32 $0x4E20;
	s14 =	simm.s32 $0x7620;
	s15 =	simm.s32 $0x6220;
	v10 =	vunpack.c.0.s8.s32 v10;
	v13 =	vunpack.c.0.s8.s32 v13;
	v15 =	vimm.s32 $0x74635241  }
0x34: {  	s16 =	simm.s32 $0x8A20;
	s17 =	simm.s32 $0x1;
	s18 =	simm.s32 $0x9EC0;
	v12 =	vcombine.low v12, v0;
	v0 =	vunpack.c.0.s8.s32 v14;
	v14 =	vunpack.c.0.s8.s32 v15  }
0x35: {  	s19 =	simm.s32 $0x9E20;
	s20 =	simm.s32 $0x2;
	s21 =	simm.s32 $0x9E70;
	v6 =	vand.u32 $0xFF, v6;
	v7 =	vand.u32 $0xFF, v7;
	v15 =	vimm.s32 $0xFDECDBCA  }
0x36: {  	s22 =	simm.s32 $0x3;
	s3 =	sand.u32 $0x1, s2;
	s5 =	sshll.u32 s0, $0x1;
	v10 =	vsel vm0, v13, v10;
	v13 =	vimm.s32 $0xB9A89786;
	v0 =	vsel vm0, v14, v0  }
0x37: {  	s23 =	simm.s32 $0x4;
	[smem:$0x7FF] =	sst s1;
	s7 =	sor.u32 s3, s5;
	v13 =	vunpack.c.0.s8.s32 v13;
	v14 =	vunpack.c.0.s8.s32 v15;
	v15 =	vimm.s32 $0x31201F0E  }
0x38: {  	s24 =	simm.s32 $0x0;
	s2 =	rddreg [dreg:$0x1];
	s5 =	smul.u32 $0x2710, s7;
	v8 =	vand.u32 $0xFF, v8;
	v9 =	vand.u32 $0xFF, v9;
	v15 =	vunpack.c.0.s8.s32 v15  }
0x39: {  	_ =	strace $0x80000047;
	s6 =	ssub.s32 $0x2, s3;
	s3 =	sadd.s32 $0x200, s4;
	v12 =	vand.u32 $0xFF, v12;
	v22 =	vcombine.low v0, v10;
	v10 =	vsel vm0, v14, v13  }
0x3a: {  	s31 =	sshrl.u32 s6, $0x1;
	s7 =	smul.u32 $0x7D, s7;
	s8 =	sshrl.u32 s5, $0x3;
	v14 =	vsel vm0, v19, v18;
	v13 =	vsel vm0, v17, v15;
	v15 =	vsel vm0, v21, v20  }
0x3b: {  	s10 =	ssub.s32 s6, s31;
	s9 =	sadd.s32 s8, s4;
	s4 =	sadd.s32 $0x27600, s4;
	v0 =	vlaneseq.u32;
	v17 =	vcombine.low v13, v10;
	v15 =	vcombine.low v15, v14  }
0x3c: {  	s5 =	sadd.s32 $0x13C00, s9;
	s6 =	sadd.s32 $0x1D840, s9;
	s8 =	sadd.s32 s4, s8;
	v0 =	vmul.u32 $0x11, v0;
	v10 =	vand.u32 $0xFF, v11;
	v11 =	vand.u32 $0xFF, v16  }
0x3d: {  	s9 =	smax.u32 s10, $0x1;
	s10 =	simm.s32 $0x5;
	s8 =	sadd.s32 $0x4D8, s8;
	v13 =	vand.u32 $0xFF, v22;
	v14 =	vand.u32 $0xFF, v17;
	v15 =	vand.u32 $0xFF, v15  }
.LBB2_1:
0x3e: {  	[tilespmem:s1], [sflag:$0x5] =	stream.linear.gather [hbm4b:s5+s1], $0x2710, $0x38;
	[tilespmem:$0x9FC0] =	vst v63  }
0x3f: {  	_ =	swait.ge [sflag:s10], $0x2710  }
0x40: {  	[sflag:s10] =	ssyncset.done $0x0  }
0x41: {  	[sflag:s10] =	ssyncadd.s32 $0xFFFFD8F0  }
0x42: {  	[tilespmem:s11], [sflag:$0x5] =	stream.linear.gather [hbm4b:s6+s1], $0x2710, $0x38;
	[tilespmem:$0x9FC0] =	vst v63  }
0x43: {  	_ =	swait.ge [sflag:s10], $0x2710  }
0x44: {  	[sflag:s10] =	ssyncset.done $0x0  }
0x45: {  	[sflag:s10] =	ssyncadd.s32 $0xFFFFD8F0  }
0x46: {  	[tilespmem:s13], [sflag:$0x1] =	stream.indirect.gather [hbm4b:s3+s12], $0x40, s1, s12, $0xb8;
	[tilespmem:$0x9FC0] =	vst v63  }
0x47: {  	s25 =	simm.s32 $0x0  }
0x48: {  	[tilespmem:s14], [sflag:$0x1] =	stream.indirect.gather [hbm4b:s3+s12], $0x40, s11, s12, $0xb8;
	[tilespmem:$0x9FC0] =	vst v63  }
.LBB2_2:
0x49: {  	s26 =	sshllo.u32 s25, $0x1  }
0x4a: {  	s28 =	smul.u32 $0x140, s26;
	_ =	sdelay $0x1  }
0x4b: {  	s28 =	sshra.s32 s28, $0x2  }
0x4c: {  	[tilespmem:s15], [sflag:$0x2] =	stream.indirect.gather [hbm4b:s3+s12], $0x40, s28, s12, $0xb8;
	[tilespmem:$0x9FC0] =	vst v63  }
0x4d: {  	s28 =	sadd.s32 $0x2710, s28  }
0x4e: {  	[tilespmem:s16], [sflag:$0x2] =	stream.indirect.gather [hbm4b:s3+s12], $0x40, s28, s12, $0xb8;
	[tilespmem:$0x9FC0] =	vst v63  }
0x4f: {  	_ =	swait.ge [sflag:s17], $0x1400  }
0x50: {  	[sflag:s17] =	ssyncset.done $0x0  }
0x51: {  	[sflag:s17] =	ssyncadd.s32 $0xFFFFEC00  }
0x52: {  	_ =	swait.ge [sflag:s17], $0x1400  }
0x53: {  	p0 =	seq.s32 s25, $0x0;
	[sflag:s17] =	ssyncset.done $0x0  }
0x54: {  	s29 =	simm.s32 @!p0 $0x3;
	[sflag:s17] =	ssyncadd.s32 $0xFFFFEC00  }
0x55: {  	_ =	swait.ge @!p0 [sflag:s29], $0x50  }
0x56: {  	s30 =	simm.s32 $0x9E20;
	[sflag:s29] =	ssyncset.done @!p0 $0x0  }
0x57: {  	s28 =	sshll.u32 s25, $0x1;
	[sflag:s29] =	ssyncadd.s32 @!p0 $0xFFFFFFB0;
	s29 =	simm.s32 $0xFC0  }
.LBB2_3:
0x58: {  	s31 =	sshra.s32 s29, $0x2  }
0x59: {  	v16 =	vld [tilespmem:s31+$0x4A30]  }
0x5a: {  	v17 =	vld [tilespmem:s31+$0x7230]  }
0x5b: {  	v18 =	vld [tilespmem:s31+$0x4A40]  }
0x5c: {  	v19 =	vld [tilespmem:s31+$0x7240]  }
0x5d: {  	v20 =	vld [tilespmem:s31+$0x4A50]  }
0x5e: {  	v21 =	vld [tilespmem:s31+$0x7250]  }
0x5f: {  	v22 =	vld [tilespmem:s31+$0x4A60]  }
0x60: {  	v23 =	vld [tilespmem:s31+$0x7260];
	_ =	sdelay $0x3  }
0x61: {  	v16 =	vmul.bf16 v17, v16;
	v17 =	vmul.bf16 v19, v18  }
0x62: {  	v41 =	vmul.bf16 v21, v20;
	v42 =	vmul.bf16 v23, v22  }
0x63: {  	v16 =	vadd.bf16 v17, v16  }
0x64: {  	v17 =	vadd.bf16 v42, v41  }
0x65: {  	v43 =	vunpack.i.u.bf16.f32 v16  }
0x66: {  	v16 =	vunpack.i.l.bf16.f32 v16;
	v19 =	vunpack.i.u.bf16.f32 v17;
	v17 =	vunpack.i.l.bf16.f32 v17  }
0x67: {  	v16 =	vadd.f32 v16, v43;
	v17 =	vadd.f32 v17, v19;
	_ =	sdelay $0x1  }
0x68: {  	v16 =	vadd.f32 v17, v16;
	_ =	sdelay $0x1  }
0x69: {  	[tilespmem:$0x9EC0] =	vst v16  }
0x6a: {  	v16 =	vld [tilespmem:s31+$0x4A70]  }
0x6b: {  	v17 =	vld [tilespmem:s31+$0x7270]  }
0x6c: {  	v44 =	vld [tilespmem:s31+$0x4A80]  }
0x6d: {  	v45 =	vld [tilespmem:s31+$0x7280]  }
0x6e: {  	v46 =	vld [tilespmem:s31+$0x4A90]  }
0x6f: {  	v47 =	vld [tilespmem:s31+$0x7290]  }
0x70: {  	v48 =	vld [tilespmem:s31+$0x4AA0]  }
0x71: {  	v49 =	vld [tilespmem:s31+$0x72A0];
	_ =	sdelay $0x3  }
0x72: {  	v16 =	vmul.bf16 v17, v16;
	v17 =	vmul.bf16 v45, v44  }
0x73: {  	v50 =	vmul.bf16 v47, v46;
	v51 =	vmul.bf16 v49, v48  }
0x74: {  	v16 =	vadd.bf16 v17, v16  }
0x75: {  	v17 =	vadd.bf16 v51, v50  }
0x76: {  	v52 =	vunpack.i.u.bf16.f32 v16  }
0x77: {  	v16 =	vunpack.i.l.bf16.f32 v16;
	v19 =	vunpack.i.u.bf16.f32 v17;
	v17 =	vunpack.i.l.bf16.f32 v17  }
0x78: {  	v16 =	vadd.f32 v16, v52;
	v17 =	vadd.f32 v17, v19;
	_ =	sdelay $0x1  }
0x79: {  	v16 =	vadd.f32 v17, v16;
	_ =	sdelay $0x1  }
0x7a: {  	[tilespmem:$0x9ED0] =	vst v16  }
0x7b: {  	v16 =	vld [tilespmem:s31+$0x4AB0]  }
0x7c: {  	v17 =	vld [tilespmem:s31+$0x72B0]  }
0x7d: {  	v53 =	vld [tilespmem:s31+$0x4AC0]  }
0x7e: {  	v54 =	vld [tilespmem:s31+$0x72C0]  }
0x7f: {  	v55 =	vld [tilespmem:s31+$0x4AD0]  }
0x80: {  	v56 =	vld [tilespmem:s31+$0x72D0]  }
0x81: {  	v57 =	vld [tilespmem:s31+$0x4AE0]  }
0x82: {  	v58 =	vld [tilespmem:s31+$0x72E0];
	_ =	sdelay $0x3  }
0x83: {  	v16 =	vmul.bf16 v17, v16;
	v17 =	vmul.bf16 v54, v53  }
0x84: {  	v59 =	vmul.bf16 v56, v55;
	v60 =	vmul.bf16 v58, v57  }
0x85: {  	v16 =	vadd.bf16 v17, v16  }
0x86: {  	v17 =	vadd.bf16 v60, v59  }
0x87: {  	v61 =	vunpack.i.u.bf16.f32 v16  }
0x88: {  	v16 =	vunpack.i.l.bf16.f32 v16;
	v19 =	vunpack.i.u.bf16.f32 v17;
	v17 =	vunpack.i.l.bf16.f32 v17  }
0x89: {  	v16 =	vadd.f32 v16, v61;
	v17 =	vadd.f32 v17, v19;
	_ =	sdelay $0x1  }
0x8a: {  	v16 =	vadd.f32 v17, v16;
	_ =	sdelay $0x1  }
0x8b: {  	[tilespmem:$0x9EE0] =	vst v16  }
0x8c: {  	v16 =	vld [tilespmem:s31+$0x4AF0]  }
0x8d: {  	v17 =	vld [tilespmem:s31+$0x72F0]  }
0x8e: {  	v62 =	vld [tilespmem:s31+$0x4B00]  }
0x8f: {  	v63 =	vld [tilespmem:s31+$0x7300]  }
0x90: {  	v24 =	vld [tilespmem:s31+$0x4B10]  }
0x91: {  	v25 =	vld [tilespmem:s31+$0x7310]  }
0x92: {  	v26 =	vld [tilespmem:s31+$0x4B20]  }
0x93: {  	v27 =	vld [tilespmem:s31+$0x7320];
	_ =	sdelay $0x3  }
0x94: {  	v16 =	vmul.bf16 v17, v16;
	v17 =	vmul.bf16 v63, v62  }
0x95: {  	v28 =	vmul.bf16 v25, v24;
	v29 =	vmul.bf16 v27, v26  }
0x96: {  	v16 =	vadd.bf16 v17, v16  }
0x97: {  	v17 =	vadd.bf16 v29, v28  }
0x98: {  	v30 =	vunpack.i.u.bf16.f32 v16  }
0x99: {  	v16 =	vunpack.i.l.bf16.f32 v16;
	v19 =	vunpack.i.u.bf16.f32 v17;
	v17 =	vunpack.i.l.bf16.f32 v17  }
0x9a: {  	v16 =	vadd.f32 v16, v30;
	v17 =	vadd.f32 v17, v19;
	_ =	sdelay $0x1  }
0x9b: {  	v16 =	vadd.f32 v17, v16;
	_ =	sdelay $0x1  }
0x9c: {  	[tilespmem:$0x9EF0] =	vst v16  }
0x9d: {  	v16 =	vld [tilespmem:s31+$0x4B30]  }
0x9e: {  	v17 =	vld [tilespmem:s31+$0x7330]  }
0x9f: {  	v31 =	vld [tilespmem:s31+$0x4B40]  }
0xa0: {  	v32 =	vld [tilespmem:s31+$0x7340]  }
0xa1: {  	v33 =	vld [tilespmem:s31+$0x4B50]  }
0xa2: {  	v34 =	vld [tilespmem:s31+$0x7350]  }
0xa3: {  	v35 =	vld [tilespmem:s31+$0x4B60]  }
0xa4: {  	v36 =	vld [tilespmem:s31+$0x7360];
	_ =	sdelay $0x3  }
0xa5: {  	v16 =	vmul.bf16 v17, v16;
	v17 =	vmul.bf16 v32, v31  }
0xa6: {  	v37 =	vmul.bf16 v34, v33;
	v38 =	vmul.bf16 v36, v35  }
0xa7: {  	v16 =	vadd.bf16 v17, v16  }
0xa8: {  	v17 =	vadd.bf16 v38, v37  }
0xa9: {  	v39 =	vunpack.i.u.bf16.f32 v16  }
0xaa: {  	v16 =	vunpack.i.l.bf16.f32 v16;
	v19 =	vunpack.i.u.bf16.f32 v17;
	v17 =	vunpack.i.l.bf16.f32 v17  }
0xab: {  	v16 =	vadd.f32 v16, v39;
	v17 =	vadd.f32 v17, v19;
	_ =	sdelay $0x1  }
0xac: {  	v16 =	vadd.f32 v17, v16;
	_ =	sdelay $0x1  }
0xad: {  	[tilespmem:$0x9F00] =	vst v16  }
0xae: {  	v16 =	vld [tilespmem:s31+$0x4B70]  }
0xaf: {  	v17 =	vld [tilespmem:s31+$0x7370]  }
0xb0: {  	v40 =	vld [tilespmem:s31+$0x4B80]  }
0xb1: {  	v41 =	vld [tilespmem:s31+$0x7380]  }
0xb2: {  	v42 =	vld [tilespmem:s31+$0x4B90]  }
0xb3: {  	v43 =	vld [tilespmem:s31+$0x7390]  }
0xb4: {  	v44 =	vld [tilespmem:s31+$0x4BA0]  }
0xb5: {  	v45 =	vld [tilespmem:s31+$0x73A0];
	_ =	sdelay $0x3  }
0xb6: {  	v16 =	vmul.bf16 v17, v16;
	v17 =	vmul.bf16 v41, v40  }
0xb7: {  	v46 =	vmul.bf16 v43, v42;
	v47 =	vmul.bf16 v45, v44  }
0xb8: {  	v16 =	vadd.bf16 v17, v16  }
0xb9: {  	v17 =	vadd.bf16 v47, v46  }
0xba: {  	v48 =	vunpack.i.u.bf16.f32 v16  }
0xbb: {  	v16 =	vunpack.i.l.bf16.f32 v16;
	v19 =	vunpack.i.u.bf16.f32 v17;
	v17 =	vunpack.i.l.bf16.f32 v17  }
0xbc: {  	v16 =	vadd.f32 v16, v48;
	v17 =	vadd.f32 v17, v19;
	_ =	sdelay $0x1  }
0xbd: {  	v16 =	vadd.f32 v17, v16;
	_ =	sdelay $0x1  }
0xbe: {  	[tilespmem:$0x9F10] =	vst v16  }
0xbf: {  	v16 =	vld [tilespmem:s31+$0x4BB0]  }
0xc0: {  	v17 =	vld [tilespmem:s31+$0x73B0]  }
0xc1: {  	v49 =	vld [tilespmem:s31+$0x4BC0]  }
0xc2: {  	v50 =	vld [tilespmem:s31+$0x73C0]  }
0xc3: {  	v51 =	vld [tilespmem:s31+$0x4BD0]  }
0xc4: {  	v52 =	vld [tilespmem:s31+$0x73D0]  }
0xc5: {  	v53 =	vld [tilespmem:s31+$0x4BE0]  }
0xc6: {  	v54 =	vld [tilespmem:s31+$0x73E0];
	_ =	sdelay $0x3  }
0xc7: {  	v16 =	vmul.bf16 v17, v16;
	v17 =	vmul.bf16 v50, v49  }
0xc8: {  	v55 =	vmul.bf16 v52, v51;
	v56 =	vmul.bf16 v54, v53  }
0xc9: {  	v16 =	vadd.bf16 v17, v16  }
0xca: {  	v17 =	vadd.bf16 v56, v55  }
0xcb: {  	v57 =	vunpack.i.u.bf16.f32 v16  }
0xcc: {  	v16 =	vunpack.i.l.bf16.f32 v16;
	v19 =	vunpack.i.u.bf16.f32 v17;
	v17 =	vunpack.i.l.bf16.f32 v17  }
0xcd: {  	v16 =	vadd.f32 v16, v57;
	v17 =	vadd.f32 v17, v19;
	_ =	sdelay $0x1  }
0xce: {  	v16 =	vadd.f32 v17, v16;
	_ =	sdelay $0x1  }
0xcf: {  	[tilespmem:$0x9F20] =	vst v16  }
0xd0: {  	v16 =	vld [tilespmem:s31+$0x4BF0]  }
0xd1: {  	v17 =	vld [tilespmem:s31+$0x73F0]  }
0xd2: {  	v58 =	vld [tilespmem:s31+$0x4C00]  }
0xd3: {  	v59 =	vld [tilespmem:s31+$0x7400]  }
0xd4: {  	v60 =	vld [tilespmem:s31+$0x4C10]  }
0xd5: {  	v61 =	vld [tilespmem:s31+$0x7410]  }
0xd6: {  	v62 =	vld [tilespmem:s31+$0x4C20]  }
0xd7: {  	v63 =	vld [tilespmem:s31+$0x7420];
	_ =	sdelay $0x3  }
0xd8: {  	v16 =	vmul.bf16 v17, v16;
	v17 =	vmul.bf16 v59, v58  }
0xd9: {  	v21 =	vmul.bf16 v61, v60;
	v23 =	vmul.bf16 v63, v62  }
0xda: {  	v16 =	vadd.bf16 v17, v16  }
0xdb: {  	v17 =	vadd.bf16 v23, v21  }
0xdc: {  	v24 =	vunpack.i.u.bf16.f32 v16  }
0xdd: {  	v16 =	vunpack.i.l.bf16.f32 v16;
	v19 =	vunpack.i.u.bf16.f32 v17;
	v17 =	vunpack.i.l.bf16.f32 v17  }
0xde: {  	v16 =	vadd.f32 v16, v24;
	v17 =	vadd.f32 v17, v19;
	_ =	sdelay $0x1  }
0xdf: {  	v16 =	vadd.f32 v17, v16;
	_ =	sdelay $0x1  }
0xe0: {  	[tilespmem:$0x9F30] =	vst v16  }
0xe1: {  	v16 =	vld [tilespmem:s31+$0x4C30]  }
0xe2: {  	v17 =	vld [tilespmem:s31+$0x7430]  }
0xe3: {  	v25 =	vld [tilespmem:s31+$0x4C40]  }
0xe4: {  	v26 =	vld [tilespmem:s31+$0x7440]  }
0xe5: {  	v27 =	vld [tilespmem:s31+$0x4C50]  }
0xe6: {  	v28 =	vld [tilespmem:s31+$0x7450]  }
0xe7: {  	v29 =	vld [tilespmem:s31+$0x4C60]  }
0xe8: {  	v30 =	vld [tilespmem:s31+$0x7460];
	_ =	sdelay $0x3  }
0xe9: {  	v16 =	vmul.bf16 v17, v16;
	v17 =	vmul.bf16 v26, v25  }
0xea: {  	v31 =	vmul.bf16 v28, v27;
	v32 =	vmul.bf16 v30, v29  }
0xeb: {  	v16 =	vadd.bf16 v17, v16  }
0xec: {  	v17 =	vadd.bf16 v32, v31  }
0xed: {  	v33 =	vunpack.i.u.bf16.f32 v16  }
0xee: {  	v16 =	vunpack.i.l.bf16.f32 v16;
	v19 =	vunpack.i.u.bf16.f32 v17;
	v17 =	vunpack.i.l.bf16.f32 v17  }
0xef: {  	v16 =	vadd.f32 v16, v33;
	v17 =	vadd.f32 v17, v19;
	_ =	sdelay $0x1  }
0xf0: {  	v16 =	vadd.f32 v17, v16;
	_ =	sdelay $0x1  }
0xf1: {  	[tilespmem:$0x9F40] =	vst v16  }
0xf2: {  	v16 =	vld [tilespmem:s31+$0x4C70]  }
0xf3: {  	v17 =	vld [tilespmem:s31+$0x7470]  }
0xf4: {  	v34 =	vld [tilespmem:s31+$0x4C80]  }
0xf5: {  	v35 =	vld [tilespmem:s31+$0x7480]  }
0xf6: {  	v36 =	vld [tilespmem:s31+$0x4C90]  }
0xf7: {  	v37 =	vld [tilespmem:s31+$0x7490]  }
0xf8: {  	v38 =	vld [tilespmem:s31+$0x4CA0]  }
0xf9: {  	v39 =	vld [tilespmem:s31+$0x74A0];
	_ =	sdelay $0x3  }
0xfa: {  	v16 =	vmul.bf16 v17, v16;
	v17 =	vmul.bf16 v35, v34  }
0xfb: {  	v40 =	vmul.bf16 v37, v36;
	v41 =	vmul.bf16 v39, v38  }
0xfc: {  	v16 =	vadd.bf16 v17, v16  }
0xfd: {  	v17 =	vadd.bf16 v41, v40  }
0xfe: {  	v42 =	vunpack.i.u.bf16.f32 v16  }
0xff: {  	v16 =	vunpack.i.l.bf16.f32 v16;
	v19 =	vunpack.i.u.bf16.f32 v17;
	v17 =	vunpack.i.l.bf16.f32 v17  }
0x100: {  	v16 =	vadd.f32 v16, v42;
	v17 =	vadd.f32 v17, v19;
	_ =	sdelay $0x1  }
0x101: {  	v16 =	vadd.f32 v17, v16;
	_ =	sdelay $0x1  }
0x102: {  	[tilespmem:$0x9F50] =	vst v16  }
0x103: {  	v16 =	vld [tilespmem:s31+$0x4CB0]  }
0x104: {  	v17 =	vld [tilespmem:s31+$0x74B0]  }
0x105: {  	v43 =	vld [tilespmem:s31+$0x4CC0]  }
0x106: {  	v44 =	vld [tilespmem:s31+$0x74C0]  }
0x107: {  	v45 =	vld [tilespmem:s31+$0x4CD0]  }
0x108: {  	v46 =	vld [tilespmem:s31+$0x74D0]  }
0x109: {  	v47 =	vld [tilespmem:s31+$0x4CE0]  }
0x10a: {  	v48 =	vld [tilespmem:s31+$0x74E0];
	_ =	sdelay $0x3  }
0x10b: {  	v16 =	vmul.bf16 v17, v16;
	v17 =	vmul.bf16 v44, v43  }
0x10c: {  	v49 =	vmul.bf16 v46, v45;
	v50 =	vmul.bf16 v48, v47  }
0x10d: {  	v16 =	vadd.bf16 v17, v16  }
0x10e: {  	v17 =	vadd.bf16 v50, v49  }
0x10f: {  	v51 =	vunpack.i.u.bf16.f32 v16  }
0x110: {  	v16 =	vunpack.i.l.bf16.f32 v16;
	v19 =	vunpack.i.u.bf16.f32 v17;
	v17 =	vunpack.i.l.bf16.f32 v17  }
0x111: {  	v16 =	vadd.f32 v16, v51;
	v17 =	vadd.f32 v17, v19;
	_ =	sdelay $0x1  }
0x112: {  	v16 =	vadd.f32 v17, v16;
	_ =	sdelay $0x1  }
0x113: {  	[tilespmem:$0x9F60] =	vst v16  }
0x114: {  	v16 =	vld [tilespmem:s31+$0x4CF0]  }
0x115: {  	v17 =	vld [tilespmem:s31+$0x74F0]  }
0x116: {  	v52 =	vld [tilespmem:s31+$0x4D00]  }
0x117: {  	v53 =	vld [tilespmem:s31+$0x7500]  }
0x118: {  	v54 =	vld [tilespmem:s31+$0x4D10]  }
0x119: {  	v55 =	vld [tilespmem:s31+$0x7510]  }
0x11a: {  	v56 =	vld [tilespmem:s31+$0x4D20]  }
0x11b: {  	v57 =	vld [tilespmem:s31+$0x7520];
	_ =	sdelay $0x3  }
0x11c: {  	v16 =	vmul.bf16 v17, v16;
	v17 =	vmul.bf16 v53, v52  }
0x11d: {  	v58 =	vmul.bf16 v55, v54;
	v59 =	vmul.bf16 v57, v56  }
0x11e: {  	v16 =	vadd.bf16 v17, v16  }
0x11f: {  	v17 =	vadd.bf16 v59, v58  }
0x120: {  	v60 =	vunpack.i.u.bf16.f32 v16  }
0x121: {  	v16 =	vunpack.i.l.bf16.f32 v16;
	v19 =	vunpack.i.u.bf16.f32 v17;
	v17 =	vunpack.i.l.bf16.f32 v17  }
0x122: {  	v16 =	vadd.f32 v16, v60;
	v17 =	vadd.f32 v17, v19;
	_ =	sdelay $0x1  }
0x123: {  	v16 =	vadd.f32 v17, v16;
	_ =	sdelay $0x1  }
0x124: {  	[tilespmem:$0x9F70] =	vst v16  }
0x125: {  	v16 =	vld [tilespmem:s31+$0x4D30]  }
0x126: {  	v17 =	vld [tilespmem:s31+$0x7530]  }
0x127: {  	v61 =	vld [tilespmem:s31+$0x4D40]  }
0x128: {  	v62 =	vld [tilespmem:s31+$0x7540]  }
0x129: {  	v63 =	vld [tilespmem:s31+$0x4D50]  }
0x12a: {  	v24 =	vld [tilespmem:s31+$0x7550]  }
0x12b: {  	v25 =	vld [tilespmem:s31+$0x4D60]  }
0x12c: {  	v26 =	vld [tilespmem:s31+$0x7560];
	_ =	sdelay $0x3  }
0x12d: {  	v16 =	vmul.bf16 v17, v16;
	v17 =	vmul.bf16 v62, v61  }
0x12e: {  	v27 =	vmul.bf16 v24, v63;
	v28 =	vmul.bf16 v26, v25  }
0x12f: {  	v16 =	vadd.bf16 v17, v16  }
0x130: {  	v17 =	vadd.bf16 v28, v27  }
0x131: {  	v29 =	vunpack.i.u.bf16.f32 v16  }
0x132: {  	v16 =	vunpack.i.l.bf16.f32 v16;
	v19 =	vunpack.i.u.bf16.f32 v17;
	v17 =	vunpack.i.l.bf16.f32 v17  }
0x133: {  	v16 =	vadd.f32 v16, v29;
	v17 =	vadd.f32 v17, v19;
	_ =	sdelay $0x1  }
0x134: {  	v16 =	vadd.f32 v17, v16;
	_ =	sdelay $0x1  }
0x135: {  	[tilespmem:$0x9F80] =	vst v16  }
0x136: {  	v16 =	vld [tilespmem:s31+$0x4D70]  }
0x137: {  	v17 =	vld [tilespmem:s31+$0x7570]  }
0x138: {  	v30 =	vld [tilespmem:s31+$0x4D80]  }
0x139: {  	v31 =	vld [tilespmem:s31+$0x7580]  }
0x13a: {  	v32 =	vld [tilespmem:s31+$0x4D90]  }
0x13b: {  	v33 =	vld [tilespmem:s31+$0x7590]  }
0x13c: {  	v34 =	vld [tilespmem:s31+$0x4DA0]  }
0x13d: {  	v35 =	vld [tilespmem:s31+$0x75A0];
	_ =	sdelay $0x3  }
0x13e: {  	v16 =	vmul.bf16 v17, v16;
	v17 =	vmul.bf16 v31, v30  }
0x13f: {  	v36 =	vmul.bf16 v33, v32;
	v37 =	vmul.bf16 v35, v34  }
0x140: {  	v16 =	vadd.bf16 v17, v16  }
0x141: {  	v17 =	vadd.bf16 v37, v36  }
0x142: {  	v38 =	vunpack.i.u.bf16.f32 v16  }
0x143: {  	v16 =	vunpack.i.l.bf16.f32 v16;
	v19 =	vunpack.i.u.bf16.f32 v17;
	v17 =	vunpack.i.l.bf16.f32 v17  }
0x144: {  	v16 =	vadd.f32 v16, v38;
	v17 =	vadd.f32 v17, v19;
	_ =	sdelay $0x1  }
0x145: {  	v16 =	vadd.f32 v17, v16;
	_ =	sdelay $0x1  }
0x146: {  	[tilespmem:$0x9F90] =	vst v16  }
0x147: {  	v16 =	vld [tilespmem:s31+$0x4DB0]  }
0x148: {  	v17 =	vld [tilespmem:s31+$0x75B0]  }
0x149: {  	v39 =	vld [tilespmem:s31+$0x4DC0]  }
0x14a: {  	v40 =	vld [tilespmem:s31+$0x75C0]  }
0x14b: {  	v41 =	vld [tilespmem:s31+$0x4DD0]  }
0x14c: {  	v42 =	vld [tilespmem:s31+$0x75D0]  }
0x14d: {  	v43 =	vld [tilespmem:s31+$0x4DE0]  }
0x14e: {  	v44 =	vld [tilespmem:s31+$0x75E0];
	_ =	sdelay $0x3  }
0x14f: {  	v16 =	vmul.bf16 v17, v16;
	v17 =	vmul.bf16 v40, v39  }
0x150: {  	v45 =	vmul.bf16 v42, v41;
	v46 =	vmul.bf16 v44, v43  }
0x151: {  	v16 =	vadd.bf16 v17, v16  }
0x152: {  	v17 =	vadd.bf16 v46, v45  }
0x153: {  	v47 =	vunpack.i.u.bf16.f32 v16  }
0x154: {  	v16 =	vunpack.i.l.bf16.f32 v16;
	v19 =	vunpack.i.u.bf16.f32 v17;
	v17 =	vunpack.i.l.bf16.f32 v17  }
0x155: {  	v16 =	vadd.f32 v16, v47;
	v17 =	vadd.f32 v17, v19;
	_ =	sdelay $0x1  }
0x156: {  	v16 =	vadd.f32 v17, v16;
	_ =	sdelay $0x1  }
0x157: {  	[tilespmem:$0x9FA0] =	vst v16  }
0x158: {  	v16 =	vld [tilespmem:s31+$0x4DF0]  }
0x159: {  	v17 =	vld [tilespmem:s31+$0x75F0]  }
0x15a: {  	v48 =	vld [tilespmem:s31+$0x4E00]  }
0x15b: {  	v49 =	vld [tilespmem:s31+$0x7600]  }
0x15c: {  	v50 =	vld [tilespmem:s31+$0x4E10]  }
0x15d: {  	v51 =	vld [tilespmem:s31+$0x7610]  }
0x15e: {  	v52 =	vld [tilespmem:s31+$0x4E20]  }
0x15f: {  	v53 =	vld [tilespmem:s31+$0x7620];
	_ =	sdelay $0x3  }
0x160: {  	v16 =	vmul.bf16 v17, v16;
	v17 =	vmul.bf16 v49, v48  }
0x161: {  	v54 =	vmul.bf16 v51, v50;
	v55 =	vmul.bf16 v53, v52  }
0x162: {  	v16 =	vadd.bf16 v17, v16  }
0x163: {  	v17 =	vadd.bf16 v55, v54  }
0x164: {  	v56 =	vunpack.i.u.bf16.f32 v16  }
0x165: {  	v16 =	vunpack.i.l.bf16.f32 v16;
	v19 =	vunpack.i.u.bf16.f32 v17;
	v17 =	vunpack.i.l.bf16.f32 v17  }
0x166: {  	v16 =	vadd.f32 v16, v56;
	v17 =	vadd.f32 v17, v19;
	_ =	sdelay $0x1  }
0x167: {  	v16 =	vadd.f32 v17, v16;
	_ =	sdelay $0x1  }
0x168: {  	[tilespmem:$0x9FB0] =	vst v16  }
0x169: {  	v16 =	vld.idx.msk [tilespmem:v0+s18+$0x0], $0xffff  }
0x16a: {  	v17 =	vld.idx.msk [tilespmem:v1+s18+$0x0], $0xffff  }
0x16b: {  	v57 =	vld.idx.msk [tilespmem:v2+s18+$0x0], $0xffff  }
0x16c: {  	v58 =	vld.idx.msk [tilespmem:v3+s18+$0x0], $0xffff  }
0x16d: {  	v59 =	vld.idx.msk [tilespmem:v4+s18+$0x0], $0xffff  }
0x16e: {  	v60 =	vld.idx.msk [tilespmem:v5+s18+$0x0], $0xffff  }
0x16f: {  	v61 =	vld.idx.msk [tilespmem:v6+s18+$0x0], $0xffff  }
0x170: {  	v62 =	vld.idx.msk [tilespmem:v7+s18+$0x0], $0xffff  }
0x171: {  	v24 =	vld.idx.msk [tilespmem:v8+s18+$0x0], $0xffff  }
0x172: {  	v25 =	vld.idx.msk [tilespmem:v9+s18+$0x0], $0xffff  }
0x173: {  	v26 =	vld.idx.msk [tilespmem:v10+s18+$0x0], $0xffff  }
0x174: {  	v27 =	vld.idx.msk [tilespmem:v11+s18+$0x0], $0xffff  }
0x175: {  	v28 =	vld.idx.msk [tilespmem:v12+s18+$0x0], $0xffff  }
0x176: {  	v29 =	vld.idx.msk [tilespmem:v13+s18+$0x0], $0xffff;
	v16 =	vadd.f32 $0.0e+00, v16;
	v17 =	vadd.f32 $0.0e+00, v17  }
0x177: {  	v30 =	vld.idx.msk [tilespmem:v14+s18+$0x0], $0xffff;
	v18 =	vadd.f32 $0.0e+00, v57;
	v19 =	vadd.f32 $0.0e+00, v58  }
0x178: {  	v63 =	vld.idx.msk [tilespmem:v15+s18+$0x0], $0xffff;
	v16 =	vadd.f32 v59, v16;
	v17 =	vadd.f32 v60, v17  }
0x179: {  	v18 =	vadd.f32 v61, v18;
	v19 =	vadd.f32 v62, v19  }
0x17a: {  	v16 =	vadd.f32 v24, v16;
	v17 =	vadd.f32 v25, v17  }
0x17b: {  	v18 =	vadd.f32 v26, v18;
	v19 =	vadd.f32 v27, v19  }
0x17c: {  	v16 =	vadd.f32 v28, v16;
	v17 =	vadd.f32 v29, v17  }
0x17d: {  	v18 =	vadd.f32 v30, v18;
	v19 =	vadd.f32 v63, v19  }
0x17e: {  	p1 =	sne.s32 s29, $0x4FC0  }
.Ltmp0:
0x17f: {  	v16 =	vadd.f32 v17, v16;
	v17 =	vadd.f32 v19, v18;
	(pc) =	sbr.rel @p1 .LBB2_3-.Ltmp0, $3  }
0x180: {  	_ = 	snop  }
0x181: {  	v16 =	vadd.f32 v17, v16;
	_ =	sdelay $0x1  }
0x182: {  	s29 =	sadd.s32 $0x1000, s29;
	[tilespmem:s30+$0x0] =	vst v16;
	s30 =	sadd.s32 $0x10, s30  }
0x183: {  	s28 =	sadd.s32 s7, s28  }
0x184: {  	s28 =	smul.u32 $0xA, s28;
	_ =	sdelay $0x1  }
0x185: {  	s29 =	smul.u32 $0x280, s25;
	s28 =	sadd.s32 s4, s28  }
0x186: {  	[hbm4b:s28+s1] =	stream.linear.scatter [tilespmem:s19], [sflag:$0x3], $0x50, $0x38;
	[tilespmem:$0x9FC0] =	vst v63  }
0x187: {  	s28 =	sshra.s32 s29, $0x2  }
0x188: {  	s29 =	sadd.s32 $0xA0, s28  }
0x189: {  	[tilespmem:s13], [sflag:$0x1] =	stream.indirect.gather [hbm4b:s3+s12], $0x40, s29, s12, $0xb8;
	[tilespmem:$0x9FC0] =	vst v63  }
0x18a: {  	s28 =	sadd.s32 $0x27B0, s28  }
0x18b: {  	[tilespmem:s14], [sflag:$0x1] =	stream.indirect.gather [hbm4b:s3+s12], $0x40, s28, s12, $0xb8;
	[tilespmem:$0x9FC0] =	vst v63  }
0x18c: {  	_ =	swait.ge [sflag:s20], $0x1400  }
0x18d: {  	[sflag:s20] =	ssyncset.done $0x0  }
0x18e: {  	[sflag:s20] =	ssyncadd.s32 $0xFFFFEC00  }
0x18f: {  	_ =	swait.ge [sflag:s20], $0x1400  }
0x190: {  	[sflag:s20] =	ssyncset.done $0x0  }
0x191: {  	s28 =	simm.s32 @!p0 $0x4;
	[sflag:s20] =	ssyncadd.s32 $0xFFFFEC00  }
0x192: {  	_ =	swait.ge @!p0 [sflag:s28], $0x50  }
0x193: {  	[sflag:s28] =	ssyncset.done @!p0 $0x0  }
0x194: {  	s29 =	simm.s32 $0x9E70;
	[sflag:s28] =	ssyncadd.s32 @!p0 $0xFFFFFFB0;
	s28 =	simm.s32 $0x0  }
.LBB2_5:
0x195: {  	s30 =	sshra.s32 s28, $0x2  }
0x196: {  	v16 =	vld [tilespmem:s30+$0x6220]  }
0x197: {  	v17 =	vld [tilespmem:s30+$0x8A20]  }
0x198: {  	v18 =	vld [tilespmem:s30+$0x6230]  }
0x199: {  	v19 =	vld [tilespmem:s30+$0x8A30]  }
0x19a: {  	v20 =	vld [tilespmem:s30+$0x6240]  }
0x19b: {  	v21 =	vld [tilespmem:s30+$0x8A40]  }
0x19c: {  	v22 =	vld [tilespmem:s30+$0x6250]  }
0x19d: {  	v23 =	vld [tilespmem:s30+$0x8A50];
	_ =	sdelay $0x3  }
0x19e: {  	v16 =	vmul.bf16 v17, v16;
	v17 =	vmul.bf16 v19, v18  }
0x19f: {  	v41 =	vmul.bf16 v21, v20;
	v42 =	vmul.bf16 v23, v22  }
0x1a0: {  	v16 =	vadd.bf16 v17, v16  }
0x1a1: {  	v17 =	vadd.bf16 v42, v41  }
0x1a2: {  	v43 =	vunpack.i.u.bf16.f32 v16  }
0x1a3: {  	v16 =	vunpack.i.l.bf16.f32 v16;
	v19 =	vunpack.i.u.bf16.f32 v17;
	v17 =	vunpack.i.l.bf16.f32 v17  }
0x1a4: {  	v16 =	vadd.f32 v16, v43;
	v17 =	vadd.f32 v17, v19;
	_ =	sdelay $0x1  }
0x1a5: {  	v16 =	vadd.f32 v17, v16;
	_ =	sdelay $0x1  }
0x1a6: {  	[tilespmem:$0x9EC0] =	vst v16  }
0x1a7: {  	v16 =	vld [tilespmem:s30+$0x6260]  }
0x1a8: {  	v17 =	vld [tilespmem:s30+$0x8A60]  }
0x1a9: {  	v44 =	vld [tilespmem:s30+$0x6270]  }
0x1aa: {  	v45 =	vld [tilespmem:s30+$0x8A70]  }
0x1ab: {  	v46 =	vld [tilespmem:s30+$0x6280]  }
0x1ac: {  	v47 =	vld [tilespmem:s30+$0x8A80]  }
0x1ad: {  	v48 =	vld [tilespmem:s30+$0x6290]  }
0x1ae: {  	v49 =	vld [tilespmem:s30+$0x8A90];
	_ =	sdelay $0x3  }
0x1af: {  	v16 =	vmul.bf16 v17, v16;
	v17 =	vmul.bf16 v45, v44  }
0x1b0: {  	v50 =	vmul.bf16 v47, v46;
	v51 =	vmul.bf16 v49, v48  }
0x1b1: {  	v16 =	vadd.bf16 v17, v16  }
0x1b2: {  	v17 =	vadd.bf16 v51, v50  }
0x1b3: {  	v52 =	vunpack.i.u.bf16.f32 v16  }
0x1b4: {  	v16 =	vunpack.i.l.bf16.f32 v16;
	v19 =	vunpack.i.u.bf16.f32 v17;
	v17 =	vunpack.i.l.bf16.f32 v17  }
0x1b5: {  	v16 =	vadd.f32 v16, v52;
	v17 =	vadd.f32 v17, v19;
	_ =	sdelay $0x1  }
0x1b6: {  	v16 =	vadd.f32 v17, v16;
	_ =	sdelay $0x1  }
0x1b7: {  	[tilespmem:$0x9ED0] =	vst v16  }
0x1b8: {  	v16 =	vld [tilespmem:s30+$0x62A0]  }
0x1b9: {  	v17 =	vld [tilespmem:s30+$0x8AA0]  }
0x1ba: {  	v53 =	vld [tilespmem:s30+$0x62B0]  }
0x1bb: {  	v54 =	vld [tilespmem:s30+$0x8AB0]  }
0x1bc: {  	v55 =	vld [tilespmem:s30+$0x62C0]  }
0x1bd: {  	v56 =	vld [tilespmem:s30+$0x8AC0]  }
0x1be: {  	v57 =	vld [tilespmem:s30+$0x62D0]  }
0x1bf: {  	v58 =	vld [tilespmem:s30+$0x8AD0];
	_ =	sdelay $0x3  }
0x1c0: {  	v16 =	vmul.bf16 v17, v16;
	v17 =	vmul.bf16 v54, v53  }
0x1c1: {  	v59 =	vmul.bf16 v56, v55;
	v60 =	vmul.bf16 v58, v57  }
0x1c2: {  	v16 =	vadd.bf16 v17, v16  }
0x1c3: {  	v17 =	vadd.bf16 v60, v59  }
0x1c4: {  	v61 =	vunpack.i.u.bf16.f32 v16  }
0x1c5: {  	v16 =	vunpack.i.l.bf16.f32 v16;
	v19 =	vunpack.i.u.bf16.f32 v17;
	v17 =	vunpack.i.l.bf16.f32 v17  }
0x1c6: {  	v16 =	vadd.f32 v16, v61;
	v17 =	vadd.f32 v17, v19;
	_ =	sdelay $0x1  }
0x1c7: {  	v16 =	vadd.f32 v17, v16;
	_ =	sdelay $0x1  }
0x1c8: {  	[tilespmem:$0x9EE0] =	vst v16  }
0x1c9: {  	v16 =	vld [tilespmem:s30+$0x62E0]  }
0x1ca: {  	v17 =	vld [tilespmem:s30+$0x8AE0]  }
0x1cb: {  	v62 =	vld [tilespmem:s30+$0x62F0]  }
0x1cc: {  	v63 =	vld [tilespmem:s30+$0x8AF0]  }
0x1cd: {  	v24 =	vld [tilespmem:s30+$0x6300]  }
0x1ce: {  	v25 =	vld [tilespmem:s30+$0x8B00]  }
0x1cf: {  	v26 =	vld [tilespmem:s30+$0x6310]  }
0x1d0: {  	v27 =	vld [tilespmem:s30+$0x8B10];
	_ =	sdelay $0x3  }
0x1d1: {  	v16 =	vmul.bf16 v17, v16;
	v17 =	vmul.bf16 v63, v62  }
0x1d2: {  	v28 =	vmul.bf16 v25, v24;
	v29 =	vmul.bf16 v27, v26  }
0x1d3: {  	v16 =	vadd.bf16 v17, v16  }
0x1d4: {  	v17 =	vadd.bf16 v29, v28  }
0x1d5: {  	v30 =	vunpack.i.u.bf16.f32 v16  }
0x1d6: {  	v16 =	vunpack.i.l.bf16.f32 v16;
	v19 =	vunpack.i.u.bf16.f32 v17;
	v17 =	vunpack.i.l.bf16.f32 v17  }
0x1d7: {  	v16 =	vadd.f32 v16, v30;
	v17 =	vadd.f32 v17, v19;
	_ =	sdelay $0x1  }
0x1d8: {  	v16 =	vadd.f32 v17, v16;
	_ =	sdelay $0x1  }
0x1d9: {  	[tilespmem:$0x9EF0] =	vst v16  }
0x1da: {  	v16 =	vld [tilespmem:s30+$0x6320]  }
0x1db: {  	v17 =	vld [tilespmem:s30+$0x8B20]  }
0x1dc: {  	v31 =	vld [tilespmem:s30+$0x6330]  }
0x1dd: {  	v32 =	vld [tilespmem:s30+$0x8B30]  }
0x1de: {  	v33 =	vld [tilespmem:s30+$0x6340]  }
0x1df: {  	v34 =	vld [tilespmem:s30+$0x8B40]  }
0x1e0: {  	v35 =	vld [tilespmem:s30+$0x6350]  }
0x1e1: {  	v36 =	vld [tilespmem:s30+$0x8B50];
	_ =	sdelay $0x3  }
0x1e2: {  	v16 =	vmul.bf16 v17, v16;
	v17 =	vmul.bf16 v32, v31  }
0x1e3: {  	v37 =	vmul.bf16 v34, v33;
	v38 =	vmul.bf16 v36, v35  }
0x1e4: {  	v16 =	vadd.bf16 v17, v16  }
0x1e5: {  	v17 =	vadd.bf16 v38, v37  }
0x1e6: {  	v39 =	vunpack.i.u.bf16.f32 v16  }
0x1e7: {  	v16 =	vunpack.i.l.bf16.f32 v16;
	v19 =	vunpack.i.u.bf16.f32 v17;
	v17 =	vunpack.i.l.bf16.f32 v17  }
0x1e8: {  	v16 =	vadd.f32 v16, v39;
	v17 =	vadd.f32 v17, v19;
	_ =	sdelay $0x1  }
0x1e9: {  	v16 =	vadd.f32 v17, v16;
	_ =	sdelay $0x1  }
0x1ea: {  	[tilespmem:$0x9F00] =	vst v16  }
0x1eb: {  	v16 =	vld [tilespmem:s30+$0x6360]  }
0x1ec: {  	v17 =	vld [tilespmem:s30+$0x8B60]  }
0x1ed: {  	v40 =	vld [tilespmem:s30+$0x6370]  }
0x1ee: {  	v41 =	vld [tilespmem:s30+$0x8B70]  }
0x1ef: {  	v42 =	vld [tilespmem:s30+$0x6380]  }
0x1f0: {  	v43 =	vld [tilespmem:s30+$0x8B80]  }
0x1f1: {  	v44 =	vld [tilespmem:s30+$0x6390]  }
0x1f2: {  	v45 =	vld [tilespmem:s30+$0x8B90];
	_ =	sdelay $0x3  }
0x1f3: {  	v16 =	vmul.bf16 v17, v16;
	v17 =	vmul.bf16 v41, v40  }
0x1f4: {  	v46 =	vmul.bf16 v43, v42;
	v47 =	vmul.bf16 v45, v44  }
0x1f5: {  	v16 =	vadd.bf16 v17, v16  }
0x1f6: {  	v17 =	vadd.bf16 v47, v46  }
0x1f7: {  	v48 =	vunpack.i.u.bf16.f32 v16  }
0x1f8: {  	v16 =	vunpack.i.l.bf16.f32 v16;
	v19 =	vunpack.i.u.bf16.f32 v17;
	v17 =	vunpack.i.l.bf16.f32 v17  }
0x1f9: {  	v16 =	vadd.f32 v16, v48;
	v17 =	vadd.f32 v17, v19;
	_ =	sdelay $0x1  }
0x1fa: {  	v16 =	vadd.f32 v17, v16;
	_ =	sdelay $0x1  }
0x1fb: {  	[tilespmem:$0x9F10] =	vst v16  }
0x1fc: {  	v16 =	vld [tilespmem:s30+$0x63A0]  }
0x1fd: {  	v17 =	vld [tilespmem:s30+$0x8BA0]  }
0x1fe: {  	v49 =	vld [tilespmem:s30+$0x63B0]  }
0x1ff: {  	v50 =	vld [tilespmem:s30+$0x8BB0]  }
0x200: {  	v51 =	vld [tilespmem:s30+$0x63C0]  }
0x201: {  	v52 =	vld [tilespmem:s30+$0x8BC0]  }
0x202: {  	v53 =	vld [tilespmem:s30+$0x63D0]  }
0x203: {  	v54 =	vld [tilespmem:s30+$0x8BD0];
	_ =	sdelay $0x3  }
0x204: {  	v16 =	vmul.bf16 v17, v16;
	v17 =	vmul.bf16 v50, v49  }
0x205: {  	v55 =	vmul.bf16 v52, v51;
	v56 =	vmul.bf16 v54, v53  }
0x206: {  	v16 =	vadd.bf16 v17, v16  }
0x207: {  	v17 =	vadd.bf16 v56, v55  }
0x208: {  	v57 =	vunpack.i.u.bf16.f32 v16  }
0x209: {  	v16 =	vunpack.i.l.bf16.f32 v16;
	v19 =	vunpack.i.u.bf16.f32 v17;
	v17 =	vunpack.i.l.bf16.f32 v17  }
0x20a: {  	v16 =	vadd.f32 v16, v57;
	v17 =	vadd.f32 v17, v19;
	_ =	sdelay $0x1  }
0x20b: {  	v16 =	vadd.f32 v17, v16;
	_ =	sdelay $0x1  }
0x20c: {  	[tilespmem:$0x9F20] =	vst v16  }
0x20d: {  	v16 =	vld [tilespmem:s30+$0x63E0]  }
0x20e: {  	v17 =	vld [tilespmem:s30+$0x8BE0]  }
0x20f: {  	v58 =	vld [tilespmem:s30+$0x63F0]  }
0x210: {  	v59 =	vld [tilespmem:s30+$0x8BF0]  }
0x211: {  	v60 =	vld [tilespmem:s30+$0x6400]  }
0x212: {  	v61 =	vld [tilespmem:s30+$0x8C00]  }
0x213: {  	v62 =	vld [tilespmem:s30+$0x6410]  }
0x214: {  	v63 =	vld [tilespmem:s30+$0x8C10];
	_ =	sdelay $0x3  }
0x215: {  	v16 =	vmul.bf16 v17, v16;
	v17 =	vmul.bf16 v59, v58  }
0x216: {  	v21 =	vmul.bf16 v61, v60;
	v23 =	vmul.bf16 v63, v62  }
0x217: {  	v16 =	vadd.bf16 v17, v16  }
0x218: {  	v17 =	vadd.bf16 v23, v21  }
0x219: {  	v24 =	vunpack.i.u.bf16.f32 v16  }
0x21a: {  	v16 =	vunpack.i.l.bf16.f32 v16;
	v19 =	vunpack.i.u.bf16.f32 v17;
	v17 =	vunpack.i.l.bf16.f32 v17  }
0x21b: {  	v16 =	vadd.f32 v16, v24;
	v17 =	vadd.f32 v17, v19;
	_ =	sdelay $0x1  }
0x21c: {  	v16 =	vadd.f32 v17, v16;
	_ =	sdelay $0x1  }
0x21d: {  	[tilespmem:$0x9F30] =	vst v16  }
0x21e: {  	v16 =	vld [tilespmem:s30+$0x6420]  }
0x21f: {  	v17 =	vld [tilespmem:s30+$0x8C20]  }
0x220: {  	v25 =	vld [tilespmem:s30+$0x6430]  }
0x221: {  	v26 =	vld [tilespmem:s30+$0x8C30]  }
0x222: {  	v27 =	vld [tilespmem:s30+$0x6440]  }
0x223: {  	v28 =	vld [tilespmem:s30+$0x8C40]  }
0x224: {  	v29 =	vld [tilespmem:s30+$0x6450]  }
0x225: {  	v30 =	vld [tilespmem:s30+$0x8C50];
	_ =	sdelay $0x3  }
0x226: {  	v16 =	vmul.bf16 v17, v16;
	v17 =	vmul.bf16 v26, v25  }
0x227: {  	v31 =	vmul.bf16 v28, v27;
	v32 =	vmul.bf16 v30, v29  }
0x228: {  	v16 =	vadd.bf16 v17, v16  }
0x229: {  	v17 =	vadd.bf16 v32, v31  }
0x22a: {  	v33 =	vunpack.i.u.bf16.f32 v16  }
0x22b: {  	v16 =	vunpack.i.l.bf16.f32 v16;
	v19 =	vunpack.i.u.bf16.f32 v17;
	v17 =	vunpack.i.l.bf16.f32 v17  }
0x22c: {  	v16 =	vadd.f32 v16, v33;
	v17 =	vadd.f32 v17, v19;
	_ =	sdelay $0x1  }
0x22d: {  	v16 =	vadd.f32 v17, v16;
	_ =	sdelay $0x1  }
0x22e: {  	[tilespmem:$0x9F40] =	vst v16  }
0x22f: {  	v16 =	vld [tilespmem:s30+$0x6460]  }
0x230: {  	v17 =	vld [tilespmem:s30+$0x8C60]  }
0x231: {  	v34 =	vld [tilespmem:s30+$0x6470]  }
0x232: {  	v35 =	vld [tilespmem:s30+$0x8C70]  }
0x233: {  	v36 =	vld [tilespmem:s30+$0x6480]  }
0x234: {  	v37 =	vld [tilespmem:s30+$0x8C80]  }
0x235: {  	v38 =	vld [tilespmem:s30+$0x6490]  }
0x236: {  	v39 =	vld [tilespmem:s30+$0x8C90];
	_ =	sdelay $0x3  }
0x237: {  	v16 =	vmul.bf16 v17, v16;
	v17 =	vmul.bf16 v35, v34  }
0x238: {  	v40 =	vmul.bf16 v37, v36;
	v41 =	vmul.bf16 v39, v38  }
0x239: {  	v16 =	vadd.bf16 v17, v16  }
0x23a: {  	v17 =	vadd.bf16 v41, v40  }
0x23b: {  	v42 =	vunpack.i.u.bf16.f32 v16  }
0x23c: {  	v16 =	vunpack.i.l.bf16.f32 v16;
	v19 =	vunpack.i.u.bf16.f32 v17;
	v17 =	vunpack.i.l.bf16.f32 v17  }
0x23d: {  	v16 =	vadd.f32 v16, v42;
	v17 =	vadd.f32 v17, v19;
	_ =	sdelay $0x1  }
0x23e: {  	v16 =	vadd.f32 v17, v16;
	_ =	sdelay $0x1  }
0x23f: {  	[tilespmem:$0x9F50] =	vst v16  }
0x240: {  	v16 =	vld [tilespmem:s30+$0x64A0]  }
0x241: {  	v17 =	vld [tilespmem:s30+$0x8CA0]  }
0x242: {  	v43 =	vld [tilespmem:s30+$0x64B0]  }
0x243: {  	v44 =	vld [tilespmem:s30+$0x8CB0]  }
0x244: {  	v45 =	vld [tilespmem:s30+$0x64C0]  }
0x245: {  	v46 =	vld [tilespmem:s30+$0x8CC0]  }
0x246: {  	v47 =	vld [tilespmem:s30+$0x64D0]  }
0x247: {  	v48 =	vld [tilespmem:s30+$0x8CD0];
	_ =	sdelay $0x3  }
0x248: {  	v16 =	vmul.bf16 v17, v16;
	v17 =	vmul.bf16 v44, v43  }
0x249: {  	v49 =	vmul.bf16 v46, v45;
	v50 =	vmul.bf16 v48, v47  }
0x24a: {  	v16 =	vadd.bf16 v17, v16  }
0x24b: {  	v17 =	vadd.bf16 v50, v49  }
0x24c: {  	v51 =	vunpack.i.u.bf16.f32 v16  }
0x24d: {  	v16 =	vunpack.i.l.bf16.f32 v16;
	v19 =	vunpack.i.u.bf16.f32 v17;
	v17 =	vunpack.i.l.bf16.f32 v17  }
0x24e: {  	v16 =	vadd.f32 v16, v51;
	v17 =	vadd.f32 v17, v19;
	_ =	sdelay $0x1  }
0x24f: {  	v16 =	vadd.f32 v17, v16;
	_ =	sdelay $0x1  }
0x250: {  	[tilespmem:$0x9F60] =	vst v16  }
0x251: {  	v16 =	vld [tilespmem:s30+$0x64E0]  }
0x252: {  	v17 =	vld [tilespmem:s30+$0x8CE0]  }
0x253: {  	v52 =	vld [tilespmem:s30+$0x64F0]  }
0x254: {  	v53 =	vld [tilespmem:s30+$0x8CF0]  }
0x255: {  	v54 =	vld [tilespmem:s30+$0x6500]  }
0x256: {  	v55 =	vld [tilespmem:s30+$0x8D00]  }
0x257: {  	v56 =	vld [tilespmem:s30+$0x6510]  }
0x258: {  	v57 =	vld [tilespmem:s30+$0x8D10];
	_ =	sdelay $0x3  }
0x259: {  	v16 =	vmul.bf16 v17, v16;
	v17 =	vmul.bf16 v53, v52  }
0x25a: {  	v58 =	vmul.bf16 v55, v54;
	v59 =	vmul.bf16 v57, v56  }
0x25b: {  	v16 =	vadd.bf16 v17, v16  }
0x25c: {  	v17 =	vadd.bf16 v59, v58  }
0x25d: {  	v60 =	vunpack.i.u.bf16.f32 v16  }
0x25e: {  	v16 =	vunpack.i.l.bf16.f32 v16;
	v19 =	vunpack.i.u.bf16.f32 v17;
	v17 =	vunpack.i.l.bf16.f32 v17  }
0x25f: {  	v16 =	vadd.f32 v16, v60;
	v17 =	vadd.f32 v17, v19;
	_ =	sdelay $0x1  }
0x260: {  	v16 =	vadd.f32 v17, v16;
	_ =	sdelay $0x1  }
0x261: {  	[tilespmem:$0x9F70] =	vst v16  }
0x262: {  	v16 =	vld [tilespmem:s30+$0x6520]  }
0x263: {  	v17 =	vld [tilespmem:s30+$0x8D20]  }
0x264: {  	v61 =	vld [tilespmem:s30+$0x6530]  }
0x265: {  	v62 =	vld [tilespmem:s30+$0x8D30]  }
0x266: {  	v63 =	vld [tilespmem:s30+$0x6540]  }
0x267: {  	v24 =	vld [tilespmem:s30+$0x8D40]  }
0x268: {  	v25 =	vld [tilespmem:s30+$0x6550]  }
0x269: {  	v26 =	vld [tilespmem:s30+$0x8D50];
	_ =	sdelay $0x3  }
0x26a: {  	v16 =	vmul.bf16 v17, v16;
	v17 =	vmul.bf16 v62, v61  }
0x26b: {  	v27 =	vmul.bf16 v24, v63;
	v28 =	vmul.bf16 v26, v25  }
0x26c: {  	v16 =	vadd.bf16 v17, v16  }
0x26d: {  	v17 =	vadd.bf16 v28, v27  }
0x26e: {  	v29 =	vunpack.i.u.bf16.f32 v16  }
0x26f: {  	v16 =	vunpack.i.l.bf16.f32 v16;
	v19 =	vunpack.i.u.bf16.f32 v17;
	v17 =	vunpack.i.l.bf16.f32 v17  }
0x270: {  	v16 =	vadd.f32 v16, v29;
	v17 =	vadd.f32 v17, v19;
	_ =	sdelay $0x1  }
0x271: {  	v16 =	vadd.f32 v17, v16;
	_ =	sdelay $0x1  }
0x272: {  	[tilespmem:$0x9F80] =	vst v16  }
0x273: {  	v16 =	vld [tilespmem:s30+$0x6560]  }
0x274: {  	v17 =	vld [tilespmem:s30+$0x8D60]  }
0x275: {  	v30 =	vld [tilespmem:s30+$0x6570]  }
0x276: {  	v31 =	vld [tilespmem:s30+$0x8D70]  }
0x277: {  	v32 =	vld [tilespmem:s30+$0x6580]  }
0x278: {  	v33 =	vld [tilespmem:s30+$0x8D80]  }
0x279: {  	v34 =	vld [tilespmem:s30+$0x6590]  }
0x27a: {  	v35 =	vld [tilespmem:s30+$0x8D90];
	_ =	sdelay $0x3  }
0x27b: {  	v16 =	vmul.bf16 v17, v16;
	v17 =	vmul.bf16 v31, v30  }
0x27c: {  	v36 =	vmul.bf16 v33, v32;
	v37 =	vmul.bf16 v35, v34  }
0x27d: {  	v16 =	vadd.bf16 v17, v16  }
0x27e: {  	v17 =	vadd.bf16 v37, v36  }
0x27f: {  	v38 =	vunpack.i.u.bf16.f32 v16  }
0x280: {  	v16 =	vunpack.i.l.bf16.f32 v16;
	v19 =	vunpack.i.u.bf16.f32 v17;
	v17 =	vunpack.i.l.bf16.f32 v17  }
0x281: {  	v16 =	vadd.f32 v16, v38;
	v17 =	vadd.f32 v17, v19;
	_ =	sdelay $0x1  }
0x282: {  	v16 =	vadd.f32 v17, v16;
	_ =	sdelay $0x1  }
0x283: {  	[tilespmem:$0x9F90] =	vst v16  }
0x284: {  	v16 =	vld [tilespmem:s30+$0x65A0]  }
0x285: {  	v17 =	vld [tilespmem:s30+$0x8DA0]  }
0x286: {  	v39 =	vld [tilespmem:s30+$0x65B0]  }
0x287: {  	v40 =	vld [tilespmem:s30+$0x8DB0]  }
0x288: {  	v41 =	vld [tilespmem:s30+$0x65C0]  }
0x289: {  	v42 =	vld [tilespmem:s30+$0x8DC0]  }
0x28a: {  	v43 =	vld [tilespmem:s30+$0x65D0]  }
0x28b: {  	v44 =	vld [tilespmem:s30+$0x8DD0];
	_ =	sdelay $0x3  }
0x28c: {  	v16 =	vmul.bf16 v17, v16;
	v17 =	vmul.bf16 v40, v39  }
0x28d: {  	v45 =	vmul.bf16 v42, v41;
	v46 =	vmul.bf16 v44, v43  }
0x28e: {  	v16 =	vadd.bf16 v17, v16  }
0x28f: {  	v17 =	vadd.bf16 v46, v45  }
0x290: {  	v47 =	vunpack.i.u.bf16.f32 v16  }
0x291: {  	v16 =	vunpack.i.l.bf16.f32 v16;
	v19 =	vunpack.i.u.bf16.f32 v17;
	v17 =	vunpack.i.l.bf16.f32 v17  }
0x292: {  	v16 =	vadd.f32 v16, v47;
	v17 =	vadd.f32 v17, v19;
	_ =	sdelay $0x1  }
0x293: {  	v16 =	vadd.f32 v17, v16;
	_ =	sdelay $0x1  }
0x294: {  	[tilespmem:$0x9FA0] =	vst v16  }
0x295: {  	v16 =	vld [tilespmem:s30+$0x65E0]  }
0x296: {  	v17 =	vld [tilespmem:s30+$0x8DE0]  }
0x297: {  	v48 =	vld [tilespmem:s30+$0x65F0]  }
0x298: {  	v49 =	vld [tilespmem:s30+$0x8DF0]  }
0x299: {  	v50 =	vld [tilespmem:s30+$0x6600]  }
0x29a: {  	v51 =	vld [tilespmem:s30+$0x8E00]  }
0x29b: {  	v52 =	vld [tilespmem:s30+$0x6610]  }
0x29c: {  	v53 =	vld [tilespmem:s30+$0x8E10];
	_ =	sdelay $0x3  }
0x29d: {  	v16 =	vmul.bf16 v17, v16;
	v17 =	vmul.bf16 v49, v48  }
0x29e: {  	v54 =	vmul.bf16 v51, v50;
	v55 =	vmul.bf16 v53, v52  }
0x29f: {  	v16 =	vadd.bf16 v17, v16  }
0x2a0: {  	v17 =	vadd.bf16 v55, v54  }
0x2a1: {  	v56 =	vunpack.i.u.bf16.f32 v16  }
0x2a2: {  	v16 =	vunpack.i.l.bf16.f32 v16;
	v19 =	vunpack.i.u.bf16.f32 v17;
	v17 =	vunpack.i.l.bf16.f32 v17  }
0x2a3: {  	v16 =	vadd.f32 v16, v56;
	v17 =	vadd.f32 v17, v19;
	_ =	sdelay $0x1  }
0x2a4: {  	v16 =	vadd.f32 v17, v16;
	_ =	sdelay $0x1  }
0x2a5: {  	[tilespmem:$0x9FB0] =	vst v16  }
0x2a6: {  	v16 =	vld.idx.msk [tilespmem:v0+s18+$0x0], $0xffff  }
0x2a7: {  	v17 =	vld.idx.msk [tilespmem:v1+s18+$0x0], $0xffff  }
0x2a8: {  	v57 =	vld.idx.msk [tilespmem:v2+s18+$0x0], $0xffff  }
0x2a9: {  	v58 =	vld.idx.msk [tilespmem:v3+s18+$0x0], $0xffff  }
0x2aa: {  	v59 =	vld.idx.msk [tilespmem:v4+s18+$0x0], $0xffff  }
0x2ab: {  	v60 =	vld.idx.msk [tilespmem:v5+s18+$0x0], $0xffff  }
0x2ac: {  	v61 =	vld.idx.msk [tilespmem:v6+s18+$0x0], $0xffff  }
0x2ad: {  	v62 =	vld.idx.msk [tilespmem:v7+s18+$0x0], $0xffff  }
0x2ae: {  	v24 =	vld.idx.msk [tilespmem:v8+s18+$0x0], $0xffff  }
0x2af: {  	v25 =	vld.idx.msk [tilespmem:v9+s18+$0x0], $0xffff  }
0x2b0: {  	v26 =	vld.idx.msk [tilespmem:v10+s18+$0x0], $0xffff  }
0x2b1: {  	v27 =	vld.idx.msk [tilespmem:v11+s18+$0x0], $0xffff  }
0x2b2: {  	v28 =	vld.idx.msk [tilespmem:v12+s18+$0x0], $0xffff  }
0x2b3: {  	v29 =	vld.idx.msk [tilespmem:v13+s18+$0x0], $0xffff;
	v16 =	vadd.f32 $0.0e+00, v16;
	v17 =	vadd.f32 $0.0e+00, v17  }
0x2b4: {  	v30 =	vld.idx.msk [tilespmem:v14+s18+$0x0], $0xffff;
	v18 =	vadd.f32 $0.0e+00, v57;
	v19 =	vadd.f32 $0.0e+00, v58  }
0x2b5: {  	v63 =	vld.idx.msk [tilespmem:v15+s18+$0x0], $0xffff;
	v16 =	vadd.f32 v59, v16;
	v17 =	vadd.f32 v60, v17  }
0x2b6: {  	v18 =	vadd.f32 v61, v18;
	v19 =	vadd.f32 v62, v19  }
0x2b7: {  	v16 =	vadd.f32 v24, v16;
	v17 =	vadd.f32 v25, v17  }
0x2b8: {  	v18 =	vadd.f32 v26, v18;
	v19 =	vadd.f32 v27, v19  }
0x2b9: {  	v16 =	vadd.f32 v28, v16;
	v17 =	vadd.f32 v29, v17  }
0x2ba: {  	v18 =	vadd.f32 v30, v18;
	v19 =	vadd.f32 v63, v19  }
0x2bb: {  	p0 =	sne.s32 s28, $0x4000  }
.Ltmp1:
0x2bc: {  	v16 =	vadd.f32 v17, v16;
	v17 =	vadd.f32 v19, v18;
	(pc) =	sbr.rel @p0 .LBB2_5-.Ltmp1, $3  }
0x2bd: {  	_ = 	snop  }
0x2be: {  	v16 =	vadd.f32 v17, v16;
	_ =	sdelay $0x1  }
0x2bf: {  	s28 =	sadd.s32 $0x1000, s28;
	[tilespmem:s29+$0x0] =	vst v16;
	s29 =	sadd.s32 $0x10, s29  }
0x2c0: {  	s25 =	sadd.s32 $0x1, s25  }
0x2c1: {  	p0 =	sne.s32 s25, $0x3E  }
.Ltmp2:
0x2c2: {  	s26 =	sadd.s32 s7, s26;
	(pc) =	sbr.rel @p0 .LBB2_2-.Ltmp2, $3  }
0x2c3: {  	s26 =	smul.u32 $0xA, s26;
	_ =	sdelay $0x1  }
0x2c4: {  	s26 =	sadd.s32 s4, s26  }
0x2c5: {  	[hbm4b:s26+s1] =	stream.linear.scatter [tilespmem:s21], [sflag:$0x4], $0x50, $0x38;
	[tilespmem:$0x9FC0] =	vst v63  }
0x2c6: {  	_ =	swait.ge [sflag:s17], $0x1400  }
0x2c7: {  	[sflag:s17] =	ssyncset.done $0x0  }
0x2c8: {  	[sflag:s17] =	ssyncadd.s32 $0xFFFFEC00  }
0x2c9: {  	_ =	swait.ge [sflag:s17], $0x1400  }
0x2ca: {  	[sflag:s17] =	ssyncset.done $0x0  }
0x2cb: {  	[sflag:s17] =	ssyncadd.s32 $0xFFFFEC00  }
0x2cc: {  	_ =	swait.ge [sflag:s22], $0x50  }
0x2cd: {  	[sflag:s22] =	ssyncset.done $0x0  }
0x2ce: {  	s25 =	simm.s32 $0xFC0;
	s26 =	simm.s32 $0x9E20;
	[sflag:s22] =	ssyncadd.s32 $0xFFFFFFB0  }
.LBB2_8:
0x2cf: {  	s28 =	sshra.s32 s25, $0x2  }
0x2d0: {  	v16 =	vld [tilespmem:s28+$0x4A30]  }
0x2d1: {  	v17 =	vld [tilespmem:s28+$0x7230]  }
0x2d2: {  	v18 =	vld [tilespmem:s28+$0x4A40]  }
0x2d3: {  	v19 =	vld [tilespmem:s28+$0x7240]  }
0x2d4: {  	v20 =	vld [tilespmem:s28+$0x4A50]  }
0x2d5: {  	v21 =	vld [tilespmem:s28+$0x7250]  }
0x2d6: {  	v22 =	vld [tilespmem:s28+$0x4A60]  }
0x2d7: {  	v23 =	vld [tilespmem:s28+$0x7260];
	_ =	sdelay $0x3  }
0x2d8: {  	v16 =	vmul.bf16 v17, v16;
	v17 =	vmul.bf16 v19, v18  }
0x2d9: {  	v41 =	vmul.bf16 v21, v20;
	v42 =	vmul.bf16 v23, v22  }
0x2da: {  	v16 =	vadd.bf16 v17, v16  }
0x2db: {  	v17 =	vadd.bf16 v42, v41  }
0x2dc: {  	v43 =	vunpack.i.u.bf16.f32 v16  }
0x2dd: {  	v16 =	vunpack.i.l.bf16.f32 v16;
	v19 =	vunpack.i.u.bf16.f32 v17;
	v17 =	vunpack.i.l.bf16.f32 v17  }
0x2de: {  	v16 =	vadd.f32 v16, v43;
	v17 =	vadd.f32 v17, v19;
	_ =	sdelay $0x1  }
0x2df: {  	v16 =	vadd.f32 v17, v16;
	_ =	sdelay $0x1  }
0x2e0: {  	[tilespmem:$0x9EC0] =	vst v16  }
0x2e1: {  	v16 =	vld [tilespmem:s28+$0x4A70]  }
0x2e2: {  	v17 =	vld [tilespmem:s28+$0x7270]  }
0x2e3: {  	v44 =	vld [tilespmem:s28+$0x4A80]  }
0x2e4: {  	v45 =	vld [tilespmem:s28+$0x7280]  }
0x2e5: {  	v46 =	vld [tilespmem:s28+$0x4A90]  }
0x2e6: {  	v47 =	vld [tilespmem:s28+$0x7290]  }
0x2e7: {  	v48 =	vld [tilespmem:s28+$0x4AA0]  }
0x2e8: {  	v49 =	vld [tilespmem:s28+$0x72A0];
	_ =	sdelay $0x3  }
0x2e9: {  	v16 =	vmul.bf16 v17, v16;
	v17 =	vmul.bf16 v45, v44  }
0x2ea: {  	v50 =	vmul.bf16 v47, v46;
	v51 =	vmul.bf16 v49, v48  }
0x2eb: {  	v16 =	vadd.bf16 v17, v16  }
0x2ec: {  	v17 =	vadd.bf16 v51, v50  }
0x2ed: {  	v52 =	vunpack.i.u.bf16.f32 v16  }
0x2ee: {  	v16 =	vunpack.i.l.bf16.f32 v16;
	v19 =	vunpack.i.u.bf16.f32 v17;
	v17 =	vunpack.i.l.bf16.f32 v17  }
0x2ef: {  	v16 =	vadd.f32 v16, v52;
	v17 =	vadd.f32 v17, v19;
	_ =	sdelay $0x1  }
0x2f0: {  	v16 =	vadd.f32 v17, v16;
	_ =	sdelay $0x1  }
0x2f1: {  	[tilespmem:$0x9ED0] =	vst v16  }
0x2f2: {  	v16 =	vld [tilespmem:s28+$0x4AB0]  }
0x2f3: {  	v17 =	vld [tilespmem:s28+$0x72B0]  }
0x2f4: {  	v53 =	vld [tilespmem:s28+$0x4AC0]  }
0x2f5: {  	v54 =	vld [tilespmem:s28+$0x72C0]  }
0x2f6: {  	v55 =	vld [tilespmem:s28+$0x4AD0]  }
0x2f7: {  	v56 =	vld [tilespmem:s28+$0x72D0]  }
0x2f8: {  	v57 =	vld [tilespmem:s28+$0x4AE0]  }
0x2f9: {  	v58 =	vld [tilespmem:s28+$0x72E0];
	_ =	sdelay $0x3  }
0x2fa: {  	v16 =	vmul.bf16 v17, v16;
	v17 =	vmul.bf16 v54, v53  }
0x2fb: {  	v59 =	vmul.bf16 v56, v55;
	v60 =	vmul.bf16 v58, v57  }
0x2fc: {  	v16 =	vadd.bf16 v17, v16  }
0x2fd: {  	v17 =	vadd.bf16 v60, v59  }
0x2fe: {  	v61 =	vunpack.i.u.bf16.f32 v16  }
0x2ff: {  	v16 =	vunpack.i.l.bf16.f32 v16;
	v19 =	vunpack.i.u.bf16.f32 v17;
	v17 =	vunpack.i.l.bf16.f32 v17  }
0x300: {  	v16 =	vadd.f32 v16, v61;
	v17 =	vadd.f32 v17, v19;
	_ =	sdelay $0x1  }
0x301: {  	v16 =	vadd.f32 v17, v16;
	_ =	sdelay $0x1  }
0x302: {  	[tilespmem:$0x9EE0] =	vst v16  }
0x303: {  	v16 =	vld [tilespmem:s28+$0x4AF0]  }
0x304: {  	v17 =	vld [tilespmem:s28+$0x72F0]  }
0x305: {  	v62 =	vld [tilespmem:s28+$0x4B00]  }
0x306: {  	v63 =	vld [tilespmem:s28+$0x7300]  }
0x307: {  	v24 =	vld [tilespmem:s28+$0x4B10]  }
0x308: {  	v25 =	vld [tilespmem:s28+$0x7310]  }
0x309: {  	v26 =	vld [tilespmem:s28+$0x4B20]  }
0x30a: {  	v27 =	vld [tilespmem:s28+$0x7320];
	_ =	sdelay $0x3  }
0x30b: {  	v16 =	vmul.bf16 v17, v16;
	v17 =	vmul.bf16 v63, v62  }
0x30c: {  	v28 =	vmul.bf16 v25, v24;
	v29 =	vmul.bf16 v27, v26  }
0x30d: {  	v16 =	vadd.bf16 v17, v16  }
0x30e: {  	v17 =	vadd.bf16 v29, v28  }
0x30f: {  	v30 =	vunpack.i.u.bf16.f32 v16  }
0x310: {  	v16 =	vunpack.i.l.bf16.f32 v16;
	v19 =	vunpack.i.u.bf16.f32 v17;
	v17 =	vunpack.i.l.bf16.f32 v17  }
0x311: {  	v16 =	vadd.f32 v16, v30;
	v17 =	vadd.f32 v17, v19;
	_ =	sdelay $0x1  }
0x312: {  	v16 =	vadd.f32 v17, v16;
	_ =	sdelay $0x1  }
0x313: {  	[tilespmem:$0x9EF0] =	vst v16  }
0x314: {  	v16 =	vld [tilespmem:s28+$0x4B30]  }
0x315: {  	v17 =	vld [tilespmem:s28+$0x7330]  }
0x316: {  	v31 =	vld [tilespmem:s28+$0x4B40]  }
0x317: {  	v32 =	vld [tilespmem:s28+$0x7340]  }
0x318: {  	v33 =	vld [tilespmem:s28+$0x4B50]  }
0x319: {  	v34 =	vld [tilespmem:s28+$0x7350]  }
0x31a: {  	v35 =	vld [tilespmem:s28+$0x4B60]  }
0x31b: {  	v36 =	vld [tilespmem:s28+$0x7360];
	_ =	sdelay $0x3  }
0x31c: {  	v16 =	vmul.bf16 v17, v16;
	v17 =	vmul.bf16 v32, v31  }
0x31d: {  	v37 =	vmul.bf16 v34, v33;
	v38 =	vmul.bf16 v36, v35  }
0x31e: {  	v16 =	vadd.bf16 v17, v16  }
0x31f: {  	v17 =	vadd.bf16 v38, v37  }
0x320: {  	v39 =	vunpack.i.u.bf16.f32 v16  }
0x321: {  	v16 =	vunpack.i.l.bf16.f32 v16;
	v19 =	vunpack.i.u.bf16.f32 v17;
	v17 =	vunpack.i.l.bf16.f32 v17  }
0x322: {  	v16 =	vadd.f32 v16, v39;
	v17 =	vadd.f32 v17, v19;
	_ =	sdelay $0x1  }
0x323: {  	v16 =	vadd.f32 v17, v16;
	_ =	sdelay $0x1  }
0x324: {  	[tilespmem:$0x9F00] =	vst v16  }
0x325: {  	v16 =	vld [tilespmem:s28+$0x4B70]  }
0x326: {  	v17 =	vld [tilespmem:s28+$0x7370]  }
0x327: {  	v40 =	vld [tilespmem:s28+$0x4B80]  }
0x328: {  	v41 =	vld [tilespmem:s28+$0x7380]  }
0x329: {  	v42 =	vld [tilespmem:s28+$0x4B90]  }
0x32a: {  	v43 =	vld [tilespmem:s28+$0x7390]  }
0x32b: {  	v44 =	vld [tilespmem:s28+$0x4BA0]  }
0x32c: {  	v45 =	vld [tilespmem:s28+$0x73A0];
	_ =	sdelay $0x3  }
0x32d: {  	v16 =	vmul.bf16 v17, v16;
	v17 =	vmul.bf16 v41, v40  }
0x32e: {  	v46 =	vmul.bf16 v43, v42;
	v47 =	vmul.bf16 v45, v44  }
0x32f: {  	v16 =	vadd.bf16 v17, v16  }
0x330: {  	v17 =	vadd.bf16 v47, v46  }
0x331: {  	v48 =	vunpack.i.u.bf16.f32 v16  }
0x332: {  	v16 =	vunpack.i.l.bf16.f32 v16;
	v19 =	vunpack.i.u.bf16.f32 v17;
	v17 =	vunpack.i.l.bf16.f32 v17  }
0x333: {  	v16 =	vadd.f32 v16, v48;
	v17 =	vadd.f32 v17, v19;
	_ =	sdelay $0x1  }
0x334: {  	v16 =	vadd.f32 v17, v16;
	_ =	sdelay $0x1  }
0x335: {  	[tilespmem:$0x9F10] =	vst v16  }
0x336: {  	v16 =	vld [tilespmem:s28+$0x4BB0]  }
0x337: {  	v17 =	vld [tilespmem:s28+$0x73B0]  }
0x338: {  	v49 =	vld [tilespmem:s28+$0x4BC0]  }
0x339: {  	v50 =	vld [tilespmem:s28+$0x73C0]  }
0x33a: {  	v51 =	vld [tilespmem:s28+$0x4BD0]  }
0x33b: {  	v52 =	vld [tilespmem:s28+$0x73D0]  }
0x33c: {  	v53 =	vld [tilespmem:s28+$0x4BE0]  }
0x33d: {  	v54 =	vld [tilespmem:s28+$0x73E0];
	_ =	sdelay $0x3  }
0x33e: {  	v16 =	vmul.bf16 v17, v16;
	v17 =	vmul.bf16 v50, v49  }
0x33f: {  	v55 =	vmul.bf16 v52, v51;
	v56 =	vmul.bf16 v54, v53  }
0x340: {  	v16 =	vadd.bf16 v17, v16  }
0x341: {  	v17 =	vadd.bf16 v56, v55  }
0x342: {  	v57 =	vunpack.i.u.bf16.f32 v16  }
0x343: {  	v16 =	vunpack.i.l.bf16.f32 v16;
	v19 =	vunpack.i.u.bf16.f32 v17;
	v17 =	vunpack.i.l.bf16.f32 v17  }
0x344: {  	v16 =	vadd.f32 v16, v57;
	v17 =	vadd.f32 v17, v19;
	_ =	sdelay $0x1  }
0x345: {  	v16 =	vadd.f32 v17, v16;
	_ =	sdelay $0x1  }
0x346: {  	[tilespmem:$0x9F20] =	vst v16  }
0x347: {  	v16 =	vld [tilespmem:s28+$0x4BF0]  }
0x348: {  	v17 =	vld [tilespmem:s28+$0x73F0]  }
0x349: {  	v58 =	vld [tilespmem:s28+$0x4C00]  }
0x34a: {  	v59 =	vld [tilespmem:s28+$0x7400]  }
0x34b: {  	v60 =	vld [tilespmem:s28+$0x4C10]  }
0x34c: {  	v61 =	vld [tilespmem:s28+$0x7410]  }
0x34d: {  	v62 =	vld [tilespmem:s28+$0x4C20]  }
0x34e: {  	v63 =	vld [tilespmem:s28+$0x7420];
	_ =	sdelay $0x3  }
0x34f: {  	v16 =	vmul.bf16 v17, v16;
	v17 =	vmul.bf16 v59, v58  }
0x350: {  	v21 =	vmul.bf16 v61, v60;
	v23 =	vmul.bf16 v63, v62  }
0x351: {  	v16 =	vadd.bf16 v17, v16  }
0x352: {  	v17 =	vadd.bf16 v23, v21  }
0x353: {  	v24 =	vunpack.i.u.bf16.f32 v16  }
0x354: {  	v16 =	vunpack.i.l.bf16.f32 v16;
	v19 =	vunpack.i.u.bf16.f32 v17;
	v17 =	vunpack.i.l.bf16.f32 v17  }
0x355: {  	v16 =	vadd.f32 v16, v24;
	v17 =	vadd.f32 v17, v19;
	_ =	sdelay $0x1  }
0x356: {  	v16 =	vadd.f32 v17, v16;
	_ =	sdelay $0x1  }
0x357: {  	[tilespmem:$0x9F30] =	vst v16  }
0x358: {  	v16 =	vld [tilespmem:s28+$0x4C30]  }
0x359: {  	v17 =	vld [tilespmem:s28+$0x7430]  }
0x35a: {  	v25 =	vld [tilespmem:s28+$0x4C40]  }
0x35b: {  	v26 =	vld [tilespmem:s28+$0x7440]  }
0x35c: {  	v27 =	vld [tilespmem:s28+$0x4C50]  }
0x35d: {  	v28 =	vld [tilespmem:s28+$0x7450]  }
0x35e: {  	v29 =	vld [tilespmem:s28+$0x4C60]  }
0x35f: {  	v30 =	vld [tilespmem:s28+$0x7460];
	_ =	sdelay $0x3  }
0x360: {  	v16 =	vmul.bf16 v17, v16;
	v17 =	vmul.bf16 v26, v25  }
0x361: {  	v31 =	vmul.bf16 v28, v27;
	v32 =	vmul.bf16 v30, v29  }
0x362: {  	v16 =	vadd.bf16 v17, v16  }
0x363: {  	v17 =	vadd.bf16 v32, v31  }
0x364: {  	v33 =	vunpack.i.u.bf16.f32 v16  }
0x365: {  	v16 =	vunpack.i.l.bf16.f32 v16;
	v19 =	vunpack.i.u.bf16.f32 v17;
	v17 =	vunpack.i.l.bf16.f32 v17  }
0x366: {  	v16 =	vadd.f32 v16, v33;
	v17 =	vadd.f32 v17, v19;
	_ =	sdelay $0x1  }
0x367: {  	v16 =	vadd.f32 v17, v16;
	_ =	sdelay $0x1  }
0x368: {  	[tilespmem:$0x9F40] =	vst v16  }
0x369: {  	v16 =	vld [tilespmem:s28+$0x4C70]  }
0x36a: {  	v17 =	vld [tilespmem:s28+$0x7470]  }
0x36b: {  	v34 =	vld [tilespmem:s28+$0x4C80]  }
0x36c: {  	v35 =	vld [tilespmem:s28+$0x7480]  }
0x36d: {  	v36 =	vld [tilespmem:s28+$0x4C90]  }
0x36e: {  	v37 =	vld [tilespmem:s28+$0x7490]  }
0x36f: {  	v38 =	vld [tilespmem:s28+$0x4CA0]  }
0x370: {  	v39 =	vld [tilespmem:s28+$0x74A0];
	_ =	sdelay $0x3  }
0x371: {  	v16 =	vmul.bf16 v17, v16;
	v17 =	vmul.bf16 v35, v34  }
0x372: {  	v40 =	vmul.bf16 v37, v36;
	v41 =	vmul.bf16 v39, v38  }
0x373: {  	v16 =	vadd.bf16 v17, v16  }
0x374: {  	v17 =	vadd.bf16 v41, v40  }
0x375: {  	v42 =	vunpack.i.u.bf16.f32 v16  }
0x376: {  	v16 =	vunpack.i.l.bf16.f32 v16;
	v19 =	vunpack.i.u.bf16.f32 v17;
	v17 =	vunpack.i.l.bf16.f32 v17  }
0x377: {  	v16 =	vadd.f32 v16, v42;
	v17 =	vadd.f32 v17, v19;
	_ =	sdelay $0x1  }
0x378: {  	v16 =	vadd.f32 v17, v16;
	_ =	sdelay $0x1  }
0x379: {  	[tilespmem:$0x9F50] =	vst v16  }
0x37a: {  	v16 =	vld [tilespmem:s28+$0x4CB0]  }
0x37b: {  	v17 =	vld [tilespmem:s28+$0x74B0]  }
0x37c: {  	v43 =	vld [tilespmem:s28+$0x4CC0]  }
0x37d: {  	v44 =	vld [tilespmem:s28+$0x74C0]  }
0x37e: {  	v45 =	vld [tilespmem:s28+$0x4CD0]  }
0x37f: {  	v46 =	vld [tilespmem:s28+$0x74D0]  }
0x380: {  	v47 =	vld [tilespmem:s28+$0x4CE0]  }
0x381: {  	v48 =	vld [tilespmem:s28+$0x74E0];
	_ =	sdelay $0x3  }
0x382: {  	v16 =	vmul.bf16 v17, v16;
	v17 =	vmul.bf16 v44, v43  }
0x383: {  	v49 =	vmul.bf16 v46, v45;
	v50 =	vmul.bf16 v48, v47  }
0x384: {  	v16 =	vadd.bf16 v17, v16  }
0x385: {  	v17 =	vadd.bf16 v50, v49  }
0x386: {  	v51 =	vunpack.i.u.bf16.f32 v16  }
0x387: {  	v16 =	vunpack.i.l.bf16.f32 v16;
	v19 =	vunpack.i.u.bf16.f32 v17;
	v17 =	vunpack.i.l.bf16.f32 v17  }
0x388: {  	v16 =	vadd.f32 v16, v51;
	v17 =	vadd.f32 v17, v19;
	_ =	sdelay $0x1  }
0x389: {  	v16 =	vadd.f32 v17, v16;
	_ =	sdelay $0x1  }
0x38a: {  	[tilespmem:$0x9F60] =	vst v16  }
0x38b: {  	v16 =	vld [tilespmem:s28+$0x4CF0]  }
0x38c: {  	v17 =	vld [tilespmem:s28+$0x74F0]  }
0x38d: {  	v52 =	vld [tilespmem:s28+$0x4D00]  }
0x38e: {  	v53 =	vld [tilespmem:s28+$0x7500]  }
0x38f: {  	v54 =	vld [tilespmem:s28+$0x4D10]  }
0x390: {  	v55 =	vld [tilespmem:s28+$0x7510]  }
0x391: {  	v56 =	vld [tilespmem:s28+$0x4D20]  }
0x392: {  	v57 =	vld [tilespmem:s28+$0x7520];
	_ =	sdelay $0x3  }
0x393: {  	v16 =	vmul.bf16 v17, v16;
	v17 =	vmul.bf16 v53, v52  }
0x394: {  	v58 =	vmul.bf16 v55, v54;
	v59 =	vmul.bf16 v57, v56  }
0x395: {  	v16 =	vadd.bf16 v17, v16  }
0x396: {  	v17 =	vadd.bf16 v59, v58  }
0x397: {  	v60 =	vunpack.i.u.bf16.f32 v16  }
0x398: {  	v16 =	vunpack.i.l.bf16.f32 v16;
	v19 =	vunpack.i.u.bf16.f32 v17;
	v17 =	vunpack.i.l.bf16.f32 v17  }
0x399: {  	v16 =	vadd.f32 v16, v60;
	v17 =	vadd.f32 v17, v19;
	_ =	sdelay $0x1  }
0x39a: {  	v16 =	vadd.f32 v17, v16;
	_ =	sdelay $0x1  }
0x39b: {  	[tilespmem:$0x9F70] =	vst v16  }
0x39c: {  	v16 =	vld [tilespmem:s28+$0x4D30]  }
0x39d: {  	v17 =	vld [tilespmem:s28+$0x7530]  }
0x39e: {  	v61 =	vld [tilespmem:s28+$0x4D40]  }
0x39f: {  	v62 =	vld [tilespmem:s28+$0x7540]  }
0x3a0: {  	v63 =	vld [tilespmem:s28+$0x4D50]  }
0x3a1: {  	v24 =	vld [tilespmem:s28+$0x7550]  }
0x3a2: {  	v25 =	vld [tilespmem:s28+$0x4D60]  }
0x3a3: {  	v26 =	vld [tilespmem:s28+$0x7560];
	_ =	sdelay $0x3  }
0x3a4: {  	v16 =	vmul.bf16 v17, v16;
	v17 =	vmul.bf16 v62, v61  }
0x3a5: {  	v27 =	vmul.bf16 v24, v63;
	v28 =	vmul.bf16 v26, v25  }
0x3a6: {  	v16 =	vadd.bf16 v17, v16  }
0x3a7: {  	v17 =	vadd.bf16 v28, v27  }
0x3a8: {  	v29 =	vunpack.i.u.bf16.f32 v16  }
0x3a9: {  	v16 =	vunpack.i.l.bf16.f32 v16;
	v19 =	vunpack.i.u.bf16.f32 v17;
	v17 =	vunpack.i.l.bf16.f32 v17  }
0x3aa: {  	v16 =	vadd.f32 v16, v29;
	v17 =	vadd.f32 v17, v19;
	_ =	sdelay $0x1  }
0x3ab: {  	v16 =	vadd.f32 v17, v16;
	_ =	sdelay $0x1  }
0x3ac: {  	[tilespmem:$0x9F80] =	vst v16  }
0x3ad: {  	v16 =	vld [tilespmem:s28+$0x4D70]  }
0x3ae: {  	v17 =	vld [tilespmem:s28+$0x7570]  }
0x3af: {  	v30 =	vld [tilespmem:s28+$0x4D80]  }
0x3b0: {  	v31 =	vld [tilespmem:s28+$0x7580]  }
0x3b1: {  	v32 =	vld [tilespmem:s28+$0x4D90]  }
0x3b2: {  	v33 =	vld [tilespmem:s28+$0x7590]  }
0x3b3: {  	v34 =	vld [tilespmem:s28+$0x4DA0]  }
0x3b4: {  	v35 =	vld [tilespmem:s28+$0x75A0];
	_ =	sdelay $0x3  }
0x3b5: {  	v16 =	vmul.bf16 v17, v16;
	v17 =	vmul.bf16 v31, v30  }
0x3b6: {  	v36 =	vmul.bf16 v33, v32;
	v37 =	vmul.bf16 v35, v34  }
0x3b7: {  	v16 =	vadd.bf16 v17, v16  }
0x3b8: {  	v17 =	vadd.bf16 v37, v36  }
0x3b9: {  	v38 =	vunpack.i.u.bf16.f32 v16  }
0x3ba: {  	v16 =	vunpack.i.l.bf16.f32 v16;
	v19 =	vunpack.i.u.bf16.f32 v17;
	v17 =	vunpack.i.l.bf16.f32 v17  }
0x3bb: {  	v16 =	vadd.f32 v16, v38;
	v17 =	vadd.f32 v17, v19;
	_ =	sdelay $0x1  }
0x3bc: {  	v16 =	vadd.f32 v17, v16;
	_ =	sdelay $0x1  }
0x3bd: {  	[tilespmem:$0x9F90] =	vst v16  }
0x3be: {  	v16 =	vld [tilespmem:s28+$0x4DB0]  }
0x3bf: {  	v17 =	vld [tilespmem:s28+$0x75B0]  }
0x3c0: {  	v39 =	vld [tilespmem:s28+$0x4DC0]  }
0x3c1: {  	v40 =	vld [tilespmem:s28+$0x75C0]  }
0x3c2: {  	v41 =	vld [tilespmem:s28+$0x4DD0]  }
0x3c3: {  	v42 =	vld [tilespmem:s28+$0x75D0]  }
0x3c4: {  	v43 =	vld [tilespmem:s28+$0x4DE0]  }
0x3c5: {  	v44 =	vld [tilespmem:s28+$0x75E0];
	_ =	sdelay $0x3  }
0x3c6: {  	v16 =	vmul.bf16 v17, v16;
	v17 =	vmul.bf16 v40, v39  }
0x3c7: {  	v45 =	vmul.bf16 v42, v41;
	v46 =	vmul.bf16 v44, v43  }
0x3c8: {  	v16 =	vadd.bf16 v17, v16  }
0x3c9: {  	v17 =	vadd.bf16 v46, v45  }
0x3ca: {  	v47 =	vunpack.i.u.bf16.f32 v16  }
0x3cb: {  	v16 =	vunpack.i.l.bf16.f32 v16;
	v19 =	vunpack.i.u.bf16.f32 v17;
	v17 =	vunpack.i.l.bf16.f32 v17  }
0x3cc: {  	v16 =	vadd.f32 v16, v47;
	v17 =	vadd.f32 v17, v19;
	_ =	sdelay $0x1  }
0x3cd: {  	v16 =	vadd.f32 v17, v16;
	_ =	sdelay $0x1  }
0x3ce: {  	[tilespmem:$0x9FA0] =	vst v16  }
0x3cf: {  	v16 =	vld [tilespmem:s28+$0x4DF0]  }
0x3d0: {  	v17 =	vld [tilespmem:s28+$0x75F0]  }
0x3d1: {  	v48 =	vld [tilespmem:s28+$0x4E00]  }
0x3d2: {  	v49 =	vld [tilespmem:s28+$0x7600]  }
0x3d3: {  	v50 =	vld [tilespmem:s28+$0x4E10]  }
0x3d4: {  	v51 =	vld [tilespmem:s28+$0x7610]  }
0x3d5: {  	v52 =	vld [tilespmem:s28+$0x4E20]  }
0x3d6: {  	v53 =	vld [tilespmem:s28+$0x7620];
	_ =	sdelay $0x3  }
0x3d7: {  	v16 =	vmul.bf16 v17, v16;
	v17 =	vmul.bf16 v49, v48  }
0x3d8: {  	v54 =	vmul.bf16 v51, v50;
	v55 =	vmul.bf16 v53, v52  }
0x3d9: {  	v16 =	vadd.bf16 v17, v16  }
0x3da: {  	v17 =	vadd.bf16 v55, v54  }
0x3db: {  	v56 =	vunpack.i.u.bf16.f32 v16  }
0x3dc: {  	v16 =	vunpack.i.l.bf16.f32 v16;
	v19 =	vunpack.i.u.bf16.f32 v17;
	v17 =	vunpack.i.l.bf16.f32 v17  }
0x3dd: {  	v16 =	vadd.f32 v16, v56;
	v17 =	vadd.f32 v17, v19;
	_ =	sdelay $0x1  }
0x3de: {  	v16 =	vadd.f32 v17, v16;
	_ =	sdelay $0x1  }
0x3df: {  	[tilespmem:$0x9FB0] =	vst v16  }
0x3e0: {  	v16 =	vld.idx.msk [tilespmem:v0+s18+$0x0], $0xffff  }
0x3e1: {  	v17 =	vld.idx.msk [tilespmem:v1+s18+$0x0], $0xffff  }
0x3e2: {  	v57 =	vld.idx.msk [tilespmem:v2+s18+$0x0], $0xffff  }
0x3e3: {  	v58 =	vld.idx.msk [tilespmem:v3+s18+$0x0], $0xffff  }
0x3e4: {  	v59 =	vld.idx.msk [tilespmem:v4+s18+$0x0], $0xffff  }
0x3e5: {  	v60 =	vld.idx.msk [tilespmem:v5+s18+$0x0], $0xffff  }
0x3e6: {  	v61 =	vld.idx.msk [tilespmem:v6+s18+$0x0], $0xffff  }
0x3e7: {  	v62 =	vld.idx.msk [tilespmem:v7+s18+$0x0], $0xffff  }
0x3e8: {  	v24 =	vld.idx.msk [tilespmem:v8+s18+$0x0], $0xffff  }
0x3e9: {  	v25 =	vld.idx.msk [tilespmem:v9+s18+$0x0], $0xffff  }
0x3ea: {  	v26 =	vld.idx.msk [tilespmem:v10+s18+$0x0], $0xffff  }
0x3eb: {  	v27 =	vld.idx.msk [tilespmem:v11+s18+$0x0], $0xffff  }
0x3ec: {  	v28 =	vld.idx.msk [tilespmem:v12+s18+$0x0], $0xffff  }
0x3ed: {  	v29 =	vld.idx.msk [tilespmem:v13+s18+$0x0], $0xffff;
	v16 =	vadd.f32 $0.0e+00, v16;
	v17 =	vadd.f32 $0.0e+00, v17  }
0x3ee: {  	v30 =	vld.idx.msk [tilespmem:v14+s18+$0x0], $0xffff;
	v18 =	vadd.f32 $0.0e+00, v57;
	v19 =	vadd.f32 $0.0e+00, v58  }
0x3ef: {  	v63 =	vld.idx.msk [tilespmem:v15+s18+$0x0], $0xffff;
	v16 =	vadd.f32 v59, v16;
	v17 =	vadd.f32 v60, v17  }
0x3f0: {  	v18 =	vadd.f32 v61, v18;
	v19 =	vadd.f32 v62, v19  }
0x3f1: {  	v16 =	vadd.f32 v24, v16;
	v17 =	vadd.f32 v25, v17  }
0x3f2: {  	v18 =	vadd.f32 v26, v18;
	v19 =	vadd.f32 v27, v19  }
0x3f3: {  	v16 =	vadd.f32 v28, v16;
	v17 =	vadd.f32 v29, v17  }
0x3f4: {  	v18 =	vadd.f32 v30, v18;
	v19 =	vadd.f32 v63, v19  }
0x3f5: {  	p0 =	sne.s32 s25, $0x4FC0  }
.Ltmp3:
0x3f6: {  	v16 =	vadd.f32 v17, v16;
	v17 =	vadd.f32 v19, v18;
	(pc) =	sbr.rel @p0 .LBB2_8-.Ltmp3, $3  }
0x3f7: {  	_ = 	snop  }
0x3f8: {  	v16 =	vadd.f32 v17, v16;
	_ =	sdelay $0x1  }
0x3f9: {  	s25 =	sadd.s32 $0x1000, s25;
	[tilespmem:s26+$0x0] =	vst v16;
	s26 =	sadd.s32 $0x10, s26  }
0x3fa: {  	[hbm4b:s8+s1] =	stream.linear.scatter [tilespmem:s19], [sflag:$0x3], $0x50, $0x38;
	[tilespmem:$0x9FC0] =	vst v63  }
0x3fb: {  	s24 =	sadd.s32 $0x1, s24  }
0x3fc: {  	_ =	swait.ge [sflag:s23], $0x50;
	p0 =	sne.s32 s24, s9  }
.Ltmp4:
0x3fd: {  	[sflag:s23] =	ssyncset.done $0x0;
	(pc) =	sbr.rel @p0 .LBB2_1-.Ltmp4, $4  }
0x3fe: {  	[sflag:s23] =	ssyncadd.s32 $0xFFFFFFB0  }
0x3ff: {  	_ =	swait.ge [sflag:s22], $0x50  }
0x400: {  	[sflag:s22] =	ssyncset.done $0x0  }
0x401: {  	[sflag:s22] =	ssyncadd.s32 $0xFFFFFFB0  }
0x402: {  	_ =	sfence.sel $0x180000  }
0x403: {  	[bflag:$0x0] =	sbarrier.arrive $0xFFFF  }
0x404: {  	p0 =	sne.s32 s0, $0x0;
	_ =	strace $0x90000047  }
0x405: {  	s0 =	sadd.s32 @!p0 $0x100000, s2;
	[bflag:$0x2] =	sbarrier.arrive $0xFFFF  }
0x406: {  	[sflag:s0] =	ssyncadd.tile.s32 @!p0 $0x1;
	_ =	shalt  }
.Lfunc_end2:
_tile_overlayer_lowered:
.L_overlay_start_2:
0x407: {  	(tag) =	ssettag $0x2  }
0x408: {  	s0 =	rddreg [dreg:$0x0];
	s2 =	stileid.u32  }
0x409: {  	s1 =	rddreg [dreg:$0x1];
	p0 =	sne.s32 s2, $0x0  }
0x40a: {  	s3 =	rddreg [dreg:$0x2];
	[bflag:$0x3] =	sbarrier.arrive $0xFFFF;
	s2 =	simm.s32 @!p0 $0x1C05  }
0x40b: {  	[timem:s3], [sflag:s2] =	dma.local @!p0 [hbm:s0], s1  }
0x40c: {  	s0 =	simm.s32 @!p0 $0x5  }
0x40d: {  	_ =	swait.ge @!p0 [sflag:s0], s1  }
0x40e: {  	s1 =	ssub.s32 @!p0 $0x0, s1;
	[sflag:s0] =	ssyncset.done @!p0 $0x0  }
0x40f: {  	[sflag:s0] =	ssyncadd.s32 @!p0 s1  }
0x410: {  	[bflag:$0x3] =	sbarrier.arrive $0xFFFF  }
0x411: {  	_ =	shalt  }

</sc_bundles>
